<compile_context>
chip_gen: v7x
topology: tpu7x:2x2x1
jax: 0.10.2.dev20260603
libtpu: 0.0.44.dev20260713+nightly
codegen_flags: <defaults>
</compile_context>

<pallas_src>
import functools

import jax
import jax.numpy as jnp
from jax import lax
from jax.experimental import pallas as pl
from jax.experimental.pallas import tpu as pltpu
from jax.experimental.pallas import tpu_sc as plsc

B, S, P, D = 4096, 50, 20, 128
NC, NS = 2, 16
NW = NC * NS
BPW = B // NW
NBUF = 5
AHEAD = 3
NGROUP = S // NBUF

_mesh = plsc.VectorSubcoreMesh(
    core_axis_name="c", subcore_axis_name="s", num_cores=NC, num_subcores=NS
)


@functools.partial(
    pl.kernel,
    out_type=jax.ShapeDtypeStruct((P + S, B, D), jnp.float32),
    mesh=_mesh,
    scratch_types=[
        pltpu.VMEM((S, BPW), jnp.int32),
        pltpu.VMEM((NBUF, BPW, D), jnp.float32),
        pltpu.VMEM((P, D), jnp.float32),
        pltpu.VMEM((16, D), jnp.float32),
        pltpu.VMEM_SHARED((P, BPW, D), jnp.float32),
        [pltpu.SemaphoreType.DMA] * NBUF,
        [pltpu.SemaphoreType.DMA] * NBUF,
        pltpu.SemaphoreType.DMA,
    ],
)
def _prompt_embed(ids_hbm, table_hbm, prompt_hbm, out_hbm, idx_v, gbuf,
                  prompt_v, brep, shared, gsem, ssem, psem):
    sid = lax.axis_index("s")
    wid = sid * NC + lax.axis_index("c")
    b0 = wid * BPW

    def g_copy(s, slot):
        return pltpu.make_async_copy(
            table_hbm.at[idx_v.at[s]], gbuf.at[slot], gsem[slot]
        )

    def s_copy(s, slot):
        return pltpu.make_async_copy(
            gbuf.at[slot], out_hbm.at[P + s, pl.ds(b0, BPW)], ssem[slot]
        )

    def p_copy(t):
        return pltpu.make_async_copy(
            shared.at[t], out_hbm.at[t, pl.ds(b0, BPW)], psem
        )

    pltpu.sync_copy(ids_hbm.at[pl.ds(0, S), pl.ds(b0, BPW)], idx_v)
    for s in range(AHEAD):
        g_copy(s, s).start()

    pltpu.sync_copy(prompt_hbm, prompt_v)

    for rep in range(2):
        t = sid + NS * rep

        @pl.when(t < P)
        def _():
            for c in range(D // 16):
                v = prompt_v[t, pl.ds(16 * c, 16)]
                for j in range(16):
                    brep[j, pl.ds(16 * c, 16)] = v
            for k in range(BPW // 16):
                pltpu.sync_copy(brep, shared.at[t, pl.ds(16 * k, 16)])

    plsc.subcore_barrier()

    def group_body(g, carry):
        for k in range(NBUF):
            s = NBUF * g + k
            g_copy(s, k).wait()
            s_copy(s, k).start()
            if k == 1 or k == 3:
                t = 2 * g + (k - 1) // 2
                p_copy(t).start()
            nxt = (k + AHEAD) % NBUF

            @pl.when(s + AHEAD < S)
            def _():
                @pl.when(s >= NBUF - AHEAD)
                def _():
                    s_copy(s - (NBUF - AHEAD), nxt).wait()
                g_copy(s + AHEAD, nxt).start()
        return carry

    lax.fori_loop(0, NGROUP, group_body, None)
    for k in range(NBUF):
        s_copy(S - NBUF + k, (S - NBUF + k) % NBUF).wait()
    for t in range(P):
        p_copy(t).wait()


def kernel(input_ids, embed_table, prompt_weight):
    ids_t = jnp.transpose(input_ids.astype(jnp.int32))
    out_t = _prompt_embed(ids_t, embed_table, prompt_weight)
    return jnp.transpose(out_t, (1, 0, 2))

# --- scband reference (transcript-rebuilt; emitter-appended) ---
"""Pipeline reference for scband-prompt-tuner-18262200943064 (READ-ONLY COPY).

The authoritative reference and input builder live on the scoring server;
editing this copy changes nothing except your own understanding.
"""

import jax, jax.numpy as jnp
import numpy as np

NUM_PROMPT_TOKENS = 20


def setup_inputs(seed: int = 0) -> dict:
    key = jax.random.key(seed)
    k1, k2, k3 = jax.random.split(key, 3)
    input_ids = jax.random.randint(k1, (4096, 50), 0, 100000, dtype=jnp.int64)
    embed_table = jax.random.normal(k2, (100000, 128), dtype=jnp.float32)
    prompt_weight = jax.random.normal(k3, (20, 128), dtype=jnp.float32) * 0.02
    return {"input_ids": input_ids, "embed_table": embed_table, "prompt_weight": prompt_weight}


def reference(input_ids, embed_table, prompt_weight):
    batch_size = input_ids.shape[0]
    # inputs_embed = embedding_layer(input_ids)
    inputs_embed = jnp.take(embed_table, input_ids, axis=0)
    # prompt_ids = arange(num_prompt_tokens), expanded to batch
    prompt_ids = jnp.arange(NUM_PROMPT_TOKENS)
    prompt_ids = jnp.broadcast_to(prompt_ids[None, :], (batch_size, NUM_PROMPT_TOKENS))
    prompt_embed = jnp.take(prompt_weight, prompt_ids, axis=0)
    combined = jnp.concatenate([prompt_embed, inputs_embed], axis=1)
    return combined

if __name__ == "__main__":
    import jax
    _d = setup_inputs()
    print(jax.jit(kernel)(*tuple(_d.values())))

</pallas_src>

<mosaic_0001>
#map = affine_map<(d0, d1) -> (0, 0)>
#map1 = affine_map<(d0, d1) -> (0, 0, 0)>
module attributes {stable_mosaic.version = 14 : i64} {
  func.func @_prompt_embed(%arg0: i32, %arg1: i32, %arg2: memref<50x4096xi32, #tpu.memory_space<hbm>>, %arg3: memref<100000x128xf32, #tpu.memory_space<hbm>>, %arg4: memref<20x128xf32, #tpu.memory_space<hbm>>, %arg5: memref<70x4096x128xf32, #tpu.memory_space<hbm>>, %arg6: memref<50x128xi32, #tpu.memory_space<vmem>>, %arg7: memref<5x128x128xf32, #tpu.memory_space<vmem>>, %arg8: memref<20x128xf32, #tpu.memory_space<vmem>>, %arg9: memref<16x128xf32, #tpu.memory_space<vmem>>, %arg10: memref<20x128x128xf32, #tpu.memory_space<vmem_shared>>, %arg11: memref<!tpu.dma_semaphore, #tpu.memory_space<semaphore_mem>>, %arg12: memref<!tpu.dma_semaphore, #tpu.memory_space<semaphore_mem>>, %arg13: memref<!tpu.dma_semaphore, #tpu.memory_space<semaphore_mem>>, %arg14: memref<!tpu.dma_semaphore, #tpu.memory_space<semaphore_mem>>, %arg15: memref<!tpu.dma_semaphore, #tpu.memory_space<semaphore_mem>>, %arg16: memref<!tpu.dma_semaphore, #tpu.memory_space<semaphore_mem>>, %arg17: memref<!tpu.dma_semaphore, #tpu.memory_space<semaphore_mem>>, %arg18: memref<!tpu.dma_semaphore, #tpu.memory_space<semaphore_mem>>, %arg19: memref<!tpu.dma_semaphore, #tpu.memory_space<semaphore_mem>>, %arg20: memref<!tpu.dma_semaphore, #tpu.memory_space<semaphore_mem>>, %arg21: memref<!tpu.dma_semaphore, #tpu.memory_space<semaphore_mem>>) attributes {dimension_semantics = [#tpu.dimension_semantics<core_parallel>, #tpu.dimension_semantics<subcore_parallel>], iteration_bounds = array<i64: 2, 16>, scalar_prefetch = 0 : i64, scratch_operands = 16 : i64, tpu.core_type = #tpu.core_type<sc_vector_subcore>, window_params = [{transform_indices = #map}, {transform_indices = #map}, {transform_indices = #map}, {transform_indices = #map1}]} {
    %mul3A = arith.constant 2 : i32
    %mul3A_0 = arith.muli %arg1, %mul3A : i32
    %add3A = arith.addi %mul3A_0, %arg0 : i32
    %mul3A_1 = arith.constant 128 : i32
    %mul3A_2 = arith.muli %add3A, %mul3A_1 : i32
    "tpu.region"() ({
      %run_scoped3A = tpu.sem_alloc : memref<!tpu.dma_semaphore, #tpu.memory_space<semaphore_mem>>
      %dma_start3A_312 = arith.constant 0 : i32
      %dma_start3A_313 = tpu.memref_slice %arg2[%dma_start3A_312, %mul3A_2] : memref<50x4096xi32, #tpu.memory_space<hbm>> -> memref<50x128xi32, #tpu.memory_space<hbm>>
      %dma_start3A_314 = arith.constant 0 : i32
      %dma_start3A_315 = tpu.memref_slice %arg2[%dma_start3A_314, %mul3A_2] : memref<50x4096xi32, #tpu.memory_space<hbm>> -> memref<50x128xi32, #tpu.memory_space<hbm>>
      tpu.enqueue_dma source(%dma_start3A_315 : memref<50x128xi32, #tpu.memory_space<hbm>>) target(%arg6 : memref<50x128xi32, #tpu.memory_space<vmem>>) target_semaphore(%run_scoped3A : memref<!tpu.dma_semaphore, #tpu.memory_space<semaphore_mem>>)
      %dma_wait3A_316 = arith.constant 0 : i32
      %dma_wait3A_317 = tpu.memref_slice %arg2[%dma_wait3A_316, %mul3A_2] : memref<50x4096xi32, #tpu.memory_space<hbm>> -> memref<50x128xi32, #tpu.memory_space<hbm>>
      %dma_wait3A_318 = arith.constant 0 : i32
      %dma_wait3A_319 = tpu.memref_slice %arg2[%dma_wait3A_318, %mul3A_2] : memref<50x4096xi32, #tpu.memory_space<hbm>> -> memref<50x128xi32, #tpu.memory_space<hbm>>
      tpu.wait_dma2 semaphore(%run_scoped3A : memref<!tpu.dma_semaphore, #tpu.memory_space<semaphore_mem>>) src(%dma_wait3A_319 : memref<50x128xi32, #tpu.memory_space<hbm>>) dst(%arg6 : memref<50x128xi32, #tpu.memory_space<vmem>>)
      tpu.yield
    }) : () -> ()
    %dma_start3A = arith.constant 0 : i32
    %dma_start3A_3 = arith.constant 0 : i32
    %dma_start3A_4 = arith.constant 0 : i32
    %dma_start3A_5 = arith.constant 0 : i32
    %dma_start3A_6 = tpu.memref_slice %arg7[%dma_start3A_3, %dma_start3A_4, %dma_start3A_5] : memref<5x128x128xf32, #tpu.memory_space<vmem>> -> memref<1x128x128xf32, #tpu.memory_space<vmem>>
    %dma_start3A_7 = tpu.memref_squeeze %dma_start3A_6 : memref<1x128x128xf32, #tpu.memory_space<vmem>> -> memref<128x128xf32, #tpu.memory_space<vmem>>
    %dma_start3A_8 = arith.constant 0 : i32
    %dma_start3A_9 = tpu.memref_slice %arg6[%dma_start3A, %dma_start3A_8] : memref<50x128xi32, #tpu.memory_space<vmem>> -> memref<1x128xi32, #tpu.memory_space<vmem>>
    %dma_start3A_10 = tpu.memref_squeeze %dma_start3A_9 : memref<1x128xi32, #tpu.memory_space<vmem>> -> memref<128xi32, #tpu.memory_space<vmem>>
    %dma_start3A_11 = arith.constant 0 : i32
    %dma_start3A_12 = arith.constant 0 : i32
    %dma_start3A_13 = tpu.memref_slice %arg3[%dma_start3A_11, %dma_start3A_12] : memref<100000x128xf32, #tpu.memory_space<hbm>> -> memref<100000x128xf32, #tpu.memory_space<hbm>>
    tpu.enqueue_indirect_dma source(%dma_start3A_13 : memref<100000x128xf32, #tpu.memory_space<hbm>>) target(%dma_start3A_7 : memref<128x128xf32, #tpu.memory_space<vmem>>) offsets(%dma_start3A_10 : memref<128xi32, #tpu.memory_space<vmem>>) semaphore(%arg11 : memref<!tpu.dma_semaphore, #tpu.memory_space<semaphore_mem>>)
    %dma_start3A_14 = arith.constant 1 : i32
    %dma_start3A_15 = arith.constant 1 : i32
    %dma_start3A_16 = arith.constant 0 : i32
    %dma_start3A_17 = arith.constant 0 : i32
    %dma_start3A_18 = tpu.memref_slice %arg7[%dma_start3A_15, %dma_start3A_16, %dma_start3A_17] : memref<5x128x128xf32, #tpu.memory_space<vmem>> -> memref<1x128x128xf32, #tpu.memory_space<vmem>>
    %dma_start3A_19 = tpu.memref_squeeze %dma_start3A_18 : memref<1x128x128xf32, #tpu.memory_space<vmem>> -> memref<128x128xf32, #tpu.memory_space<vmem>>
    %dma_start3A_20 = arith.constant 0 : i32
    %dma_start3A_21 = tpu.memref_slice %arg6[%dma_start3A_14, %dma_start3A_20] : memref<50x128xi32, #tpu.memory_space<vmem>> -> memref<1x128xi32, #tpu.memory_space<vmem>>
    %dma_start3A_22 = tpu.memref_squeeze %dma_start3A_21 : memref<1x128xi32, #tpu.memory_space<vmem>> -> memref<128xi32, #tpu.memory_space<vmem>>
    %dma_start3A_23 = arith.constant 0 : i32
    %dma_start3A_24 = arith.constant 0 : i32
    %dma_start3A_25 = tpu.memref_slice %arg3[%dma_start3A_23, %dma_start3A_24] : memref<100000x128xf32, #tpu.memory_space<hbm>> -> memref<100000x128xf32, #tpu.memory_space<hbm>>
    tpu.enqueue_indirect_dma source(%dma_start3A_25 : memref<100000x128xf32, #tpu.memory_space<hbm>>) target(%dma_start3A_19 : memref<128x128xf32, #tpu.memory_space<vmem>>) offsets(%dma_start3A_22 : memref<128xi32, #tpu.memory_space<vmem>>) semaphore(%arg12 : memref<!tpu.dma_semaphore, #tpu.memory_space<semaphore_mem>>)
    %dma_start3A_26 = arith.constant 2 : i32
    %dma_start3A_27 = arith.constant 2 : i32
    %dma_start3A_28 = arith.constant 0 : i32
    %dma_start3A_29 = arith.constant 0 : i32
    %dma_start3A_30 = tpu.memref_slice %arg7[%dma_start3A_27, %dma_start3A_28, %dma_start3A_29] : memref<5x128x128xf32, #tpu.memory_space<vmem>> -> memref<1x128x128xf32, #tpu.memory_space<vmem>>
    %dma_start3A_31 = tpu.memref_squeeze %dma_start3A_30 : memref<1x128x128xf32, #tpu.memory_space<vmem>> -> memref<128x128xf32, #tpu.memory_space<vmem>>
    %dma_start3A_32 = arith.constant 0 : i32
    %dma_start3A_33 = tpu.memref_slice %arg6[%dma_start3A_26, %dma_start3A_32] : memref<50x128xi32, #tpu.memory_space<vmem>> -> memref<1x128xi32, #tpu.memory_space<vmem>>
    %dma_start3A_34 = tpu.memref_squeeze %dma_start3A_33 : memref<1x128xi32, #tpu.memory_space<vmem>> -> memref<128xi32, #tpu.memory_space<vmem>>
    %dma_start3A_35 = arith.constant 0 : i32
    %dma_start3A_36 = arith.constant 0 : i32
    %dma_start3A_37 = tpu.memref_slice %arg3[%dma_start3A_35, %dma_start3A_36] : memref<100000x128xf32, #tpu.memory_space<hbm>> -> memref<100000x128xf32, #tpu.memory_space<hbm>>
    tpu.enqueue_indirect_dma source(%dma_start3A_37 : memref<100000x128xf32, #tpu.memory_space<hbm>>) target(%dma_start3A_31 : memref<128x128xf32, #tpu.memory_space<vmem>>) offsets(%dma_start3A_34 : memref<128xi32, #tpu.memory_space<vmem>>) semaphore(%arg13 : memref<!tpu.dma_semaphore, #tpu.memory_space<semaphore_mem>>)
    "tpu.region"() ({
      %run_scoped3A = tpu.sem_alloc : memref<!tpu.dma_semaphore, #tpu.memory_space<semaphore_mem>>
      tpu.enqueue_dma source(%arg4 : memref<20x128xf32, #tpu.memory_space<hbm>>) target(%arg8 : memref<20x128xf32, #tpu.memory_space<vmem>>) target_semaphore(%run_scoped3A : memref<!tpu.dma_semaphore, #tpu.memory_space<semaphore_mem>>)
      tpu.wait_dma2 semaphore(%run_scoped3A : memref<!tpu.dma_semaphore, #tpu.memory_space<semaphore_mem>>) src(%arg4 : memref<20x128xf32, #tpu.memory_space<hbm>>) dst(%arg8 : memref<20x128xf32, #tpu.memory_space<vmem>>)
      tpu.yield
    }) : () -> ()
    %add3A_38 = arith.constant 0 : i32
    %add3A_39 = arith.addi %arg1, %add3A_38 : i32
    %lt3A = arith.constant 20 : i32
    %lt3A_40 = arith.cmpi slt, %add3A_39, %lt3A : i32
    %convert_element_type3A = arith.extui %lt3A_40 : i1 to i32
    %cond3A = arith.constant 0 : i32
    %cond3A_41 = arith.cmpi ne, %convert_element_type3A, %cond3A : i32
    scf.if %cond3A_41 {
      %get3A = arith.index_cast %add3A_39 : i32 to index
      %get3A_312 = arith.constant 0 : index
      %get3A_313 = tpu.vector_load %arg8[%get3A, %get3A_312] {strides = array<i32>} : memref<20x128xf32, #tpu.memory_space<vmem>>, vector<1x16xf32>,
      %get3A_314 = vector.shape_cast %get3A_313 : vector<1x16xf32> to vector<16xf32>
      %swap3A = arith.constant 0 : i32
      %swap3A_315 = arith.index_cast %swap3A : i32 to index
      %swap3A_316 = arith.constant 0 : index
      %swap3A_317 = tpu.vector_load %arg9[%swap3A_315, %swap3A_316] {strides = array<i32>} : memref<16x128xf32, #tpu.memory_space<vmem>>, vector<1x16xf32>,
      %swap3A_318 = vector.shape_cast %swap3A_317 : vector<1x16xf32> to vector<16xf32>
      %swap3A_319 = vector.shape_cast %get3A_314 : vector<16xf32> to vector<1x16xf32>
      tpu.vector_store %arg9[%swap3A_315, %swap3A_316], %swap3A_319 {strides = array<i32>} : memref<16x128xf32, #tpu.memory_space<vmem>>, vector<1x16xf32>,
      %swap3A_320 = arith.constant 1 : i32
      %swap3A_321 = arith.index_cast %swap3A_320 : i32 to index
      %swap3A_322 = arith.constant 0 : index
      %swap3A_323 = tpu.vector_load %arg9[%swap3A_321, %swap3A_322] {strides = array<i32>} : memref<16x128xf32, #tpu.memory_space<vmem>>, vector<1x16xf32>,
      %swap3A_324 = vector.shape_cast %swap3A_323 : vector<1x16xf32> to vector<16xf32>
      %swap3A_325 = vector.shape_cast %get3A_314 : vector<16xf32> to vector<1x16xf32>
      tpu.vector_store %arg9[%swap3A_321, %swap3A_322], %swap3A_325 {strides = array<i32>} : memref<16x128xf32, #tpu.memory_space<vmem>>, vector<1x16xf32>,
      %swap3A_326 = arith.constant 2 : i32
      %swap3A_327 = arith.index_cast %swap3A_326 : i32 to index
      %swap3A_328 = arith.constant 0 : index
      %swap3A_329 = tpu.vector_load %arg9[%swap3A_327, %swap3A_328] {strides = array<i32>} : memref<16x128xf32, #tpu.memory_space<vmem>>, vector<1x16xf32>,
      %swap3A_330 = vector.shape_cast %swap3A_329 : vector<1x16xf32> to vector<16xf32>
      %swap3A_331 = vector.shape_cast %get3A_314 : vector<16xf32> to vector<1x16xf32>
      tpu.vector_store %arg9[%swap3A_327, %swap3A_328], %swap3A_331 {strides = array<i32>} : memref<16x128xf32, #tpu.memory_space<vmem>>, vector<1x16xf32>,
      %swap3A_332 = arith.constant 3 : i32
      %swap3A_333 = arith.index_cast %swap3A_332 : i32 to index
      %swap3A_334 = arith.constant 0 : index
      %swap3A_335 = tpu.vector_load %arg9[%swap3A_333, %swap3A_334] {strides = array<i32>} : memref<16x128xf32, #tpu.memory_space<vmem>>, vector<1x16xf32>,
      %swap3A_336 = vector.shape_cast %swap3A_335 : vector<1x16xf32> to vector<16xf32>
      %swap3A_337 = vector.shape_cast %get3A_314 : vector<16xf32> to vector<1x16xf32>
      tpu.vector_store %arg9[%swap3A_333, %swap3A_334], %swap3A_337 {strides = array<i32>} : memref<16x128xf32, #tpu.memory_space<vmem>>, vector<1x16xf32>,
      %swap3A_338 = arith.constant 4 : i32
      %swap3A_339 = arith.index_cast %swap3A_338 : i32 to index
      %swap3A_340 = arith.constant 0 : index
      %swap3A_341 = tpu.vector_load %arg9[%swap3A_339, %swap3A_340] {strides = array<i32>} : memref<16x128xf32, #tpu.memory_space<vmem>>, vector<1x16xf32>,
      %swap3A_342 = vector.shape_cast %swap3A_341 : vector<1x16xf32> to vector<16xf32>
      %swap3A_343 = vector.shape_cast %get3A_314 : vector<16xf32> to vector<1x16xf32>
      tpu.vector_store %arg9[%swap3A_339, %swap3A_340], %swap3A_343 {strides = array<i32>} : memref<16x128xf32, #tpu.memory_space<vmem>>, vector<1x16xf32>,
      %swap3A_344 = arith.constant 5 : i32
      %swap3A_345 = arith.index_cast %swap3A_344 : i32 to index
      %swap3A_346 = arith.constant 0 : index
      %swap3A_347 = tpu.vector_load %arg9[%swap3A_345, %swap3A_346] {strides = array<i32>} : memref<16x128xf32, #tpu.memory_space<vmem>>, vector<1x16xf32>,
      %swap3A_348 = vector.shape_cast %swap3A_347 : vector<1x16xf32> to vector<16xf32>
      %swap3A_349 = vector.shape_cast %get3A_314 : vector<16xf32> to vector<1x16xf32>
      tpu.vector_store %arg9[%swap3A_345, %swap3A_346], %swap3A_349 {strides = array<i32>} : memref<16x128xf32, #tpu.memory_space<vmem>>, vector<1x16xf32>,
      %swap3A_350 = arith.constant 6 : i32
      %swap3A_351 = arith.index_cast %swap3A_350 : i32 to index
      %swap3A_352 = arith.constant 0 : index
      %swap3A_353 = tpu.vector_load %arg9[%swap3A_351, %swap3A_352] {strides = array<i32>} : memref<16x128xf32, #tpu.memory_space<vmem>>, vector<1x16xf32>,
      %swap3A_354 = vector.shape_cast %swap3A_353 : vector<1x16xf32> to vector<16xf32>
      %swap3A_355 = vector.shape_cast %get3A_314 : vector<16xf32> to vector<1x16xf32>
      tpu.vector_store %arg9[%swap3A_351, %swap3A_352], %swap3A_355 {strides = array<i32>} : memref<16x128xf32, #tpu.memory_space<vmem>>, vector<1x16xf32>,
      %swap3A_356 = arith.constant 7 : i32
      %swap3A_357 = arith.index_cast %swap3A_356 : i32 to index
      %swap3A_358 = arith.constant 0 : index
      %swap3A_359 = tpu.vector_load %arg9[%swap3A_357, %swap3A_358] {strides = array<i32>} : memref<16x128xf32, #tpu.memory_space<vmem>>, vector<1x16xf32>,
      %swap3A_360 = vector.shape_cast %swap3A_359 : vector<1x16xf32> to vector<16xf32>
      %swap3A_361 = vector.shape_cast %get3A_314 : vector<16xf32> to vector<1x16xf32>
      tpu.vector_store %arg9[%swap3A_357, %swap3A_358], %swap3A_361 {strides = array<i32>} : memref<16x128xf32, #tpu.memory_space<vmem>>, vector<1x16xf32>,
      %swap3A_362 = arith.constant 8 : i32
      %swap3A_363 = arith.index_cast %swap3A_362 : i32 to index
      %swap3A_364 = arith.constant 0 : index
      %swap3A_365 = tpu.vector_load %arg9[%swap3A_363, %swap3A_364] {strides = array<i32>} : memref<16x128xf32, #tpu.memory_space<vmem>>, vector<1x16xf32>,
      %swap3A_366 = vector.shape_cast %swap3A_365 : vector<1x16xf32> to vector<16xf32>
      %swap3A_367 = vector.shape_cast %get3A_314 : vector<16xf32> to vector<1x16xf32>
      tpu.vector_store %arg9[%swap3A_363, %swap3A_364], %swap3A_367 {strides = array<i32>} : memref<16x128xf32, #tpu.memory_space<vmem>>, vector<1x16xf32>,
      %swap3A_368 = arith.constant 9 : i32
      %swap3A_369 = arith.index_cast %swap3A_368 : i32 to index
      %swap3A_370 = arith.constant 0 : index
      %swap3A_371 = tpu.vector_load %arg9[%swap3A_369, %swap3A_370] {strides = array<i32>} : memref<16x128xf32, #tpu.memory_space<vmem>>, vector<1x16xf32>,
      %swap3A_372 = vector.shape_cast %swap3A_371 : vector<1x16xf32> to vector<16xf32>
      %swap3A_373 = vector.shape_cast %get3A_314 : vector<16xf32> to vector<1x16xf32>
      tpu.vector_store %arg9[%swap3A_369, %swap3A_370], %swap3A_373 {strides = array<i32>} : memref<16x128xf32, #tpu.memory_space<vmem>>, vector<1x16xf32>,
      %swap3A_374 = arith.constant 10 : i32
      %swap3A_375 = arith.index_cast %swap3A_374 : i32 to index
      %swap3A_376 = arith.constant 0 : index
      %swap3A_377 = tpu.vector_load %arg9[%swap3A_375, %swap3A_376] {strides = array<i32>} : memref<16x128xf32, #tpu.memory_space<vmem>>, vector<1x16xf32>,
      %swap3A_378 = vector.shape_cast %swap3A_377 : vector<1x16xf32> to vector<16xf32>
      %swap3A_379 = vector.shape_cast %get3A_314 : vector<16xf32> to vector<1x16xf32>
      tpu.vector_store %arg9[%swap3A_375, %swap3A_376], %swap3A_379 {strides = array<i32>} : memref<16x128xf32, #tpu.memory_space<vmem>>, vector<1x16xf32>,
      %swap3A_380 = arith.constant 11 : i32
      %swap3A_381 = arith.index_cast %swap3A_380 : i32 to index
      %swap3A_382 = arith.constant 0 : index
      %swap3A_383 = tpu.vector_load %arg9[%swap3A_381, %swap3A_382] {strides = array<i32>} : memref<16x128xf32, #tpu.memory_space<vmem>>, vector<1x16xf32>,
      %swap3A_384 = vector.shape_cast %swap3A_383 : vector<1x16xf32> to vector<16xf32>
      %swap3A_385 = vector.shape_cast %get3A_314 : vector<16xf32> to vector<1x16xf32>
      tpu.vector_store %arg9[%swap3A_381, %swap3A_382], %swap3A_385 {strides = array<i32>} : memref<16x128xf32, #tpu.memory_space<vmem>>, vector<1x16xf32>,
      %swap3A_386 = arith.constant 12 : i32
      %swap3A_387 = arith.index_cast %swap3A_386 : i32 to index
      %swap3A_388 = arith.constant 0 : index
      %swap3A_389 = tpu.vector_load %arg9[%swap3A_387, %swap3A_388] {strides = array<i32>} : memref<16x128xf32, #tpu.memory_space<vmem>>, vector<1x16xf32>,
      %swap3A_390 = vector.shape_cast %swap3A_389 : vector<1x16xf32> to vector<16xf32>
      %swap3A_391 = vector.shape_cast %get3A_314 : vector<16xf32> to vector<1x16xf32>
      tpu.vector_store %arg9[%swap3A_387, %swap3A_388], %swap3A_391 {strides = array<i32>} : memref<16x128xf32, #tpu.memory_space<vmem>>, vector<1x16xf32>,
      %swap3A_392 = arith.constant 13 : i32
      %swap3A_393 = arith.index_cast %swap3A_392 : i32 to index
      %swap3A_394 = arith.constant 0 : index
      %swap3A_395 = tpu.vector_load %arg9[%swap3A_393, %swap3A_394] {strides = array<i32>} : memref<16x128xf32, #tpu.memory_space<vmem>>, vector<1x16xf32>,
      %swap3A_396 = vector.shape_cast %swap3A_395 : vector<1x16xf32> to vector<16xf32>
      %swap3A_397 = vector.shape_cast %get3A_314 : vector<16xf32> to vector<1x16xf32>
      tpu.vector_store %arg9[%swap3A_393, %swap3A_394], %swap3A_397 {strides = array<i32>} : memref<16x128xf32, #tpu.memory_space<vmem>>, vector<1x16xf32>,
      %swap3A_398 = arith.constant 14 : i32
      %swap3A_399 = arith.index_cast %swap3A_398 : i32 to index
      %swap3A_400 = arith.constant 0 : index
      %swap3A_401 = tpu.vector_load %arg9[%swap3A_399, %swap3A_400] {strides = array<i32>} : memref<16x128xf32, #tpu.memory_space<vmem>>, vector<1x16xf32>,
      %swap3A_402 = vector.shape_cast %swap3A_401 : vector<1x16xf32> to vector<16xf32>
      %swap3A_403 = vector.shape_cast %get3A_314 : vector<16xf32> to vector<1x16xf32>
      tpu.vector_store %arg9[%swap3A_399, %swap3A_400], %swap3A_403 {strides = array<i32>} : memref<16x128xf32, #tpu.memory_space<vmem>>, vector<1x16xf32>,
      %swap3A_404 = arith.constant 15 : i32
      %swap3A_405 = arith.index_cast %swap3A_404 : i32 to index
      %swap3A_406 = arith.constant 0 : index
      %swap3A_407 = tpu.vector_load %arg9[%swap3A_405, %swap3A_406] {strides = array<i32>} : memref<16x128xf32, #tpu.memory_space<vmem>>, vector<1x16xf32>,
      %swap3A_408 = vector.shape_cast %swap3A_407 : vector<1x16xf32> to vector<16xf32>
      %swap3A_409 = vector.shape_cast %get3A_314 : vector<16xf32> to vector<1x16xf32>
      tpu.vector_store %arg9[%swap3A_405, %swap3A_406], %swap3A_409 {strides = array<i32>} : memref<16x128xf32, #tpu.memory_space<vmem>>, vector<1x16xf32>,
      %get3A_410 = arith.index_cast %add3A_39 : i32 to index
      %get3A_411 = arith.constant 16 : index
      %get3A_412 = tpu.vector_load %arg8[%get3A_410, %get3A_411] {strides = array<i32>} : memref<20x128xf32, #tpu.memory_space<vmem>>, vector<1x16xf32>,
      %get3A_413 = vector.shape_cast %get3A_412 : vector<1x16xf32> to vector<16xf32>
      %swap3A_414 = arith.constant 0 : i32
      %swap3A_415 = arith.index_cast %swap3A_414 : i32 to index
      %swap3A_416 = arith.constant 16 : index
      %swap3A_417 = tpu.vector_load %arg9[%swap3A_415, %swap3A_416] {strides = array<i32>} : memref<16x128xf32, #tpu.memory_space<vmem>>, vector<1x16xf32>,
      %swap3A_418 = vector.shape_cast %swap3A_417 : vector<1x16xf32> to vector<16xf32>
      %swap3A_419 = vector.shape_cast %get3A_413 : vector<16xf32> to vector<1x16xf32>
      tpu.vector_store %arg9[%swap3A_415, %swap3A_416], %swap3A_419 {strides = array<i32>} : memref<16x128xf32, #tpu.memory_space<vmem>>, vector<1x16xf32>,
      %swap3A_420 = arith.constant 1 : i32
      %swap3A_421 = arith.index_cast %swap3A_420 : i32 to index
      %swap3A_422 = arith.constant 16 : index
      %swap3A_423 = tpu.vector_load %arg9[%swap3A_421, %swap3A_422] {strides = array<i32>} : memref<16x128xf32, #tpu.memory_space<vmem>>, vector<1x16xf32>,
      %swap3A_424 = vector.shape_cast %swap3A_423 : vector<1x16xf32> to vector<16xf32>
      %swap3A_425 = vector.shape_cast %get3A_413 : vector<16xf32> to vector<1x16xf32>
      tpu.vector_store %arg9[%swap3A_421, %swap3A_422], %swap3A_425 {strides = array<i32>} : memref<16x128xf32, #tpu.memory_space<vmem>>, vector<1x16xf32>,
      %swap3A_426 = arith.constant 2 : i32
      %swap3A_427 = arith.index_cast %swap3A_426 : i32 to index
      %swap3A_428 = arith.constant 16 : index
      %swap3A_429 = tpu.vector_load %arg9[%swap3A_427, %swap3A_428] {strides = array<i32>} : memref<16x128xf32, #tpu.memory_space<vmem>>, vector<1x16xf32>,
      %swap3A_430 = vector.shape_cast %swap3A_429 : vector<1x16xf32> to vector<16xf32>
      %swap3A_431 = vector.shape_cast %get3A_413 : vector<16xf32> to vector<1x16xf32>
      tpu.vector_store %arg9[%swap3A_427, %swap3A_428], %swap3A_431 {strides = array<i32>} : memref<16x128xf32, #tpu.memory_space<vmem>>, vector<1x16xf32>,
      %swap3A_432 = arith.constant 3 : i32
      %swap3A_433 = arith.index_cast %swap3A_432 : i32 to index
      %swap3A_434 = arith.constant 16 : index
      %swap3A_435 = tpu.vector_load %arg9[%swap3A_433, %swap3A_434] {strides = array<i32>} : memref<16x128xf32, #tpu.memory_space<vmem>>, vector<1x16xf32>,
      %swap3A_436 = vector.shape_cast %swap3A_435 : vector<1x16xf32> to vector<16xf32>
      %swap3A_437 = vector.shape_cast %get3A_413 : vector<16xf32> to vector<1x16xf32>
      tpu.vector_store %arg9[%swap3A_433, %swap3A_434], %swap3A_437 {strides = array<i32>} : memref<16x128xf32, #tpu.memory_space<vmem>>, vector<1x16xf32>,
      %swap3A_438 = arith.constant 4 : i32
      %swap3A_439 = arith.index_cast %swap3A_438 : i32 to index
      %swap3A_440 = arith.constant 16 : index
      %swap3A_441 = tpu.vector_load %arg9[%swap3A_439, %swap3A_440] {strides = array<i32>} : memref<16x128xf32, #tpu.memory_space<vmem>>, vector<1x16xf32>,
      %swap3A_442 = vector.shape_cast %swap3A_441 : vector<1x16xf32> to vector<16xf32>
      %swap3A_443 = vector.shape_cast %get3A_413 : vector<16xf32> to vector<1x16xf32>
      tpu.vector_store %arg9[%swap3A_439, %swap3A_440], %swap3A_443 {strides = array<i32>} : memref<16x128xf32, #tpu.memory_space<vmem>>, vector<1x16xf32>,
      %swap3A_444 = arith.constant 5 : i32
      %swap3A_445 = arith.index_cast %swap3A_444 : i32 to index
      %swap3A_446 = arith.constant 16 : index
      %swap3A_447 = tpu.vector_load %arg9[%swap3A_445, %swap3A_446] {strides = array<i32>} : memref<16x128xf32, #tpu.memory_space<vmem>>, vector<1x16xf32>,
      %swap3A_448 = vector.shape_cast %swap3A_447 : vector<1x16xf32> to vector<16xf32>
      %swap3A_449 = vector.shape_cast %get3A_413 : vector<16xf32> to vector<1x16xf32>
      tpu.vector_store %arg9[%swap3A_445, %swap3A_446], %swap3A_449 {strides = array<i32>} : memref<16x128xf32, #tpu.memory_space<vmem>>, vector<1x16xf32>,
      %swap3A_450 = arith.constant 6 : i32
      %swap3A_451 = arith.index_cast %swap3A_450 : i32 to index
      %swap3A_452 = arith.constant 16 : index
      %swap3A_453 = tpu.vector_load %arg9[%swap3A_451, %swap3A_452] {strides = array<i32>} : memref<16x128xf32, #tpu.memory_space<vmem>>, vector<1x16xf32>,
      %swap3A_454 = vector.shape_cast %swap3A_453 : vector<1x16xf32> to vector<16xf32>
      %swap3A_455 = vector.shape_cast %get3A_413 : vector<16xf32> to vector<1x16xf32>
      tpu.vector_store %arg9[%swap3A_451, %swap3A_452], %swap3A_455 {strides = array<i32>} : memref<16x128xf32, #tpu.memory_space<vmem>>, vector<1x16xf32>,
      %swap3A_456 = arith.constant 7 : i32
      %swap3A_457 = arith.index_cast %swap3A_456 : i32 to index
      %swap3A_458 = arith.constant 16 : index
      %swap3A_459 = tpu.vector_load %arg9[%swap3A_457, %swap3A_458] {strides = array<i32>} : memref<16x128xf32, #tpu.memory_space<vmem>>, vector<1x16xf32>,
      %swap3A_460 = vector.shape_cast %swap3A_459 : vector<1x16xf32> to vector<16xf32>
      %swap3A_461 = vector.shape_cast %get3A_413 : vector<16xf32> to vector<1x16xf32>
      tpu.vector_store %arg9[%swap3A_457, %swap3A_458], %swap3A_461 {strides = array<i32>} : memref<16x128xf32, #tpu.memory_space<vmem>>, vector<1x16xf32>,
      %swap3A_462 = arith.constant 8 : i32
      %swap3A_463 = arith.index_cast %swap3A_462 : i32 to index
      %swap3A_464 = arith.constant 16 : index
      %swap3A_465 = tpu.vector_load %arg9[%swap3A_463, %swap3A_464] {strides = array<i32>} : memref<16x128xf32, #tpu.memory_space<vmem>>, vector<1x16xf32>,
      %swap3A_466 = vector.shape_cast %swap3A_465 : vector<1x16xf32> to vector<16xf32>
      %swap3A_467 = vector.shape_cast %get3A_413 : vector<16xf32> to vector<1x16xf32>
      tpu.vector_store %arg9[%swap3A_463, %swap3A_464], %swap3A_467 {strides = array<i32>} : memref<16x128xf32, #tpu.memory_space<vmem>>, vector<1x16xf32>,
      %swap3A_468 = arith.constant 9 : i32
      %swap3A_469 = arith.index_cast %swap3A_468 : i32 to index
      %swap3A_470 = arith.constant 16 : index
      %swap3A_471 = tpu.vector_load %arg9[%swap3A_469, %swap3A_470] {strides = array<i32>} : memref<16x128xf32, #tpu.memory_space<vmem>>, vector<1x16xf32>,
      %swap3A_472 = vector.shape_cast %swap3A_471 : vector<1x16xf32> to vector<16xf32>
      %swap3A_473 = vector.shape_cast %get3A_413 : vector<16xf32> to vector<1x16xf32>
      tpu.vector_store %arg9[%swap3A_469, %swap3A_470], %swap3A_473 {strides = array<i32>} : memref<16x128xf32, #tpu.memory_space<vmem>>, vector<1x16xf32>,
      %swap3A_474 = arith.constant 10 : i32
      %swap3A_475 = arith.index_cast %swap3A_474 : i32 to index
      %swap3A_476 = arith.constant 16 : index
      %swap3A_477 = tpu.vector_load %arg9[%swap3A_475, %swap3A_476] {strides = array<i32>} : memref<16x128xf32, #tpu.memory_space<vmem>>, vector<1x16xf32>,
      %swap3A_478 = vector.shape_cast %swap3A_477 : vector<1x16xf32> to vector<16xf32>
      %swap3A_479 = vector.shape_cast %get3A_413 : vector<16xf32> to vector<1x16xf32>
      tpu.vector_store %arg9[%swap3A_475, %swap3A_476], %swap3A_479 {strides = array<i32>} : memref<16x128xf32, #tpu.memory_space<vmem>>, vector<1x16xf32>,
      %swap3A_480 = arith.constant 11 : i32
      %swap3A_481 = arith.index_cast %swap3A_480 : i32 to index
      %swap3A_482 = arith.constant 16 : index
      %swap3A_483 = tpu.vector_load %arg9[%swap3A_481, %swap3A_482] {strides = array<i32>} : memref<16x128xf32, #tpu.memory_space<vmem>>, vector<1x16xf32>,
      %swap3A_484 = vector.shape_cast %swap3A_483 : vector<1x16xf32> to vector<16xf32>
      %swap3A_485 = vector.shape_cast %get3A_413 : vector<16xf32> to vector<1x16xf32>
      tpu.vector_store %arg9[%swap3A_481, %swap3A_482], %swap3A_485 {strides = array<i32>} : memref<16x128xf32, #tpu.memory_space<vmem>>, vector<1x16xf32>,
      %swap3A_486 = arith.constant 12 : i32
      %swap3A_487 = arith.index_cast %swap3A_486 : i32 to index
      %swap3A_488 = arith.constant 16 : index
      %swap3A_489 = tpu.vector_load %arg9[%swap3A_487, %swap3A_488] {strides = array<i32>} : memref<16x128xf32, #tpu.memory_space<vmem>>, vector<1x16xf32>,
      %swap3A_490 = vector.shape_cast %swap3A_489 : vector<1x16xf32> to vector<16xf32>
      %swap3A_491 = vector.shape_cast %get3A_413 : vector<16xf32> to vector<1x16xf32>
      tpu.vector_store %arg9[%swap3A_487, %swap3A_488], %swap3A_491 {strides = array<i32>} : memref<16x128xf32, #tpu.memory_space<vmem>>, vector<1x16xf32>,
      %swap3A_492 = arith.constant 13 : i32
      %swap3A_493 = arith.index_cast %swap3A_492 : i32 to index
      %swap3A_494 = arith.constant 16 : index
      %swap3A_495 = tpu.vector_load %arg9[%swap3A_493, %swap3A_494] {strides = array<i32>} : memref<16x128xf32, #tpu.memory_space<vmem>>, vector<1x16xf32>,
      %swap3A_496 = vector.shape_cast %swap3A_495 : vector<1x16xf32> to vector<16xf32>
      %swap3A_497 = vector.shape_cast %get3A_413 : vector<16xf32> to vector<1x16xf32>
      tpu.vector_store %arg9[%swap3A_493, %swap3A_494], %swap3A_497 {strides = array<i32>} : memref<16x128xf32, #tpu.memory_space<vmem>>, vector<1x16xf32>,
      %swap3A_498 = arith.constant 14 : i32
      %swap3A_499 = arith.index_cast %swap3A_498 : i32 to index
      %swap3A_500 = arith.constant 16 : index
      %swap3A_501 = tpu.vector_load %arg9[%swap3A_499, %swap3A_500] {strides = array<i32>} : memref<16x128xf32, #tpu.memory_space<vmem>>, vector<1x16xf32>,
      %swap3A_502 = vector.shape_cast %swap3A_501 : vector<1x16xf32> to vector<16xf32>
      %swap3A_503 = vector.shape_cast %get3A_413 : vector<16xf32> to vector<1x16xf32>
      tpu.vector_store %arg9[%swap3A_499, %swap3A_500], %swap3A_503 {strides = array<i32>} : memref<16x128xf32, #tpu.memory_space<vmem>>, vector<1x16xf32>,
      %swap3A_504 = arith.constant 15 : i32
      %swap3A_505 = arith.index_cast %swap3A_504 : i32 to index
      %swap3A_506 = arith.constant 16 : index
      %swap3A_507 = tpu.vector_load %arg9[%swap3A_505, %swap3A_506] {strides = array<i32>} : memref<16x128xf32, #tpu.memory_space<vmem>>, vector<1x16xf32>,
      %swap3A_508 = vector.shape_cast %swap3A_507 : vector<1x16xf32> to vector<16xf32>
      %swap3A_509 = vector.shape_cast %get3A_413 : vector<16xf32> to vector<1x16xf32>
      tpu.vector_store %arg9[%swap3A_505, %swap3A_506], %swap3A_509 {strides = array<i32>} : memref<16x128xf32, #tpu.memory_space<vmem>>, vector<1x16xf32>,
      %get3A_510 = arith.index_cast %add3A_39 : i32 to index
      %get3A_511 = arith.constant 32 : index
      %get3A_512 = tpu.vector_load %arg8[%get3A_510, %get3A_511] {strides = array<i32>} : memref<20x128xf32, #tpu.memory_space<vmem>>, vector<1x16xf32>,
      %get3A_513 = vector.shape_cast %get3A_512 : vector<1x16xf32> to vector<16xf32>
      %swap3A_514 = arith.constant 0 : i32
      %swap3A_515 = arith.index_cast %swap3A_514 : i32 to index
      %swap3A_516 = arith.constant 32 : index
      %swap3A_517 = tpu.vector_load %arg9[%swap3A_515, %swap3A_516] {strides = array<i32>} : memref<16x128xf32, #tpu.memory_space<vmem>>, vector<1x16xf32>,
      %swap3A_518 = vector.shape_cast %swap3A_517 : vector<1x16xf32> to vector<16xf32>
      %swap3A_519 = vector.shape_cast %get3A_513 : vector<16xf32> to vector<1x16xf32>
      tpu.vector_store %arg9[%swap3A_515, %swap3A_516], %swap3A_519 {strides = array<i32>} : memref<16x128xf32, #tpu.memory_space<vmem>>, vector<1x16xf32>,
      %swap3A_520 = arith.constant 1 : i32
      %swap3A_521 = arith.index_cast %swap3A_520 : i32 to index
      %swap3A_522 = arith.constant 32 : index
      %swap3A_523 = tpu.vector_load %arg9[%swap3A_521, %swap3A_522] {strides = array<i32>} : memref<16x128xf32, #tpu.memory_space<vmem>>, vector<1x16xf32>,
      %swap3A_524 = vector.shape_cast %swap3A_523 : vector<1x16xf32> to vector<16xf32>
      %swap3A_525 = vector.shape_cast %get3A_513 : vector<16xf32> to vector<1x16xf32>
      tpu.vector_store %arg9[%swap3A_521, %swap3A_522], %swap3A_525 {strides = array<i32>} : memref<16x128xf32, #tpu.memory_space<vmem>>, vector<1x16xf32>,
      %swap3A_526 = arith.constant 2 : i32
      %swap3A_527 = arith.index_cast %swap3A_526 : i32 to index
      %swap3A_528 = arith.constant 32 : index
      %swap3A_529 = tpu.vector_load %arg9[%swap3A_527, %swap3A_528] {strides = array<i32>} : memref<16x128xf32, #tpu.memory_space<vmem>>, vector<1x16xf32>,
      %swap3A_530 = vector.shape_cast %swap3A_529 : vector<1x16xf32> to vector<16xf32>
      %swap3A_531 = vector.shape_cast %get3A_513 : vector<16xf32> to vector<1x16xf32>
      tpu.vector_store %arg9[%swap3A_527, %swap3A_528], %swap3A_531 {strides = array<i32>} : memref<16x128xf32, #tpu.memory_space<vmem>>, vector<1x16xf32>,
      %swap3A_532 = arith.constant 3 : i32
      %swap3A_533 = arith.index_cast %swap3A_532 : i32 to index
      %swap3A_534 = arith.constant 32 : index
      %swap3A_535 = tpu.vector_load %arg9[%swap3A_533, %swap3A_534] {strides = array<i32>} : memref<16x128xf32, #tpu.memory_space<vmem>>, vector<1x16xf32>,
      %swap3A_536 = vector.shape_cast %swap3A_535 : vector<1x16xf32> to vector<16xf32>
      %swap3A_537 = vector.shape_cast %get3A_513 : vector<16xf32> to vector<1x16xf32>
      tpu.vector_store %arg9[%swap3A_533, %swap3A_534], %swap3A_537 {strides = array<i32>} : memref<16x128xf32, #tpu.memory_space<vmem>>, vector<1x16xf32>,
      %swap3A_538 = arith.constant 4 : i32
      %swap3A_539 = arith.index_cast %swap3A_538 : i32 to index
      %swap3A_540 = arith.constant 32 : index
      %swap3A_541 = tpu.vector_load %arg9[%swap3A_539, %swap3A_540] {strides = array<i32>} : memref<16x128xf32, #tpu.memory_space<vmem>>, vector<1x16xf32>,
      %swap3A_542 = vector.shape_cast %swap3A_541 : vector<1x16xf32> to vector<16xf32>
      %swap3A_543 = vector.shape_cast %get3A_513 : vector<16xf32> to vector<1x16xf32>
      tpu.vector_store %arg9[%swap3A_539, %swap3A_540], %swap3A_543 {strides = array<i32>} : memref<16x128xf32, #tpu.memory_space<vmem>>, vector<1x16xf32>,
      %swap3A_544 = arith.constant 5 : i32
      %swap3A_545 = arith.index_cast %swap3A_544 : i32 to index
      %swap3A_546 = arith.constant 32 : index
      %swap3A_547 = tpu.vector_load %arg9[%swap3A_545, %swap3A_546] {strides = array<i32>} : memref<16x128xf32, #tpu.memory_space<vmem>>, vector<1x16xf32>,
      %swap3A_548 = vector.shape_cast %swap3A_547 : vector<1x16xf32> to vector<16xf32>
      %swap3A_549 = vector.shape_cast %get3A_513 : vector<16xf32> to vector<1x16xf32>
      tpu.vector_store %arg9[%swap3A_545, %swap3A_546], %swap3A_549 {strides = array<i32>} : memref<16x128xf32, #tpu.memory_space<vmem>>, vector<1x16xf32>,
      %swap3A_550 = arith.constant 6 : i32
      %swap3A_551 = arith.index_cast %swap3A_550 : i32 to index
      %swap3A_552 = arith.constant 32 : index
      %swap3A_553 = tpu.vector_load %arg9[%swap3A_551, %swap3A_552] {strides = array<i32>} : memref<16x128xf32, #tpu.memory_space<vmem>>, vector<1x16xf32>,
      %swap3A_554 = vector.shape_cast %swap3A_553 : vector<1x16xf32> to vector<16xf32>
      %swap3A_555 = vector.shape_cast %get3A_513 : vector<16xf32> to vector<1x16xf32>
      tpu.vector_store %arg9[%swap3A_551, %swap3A_552], %swap3A_555 {strides = array<i32>} : memref<16x128xf32, #tpu.memory_space<vmem>>, vector<1x16xf32>,
      %swap3A_556 = arith.constant 7 : i32
      %swap3A_557 = arith.index_cast %swap3A_556 : i32 to index
      %swap3A_558 = arith.constant 32 : index
      %swap3A_559 = tpu.vector_load %arg9[%swap3A_557, %swap3A_558] {strides = array<i32>} : memref<16x128xf32, #tpu.memory_space<vmem>>, vector<1x16xf32>,
      %swap3A_560 = vector.shape_cast %swap3A_559 : vector<1x16xf32> to vector<16xf32>
      %swap3A_561 = vector.shape_cast %get3A_513 : vector<16xf32> to vector<1x16xf32>
      tpu.vector_store %arg9[%swap3A_557, %swap3A_558], %swap3A_561 {strides = array<i32>} : memref<16x128xf32, #tpu.memory_space<vmem>>, vector<1x16xf32>,
      %swap3A_562 = arith.constant 8 : i32
      %swap3A_563 = arith.index_cast %swap3A_562 : i32 to index
      %swap3A_564 = arith.constant 32 : index
      %swap3A_565 = tpu.vector_load %arg9[%swap3A_563, %swap3A_564] {strides = array<i32>} : memref<16x128xf32, #tpu.memory_space<vmem>>, vector<1x16xf32>,
      %swap3A_566 = vector.shape_cast %swap3A_565 : vector<1x16xf32> to vector<16xf32>
      %swap3A_567 = vector.shape_cast %get3A_513 : vector<16xf32> to vector<1x16xf32>
      tpu.vector_store %arg9[%swap3A_563, %swap3A_564], %swap3A_567 {strides = array<i32>} : memref<16x128xf32, #tpu.memory_space<vmem>>, vector<1x16xf32>,
      %swap3A_568 = arith.constant 9 : i32
      %swap3A_569 = arith.index_cast %swap3A_568 : i32 to index
      %swap3A_570 = arith.constant 32 : index
      %swap3A_571 = tpu.vector_load %arg9[%swap3A_569, %swap3A_570] {strides = array<i32>} : memref<16x128xf32, #tpu.memory_space<vmem>>, vector<1x16xf32>,
      %swap3A_572 = vector.shape_cast %swap3A_571 : vector<1x16xf32> to vector<16xf32>
      %swap3A_573 = vector.shape_cast %get3A_513 : vector<16xf32> to vector<1x16xf32>
      tpu.vector_store %arg9[%swap3A_569, %swap3A_570], %swap3A_573 {strides = array<i32>} : memref<16x128xf32, #tpu.memory_space<vmem>>, vector<1x16xf32>,
      %swap3A_574 = arith.constant 10 : i32
      %swap3A_575 = arith.index_cast %swap3A_574 : i32 to index
      %swap3A_576 = arith.constant 32 : index
      %swap3A_577 = tpu.vector_load %arg9[%swap3A_575, %swap3A_576] {strides = array<i32>} : memref<16x128xf32, #tpu.memory_space<vmem>>, vector<1x16xf32>,
      %swap3A_578 = vector.shape_cast %swap3A_577 : vector<1x16xf32> to vector<16xf32>
      %swap3A_579 = vector.shape_cast %get3A_513 : vector<16xf32> to vector<1x16xf32>
      tpu.vector_store %arg9[%swap3A_575, %swap3A_576], %swap3A_579 {strides = array<i32>} : memref<16x128xf32, #tpu.memory_space<vmem>>, vector<1x16xf32>,
      %swap3A_580 = arith.constant 11 : i32
      %swap3A_581 = arith.index_cast %swap3A_580 : i32 to index
      %swap3A_582 = arith.constant 32 : index
      %swap3A_583 = tpu.vector_load %arg9[%swap3A_581, %swap3A_582] {strides = array<i32>} : memref<16x128xf32, #tpu.memory_space<vmem>>, vector<1x16xf32>,
      %swap3A_584 = vector.shape_cast %swap3A_583 : vector<1x16xf32> to vector<16xf32>
      %swap3A_585 = vector.shape_cast %get3A_513 : vector<16xf32> to vector<1x16xf32>
      tpu.vector_store %arg9[%swap3A_581, %swap3A_582], %swap3A_585 {strides = array<i32>} : memref<16x128xf32, #tpu.memory_space<vmem>>, vector<1x16xf32>,
      %swap3A_586 = arith.constant 12 : i32
      %swap3A_587 = arith.index_cast %swap3A_586 : i32 to index
      %swap3A_588 = arith.constant 32 : index
      %swap3A_589 = tpu.vector_load %arg9[%swap3A_587, %swap3A_588] {strides = array<i32>} : memref<16x128xf32, #tpu.memory_space<vmem>>, vector<1x16xf32>,
      %swap3A_590 = vector.shape_cast %swap3A_589 : vector<1x16xf32> to vector<16xf32>
      %swap3A_591 = vector.shape_cast %get3A_513 : vector<16xf32> to vector<1x16xf32>
      tpu.vector_store %arg9[%swap3A_587, %swap3A_588], %swap3A_591 {strides = array<i32>} : memref<16x128xf32, #tpu.memory_space<vmem>>, vector<1x16xf32>,
      %swap3A_592 = arith.constant 13 : i32
      %swap3A_593 = arith.index_cast %swap3A_592 : i32 to index
      %swap3A_594 = arith.constant 32 : index
      %swap3A_595 = tpu.vector_load %arg9[%swap3A_593, %swap3A_594] {strides = array<i32>} : memref<16x128xf32, #tpu.memory_space<vmem>>, vector<1x16xf32>,
      %swap3A_596 = vector.shape_cast %swap3A_595 : vector<1x16xf32> to vector<16xf32>
      %swap3A_597 = vector.shape_cast %get3A_513 : vector<16xf32> to vector<1x16xf32>
      tpu.vector_store %arg9[%swap3A_593, %swap3A_594], %swap3A_597 {strides = array<i32>} : memref<16x128xf32, #tpu.memory_space<vmem>>, vector<1x16xf32>,
      %swap3A_598 = arith.constant 14 : i32
      %swap3A_599 = arith.index_cast %swap3A_598 : i32 to index
      %swap3A_600 = arith.constant 32 : index
      %swap3A_601 = tpu.vector_load %arg9[%swap3A_599, %swap3A_600] {strides = array<i32>} : memref<16x128xf32, #tpu.memory_space<vmem>>, vector<1x16xf32>,
      %swap3A_602 = vector.shape_cast %swap3A_601 : vector<1x16xf32> to vector<16xf32>
      %swap3A_603 = vector.shape_cast %get3A_513 : vector<16xf32> to vector<1x16xf32>
      tpu.vector_store %arg9[%swap3A_599, %swap3A_600], %swap3A_603 {strides = array<i32>} : memref<16x128xf32, #tpu.memory_space<vmem>>, vector<1x16xf32>,
      %swap3A_604 = arith.constant 15 : i32
      %swap3A_605 = arith.index_cast %swap3A_604 : i32 to index
      %swap3A_606 = arith.constant 32 : index
      %swap3A_607 = tpu.vector_load %arg9[%swap3A_605, %swap3A_606] {strides = array<i32>} : memref<16x128xf32, #tpu.memory_space<vmem>>, vector<1x16xf32>,
      %swap3A_608 = vector.shape_cast %swap3A_607 : vector<1x16xf32> to vector<16xf32>
      %swap3A_609 = vector.shape_cast %get3A_513 : vector<16xf32> to vector<1x16xf32>
      tpu.vector_store %arg9[%swap3A_605, %swap3A_606], %swap3A_609 {strides = array<i32>} : memref<16x128xf32, #tpu.memory_space<vmem>>, vector<1x16xf32>,
      %get3A_610 = arith.index_cast %add3A_39 : i32 to index
      %get3A_611 = arith.constant 48 : index
      %get3A_612 = tpu.vector_load %arg8[%get3A_610, %get3A_611] {strides = array<i32>} : memref<20x128xf32, #tpu.memory_space<vmem>>, vector<1x16xf32>,
      %get3A_613 = vector.shape_cast %get3A_612 : vector<1x16xf32> to vector<16xf32>
      %swap3A_614 = arith.constant 0 : i32
      %swap3A_615 = arith.index_cast %swap3A_614 : i32 to index
      %swap3A_616 = arith.constant 48 : index
      %swap3A_617 = tpu.vector_load %arg9[%swap3A_615, %swap3A_616] {strides = array<i32>} : memref<16x128xf32, #tpu.memory_space<vmem>>, vector<1x16xf32>,
      %swap3A_618 = vector.shape_cast %swap3A_617 : vector<1x16xf32> to vector<16xf32>
      %swap3A_619 = vector.shape_cast %get3A_613 : vector<16xf32> to vector<1x16xf32>
      tpu.vector_store %arg9[%swap3A_615, %swap3A_616], %swap3A_619 {strides = array<i32>} : memref<16x128xf32, #tpu.memory_space<vmem>>, vector<1x16xf32>,
      %swap3A_620 = arith.constant 1 : i32
      %swap3A_621 = arith.index_cast %swap3A_620 : i32 to index
      %swap3A_622 = arith.constant 48 : index
      %swap3A_623 = tpu.vector_load %arg9[%swap3A_621, %swap3A_622] {strides = array<i32>} : memref<16x128xf32, #tpu.memory_space<vmem>>, vector<1x16xf32>,
      %swap3A_624 = vector.shape_cast %swap3A_623 : vector<1x16xf32> to vector<16xf32>
      %swap3A_625 = vector.shape_cast %get3A_613 : vector<16xf32> to vector<1x16xf32>
      tpu.vector_store %arg9[%swap3A_621, %swap3A_622], %swap3A_625 {strides = array<i32>} : memref<16x128xf32, #tpu.memory_space<vmem>>, vector<1x16xf32>,
      %swap3A_626 = arith.constant 2 : i32
      %swap3A_627 = arith.index_cast %swap3A_626 : i32 to index
      %swap3A_628 = arith.constant 48 : index
      %swap3A_629 = tpu.vector_load %arg9[%swap3A_627, %swap3A_628] {strides = array<i32>} : memref<16x128xf32, #tpu.memory_space<vmem>>, vector<1x16xf32>,
      %swap3A_630 = vector.shape_cast %swap3A_629 : vector<1x16xf32> to vector<16xf32>
      %swap3A_631 = vector.shape_cast %get3A_613 : vector<16xf32> to vector<1x16xf32>
      tpu.vector_store %arg9[%swap3A_627, %swap3A_628], %swap3A_631 {strides = array<i32>} : memref<16x128xf32, #tpu.memory_space<vmem>>, vector<1x16xf32>,
      %swap3A_632 = arith.constant 3 : i32
      %swap3A_633 = arith.index_cast %swap3A_632 : i32 to index
      %swap3A_634 = arith.constant 48 : index
      %swap3A_635 = tpu.vector_load %arg9[%swap3A_633, %swap3A_634] {strides = array<i32>} : memref<16x128xf32, #tpu.memory_space<vmem>>, vector<1x16xf32>,
      %swap3A_636 = vector.shape_cast %swap3A_635 : vector<1x16xf32> to vector<16xf32>
      %swap3A_637 = vector.shape_cast %get3A_613 : vector<16xf32> to vector<1x16xf32>
      tpu.vector_store %arg9[%swap3A_633, %swap3A_634], %swap3A_637 {strides = array<i32>} : memref<16x128xf32, #tpu.memory_space<vmem>>, vector<1x16xf32>,
      %swap3A_638 = arith.constant 4 : i32
      %swap3A_639 = arith.index_cast %swap3A_638 : i32 to index
      %swap3A_640 = arith.constant 48 : index
      %swap3A_641 = tpu.vector_load %arg9[%swap3A_639, %swap3A_640] {strides = array<i32>} : memref<16x128xf32, #tpu.memory_space<vmem>>, vector<1x16xf32>,
      %swap3A_642 = vector.shape_cast %swap3A_641 : vector<1x16xf32> to vector<16xf32>
      %swap3A_643 = vector.shape_cast %get3A_613 : vector<16xf32> to vector<1x16xf32>
      tpu.vector_store %arg9[%swap3A_639, %swap3A_640], %swap3A_643 {strides = array<i32>} : memref<16x128xf32, #tpu.memory_space<vmem>>, vector<1x16xf32>,
      %swap3A_644 = arith.constant 5 : i32
      %swap3A_645 = arith.index_cast %swap3A_644 : i32 to index
      %swap3A_646 = arith.constant 48 : index
      %swap3A_647 = tpu.vector_load %arg9[%swap3A_645, %swap3A_646] {strides = array<i32>} : memref<16x128xf32, #tpu.memory_space<vmem>>, vector<1x16xf32>,
      %swap3A_648 = vector.shape_cast %swap3A_647 : vector<1x16xf32> to vector<16xf32>
      %swap3A_649 = vector.shape_cast %get3A_613 : vector<16xf32> to vector<1x16xf32>
      tpu.vector_store %arg9[%swap3A_645, %swap3A_646], %swap3A_649 {strides = array<i32>} : memref<16x128xf32, #tpu.memory_space<vmem>>, vector<1x16xf32>,
      %swap3A_650 = arith.constant 6 : i32
      %swap3A_651 = arith.index_cast %swap3A_650 : i32 to index
      %swap3A_652 = arith.constant 48 : index
      %swap3A_653 = tpu.vector_load %arg9[%swap3A_651, %swap3A_652] {strides = array<i32>} : memref<16x128xf32, #tpu.memory_space<vmem>>, vector<1x16xf32>,
      %swap3A_654 = vector.shape_cast %swap3A_653 : vector<1x16xf32> to vector<16xf32>
      %swap3A_655 = vector.shape_cast %get3A_613 : vector<16xf32> to vector<1x16xf32>
      tpu.vector_store %arg9[%swap3A_651, %swap3A_652], %swap3A_655 {strides = array<i32>} : memref<16x128xf32, #tpu.memory_space<vmem>>, vector<1x16xf32>,
      %swap3A_656 = arith.constant 7 : i32
      %swap3A_657 = arith.index_cast %swap3A_656 : i32 to index
      %swap3A_658 = arith.constant 48 : index
      %swap3A_659 = tpu.vector_load %arg9[%swap3A_657, %swap3A_658] {strides = array<i32>} : memref<16x128xf32, #tpu.memory_space<vmem>>, vector<1x16xf32>,
      %swap3A_660 = vector.shape_cast %swap3A_659 : vector<1x16xf32> to vector<16xf32>
      %swap3A_661 = vector.shape_cast %get3A_613 : vector<16xf32> to vector<1x16xf32>
      tpu.vector_store %arg9[%swap3A_657, %swap3A_658], %swap3A_661 {strides = array<i32>} : memref<16x128xf32, #tpu.memory_space<vmem>>, vector<1x16xf32>,
      %swap3A_662 = arith.constant 8 : i32
      %swap3A_663 = arith.index_cast %swap3A_662 : i32 to index
      %swap3A_664 = arith.constant 48 : index
      %swap3A_665 = tpu.vector_load %arg9[%swap3A_663, %swap3A_664] {strides = array<i32>} : memref<16x128xf32, #tpu.memory_space<vmem>>, vector<1x16xf32>,
      %swap3A_666 = vector.shape_cast %swap3A_665 : vector<1x16xf32> to vector<16xf32>
      %swap3A_667 = vector.shape_cast %get3A_613 : vector<16xf32> to vector<1x16xf32>
      tpu.vector_store %arg9[%swap3A_663, %swap3A_664], %swap3A_667 {strides = array<i32>} : memref<16x128xf32, #tpu.memory_space<vmem>>, vector<1x16xf32>,
      %swap3A_668 = arith.constant 9 : i32
      %swap3A_669 = arith.index_cast %swap3A_668 : i32 to index
      %swap3A_670 = arith.constant 48 : index
      %swap3A_671 = tpu.vector_load %arg9[%swap3A_669, %swap3A_670] {strides = array<i32>} : memref<16x128xf32, #tpu.memory_space<vmem>>, vector<1x16xf32>,
      %swap3A_672 = vector.shape_cast %swap3A_671 : vector<1x16xf32> to vector<16xf32>
      %swap3A_673 = vector.shape_cast %get3A_613 : vector<16xf32> to vector<1x16xf32>
      tpu.vector_store %arg9[%swap3A_669, %swap3A_670], %swap3A_673 {strides = array<i32>} : memref<16x128xf32, #tpu.memory_space<vmem>>, vector<1x16xf32>,
      %swap3A_674 = arith.constant 10 : i32
      %swap3A_675 = arith.index_cast %swap3A_674 : i32 to index
      %swap3A_676 = arith.constant 48 : index
      %swap3A_677 = tpu.vector_load %arg9[%swap3A_675, %swap3A_676] {strides = array<i32>} : memref<16x128xf32, #tpu.memory_space<vmem>>, vector<1x16xf32>,
      %swap3A_678 = vector.shape_cast %swap3A_677 : vector<1x16xf32> to vector<16xf32>
      %swap3A_679 = vector.shape_cast %get3A_613 : vector<16xf32> to vector<1x16xf32>
      tpu.vector_store %arg9[%swap3A_675, %swap3A_676], %swap3A_679 {strides = array<i32>} : memref<16x128xf32, #tpu.memory_space<vmem>>, vector<1x16xf32>,
      %swap3A_680 = arith.constant 11 : i32
      %swap3A_681 = arith.index_cast %swap3A_680 : i32 to index
      %swap3A_682 = arith.constant 48 : index
      %swap3A_683 = tpu.vector_load %arg9[%swap3A_681, %swap3A_682] {strides = array<i32>} : memref<16x128xf32, #tpu.memory_space<vmem>>, vector<1x16xf32>,
      %swap3A_684 = vector.shape_cast %swap3A_683 : vector<1x16xf32> to vector<16xf32>
      %swap3A_685 = vector.shape_cast %get3A_613 : vector<16xf32> to vector<1x16xf32>
      tpu.vector_store %arg9[%swap3A_681, %swap3A_682], %swap3A_685 {strides = array<i32>} : memref<16x128xf32, #tpu.memory_space<vmem>>, vector<1x16xf32>,
      %swap3A_686 = arith.constant 12 : i32
      %swap3A_687 = arith.index_cast %swap3A_686 : i32 to index
      %swap3A_688 = arith.constant 48 : index
      %swap3A_689 = tpu.vector_load %arg9[%swap3A_687, %swap3A_688] {strides = array<i32>} : memref<16x128xf32, #tpu.memory_space<vmem>>, vector<1x16xf32>,
      %swap3A_690 = vector.shape_cast %swap3A_689 : vector<1x16xf32> to vector<16xf32>
      %swap3A_691 = vector.shape_cast %get3A_613 : vector<16xf32> to vector<1x16xf32>
      tpu.vector_store %arg9[%swap3A_687, %swap3A_688], %swap3A_691 {strides = array<i32>} : memref<16x128xf32, #tpu.memory_space<vmem>>, vector<1x16xf32>,
      %swap3A_692 = arith.constant 13 : i32
      %swap3A_693 = arith.index_cast %swap3A_692 : i32 to index
      %swap3A_694 = arith.constant 48 : index
      %swap3A_695 = tpu.vector_load %arg9[%swap3A_693, %swap3A_694] {strides = array<i32>} : memref<16x128xf32, #tpu.memory_space<vmem>>, vector<1x16xf32>,
      %swap3A_696 = vector.shape_cast %swap3A_695 : vector<1x16xf32> to vector<16xf32>
      %swap3A_697 = vector.shape_cast %get3A_613 : vector<16xf32> to vector<1x16xf32>
      tpu.vector_store %arg9[%swap3A_693, %swap3A_694], %swap3A_697 {strides = array<i32>} : memref<16x128xf32, #tpu.memory_space<vmem>>, vector<1x16xf32>,
      %swap3A_698 = arith.constant 14 : i32
      %swap3A_699 = arith.index_cast %swap3A_698 : i32 to index
      %swap3A_700 = arith.constant 48 : index
      %swap3A_701 = tpu.vector_load %arg9[%swap3A_699, %swap3A_700] {strides = array<i32>} : memref<16x128xf32, #tpu.memory_space<vmem>>, vector<1x16xf32>,
      %swap3A_702 = vector.shape_cast %swap3A_701 : vector<1x16xf32> to vector<16xf32>
      %swap3A_703 = vector.shape_cast %get3A_613 : vector<16xf32> to vector<1x16xf32>
      tpu.vector_store %arg9[%swap3A_699, %swap3A_700], %swap3A_703 {strides = array<i32>} : memref<16x128xf32, #tpu.memory_space<vmem>>, vector<1x16xf32>,
      %swap3A_704 = arith.constant 15 : i32
      %swap3A_705 = arith.index_cast %swap3A_704 : i32 to index
      %swap3A_706 = arith.constant 48 : index
      %swap3A_707 = tpu.vector_load %arg9[%swap3A_705, %swap3A_706] {strides = array<i32>} : memref<16x128xf32, #tpu.memory_space<vmem>>, vector<1x16xf32>,
      %swap3A_708 = vector.shape_cast %swap3A_707 : vector<1x16xf32> to vector<16xf32>
      %swap3A_709 = vector.shape_cast %get3A_613 : vector<16xf32> to vector<1x16xf32>
      tpu.vector_store %arg9[%swap3A_705, %swap3A_706], %swap3A_709 {strides = array<i32>} : memref<16x128xf32, #tpu.memory_space<vmem>>, vector<1x16xf32>,
      %get3A_710 = arith.index_cast %add3A_39 : i32 to index
      %get3A_711 = arith.constant 64 : index
      %get3A_712 = tpu.vector_load %arg8[%get3A_710, %get3A_711] {strides = array<i32>} : memref<20x128xf32, #tpu.memory_space<vmem>>, vector<1x16xf32>,
      %get3A_713 = vector.shape_cast %get3A_712 : vector<1x16xf32> to vector<16xf32>
      %swap3A_714 = arith.constant 0 : i32
      %swap3A_715 = arith.index_cast %swap3A_714 : i32 to index
      %swap3A_716 = arith.constant 64 : index
      %swap3A_717 = tpu.vector_load %arg9[%swap3A_715, %swap3A_716] {strides = array<i32>} : memref<16x128xf32, #tpu.memory_space<vmem>>, vector<1x16xf32>,
      %swap3A_718 = vector.shape_cast %swap3A_717 : vector<1x16xf32> to vector<16xf32>
      %swap3A_719 = vector.shape_cast %get3A_713 : vector<16xf32> to vector<1x16xf32>
      tpu.vector_store %arg9[%swap3A_715, %swap3A_716], %swap3A_719 {strides = array<i32>} : memref<16x128xf32, #tpu.memory_space<vmem>>, vector<1x16xf32>,
      %swap3A_720 = arith.constant 1 : i32
      %swap3A_721 = arith.index_cast %swap3A_720 : i32 to index
      %swap3A_722 = arith.constant 64 : index
      %swap3A_723 = tpu.vector_load %arg9[%swap3A_721, %swap3A_722] {strides = array<i32>} : memref<16x128xf32, #tpu.memory_space<vmem>>, vector<1x16xf32>,
      %swap3A_724 = vector.shape_cast %swap3A_723 : vector<1x16xf32> to vector<16xf32>
      %swap3A_725 = vector.shape_cast %get3A_713 : vector<16xf32> to vector<1x16xf32>
      tpu.vector_store %arg9[%swap3A_721, %swap3A_722], %swap3A_725 {strides = array<i32>} : memref<16x128xf32, #tpu.memory_space<vmem>>, vector<1x16xf32>,
      %swap3A_726 = arith.constant 2 : i32
      %swap3A_727 = arith.index_cast %swap3A_726 : i32 to index
      %swap3A_728 = arith.constant 64 : index
      %swap3A_729 = tpu.vector_load %arg9[%swap3A_727, %swap3A_728] {strides = array<i32>} : memref<16x128xf32, #tpu.memory_space<vmem>>, vector<1x16xf32>,
      %swap3A_730 = vector.shape_cast %swap3A_729 : vector<1x16xf32> to vector<16xf32>
      %swap3A_731 = vector.shape_cast %get3A_713 : vector<16xf32> to vector<1x16xf32>
      tpu.vector_store %arg9[%swap3A_727, %swap3A_728], %swap3A_731 {strides = array<i32>} : memref<16x128xf32, #tpu.memory_space<vmem>>, vector<1x16xf32>,
      %swap3A_732 = arith.constant 3 : i32
      %swap3A_733 = arith.index_cast %swap3A_732 : i32 to index
      %swap3A_734 = arith.constant 64 : index
      %swap3A_735 = tpu.vector_load %arg9[%swap3A_733, %swap3A_734] {strides = array<i32>} : memref<16x128xf32, #tpu.memory_space<vmem>>, vector<1x16xf32>,
      %swap3A_736 = vector.shape_cast %swap3A_735 : vector<1x16xf32> to vector<16xf32>
      %swap3A_737 = vector.shape_cast %get3A_713 : vector<16xf32> to vector<1x16xf32>
      tpu.vector_store %arg9[%swap3A_733, %swap3A_734], %swap3A_737 {strides = array<i32>} : memref<16x128xf32, #tpu.memory_space<vmem>>, vector<1x16xf32>,
      %swap3A_738 = arith.constant 4 : i32
      %swap3A_739 = arith.index_cast %swap3A_738 : i32 to index
      %swap3A_740 = arith.constant 64 : index
      %swap3A_741 = tpu.vector_load %arg9[%swap3A_739, %swap3A_740] {strides = array<i32>} : memref<16x128xf32, #tpu.memory_space<vmem>>, vector<1x16xf32>,
      %swap3A_742 = vector.shape_cast %swap3A_741 : vector<1x16xf32> to vector<16xf32>
      %swap3A_743 = vector.shape_cast %get3A_713 : vector<16xf32> to vector<1x16xf32>
      tpu.vector_store %arg9[%swap3A_739, %swap3A_740], %swap3A_743 {strides = array<i32>} : memref<16x128xf32, #tpu.memory_space<vmem>>, vector<1x16xf32>,
      %swap3A_744 = arith.constant 5 : i32
      %swap3A_745 = arith.index_cast %swap3A_744 : i32 to index
      %swap3A_746 = arith.constant 64 : index
      %swap3A_747 = tpu.vector_load %arg9[%swap3A_745, %swap3A_746] {strides = array<i32>} : memref<16x128xf32, #tpu.memory_space<vmem>>, vector<1x16xf32>,
      %swap3A_748 = vector.shape_cast %swap3A_747 : vector<1x16xf32> to vector<16xf32>
      %swap3A_749 = vector.shape_cast %get3A_713 : vector<16xf32> to vector<1x16xf32>
      tpu.vector_store %arg9[%swap3A_745, %swap3A_746], %swap3A_749 {strides = array<i32>} : memref<16x128xf32, #tpu.memory_space<vmem>>, vector<1x16xf32>,
      %swap3A_750 = arith.constant 6 : i32
      %swap3A_751 = arith.index_cast %swap3A_750 : i32 to index
      %swap3A_752 = arith.constant 64 : index
      %swap3A_753 = tpu.vector_load %arg9[%swap3A_751, %swap3A_752] {strides = array<i32>} : memref<16x128xf32, #tpu.memory_space<vmem>>, vector<1x16xf32>,
      %swap3A_754 = vector.shape_cast %swap3A_753 : vector<1x16xf32> to vector<16xf32>
      %swap3A_755 = vector.shape_cast %get3A_713 : vector<16xf32> to vector<1x16xf32>
      tpu.vector_store %arg9[%swap3A_751, %swap3A_752], %swap3A_755 {strides = array<i32>} : memref<16x128xf32, #tpu.memory_space<vmem>>, vector<1x16xf32>,
      %swap3A_756 = arith.constant 7 : i32
      %swap3A_757 = arith.index_cast %swap3A_756 : i32 to index
      %swap3A_758 = arith.constant 64 : index
      %swap3A_759 = tpu.vector_load %arg9[%swap3A_757, %swap3A_758] {strides = array<i32>} : memref<16x128xf32, #tpu.memory_space<vmem>>, vector<1x16xf32>,
      %swap3A_760 = vector.shape_cast %swap3A_759 : vector<1x16xf32> to vector<16xf32>
      %swap3A_761 = vector.shape_cast %get3A_713 : vector<16xf32> to vector<1x16xf32>
      tpu.vector_store %arg9[%swap3A_757, %swap3A_758], %swap3A_761 {strides = array<i32>} : memref<16x128xf32, #tpu.memory_space<vmem>>, vector<1x16xf32>,
      %swap3A_762 = arith.constant 8 : i32
      %swap3A_763 = arith.index_cast %swap3A_762 : i32 to index
      %swap3A_764 = arith.constant 64 : index
      %swap3A_765 = tpu.vector_load %arg9[%swap3A_763, %swap3A_764] {strides = array<i32>} : memref<16x128xf32, #tpu.memory_space<vmem>>, vector<1x16xf32>,
      %swap3A_766 = vector.shape_cast %swap3A_765 : vector<1x16xf32> to vector<16xf32>
      %swap3A_767 = vector.shape_cast %get3A_713 : vector<16xf32> to vector<1x16xf32>
      tpu.vector_store %arg9[%swap3A_763, %swap3A_764], %swap3A_767 {strides = array<i32>} : memref<16x128xf32, #tpu.memory_space<vmem>>, vector<1x16xf32>,
      %swap3A_768 = arith.constant 9 : i32
      %swap3A_769 = arith.index_cast %swap3A_768 : i32 to index
      %swap3A_770 = arith.constant 64 : index
      %swap3A_771 = tpu.vector_load %arg9[%swap3A_769, %swap3A_770] {strides = array<i32>} : memref<16x128xf32, #tpu.memory_space<vmem>>, vector<1x16xf32>,
      %swap3A_772 = vector.shape_cast %swap3A_771 : vector<1x16xf32> to vector<16xf32>
      %swap3A_773 = vector.shape_cast %get3A_713 : vector<16xf32> to vector<1x16xf32>
      tpu.vector_store %arg9[%swap3A_769, %swap3A_770], %swap3A_773 {strides = array<i32>} : memref<16x128xf32, #tpu.memory_space<vmem>>, vector<1x16xf32>,
      %swap3A_774 = arith.constant 10 : i32
      %swap3A_775 = arith.index_cast %swap3A_774 : i32 to index
      %swap3A_776 = arith.constant 64 : index
      %swap3A_777 = tpu.vector_load %arg9[%swap3A_775, %swap3A_776] {strides = array<i32>} : memref<16x128xf32, #tpu.memory_space<vmem>>, vector<1x16xf32>,
      %swap3A_778 = vector.shape_cast %swap3A_777 : vector<1x16xf32> to vector<16xf32>
      %swap3A_779 = vector.shape_cast %get3A_713 : vector<16xf32> to vector<1x16xf32>
      tpu.vector_store %arg9[%swap3A_775, %swap3A_776], %swap3A_779 {strides = array<i32>} : memref<16x128xf32, #tpu.memory_space<vmem>>, vector<1x16xf32>,
      %swap3A_780 = arith.constant 11 : i32
      %swap3A_781 = arith.index_cast %swap3A_780 : i32 to index
      %swap3A_782 = arith.constant 64 : index
      %swap3A_783 = tpu.vector_load %arg9[%swap3A_781, %swap3A_782] {strides = array<i32>} : memref<16x128xf32, #tpu.memory_space<vmem>>, vector<1x16xf32>,
      %swap3A_784 = vector.shape_cast %swap3A_783 : vector<1x16xf32> to vector<16xf32>
      %swap3A_785 = vector.shape_cast %get3A_713 : vector<16xf32> to vector<1x16xf32>
      tpu.vector_store %arg9[%swap3A_781, %swap3A_782], %swap3A_785 {strides = array<i32>} : memref<16x128xf32, #tpu.memory_space<vmem>>, vector<1x16xf32>,
      %swap3A_786 = arith.constant 12 : i32
      %swap3A_787 = arith.index_cast %swap3A_786 : i32 to index
      %swap3A_788 = arith.constant 64 : index
      %swap3A_789 = tpu.vector_load %arg9[%swap3A_787, %swap3A_788] {strides = array<i32>} : memref<16x128xf32, #tpu.memory_space<vmem>>, vector<1x16xf32>,
      %swap3A_790 = vector.shape_cast %swap3A_789 : vector<1x16xf32> to vector<16xf32>
      %swap3A_791 = vector.shape_cast %get3A_713 : vector<16xf32> to vector<1x16xf32>
      tpu.vector_store %arg9[%swap3A_787, %swap3A_788], %swap3A_791 {strides = array<i32>} : memref<16x128xf32, #tpu.memory_space<vmem>>, vector<1x16xf32>,
      %swap3A_792 = arith.constant 13 : i32
      %swap3A_793 = arith.index_cast %swap3A_792 : i32 to index
      %swap3A_794 = arith.constant 64 : index
      %swap3A_795 = tpu.vector_load %arg9[%swap3A_793, %swap3A_794] {strides = array<i32>} : memref<16x128xf32, #tpu.memory_space<vmem>>, vector<1x16xf32>,
      %swap3A_796 = vector.shape_cast %swap3A_795 : vector<1x16xf32> to vector<16xf32>
      %swap3A_797 = vector.shape_cast %get3A_713 : vector<16xf32> to vector<1x16xf32>
      tpu.vector_store %arg9[%swap3A_793, %swap3A_794], %swap3A_797 {strides = array<i32>} : memref<16x128xf32, #tpu.memory_space<vmem>>, vector<1x16xf32>,
      %swap3A_798 = arith.constant 14 : i32
      %swap3A_799 = arith.index_cast %swap3A_798 : i32 to index
      %swap3A_800 = arith.constant 64 : index
      %swap3A_801 = tpu.vector_load %arg9[%swap3A_799, %swap3A_800] {strides = array<i32>} : memref<16x128xf32, #tpu.memory_space<vmem>>, vector<1x16xf32>,
      %swap3A_802 = vector.shape_cast %swap3A_801 : vector<1x16xf32> to vector<16xf32>
      %swap3A_803 = vector.shape_cast %get3A_713 : vector<16xf32> to vector<1x16xf32>
      tpu.vector_store %arg9[%swap3A_799, %swap3A_800], %swap3A_803 {strides = array<i32>} : memref<16x128xf32, #tpu.memory_space<vmem>>, vector<1x16xf32>,
      %swap3A_804 = arith.constant 15 : i32
      %swap3A_805 = arith.index_cast %swap3A_804 : i32 to index
      %swap3A_806 = arith.constant 64 : index
      %swap3A_807 = tpu.vector_load %arg9[%swap3A_805, %swap3A_806] {strides = array<i32>} : memref<16x128xf32, #tpu.memory_space<vmem>>, vector<1x16xf32>,
      %swap3A_808 = vector.shape_cast %swap3A_807 : vector<1x16xf32> to vector<16xf32>
      %swap3A_809 = vector.shape_cast %get3A_713 : vector<16xf32> to vector<1x16xf32>
      tpu.vector_store %arg9[%swap3A_805, %swap3A_806], %swap3A_809 {strides = array<i32>} : memref<16x128xf32, #tpu.memory_space<vmem>>, vector<1x16xf32>,
      %get3A_810 = arith.index_cast %add3A_39 : i32 to index
      %get3A_811 = arith.constant 80 : index
      %get3A_812 = tpu.vector_load %arg8[%get3A_810, %get3A_811] {strides = array<i32>} : memref<20x128xf32, #tpu.memory_space<vmem>>, vector<1x16xf32>,
      %get3A_813 = vector.shape_cast %get3A_812 : vector<1x16xf32> to vector<16xf32>
      %swap3A_814 = arith.constant 0 : i32
      %swap3A_815 = arith.index_cast %swap3A_814 : i32 to index
      %swap3A_816 = arith.constant 80 : index
      %swap3A_817 = tpu.vector_load %arg9[%swap3A_815, %swap3A_816] {strides = array<i32>} : memref<16x128xf32, #tpu.memory_space<vmem>>, vector<1x16xf32>,
      %swap3A_818 = vector.shape_cast %swap3A_817 : vector<1x16xf32> to vector<16xf32>
      %swap3A_819 = vector.shape_cast %get3A_813 : vector<16xf32> to vector<1x16xf32>
      tpu.vector_store %arg9[%swap3A_815, %swap3A_816], %swap3A_819 {strides = array<i32>} : memref<16x128xf32, #tpu.memory_space<vmem>>, vector<1x16xf32>,
      %swap3A_820 = arith.constant 1 : i32
      %swap3A_821 = arith.index_cast %swap3A_820 : i32 to index
      %swap3A_822 = arith.constant 80 : index
      %swap3A_823 = tpu.vector_load %arg9[%swap3A_821, %swap3A_822] {strides = array<i32>} : memref<16x128xf32, #tpu.memory_space<vmem>>, vector<1x16xf32>,
      %swap3A_824 = vector.shape_cast %swap3A_823 : vector<1x16xf32> to vector<16xf32>
      %swap3A_825 = vector.shape_cast %get3A_813 : vector<16xf32> to vector<1x16xf32>
      tpu.vector_store %arg9[%swap3A_821, %swap3A_822], %swap3A_825 {strides = array<i32>} : memref<16x128xf32, #tpu.memory_space<vmem>>, vector<1x16xf32>,
      %swap3A_826 = arith.constant 2 : i32
      %swap3A_827 = arith.index_cast %swap3A_826 : i32 to index
      %swap3A_828 = arith.constant 80 : index
      %swap3A_829 = tpu.vector_load %arg9[%swap3A_827, %swap3A_828] {strides = array<i32>} : memref<16x128xf32, #tpu.memory_space<vmem>>, vector<1x16xf32>,
      %swap3A_830 = vector.shape_cast %swap3A_829 : vector<1x16xf32> to vector<16xf32>
      %swap3A_831 = vector.shape_cast %get3A_813 : vector<16xf32> to vector<1x16xf32>
      tpu.vector_store %arg9[%swap3A_827, %swap3A_828], %swap3A_831 {strides = array<i32>} : memref<16x128xf32, #tpu.memory_space<vmem>>, vector<1x16xf32>,
      %swap3A_832 = arith.constant 3 : i32
      %swap3A_833 = arith.index_cast %swap3A_832 : i32 to index
      %swap3A_834 = arith.constant 80 : index
      %swap3A_835 = tpu.vector_load %arg9[%swap3A_833, %swap3A_834] {strides = array<i32>} : memref<16x128xf32, #tpu.memory_space<vmem>>, vector<1x16xf32>,
      %swap3A_836 = vector.shape_cast %swap3A_835 : vector<1x16xf32> to vector<16xf32>
      %swap3A_837 = vector.shape_cast %get3A_813 : vector<16xf32> to vector<1x16xf32>
      tpu.vector_store %arg9[%swap3A_833, %swap3A_834], %swap3A_837 {strides = array<i32>} : memref<16x128xf32, #tpu.memory_space<vmem>>, vector<1x16xf32>,
      %swap3A_838 = arith.constant 4 : i32
      %swap3A_839 = arith.index_cast %swap3A_838 : i32 to index
      %swap3A_840 = arith.constant 80 : index
      %swap3A_841 = tpu.vector_load %arg9[%swap3A_839, %swap3A_840] {strides = array<i32>} : memref<16x128xf32, #tpu.memory_space<vmem>>, vector<1x16xf32>,
      %swap3A_842 = vector.shape_cast %swap3A_841 : vector<1x16xf32> to vector<16xf32>
      %swap3A_843 = vector.shape_cast %get3A_813 : vector<16xf32> to vector<1x16xf32>
      tpu.vector_store %arg9[%swap3A_839, %swap3A_840], %swap3A_843 {strides = array<i32>} : memref<16x128xf32, #tpu.memory_space<vmem>>, vector<1x16xf32>,
      %swap3A_844 = arith.constant 5 : i32
      %swap3A_845 = arith.index_cast %swap3A_844 : i32 to index
      %swap3A_846 = arith.constant 80 : index
      %swap3A_847 = tpu.vector_load %arg9[%swap3A_845, %swap3A_846] {strides = array<i32>} : memref<16x128xf32, #tpu.memory_space<vmem>>, vector<1x16xf32>,
      %swap3A_848 = vector.shape_cast %swap3A_847 : vector<1x16xf32> to vector<16xf32>
      %swap3A_849 = vector.shape_cast %get3A_813 : vector<16xf32> to vector<1x16xf32>
      tpu.vector_store %arg9[%swap3A_845, %swap3A_846], %swap3A_849 {strides = array<i32>} : memref<16x128xf32, #tpu.memory_space<vmem>>, vector<1x16xf32>,
      %swap3A_850 = arith.constant 6 : i32
      %swap3A_851 = arith.index_cast %swap3A_850 : i32 to index
      %swap3A_852 = arith.constant 80 : index
      %swap3A_853 = tpu.vector_load %arg9[%swap3A_851, %swap3A_852] {strides = array<i32>} : memref<16x128xf32, #tpu.memory_space<vmem>>, vector<1x16xf32>,
      %swap3A_854 = vector.shape_cast %swap3A_853 : vector<1x16xf32> to vector<16xf32>
      %swap3A_855 = vector.shape_cast %get3A_813 : vector<16xf32> to vector<1x16xf32>
      tpu.vector_store %arg9[%swap3A_851, %swap3A_852], %swap3A_855 {strides = array<i32>} : memref<16x128xf32, #tpu.memory_space<vmem>>, vector<1x16xf32>,
      %swap3A_856 = arith.constant 7 : i32
      %swap3A_857 = arith.index_cast %swap3A_856 : i32 to index
      %swap3A_858 = arith.constant 80 : index
      %swap3A_859 = tpu.vector_load %arg9[%swap3A_857, %swap3A_858] {strides = array<i32>} : memref<16x128xf32, #tpu.memory_space<vmem>>, vector<1x16xf32>,
      %swap3A_860 = vector.shape_cast %swap3A_859 : vector<1x16xf32> to vector<16xf32>
      %swap3A_861 = vector.shape_cast %get3A_813 : vector<16xf32> to vector<1x16xf32>
      tpu.vector_store %arg9[%swap3A_857, %swap3A_858], %swap3A_861 {strides = array<i32>} : memref<16x128xf32, #tpu.memory_space<vmem>>, vector<1x16xf32>,
      %swap3A_862 = arith.constant 8 : i32
      %swap3A_863 = arith.index_cast %swap3A_862 : i32 to index
      %swap3A_864 = arith.constant 80 : index
      %swap3A_865 = tpu.vector_load %arg9[%swap3A_863, %swap3A_864] {strides = array<i32>} : memref<16x128xf32, #tpu.memory_space<vmem>>, vector<1x16xf32>,
      %swap3A_866 = vector.shape_cast %swap3A_865 : vector<1x16xf32> to vector<16xf32>
      %swap3A_867 = vector.shape_cast %get3A_813 : vector<16xf32> to vector<1x16xf32>
      tpu.vector_store %arg9[%swap3A_863, %swap3A_864], %swap3A_867 {strides = array<i32>} : memref<16x128xf32, #tpu.memory_space<vmem>>, vector<1x16xf32>,
      %swap3A_868 = arith.constant 9 : i32
      %swap3A_869 = arith.index_cast %swap3A_868 : i32 to index
      %swap3A_870 = arith.constant 80 : index
      %swap3A_871 = tpu.vector_load %arg9[%swap3A_869, %swap3A_870] {strides = array<i32>} : memref<16x128xf32, #tpu.memory_space<vmem>>, vector<1x16xf32>,
      %swap3A_872 = vector.shape_cast %swap3A_871 : vector<1x16xf32> to vector<16xf32>
      %swap3A_873 = vector.shape_cast %get3A_813 : vector<16xf32> to vector<1x16xf32>
      tpu.vector_store %arg9[%swap3A_869, %swap3A_870], %swap3A_873 {strides = array<i32>} : memref<16x128xf32, #tpu.memory_space<vmem>>, vector<1x16xf32>,
      %swap3A_874 = arith.constant 10 : i32
      %swap3A_875 = arith.index_cast %swap3A_874 : i32 to index
      %swap3A_876 = arith.constant 80 : index
      %swap3A_877 = tpu.vector_load %arg9[%swap3A_875, %swap3A_876] {strides = array<i32>} : memref<16x128xf32, #tpu.memory_space<vmem>>, vector<1x16xf32>,
      %swap3A_878 = vector.shape_cast %swap3A_877 : vector<1x16xf32> to vector<16xf32>
      %swap3A_879 = vector.shape_cast %get3A_813 : vector<16xf32> to vector<1x16xf32>
      tpu.vector_store %arg9[%swap3A_875, %swap3A_876], %swap3A_879 {strides = array<i32>} : memref<16x128xf32, #tpu.memory_space<vmem>>, vector<1x16xf32>,
      %swap3A_880 = arith.constant 11 : i32
      %swap3A_881 = arith.index_cast %swap3A_880 : i32 to index
      %swap3A_882 = arith.constant 80 : index
      %swap3A_883 = tpu.vector_load %arg9[%swap3A_881, %swap3A_882] {strides = array<i32>} : memref<16x128xf32, #tpu.memory_space<vmem>>, vector<1x16xf32>,
      %swap3A_884 = vector.shape_cast %swap3A_883 : vector<1x16xf32> to vector<16xf32>
      %swap3A_885 = vector.shape_cast %get3A_813 : vector<16xf32> to vector<1x16xf32>
      tpu.vector_store %arg9[%swap3A_881, %swap3A_882], %swap3A_885 {strides = array<i32>} : memref<16x128xf32, #tpu.memory_space<vmem>>, vector<1x16xf32>,
      %swap3A_886 = arith.constant 12 : i32
      %swap3A_887 = arith.index_cast %swap3A_886 : i32 to index
      %swap3A_888 = arith.constant 80 : index
      %swap3A_889 = tpu.vector_load %arg9[%swap3A_887, %swap3A_888] {strides = array<i32>} : memref<16x128xf32, #tpu.memory_space<vmem>>, vector<1x16xf32>,
      %swap3A_890 = vector.shape_cast %swap3A_889 : vector<1x16xf32> to vector<16xf32>
      %swap3A_891 = vector.shape_cast %get3A_813 : vector<16xf32> to vector<1x16xf32>
      tpu.vector_store %arg9[%swap3A_887, %swap3A_888], %swap3A_891 {strides = array<i32>} : memref<16x128xf32, #tpu.memory_space<vmem>>, vector<1x16xf32>,
      %swap3A_892 = arith.constant 13 : i32
      %swap3A_893 = arith.index_cast %swap3A_892 : i32 to index
      %swap3A_894 = arith.constant 80 : index
      %swap3A_895 = tpu.vector_load %arg9[%swap3A_893, %swap3A_894] {strides = array<i32>} : memref<16x128xf32, #tpu.memory_space<vmem>>, vector<1x16xf32>,
      %swap3A_896 = vector.shape_cast %swap3A_895 : vector<1x16xf32> to vector<16xf32>
      %swap3A_897 = vector.shape_cast %get3A_813 : vector<16xf32> to vector<1x16xf32>
      tpu.vector_store %arg9[%swap3A_893, %swap3A_894], %swap3A_897 {strides = array<i32>} : memref<16x128xf32, #tpu.memory_space<vmem>>, vector<1x16xf32>,
      %swap3A_898 = arith.constant 14 : i32
      %swap3A_899 = arith.index_cast %swap3A_898 : i32 to index
      %swap3A_900 = arith.constant 80 : index
      %swap3A_901 = tpu.vector_load %arg9[%swap3A_899, %swap3A_900] {strides = array<i32>} : memref<16x128xf32, #tpu.memory_space<vmem>>, vector<1x16xf32>,
      %swap3A_902 = vector.shape_cast %swap3A_901 : vector<1x16xf32> to vector<16xf32>
      %swap3A_903 = vector.shape_cast %get3A_813 : vector<16xf32> to vector<1x16xf32>
      tpu.vector_store %arg9[%swap3A_899, %swap3A_900], %swap3A_903 {strides = array<i32>} : memref<16x128xf32, #tpu.memory_space<vmem>>, vector<1x16xf32>,
      %swap3A_904 = arith.constant 15 : i32
      %swap3A_905 = arith.index_cast %swap3A_904 : i32 to index
      %swap3A_906 = arith.constant 80 : index
      %swap3A_907 = tpu.vector_load %arg9[%swap3A_905, %swap3A_906] {strides = array<i32>} : memref<16x128xf32, #tpu.memory_space<vmem>>, vector<1x16xf32>,
      %swap3A_908 = vector.shape_cast %swap3A_907 : vector<1x16xf32> to vector<16xf32>
      %swap3A_909 = vector.shape_cast %get3A_813 : vector<16xf32> to vector<1x16xf32>
      tpu.vector_store %arg9[%swap3A_905, %swap3A_906], %swap3A_909 {strides = array<i32>} : memref<16x128xf32, #tpu.memory_space<vmem>>, vector<1x16xf32>,
      %get3A_910 = arith.index_cast %add3A_39 : i32 to index
      %get3A_911 = arith.constant 96 : index
      %get3A_912 = tpu.vector_load %arg8[%get3A_910, %get3A_911] {strides = array<i32>} : memref<20x128xf32, #tpu.memory_space<vmem>>, vector<1x16xf32>,
      %get3A_913 = vector.shape_cast %get3A_912 : vector<1x16xf32> to vector<16xf32>
      %swap3A_914 = arith.constant 0 : i32
      %swap3A_915 = arith.index_cast %swap3A_914 : i32 to index
      %swap3A_916 = arith.constant 96 : index
      %swap3A_917 = tpu.vector_load %arg9[%swap3A_915, %swap3A_916] {strides = array<i32>} : memref<16x128xf32, #tpu.memory_space<vmem>>, vector<1x16xf32>,
      %swap3A_918 = vector.shape_cast %swap3A_917 : vector<1x16xf32> to vector<16xf32>
      %swap3A_919 = vector.shape_cast %get3A_913 : vector<16xf32> to vector<1x16xf32>
      tpu.vector_store %arg9[%swap3A_915, %swap3A_916], %swap3A_919 {strides = array<i32>} : memref<16x128xf32, #tpu.memory_space<vmem>>, vector<1x16xf32>,
      %swap3A_920 = arith.constant 1 : i32
      %swap3A_921 = arith.index_cast %swap3A_920 : i32 to index
      %swap3A_922 = arith.constant 96 : index
      %swap3A_923 = tpu.vector_load %arg9[%swap3A_921, %swap3A_922] {strides = array<i32>} : memref<16x128xf32, #tpu.memory_space<vmem>>, vector<1x16xf32>,
      %swap3A_924 = vector.shape_cast %swap3A_923 : vector<1x16xf32> to vector<16xf32>
      %swap3A_925 = vector.shape_cast %get3A_913 : vector<16xf32> to vector<1x16xf32>
      tpu.vector_store %arg9[%swap3A_921, %swap3A_922], %swap3A_925 {strides = array<i32>} : memref<16x128xf32, #tpu.memory_space<vmem>>, vector<1x16xf32>,
      %swap3A_926 = arith.constant 2 : i32
      %swap3A_927 = arith.index_cast %swap3A_926 : i32 to index
      %swap3A_928 = arith.constant 96 : index
      %swap3A_929 = tpu.vector_load %arg9[%swap3A_927, %swap3A_928] {strides = array<i32>} : memref<16x128xf32, #tpu.memory_space<vmem>>, vector<1x16xf32>,
      %swap3A_930 = vector.shape_cast %swap3A_929 : vector<1x16xf32> to vector<16xf32>
      %swap3A_931 = vector.shape_cast %get3A_913 : vector<16xf32> to vector<1x16xf32>
      tpu.vector_store %arg9[%swap3A_927, %swap3A_928], %swap3A_931 {strides = array<i32>} : memref<16x128xf32, #tpu.memory_space<vmem>>, vector<1x16xf32>,
      %swap3A_932 = arith.constant 3 : i32
      %swap3A_933 = arith.index_cast %swap3A_932 : i32 to index
      %swap3A_934 = arith.constant 96 : index
      %swap3A_935 = tpu.vector_load %arg9[%swap3A_933, %swap3A_934] {strides = array<i32>} : memref<16x128xf32, #tpu.memory_space<vmem>>, vector<1x16xf32>,
      %swap3A_936 = vector.shape_cast %swap3A_935 : vector<1x16xf32> to vector<16xf32>
      %swap3A_937 = vector.shape_cast %get3A_913 : vector<16xf32> to vector<1x16xf32>
      tpu.vector_store %arg9[%swap3A_933, %swap3A_934], %swap3A_937 {strides = array<i32>} : memref<16x128xf32, #tpu.memory_space<vmem>>, vector<1x16xf32>,
      %swap3A_938 = arith.constant 4 : i32
      %swap3A_939 = arith.index_cast %swap3A_938 : i32 to index
      %swap3A_940 = arith.constant 96 : index
      %swap3A_941 = tpu.vector_load %arg9[%swap3A_939, %swap3A_940] {strides = array<i32>} : memref<16x128xf32, #tpu.memory_space<vmem>>, vector<1x16xf32>,
      %swap3A_942 = vector.shape_cast %swap3A_941 : vector<1x16xf32> to vector<16xf32>
      %swap3A_943 = vector.shape_cast %get3A_913 : vector<16xf32> to vector<1x16xf32>
      tpu.vector_store %arg9[%swap3A_939, %swap3A_940], %swap3A_943 {strides = array<i32>} : memref<16x128xf32, #tpu.memory_space<vmem>>, vector<1x16xf32>,
      %swap3A_944 = arith.constant 5 : i32
      %swap3A_945 = arith.index_cast %swap3A_944 : i32 to index
      %swap3A_946 = arith.constant 96 : index
      %swap3A_947 = tpu.vector_load %arg9[%swap3A_945, %swap3A_946] {strides = array<i32>} : memref<16x128xf32, #tpu.memory_space<vmem>>, vector<1x16xf32>,
      %swap3A_948 = vector.shape_cast %swap3A_947 : vector<1x16xf32> to vector<16xf32>
      %swap3A_949 = vector.shape_cast %get3A_913 : vector<16xf32> to vector<1x16xf32>
      tpu.vector_store %arg9[%swap3A_945, %swap3A_946], %swap3A_949 {strides = array<i32>} : memref<16x128xf32, #tpu.memory_space<vmem>>, vector<1x16xf32>,
      %swap3A_950 = arith.constant 6 : i32
      %swap3A_951 = arith.index_cast %swap3A_950 : i32 to index
      %swap3A_952 = arith.constant 96 : index
      %swap3A_953 = tpu.vector_load %arg9[%swap3A_951, %swap3A_952] {strides = array<i32>} : memref<16x128xf32, #tpu.memory_space<vmem>>, vector<1x16xf32>,
      %swap3A_954 = vector.shape_cast %swap3A_953 : vector<1x16xf32> to vector<16xf32>
      %swap3A_955 = vector.shape_cast %get3A_913 : vector<16xf32> to vector<1x16xf32>
      tpu.vector_store %arg9[%swap3A_951, %swap3A_952], %swap3A_955 {strides = array<i32>} : memref<16x128xf32, #tpu.memory_space<vmem>>, vector<1x16xf32>,
      %swap3A_956 = arith.constant 7 : i32
      %swap3A_957 = arith.index_cast %swap3A_956 : i32 to index
      %swap3A_958 = arith.constant 96 : index
      %swap3A_959 = tpu.vector_load %arg9[%swap3A_957, %swap3A_958] {strides = array<i32>} : memref<16x128xf32, #tpu.memory_space<vmem>>, vector<1x16xf32>,
      %swap3A_960 = vector.shape_cast %swap3A_959 : vector<1x16xf32> to vector<16xf32>
      %swap3A_961 = vector.shape_cast %get3A_913 : vector<16xf32> to vector<1x16xf32>
      tpu.vector_store %arg9[%swap3A_957, %swap3A_958], %swap3A_961 {strides = array<i32>} : memref<16x128xf32, #tpu.memory_space<vmem>>, vector<1x16xf32>,
      %swap3A_962 = arith.constant 8 : i32
      %swap3A_963 = arith.index_cast %swap3A_962 : i32 to index
      %swap3A_964 = arith.constant 96 : index
      %swap3A_965 = tpu.vector_load %arg9[%swap3A_963, %swap3A_964] {strides = array<i32>} : memref<16x128xf32, #tpu.memory_space<vmem>>, vector<1x16xf32>,
      %swap3A_966 = vector.shape_cast %swap3A_965 : vector<1x16xf32> to vector<16xf32>
      %swap3A_967 = vector.shape_cast %get3A_913 : vector<16xf32> to vector<1x16xf32>
      tpu.vector_store %arg9[%swap3A_963, %swap3A_964], %swap3A_967 {strides = array<i32>} : memref<16x128xf32, #tpu.memory_space<vmem>>, vector<1x16xf32>,
      %swap3A_968 = arith.constant 9 : i32
      %swap3A_969 = arith.index_cast %swap3A_968 : i32 to index
      %swap3A_970 = arith.constant 96 : index
      %swap3A_971 = tpu.vector_load %arg9[%swap3A_969, %swap3A_970] {strides = array<i32>} : memref<16x128xf32, #tpu.memory_space<vmem>>, vector<1x16xf32>,
      %swap3A_972 = vector.shape_cast %swap3A_971 : vector<1x16xf32> to vector<16xf32>
      %swap3A_973 = vector.shape_cast %get3A_913 : vector<16xf32> to vector<1x16xf32>
      tpu.vector_store %arg9[%swap3A_969, %swap3A_970], %swap3A_973 {strides = array<i32>} : memref<16x128xf32, #tpu.memory_space<vmem>>, vector<1x16xf32>,
      %swap3A_974 = arith.constant 10 : i32
      %swap3A_975 = arith.index_cast %swap3A_974 : i32 to index
      %swap3A_976 = arith.constant 96 : index
      %swap3A_977 = tpu.vector_load %arg9[%swap3A_975, %swap3A_976] {strides = array<i32>} : memref<16x128xf32, #tpu.memory_space<vmem>>, vector<1x16xf32>,
      %swap3A_978 = vector.shape_cast %swap3A_977 : vector<1x16xf32> to vector<16xf32>
      %swap3A_979 = vector.shape_cast %get3A_913 : vector<16xf32> to vector<1x16xf32>
      tpu.vector_store %arg9[%swap3A_975, %swap3A_976], %swap3A_979 {strides = array<i32>} : memref<16x128xf32, #tpu.memory_space<vmem>>, vector<1x16xf32>,
      %swap3A_980 = arith.constant 11 : i32
      %swap3A_981 = arith.index_cast %swap3A_980 : i32 to index
      %swap3A_982 = arith.constant 96 : index
      %swap3A_983 = tpu.vector_load %arg9[%swap3A_981, %swap3A_982] {strides = array<i32>} : memref<16x128xf32, #tpu.memory_space<vmem>>, vector<1x16xf32>,
      %swap3A_984 = vector.shape_cast %swap3A_983 : vector<1x16xf32> to vector<16xf32>
      %swap3A_985 = vector.shape_cast %get3A_913 : vector<16xf32> to vector<1x16xf32>
      tpu.vector_store %arg9[%swap3A_981, %swap3A_982], %swap3A_985 {strides = array<i32>} : memref<16x128xf32, #tpu.memory_space<vmem>>, vector<1x16xf32>,
      %swap3A_986 = arith.constant 12 : i32
      %swap3A_987 = arith.index_cast %swap3A_986 : i32 to index
      %swap3A_988 = arith.constant 96 : index
      %swap3A_989 = tpu.vector_load %arg9[%swap3A_987, %swap3A_988] {strides = array<i32>} : memref<16x128xf32, #tpu.memory_space<vmem>>, vector<1x16xf32>,
      %swap3A_990 = vector.shape_cast %swap3A_989 : vector<1x16xf32> to vector<16xf32>
      %swap3A_991 = vector.shape_cast %get3A_913 : vector<16xf32> to vector<1x16xf32>
      tpu.vector_store %arg9[%swap3A_987, %swap3A_988], %swap3A_991 {strides = array<i32>} : memref<16x128xf32, #tpu.memory_space<vmem>>, vector<1x16xf32>,
      %swap3A_992 = arith.constant 13 : i32
      %swap3A_993 = arith.index_cast %swap3A_992 : i32 to index
      %swap3A_994 = arith.constant 96 : index
      %swap3A_995 = tpu.vector_load %arg9[%swap3A_993, %swap3A_994] {strides = array<i32>} : memref<16x128xf32, #tpu.memory_space<vmem>>, vector<1x16xf32>,
      %swap3A_996 = vector.shape_cast %swap3A_995 : vector<1x16xf32> to vector<16xf32>
      %swap3A_997 = vector.shape_cast %get3A_913 : vector<16xf32> to vector<1x16xf32>
      tpu.vector_store %arg9[%swap3A_993, %swap3A_994], %swap3A_997 {strides = array<i32>} : memref<16x128xf32, #tpu.memory_space<vmem>>, vector<1x16xf32>,
      %swap3A_998 = arith.constant 14 : i32
      %swap3A_999 = arith.index_cast %swap3A_998 : i32 to index
      %swap3A_1000 = arith.constant 96 : index
      %swap3A_1001 = tpu.vector_load %arg9[%swap3A_999, %swap3A_1000] {strides = array<i32>} : memref<16x128xf32, #tpu.memory_space<vmem>>, vector<1x16xf32>,
      %swap3A_1002 = vector.shape_cast %swap3A_1001 : vector<1x16xf32> to vector<16xf32>
      %swap3A_1003 = vector.shape_cast %get3A_913 : vector<16xf32> to vector<1x16xf32>
      tpu.vector_store %arg9[%swap3A_999, %swap3A_1000], %swap3A_1003 {strides = array<i32>} : memref<16x128xf32, #tpu.memory_space<vmem>>, vector<1x16xf32>,
      %swap3A_1004 = arith.constant 15 : i32
      %swap3A_1005 = arith.index_cast %swap3A_1004 : i32 to index
      %swap3A_1006 = arith.constant 96 : index
      %swap3A_1007 = tpu.vector_load %arg9[%swap3A_1005, %swap3A_1006] {strides = array<i32>} : memref<16x128xf32, #tpu.memory_space<vmem>>, vector<1x16xf32>,
      %swap3A_1008 = vector.shape_cast %swap3A_1007 : vector<1x16xf32> to vector<16xf32>
      %swap3A_1009 = vector.shape_cast %get3A_913 : vector<16xf32> to vector<1x16xf32>
      tpu.vector_store %arg9[%swap3A_1005, %swap3A_1006], %swap3A_1009 {strides = array<i32>} : memref<16x128xf32, #tpu.memory_space<vmem>>, vector<1x16xf32>,
      %get3A_1010 = arith.index_cast %add3A_39 : i32 to index
      %get3A_1011 = arith.constant 112 : index
      %get3A_1012 = tpu.vector_load %arg8[%get3A_1010, %get3A_1011] {strides = array<i32>} : memref<20x128xf32, #tpu.memory_space<vmem>>, vector<1x16xf32>,
      %get3A_1013 = vector.shape_cast %get3A_1012 : vector<1x16xf32> to vector<16xf32>
      %swap3A_1014 = arith.constant 0 : i32
      %swap3A_1015 = arith.index_cast %swap3A_1014 : i32 to index
      %swap3A_1016 = arith.constant 112 : index
      %swap3A_1017 = tpu.vector_load %arg9[%swap3A_1015, %swap3A_1016] {strides = array<i32>} : memref<16x128xf32, #tpu.memory_space<vmem>>, vector<1x16xf32>,
      %swap3A_1018 = vector.shape_cast %swap3A_1017 : vector<1x16xf32> to vector<16xf32>
      %swap3A_1019 = vector.shape_cast %get3A_1013 : vector<16xf32> to vector<1x16xf32>
      tpu.vector_store %arg9[%swap3A_1015, %swap3A_1016], %swap3A_1019 {strides = array<i32>} : memref<16x128xf32, #tpu.memory_space<vmem>>, vector<1x16xf32>,
      %swap3A_1020 = arith.constant 1 : i32
      %swap3A_1021 = arith.index_cast %swap3A_1020 : i32 to index
      %swap3A_1022 = arith.constant 112 : index
      %swap3A_1023 = tpu.vector_load %arg9[%swap3A_1021, %swap3A_1022] {strides = array<i32>} : memref<16x128xf32, #tpu.memory_space<vmem>>, vector<1x16xf32>,
      %swap3A_1024 = vector.shape_cast %swap3A_1023 : vector<1x16xf32> to vector<16xf32>
      %swap3A_1025 = vector.shape_cast %get3A_1013 : vector<16xf32> to vector<1x16xf32>
      tpu.vector_store %arg9[%swap3A_1021, %swap3A_1022], %swap3A_1025 {strides = array<i32>} : memref<16x128xf32, #tpu.memory_space<vmem>>, vector<1x16xf32>,
      %swap3A_1026 = arith.constant 2 : i32
      %swap3A_1027 = arith.index_cast %swap3A_1026 : i32 to index
      %swap3A_1028 = arith.constant 112 : index
      %swap3A_1029 = tpu.vector_load %arg9[%swap3A_1027, %swap3A_1028] {strides = array<i32>} : memref<16x128xf32, #tpu.memory_space<vmem>>, vector<1x16xf32>,
      %swap3A_1030 = vector.shape_cast %swap3A_1029 : vector<1x16xf32> to vector<16xf32>
      %swap3A_1031 = vector.shape_cast %get3A_1013 : vector<16xf32> to vector<1x16xf32>
      tpu.vector_store %arg9[%swap3A_1027, %swap3A_1028], %swap3A_1031 {strides = array<i32>} : memref<16x128xf32, #tpu.memory_space<vmem>>, vector<1x16xf32>,
      %swap3A_1032 = arith.constant 3 : i32
      %swap3A_1033 = arith.index_cast %swap3A_1032 : i32 to index
      %swap3A_1034 = arith.constant 112 : index
      %swap3A_1035 = tpu.vector_load %arg9[%swap3A_1033, %swap3A_1034] {strides = array<i32>} : memref<16x128xf32, #tpu.memory_space<vmem>>, vector<1x16xf32>,
      %swap3A_1036 = vector.shape_cast %swap3A_1035 : vector<1x16xf32> to vector<16xf32>
      %swap3A_1037 = vector.shape_cast %get3A_1013 : vector<16xf32> to vector<1x16xf32>
      tpu.vector_store %arg9[%swap3A_1033, %swap3A_1034], %swap3A_1037 {strides = array<i32>} : memref<16x128xf32, #tpu.memory_space<vmem>>, vector<1x16xf32>,
      %swap3A_1038 = arith.constant 4 : i32
      %swap3A_1039 = arith.index_cast %swap3A_1038 : i32 to index
      %swap3A_1040 = arith.constant 112 : index
      %swap3A_1041 = tpu.vector_load %arg9[%swap3A_1039, %swap3A_1040] {strides = array<i32>} : memref<16x128xf32, #tpu.memory_space<vmem>>, vector<1x16xf32>,
      %swap3A_1042 = vector.shape_cast %swap3A_1041 : vector<1x16xf32> to vector<16xf32>
      %swap3A_1043 = vector.shape_cast %get3A_1013 : vector<16xf32> to vector<1x16xf32>
      tpu.vector_store %arg9[%swap3A_1039, %swap3A_1040], %swap3A_1043 {strides = array<i32>} : memref<16x128xf32, #tpu.memory_space<vmem>>, vector<1x16xf32>,
      %swap3A_1044 = arith.constant 5 : i32
      %swap3A_1045 = arith.index_cast %swap3A_1044 : i32 to index
      %swap3A_1046 = arith.constant 112 : index
      %swap3A_1047 = tpu.vector_load %arg9[%swap3A_1045, %swap3A_1046] {strides = array<i32>} : memref<16x128xf32, #tpu.memory_space<vmem>>, vector<1x16xf32>,
      %swap3A_1048 = vector.shape_cast %swap3A_1047 : vector<1x16xf32> to vector<16xf32>
      %swap3A_1049 = vector.shape_cast %get3A_1013 : vector<16xf32> to vector<1x16xf32>
      tpu.vector_store %arg9[%swap3A_1045, %swap3A_1046], %swap3A_1049 {strides = array<i32>} : memref<16x128xf32, #tpu.memory_space<vmem>>, vector<1x16xf32>,
      %swap3A_1050 = arith.constant 6 : i32
      %swap3A_1051 = arith.index_cast %swap3A_1050 : i32 to index
      %swap3A_1052 = arith.constant 112 : index
      %swap3A_1053 = tpu.vector_load %arg9[%swap3A_1051, %swap3A_1052] {strides = array<i32>} : memref<16x128xf32, #tpu.memory_space<vmem>>, vector<1x16xf32>,
      %swap3A_1054 = vector.shape_cast %swap3A_1053 : vector<1x16xf32> to vector<16xf32>
      %swap3A_1055 = vector.shape_cast %get3A_1013 : vector<16xf32> to vector<1x16xf32>
      tpu.vector_store %arg9[%swap3A_1051, %swap3A_1052], %swap3A_1055 {strides = array<i32>} : memref<16x128xf32, #tpu.memory_space<vmem>>, vector<1x16xf32>,
      %swap3A_1056 = arith.constant 7 : i32
      %swap3A_1057 = arith.index_cast %swap3A_1056 : i32 to index
      %swap3A_1058 = arith.constant 112 : index
      %swap3A_1059 = tpu.vector_load %arg9[%swap3A_1057, %swap3A_1058] {strides = array<i32>} : memref<16x128xf32, #tpu.memory_space<vmem>>, vector<1x16xf32>,
      %swap3A_1060 = vector.shape_cast %swap3A_1059 : vector<1x16xf32> to vector<16xf32>
      %swap3A_1061 = vector.shape_cast %get3A_1013 : vector<16xf32> to vector<1x16xf32>
      tpu.vector_store %arg9[%swap3A_1057, %swap3A_1058], %swap3A_1061 {strides = array<i32>} : memref<16x128xf32, #tpu.memory_space<vmem>>, vector<1x16xf32>,
      %swap3A_1062 = arith.constant 8 : i32
      %swap3A_1063 = arith.index_cast %swap3A_1062 : i32 to index
      %swap3A_1064 = arith.constant 112 : index
      %swap3A_1065 = tpu.vector_load %arg9[%swap3A_1063, %swap3A_1064] {strides = array<i32>} : memref<16x128xf32, #tpu.memory_space<vmem>>, vector<1x16xf32>,
      %swap3A_1066 = vector.shape_cast %swap3A_1065 : vector<1x16xf32> to vector<16xf32>
      %swap3A_1067 = vector.shape_cast %get3A_1013 : vector<16xf32> to vector<1x16xf32>
      tpu.vector_store %arg9[%swap3A_1063, %swap3A_1064], %swap3A_1067 {strides = array<i32>} : memref<16x128xf32, #tpu.memory_space<vmem>>, vector<1x16xf32>,
      %swap3A_1068 = arith.constant 9 : i32
      %swap3A_1069 = arith.index_cast %swap3A_1068 : i32 to index
      %swap3A_1070 = arith.constant 112 : index
      %swap3A_1071 = tpu.vector_load %arg9[%swap3A_1069, %swap3A_1070] {strides = array<i32>} : memref<16x128xf32, #tpu.memory_space<vmem>>, vector<1x16xf32>,
      %swap3A_1072 = vector.shape_cast %swap3A_1071 : vector<1x16xf32> to vector<16xf32>
      %swap3A_1073 = vector.shape_cast %get3A_1013 : vector<16xf32> to vector<1x16xf32>
      tpu.vector_store %arg9[%swap3A_1069, %swap3A_1070], %swap3A_1073 {strides = array<i32>} : memref<16x128xf32, #tpu.memory_space<vmem>>, vector<1x16xf32>,
      %swap3A_1074 = arith.constant 10 : i32
      %swap3A_1075 = arith.index_cast %swap3A_1074 : i32 to index
      %swap3A_1076 = arith.constant 112 : index
      %swap3A_1077 = tpu.vector_load %arg9[%swap3A_1075, %swap3A_1076] {strides = array<i32>} : memref<16x128xf32, #tpu.memory_space<vmem>>, vector<1x16xf32>,
      %swap3A_1078 = vector.shape_cast %swap3A_1077 : vector<1x16xf32> to vector<16xf32>
      %swap3A_1079 = vector.shape_cast %get3A_1013 : vector<16xf32> to vector<1x16xf32>
      tpu.vector_store %arg9[%swap3A_1075, %swap3A_1076], %swap3A_1079 {strides = array<i32>} : memref<16x128xf32, #tpu.memory_space<vmem>>, vector<1x16xf32>,
      %swap3A_1080 = arith.constant 11 : i32
      %swap3A_1081 = arith.index_cast %swap3A_1080 : i32 to index
      %swap3A_1082 = arith.constant 112 : index
      %swap3A_1083 = tpu.vector_load %arg9[%swap3A_1081, %swap3A_1082] {strides = array<i32>} : memref<16x128xf32, #tpu.memory_space<vmem>>, vector<1x16xf32>,
      %swap3A_1084 = vector.shape_cast %swap3A_1083 : vector<1x16xf32> to vector<16xf32>
      %swap3A_1085 = vector.shape_cast %get3A_1013 : vector<16xf32> to vector<1x16xf32>
      tpu.vector_store %arg9[%swap3A_1081, %swap3A_1082], %swap3A_1085 {strides = array<i32>} : memref<16x128xf32, #tpu.memory_space<vmem>>, vector<1x16xf32>,
      %swap3A_1086 = arith.constant 12 : i32
      %swap3A_1087 = arith.index_cast %swap3A_1086 : i32 to index
      %swap3A_1088 = arith.constant 112 : index
      %swap3A_1089 = tpu.vector_load %arg9[%swap3A_1087, %swap3A_1088] {strides = array<i32>} : memref<16x128xf32, #tpu.memory_space<vmem>>, vector<1x16xf32>,
      %swap3A_1090 = vector.shape_cast %swap3A_1089 : vector<1x16xf32> to vector<16xf32>
      %swap3A_1091 = vector.shape_cast %get3A_1013 : vector<16xf32> to vector<1x16xf32>
      tpu.vector_store %arg9[%swap3A_1087, %swap3A_1088], %swap3A_1091 {strides = array<i32>} : memref<16x128xf32, #tpu.memory_space<vmem>>, vector<1x16xf32>,
      %swap3A_1092 = arith.constant 13 : i32
      %swap3A_1093 = arith.index_cast %swap3A_1092 : i32 to index
      %swap3A_1094 = arith.constant 112 : index
      %swap3A_1095 = tpu.vector_load %arg9[%swap3A_1093, %swap3A_1094] {strides = array<i32>} : memref<16x128xf32, #tpu.memory_space<vmem>>, vector<1x16xf32>,
      %swap3A_1096 = vector.shape_cast %swap3A_1095 : vector<1x16xf32> to vector<16xf32>
      %swap3A_1097 = vector.shape_cast %get3A_1013 : vector<16xf32> to vector<1x16xf32>
      tpu.vector_store %arg9[%swap3A_1093, %swap3A_1094], %swap3A_1097 {strides = array<i32>} : memref<16x128xf32, #tpu.memory_space<vmem>>, vector<1x16xf32>,
      %swap3A_1098 = arith.constant 14 : i32
      %swap3A_1099 = arith.index_cast %swap3A_1098 : i32 to index
      %swap3A_1100 = arith.constant 112 : index
      %swap3A_1101 = tpu.vector_load %arg9[%swap3A_1099, %swap3A_1100] {strides = array<i32>} : memref<16x128xf32, #tpu.memory_space<vmem>>, vector<1x16xf32>,
      %swap3A_1102 = vector.shape_cast %swap3A_1101 : vector<1x16xf32> to vector<16xf32>
      %swap3A_1103 = vector.shape_cast %get3A_1013 : vector<16xf32> to vector<1x16xf32>
      tpu.vector_store %arg9[%swap3A_1099, %swap3A_1100], %swap3A_1103 {strides = array<i32>} : memref<16x128xf32, #tpu.memory_space<vmem>>, vector<1x16xf32>,
      %swap3A_1104 = arith.constant 15 : i32
      %swap3A_1105 = arith.index_cast %swap3A_1104 : i32 to index
      %swap3A_1106 = arith.constant 112 : index
      %swap3A_1107 = tpu.vector_load %arg9[%swap3A_1105, %swap3A_1106] {strides = array<i32>} : memref<16x128xf32, #tpu.memory_space<vmem>>, vector<1x16xf32>,
      %swap3A_1108 = vector.shape_cast %swap3A_1107 : vector<1x16xf32> to vector<16xf32>
      %swap3A_1109 = vector.shape_cast %get3A_1013 : vector<16xf32> to vector<1x16xf32>
      tpu.vector_store %arg9[%swap3A_1105, %swap3A_1106], %swap3A_1109 {strides = array<i32>} : memref<16x128xf32, #tpu.memory_space<vmem>>, vector<1x16xf32>,
      "tpu.region"() ({
        %run_scoped3A = tpu.sem_alloc : memref<!tpu.dma_semaphore, #tpu.memory_space<semaphore_mem>>
        %dma_start3A_1110 = arith.constant 0 : i32
        %dma_start3A_1111 = arith.constant 0 : i32
        %dma_start3A_1112 = tpu.memref_slice %arg10[%add3A_39, %dma_start3A_1110, %dma_start3A_1111] : memref<20x128x128xf32, #tpu.memory_space<vmem_shared>> -> memref<1x16x128xf32, #tpu.memory_space<vmem_shared>>
        %dma_start3A_1113 = tpu.memref_squeeze %dma_start3A_1112 : memref<1x16x128xf32, #tpu.memory_space<vmem_shared>> -> memref<16x128xf32, #tpu.memory_space<vmem_shared>>
        %dma_start3A_1114 = arith.constant 0 : i32
        %dma_start3A_1115 = arith.constant 0 : i32
        %dma_start3A_1116 = tpu.memref_slice %arg10[%add3A_39, %dma_start3A_1114, %dma_start3A_1115] : memref<20x128x128xf32, #tpu.memory_space<vmem_shared>> -> memref<1x16x128xf32, #tpu.memory_space<vmem_shared>>
        %dma_start3A_1117 = tpu.memref_squeeze %dma_start3A_1116 : memref<1x16x128xf32, #tpu.memory_space<vmem_shared>> -> memref<16x128xf32, #tpu.memory_space<vmem_shared>>
        tpu.enqueue_dma source(%arg9 : memref<16x128xf32, #tpu.memory_space<vmem>>) target(%dma_start3A_1117 : memref<16x128xf32, #tpu.memory_space<vmem_shared>>) target_semaphore(%run_scoped3A : memref<!tpu.dma_semaphore, #tpu.memory_space<semaphore_mem>>)
        %dma_wait3A_1118 = arith.constant 0 : i32
        %dma_wait3A_1119 = arith.constant 0 : i32
        %dma_wait3A_1120 = tpu.memref_slice %arg10[%add3A_39, %dma_wait3A_1118, %dma_wait3A_1119] : memref<20x128x128xf32, #tpu.memory_space<vmem_shared>> -> memref<1x16x128xf32, #tpu.memory_space<vmem_shared>>
        %dma_wait3A_1121 = tpu.memref_squeeze %dma_wait3A_1120 : memref<1x16x128xf32, #tpu.memory_space<vmem_shared>> -> memref<16x128xf32, #tpu.memory_space<vmem_shared>>
        %dma_wait3A_1122 = arith.constant 0 : i32
        %dma_wait3A_1123 = arith.constant 0 : i32
        %dma_wait3A_1124 = tpu.memref_slice %arg10[%add3A_39, %dma_wait3A_1122, %dma_wait3A_1123] : memref<20x128x128xf32, #tpu.memory_space<vmem_shared>> -> memref<1x16x128xf32, #tpu.memory_space<vmem_shared>>
        %dma_wait3A_1125 = tpu.memref_squeeze %dma_wait3A_1124 : memref<1x16x128xf32, #tpu.memory_space<vmem_shared>> -> memref<16x128xf32, #tpu.memory_space<vmem_shared>>
        tpu.wait_dma2 semaphore(%run_scoped3A : memref<!tpu.dma_semaphore, #tpu.memory_space<semaphore_mem>>) src(%arg9 : memref<16x128xf32, #tpu.memory_space<vmem>>) dst(%dma_wait3A_1125 : memref<16x128xf32, #tpu.memory_space<vmem_shared>>)
        tpu.yield
      }) : () -> ()
      "tpu.region"() ({
        %run_scoped3A = tpu.sem_alloc : memref<!tpu.dma_semaphore, #tpu.memory_space<semaphore_mem>>
        %dma_start3A_1110 = arith.constant 16 : i32
        %dma_start3A_1111 = arith.constant 0 : i32
        %dma_start3A_1112 = tpu.memref_slice %arg10[%add3A_39, %dma_start3A_1110, %dma_start3A_1111] : memref<20x128x128xf32, #tpu.memory_space<vmem_shared>> -> memref<1x16x128xf32, #tpu.memory_space<vmem_shared>>
        %dma_start3A_1113 = tpu.memref_squeeze %dma_start3A_1112 : memref<1x16x128xf32, #tpu.memory_space<vmem_shared>> -> memref<16x128xf32, #tpu.memory_space<vmem_shared>>
        %dma_start3A_1114 = arith.constant 16 : i32
        %dma_start3A_1115 = arith.constant 0 : i32
        %dma_start3A_1116 = tpu.memref_slice %arg10[%add3A_39, %dma_start3A_1114, %dma_start3A_1115] : memref<20x128x128xf32, #tpu.memory_space<vmem_shared>> -> memref<1x16x128xf32, #tpu.memory_space<vmem_shared>>
        %dma_start3A_1117 = tpu.memref_squeeze %dma_start3A_1116 : memref<1x16x128xf32, #tpu.memory_space<vmem_shared>> -> memref<16x128xf32, #tpu.memory_space<vmem_shared>>
        tpu.enqueue_dma source(%arg9 : memref<16x128xf32, #tpu.memory_space<vmem>>) target(%dma_start3A_1117 : memref<16x128xf32, #tpu.memory_space<vmem_shared>>) target_semaphore(%run_scoped3A : memref<!tpu.dma_semaphore, #tpu.memory_space<semaphore_mem>>)
        %dma_wait3A_1118 = arith.constant 16 : i32
        %dma_wait3A_1119 = arith.constant 0 : i32
        %dma_wait3A_1120 = tpu.memref_slice %arg10[%add3A_39, %dma_wait3A_1118, %dma_wait3A_1119] : memref<20x128x128xf32, #tpu.memory_space<vmem_shared>> -> memref<1x16x128xf32, #tpu.memory_space<vmem_shared>>
        %dma_wait3A_1121 = tpu.memref_squeeze %dma_wait3A_1120 : memref<1x16x128xf32, #tpu.memory_space<vmem_shared>> -> memref<16x128xf32, #tpu.memory_space<vmem_shared>>
        %dma_wait3A_1122 = arith.constant 16 : i32
        %dma_wait3A_1123 = arith.constant 0 : i32
        %dma_wait3A_1124 = tpu.memref_slice %arg10[%add3A_39, %dma_wait3A_1122, %dma_wait3A_1123] : memref<20x128x128xf32, #tpu.memory_space<vmem_shared>> -> memref<1x16x128xf32, #tpu.memory_space<vmem_shared>>
        %dma_wait3A_1125 = tpu.memref_squeeze %dma_wait3A_1124 : memref<1x16x128xf32, #tpu.memory_space<vmem_shared>> -> memref<16x128xf32, #tpu.memory_space<vmem_shared>>
        tpu.wait_dma2 semaphore(%run_scoped3A : memref<!tpu.dma_semaphore, #tpu.memory_space<semaphore_mem>>) src(%arg9 : memref<16x128xf32, #tpu.memory_space<vmem>>) dst(%dma_wait3A_1125 : memref<16x128xf32, #tpu.memory_space<vmem_shared>>)
        tpu.yield
      }) : () -> ()
      "tpu.region"() ({
        %run_scoped3A = tpu.sem_alloc : memref<!tpu.dma_semaphore, #tpu.memory_space<semaphore_mem>>
        %dma_start3A_1110 = arith.constant 32 : i32
        %dma_start3A_1111 = arith.constant 0 : i32
        %dma_start3A_1112 = tpu.memref_slice %arg10[%add3A_39, %dma_start3A_1110, %dma_start3A_1111] : memref<20x128x128xf32, #tpu.memory_space<vmem_shared>> -> memref<1x16x128xf32, #tpu.memory_space<vmem_shared>>
        %dma_start3A_1113 = tpu.memref_squeeze %dma_start3A_1112 : memref<1x16x128xf32, #tpu.memory_space<vmem_shared>> -> memref<16x128xf32, #tpu.memory_space<vmem_shared>>
        %dma_start3A_1114 = arith.constant 32 : i32
        %dma_start3A_1115 = arith.constant 0 : i32
        %dma_start3A_1116 = tpu.memref_slice %arg10[%add3A_39, %dma_start3A_1114, %dma_start3A_1115] : memref<20x128x128xf32, #tpu.memory_space<vmem_shared>> -> memref<1x16x128xf32, #tpu.memory_space<vmem_shared>>
        %dma_start3A_1117 = tpu.memref_squeeze %dma_start3A_1116 : memref<1x16x128xf32, #tpu.memory_space<vmem_shared>> -> memref<16x128xf32, #tpu.memory_space<vmem_shared>>
        tpu.enqueue_dma source(%arg9 : memref<16x128xf32, #tpu.memory_space<vmem>>) target(%dma_start3A_1117 : memref<16x128xf32, #tpu.memory_space<vmem_shared>>) target_semaphore(%run_scoped3A : memref<!tpu.dma_semaphore, #tpu.memory_space<semaphore_mem>>)
        %dma_wait3A_1118 = arith.constant 32 : i32
        %dma_wait3A_1119 = arith.constant 0 : i32
        %dma_wait3A_1120 = tpu.memref_slice %arg10[%add3A_39, %dma_wait3A_1118, %dma_wait3A_1119] : memref<20x128x128xf32, #tpu.memory_space<vmem_shared>> -> memref<1x16x128xf32, #tpu.memory_space<vmem_shared>>
        %dma_wait3A_1121 = tpu.memref_squeeze %dma_wait3A_1120 : memref<1x16x128xf32, #tpu.memory_space<vmem_shared>> -> memref<16x128xf32, #tpu.memory_space<vmem_shared>>
        %dma_wait3A_1122 = arith.constant 32 : i32
        %dma_wait3A_1123 = arith.constant 0 : i32
        %dma_wait3A_1124 = tpu.memref_slice %arg10[%add3A_39, %dma_wait3A_1122, %dma_wait3A_1123] : memref<20x128x128xf32, #tpu.memory_space<vmem_shared>> -> memref<1x16x128xf32, #tpu.memory_space<vmem_shared>>
        %dma_wait3A_1125 = tpu.memref_squeeze %dma_wait3A_1124 : memref<1x16x128xf32, #tpu.memory_space<vmem_shared>> -> memref<16x128xf32, #tpu.memory_space<vmem_shared>>
        tpu.wait_dma2 semaphore(%run_scoped3A : memref<!tpu.dma_semaphore, #tpu.memory_space<semaphore_mem>>) src(%arg9 : memref<16x128xf32, #tpu.memory_space<vmem>>) dst(%dma_wait3A_1125 : memref<16x128xf32, #tpu.memory_space<vmem_shared>>)
        tpu.yield
      }) : () -> ()
      "tpu.region"() ({
        %run_scoped3A = tpu.sem_alloc : memref<!tpu.dma_semaphore, #tpu.memory_space<semaphore_mem>>
        %dma_start3A_1110 = arith.constant 48 : i32
        %dma_start3A_1111 = arith.constant 0 : i32
        %dma_start3A_1112 = tpu.memref_slice %arg10[%add3A_39, %dma_start3A_1110, %dma_start3A_1111] : memref<20x128x128xf32, #tpu.memory_space<vmem_shared>> -> memref<1x16x128xf32, #tpu.memory_space<vmem_shared>>
        %dma_start3A_1113 = tpu.memref_squeeze %dma_start3A_1112 : memref<1x16x128xf32, #tpu.memory_space<vmem_shared>> -> memref<16x128xf32, #tpu.memory_space<vmem_shared>>
        %dma_start3A_1114 = arith.constant 48 : i32
        %dma_start3A_1115 = arith.constant 0 : i32
        %dma_start3A_1116 = tpu.memref_slice %arg10[%add3A_39, %dma_start3A_1114, %dma_start3A_1115] : memref<20x128x128xf32, #tpu.memory_space<vmem_shared>> -> memref<1x16x128xf32, #tpu.memory_space<vmem_shared>>
        %dma_start3A_1117 = tpu.memref_squeeze %dma_start3A_1116 : memref<1x16x128xf32, #tpu.memory_space<vmem_shared>> -> memref<16x128xf32, #tpu.memory_space<vmem_shared>>
        tpu.enqueue_dma source(%arg9 : memref<16x128xf32, #tpu.memory_space<vmem>>) target(%dma_start3A_1117 : memref<16x128xf32, #tpu.memory_space<vmem_shared>>) target_semaphore(%run_scoped3A : memref<!tpu.dma_semaphore, #tpu.memory_space<semaphore_mem>>)
        %dma_wait3A_1118 = arith.constant 48 : i32
        %dma_wait3A_1119 = arith.constant 0 : i32
        %dma_wait3A_1120 = tpu.memref_slice %arg10[%add3A_39, %dma_wait3A_1118, %dma_wait3A_1119] : memref<20x128x128xf32, #tpu.memory_space<vmem_shared>> -> memref<1x16x128xf32, #tpu.memory_space<vmem_shared>>
        %dma_wait3A_1121 = tpu.memref_squeeze %dma_wait3A_1120 : memref<1x16x128xf32, #tpu.memory_space<vmem_shared>> -> memref<16x128xf32, #tpu.memory_space<vmem_shared>>
        %dma_wait3A_1122 = arith.constant 48 : i32
        %dma_wait3A_1123 = arith.constant 0 : i32
        %dma_wait3A_1124 = tpu.memref_slice %arg10[%add3A_39, %dma_wait3A_1122, %dma_wait3A_1123] : memref<20x128x128xf32, #tpu.memory_space<vmem_shared>> -> memref<1x16x128xf32, #tpu.memory_space<vmem_shared>>
        %dma_wait3A_1125 = tpu.memref_squeeze %dma_wait3A_1124 : memref<1x16x128xf32, #tpu.memory_space<vmem_shared>> -> memref<16x128xf32, #tpu.memory_space<vmem_shared>>
        tpu.wait_dma2 semaphore(%run_scoped3A : memref<!tpu.dma_semaphore, #tpu.memory_space<semaphore_mem>>) src(%arg9 : memref<16x128xf32, #tpu.memory_space<vmem>>) dst(%dma_wait3A_1125 : memref<16x128xf32, #tpu.memory_space<vmem_shared>>)
        tpu.yield
      }) : () -> ()
      "tpu.region"() ({
        %run_scoped3A = tpu.sem_alloc : memref<!tpu.dma_semaphore, #tpu.memory_space<semaphore_mem>>
        %dma_start3A_1110 = arith.constant 64 : i32
        %dma_start3A_1111 = arith.constant 0 : i32
        %dma_start3A_1112 = tpu.memref_slice %arg10[%add3A_39, %dma_start3A_1110, %dma_start3A_1111] : memref<20x128x128xf32, #tpu.memory_space<vmem_shared>> -> memref<1x16x128xf32, #tpu.memory_space<vmem_shared>>
        %dma_start3A_1113 = tpu.memref_squeeze %dma_start3A_1112 : memref<1x16x128xf32, #tpu.memory_space<vmem_shared>> -> memref<16x128xf32, #tpu.memory_space<vmem_shared>>
        %dma_start3A_1114 = arith.constant 64 : i32
        %dma_start3A_1115 = arith.constant 0 : i32
        %dma_start3A_1116 = tpu.memref_slice %arg10[%add3A_39, %dma_start3A_1114, %dma_start3A_1115] : memref<20x128x128xf32, #tpu.memory_space<vmem_shared>> -> memref<1x16x128xf32, #tpu.memory_space<vmem_shared>>
        %dma_start3A_1117 = tpu.memref_squeeze %dma_start3A_1116 : memref<1x16x128xf32, #tpu.memory_space<vmem_shared>> -> memref<16x128xf32, #tpu.memory_space<vmem_shared>>
        tpu.enqueue_dma source(%arg9 : memref<16x128xf32, #tpu.memory_space<vmem>>) target(%dma_start3A_1117 : memref<16x128xf32, #tpu.memory_space<vmem_shared>>) target_semaphore(%run_scoped3A : memref<!tpu.dma_semaphore, #tpu.memory_space<semaphore_mem>>)
        %dma_wait3A_1118 = arith.constant 64 : i32
        %dma_wait3A_1119 = arith.constant 0 : i32
        %dma_wait3A_1120 = tpu.memref_slice %arg10[%add3A_39, %dma_wait3A_1118, %dma_wait3A_1119] : memref<20x128x128xf32, #tpu.memory_space<vmem_shared>> -> memref<1x16x128xf32, #tpu.memory_space<vmem_shared>>
        %dma_wait3A_1121 = tpu.memref_squeeze %dma_wait3A_1120 : memref<1x16x128xf32, #tpu.memory_space<vmem_shared>> -> memref<16x128xf32, #tpu.memory_space<vmem_shared>>
        %dma_wait3A_1122 = arith.constant 64 : i32
        %dma_wait3A_1123 = arith.constant 0 : i32
        %dma_wait3A_1124 = tpu.memref_slice %arg10[%add3A_39, %dma_wait3A_1122, %dma_wait3A_1123] : memref<20x128x128xf32, #tpu.memory_space<vmem_shared>> -> memref<1x16x128xf32, #tpu.memory_space<vmem_shared>>
        %dma_wait3A_1125 = tpu.memref_squeeze %dma_wait3A_1124 : memref<1x16x128xf32, #tpu.memory_space<vmem_shared>> -> memref<16x128xf32, #tpu.memory_space<vmem_shared>>
        tpu.wait_dma2 semaphore(%run_scoped3A : memref<!tpu.dma_semaphore, #tpu.memory_space<semaphore_mem>>) src(%arg9 : memref<16x128xf32, #tpu.memory_space<vmem>>) dst(%dma_wait3A_1125 : memref<16x128xf32, #tpu.memory_space<vmem_shared>>)
        tpu.yield
      }) : () -> ()
      "tpu.region"() ({
        %run_scoped3A = tpu.sem_alloc : memref<!tpu.dma_semaphore, #tpu.memory_space<semaphore_mem>>
        %dma_start3A_1110 = arith.constant 80 : i32
        %dma_start3A_1111 = arith.constant 0 : i32
        %dma_start3A_1112 = tpu.memref_slice %arg10[%add3A_39, %dma_start3A_1110, %dma_start3A_1111] : memref<20x128x128xf32, #tpu.memory_space<vmem_shared>> -> memref<1x16x128xf32, #tpu.memory_space<vmem_shared>>
        %dma_start3A_1113 = tpu.memref_squeeze %dma_start3A_1112 : memref<1x16x128xf32, #tpu.memory_space<vmem_shared>> -> memref<16x128xf32, #tpu.memory_space<vmem_shared>>
        %dma_start3A_1114 = arith.constant 80 : i32
        %dma_start3A_1115 = arith.constant 0 : i32
        %dma_start3A_1116 = tpu.memref_slice %arg10[%add3A_39, %dma_start3A_1114, %dma_start3A_1115] : memref<20x128x128xf32, #tpu.memory_space<vmem_shared>> -> memref<1x16x128xf32, #tpu.memory_space<vmem_shared>>
        %dma_start3A_1117 = tpu.memref_squeeze %dma_start3A_1116 : memref<1x16x128xf32, #tpu.memory_space<vmem_shared>> -> memref<16x128xf32, #tpu.memory_space<vmem_shared>>
        tpu.enqueue_dma source(%arg9 : memref<16x128xf32, #tpu.memory_space<vmem>>) target(%dma_start3A_1117 : memref<16x128xf32, #tpu.memory_space<vmem_shared>>) target_semaphore(%run_scoped3A : memref<!tpu.dma_semaphore, #tpu.memory_space<semaphore_mem>>)
        %dma_wait3A_1118 = arith.constant 80 : i32
        %dma_wait3A_1119 = arith.constant 0 : i32
        %dma_wait3A_1120 = tpu.memref_slice %arg10[%add3A_39, %dma_wait3A_1118, %dma_wait3A_1119] : memref<20x128x128xf32, #tpu.memory_space<vmem_shared>> -> memref<1x16x128xf32, #tpu.memory_space<vmem_shared>>
        %dma_wait3A_1121 = tpu.memref_squeeze %dma_wait3A_1120 : memref<1x16x128xf32, #tpu.memory_space<vmem_shared>> -> memref<16x128xf32, #tpu.memory_space<vmem_shared>>
        %dma_wait3A_1122 = arith.constant 80 : i32
        %dma_wait3A_1123 = arith.constant 0 : i32
        %dma_wait3A_1124 = tpu.memref_slice %arg10[%add3A_39, %dma_wait3A_1122, %dma_wait3A_1123] : memref<20x128x128xf32, #tpu.memory_space<vmem_shared>> -> memref<1x16x128xf32, #tpu.memory_space<vmem_shared>>
        %dma_wait3A_1125 = tpu.memref_squeeze %dma_wait3A_1124 : memref<1x16x128xf32, #tpu.memory_space<vmem_shared>> -> memref<16x128xf32, #tpu.memory_space<vmem_shared>>
        tpu.wait_dma2 semaphore(%run_scoped3A : memref<!tpu.dma_semaphore, #tpu.memory_space<semaphore_mem>>) src(%arg9 : memref<16x128xf32, #tpu.memory_space<vmem>>) dst(%dma_wait3A_1125 : memref<16x128xf32, #tpu.memory_space<vmem_shared>>)
        tpu.yield
      }) : () -> ()
      "tpu.region"() ({
        %run_scoped3A = tpu.sem_alloc : memref<!tpu.dma_semaphore, #tpu.memory_space<semaphore_mem>>
        %dma_start3A_1110 = arith.constant 96 : i32
        %dma_start3A_1111 = arith.constant 0 : i32
        %dma_start3A_1112 = tpu.memref_slice %arg10[%add3A_39, %dma_start3A_1110, %dma_start3A_1111] : memref<20x128x128xf32, #tpu.memory_space<vmem_shared>> -> memref<1x16x128xf32, #tpu.memory_space<vmem_shared>>
        %dma_start3A_1113 = tpu.memref_squeeze %dma_start3A_1112 : memref<1x16x128xf32, #tpu.memory_space<vmem_shared>> -> memref<16x128xf32, #tpu.memory_space<vmem_shared>>
        %dma_start3A_1114 = arith.constant 96 : i32
        %dma_start3A_1115 = arith.constant 0 : i32
        %dma_start3A_1116 = tpu.memref_slice %arg10[%add3A_39, %dma_start3A_1114, %dma_start3A_1115] : memref<20x128x128xf32, #tpu.memory_space<vmem_shared>> -> memref<1x16x128xf32, #tpu.memory_space<vmem_shared>>
        %dma_start3A_1117 = tpu.memref_squeeze %dma_start3A_1116 : memref<1x16x128xf32, #tpu.memory_space<vmem_shared>> -> memref<16x128xf32, #tpu.memory_space<vmem_shared>>
        tpu.enqueue_dma source(%arg9 : memref<16x128xf32, #tpu.memory_space<vmem>>) target(%dma_start3A_1117 : memref<16x128xf32, #tpu.memory_space<vmem_shared>>) target_semaphore(%run_scoped3A : memref<!tpu.dma_semaphore, #tpu.memory_space<semaphore_mem>>)
        %dma_wait3A_1118 = arith.constant 96 : i32
        %dma_wait3A_1119 = arith.constant 0 : i32
        %dma_wait3A_1120 = tpu.memref_slice %arg10[%add3A_39, %dma_wait3A_1118, %dma_wait3A_1119] : memref<20x128x128xf32, #tpu.memory_space<vmem_shared>> -> memref<1x16x128xf32, #tpu.memory_space<vmem_shared>>
        %dma_wait3A_1121 = tpu.memref_squeeze %dma_wait3A_1120 : memref<1x16x128xf32, #tpu.memory_space<vmem_shared>> -> memref<16x128xf32, #tpu.memory_space<vmem_shared>>
        %dma_wait3A_1122 = arith.constant 96 : i32
        %dma_wait3A_1123 = arith.constant 0 : i32
        %dma_wait3A_1124 = tpu.memref_slice %arg10[%add3A_39, %dma_wait3A_1122, %dma_wait3A_1123] : memref<20x128x128xf32, #tpu.memory_space<vmem_shared>> -> memref<1x16x128xf32, #tpu.memory_space<vmem_shared>>
        %dma_wait3A_1125 = tpu.memref_squeeze %dma_wait3A_1124 : memref<1x16x128xf32, #tpu.memory_space<vmem_shared>> -> memref<16x128xf32, #tpu.memory_space<vmem_shared>>
        tpu.wait_dma2 semaphore(%run_scoped3A : memref<!tpu.dma_semaphore, #tpu.memory_space<semaphore_mem>>) src(%arg9 : memref<16x128xf32, #tpu.memory_space<vmem>>) dst(%dma_wait3A_1125 : memref<16x128xf32, #tpu.memory_space<vmem_shared>>)
        tpu.yield
      }) : () -> ()
      "tpu.region"() ({
        %run_scoped3A = tpu.sem_alloc : memref<!tpu.dma_semaphore, #tpu.memory_space<semaphore_mem>>
        %dma_start3A_1110 = arith.constant 112 : i32
        %dma_start3A_1111 = arith.constant 0 : i32
        %dma_start3A_1112 = tpu.memref_slice %arg10[%add3A_39, %dma_start3A_1110, %dma_start3A_1111] : memref<20x128x128xf32, #tpu.memory_space<vmem_shared>> -> memref<1x16x128xf32, #tpu.memory_space<vmem_shared>>
        %dma_start3A_1113 = tpu.memref_squeeze %dma_start3A_1112 : memref<1x16x128xf32, #tpu.memory_space<vmem_shared>> -> memref<16x128xf32, #tpu.memory_space<vmem_shared>>
        %dma_start3A_1114 = arith.constant 112 : i32
        %dma_start3A_1115 = arith.constant 0 : i32
        %dma_start3A_1116 = tpu.memref_slice %arg10[%add3A_39, %dma_start3A_1114, %dma_start3A_1115] : memref<20x128x128xf32, #tpu.memory_space<vmem_shared>> -> memref<1x16x128xf32, #tpu.memory_space<vmem_shared>>
        %dma_start3A_1117 = tpu.memref_squeeze %dma_start3A_1116 : memref<1x16x128xf32, #tpu.memory_space<vmem_shared>> -> memref<16x128xf32, #tpu.memory_space<vmem_shared>>
        tpu.enqueue_dma source(%arg9 : memref<16x128xf32, #tpu.memory_space<vmem>>) target(%dma_start3A_1117 : memref<16x128xf32, #tpu.memory_space<vmem_shared>>) target_semaphore(%run_scoped3A : memref<!tpu.dma_semaphore, #tpu.memory_space<semaphore_mem>>)
        %dma_wait3A_1118 = arith.constant 112 : i32
        %dma_wait3A_1119 = arith.constant 0 : i32
        %dma_wait3A_1120 = tpu.memref_slice %arg10[%add3A_39, %dma_wait3A_1118, %dma_wait3A_1119] : memref<20x128x128xf32, #tpu.memory_space<vmem_shared>> -> memref<1x16x128xf32, #tpu.memory_space<vmem_shared>>
        %dma_wait3A_1121 = tpu.memref_squeeze %dma_wait3A_1120 : memref<1x16x128xf32, #tpu.memory_space<vmem_shared>> -> memref<16x128xf32, #tpu.memory_space<vmem_shared>>
        %dma_wait3A_1122 = arith.constant 112 : i32
        %dma_wait3A_1123 = arith.constant 0 : i32
        %dma_wait3A_1124 = tpu.memref_slice %arg10[%add3A_39, %dma_wait3A_1122, %dma_wait3A_1123] : memref<20x128x128xf32, #tpu.memory_space<vmem_shared>> -> memref<1x16x128xf32, #tpu.memory_space<vmem_shared>>
        %dma_wait3A_1125 = tpu.memref_squeeze %dma_wait3A_1124 : memref<1x16x128xf32, #tpu.memory_space<vmem_shared>> -> memref<16x128xf32, #tpu.memory_space<vmem_shared>>
        tpu.wait_dma2 semaphore(%run_scoped3A : memref<!tpu.dma_semaphore, #tpu.memory_space<semaphore_mem>>) src(%arg9 : memref<16x128xf32, #tpu.memory_space<vmem>>) dst(%dma_wait3A_1125 : memref<16x128xf32, #tpu.memory_space<vmem_shared>>)
        tpu.yield
      }) : () -> ()
    } else {
    }
    %add3A_42 = arith.constant 16 : i32
    %add3A_43 = arith.addi %arg1, %add3A_42 : i32
    %lt3A_44 = arith.constant 20 : i32
    %lt3A_45 = arith.cmpi slt, %add3A_43, %lt3A_44 : i32
    %convert_element_type3A_46 = arith.extui %lt3A_45 : i1 to i32
    %cond3A_47 = arith.constant 0 : i32
    %cond3A_48 = arith.cmpi ne, %convert_element_type3A_46, %cond3A_47 : i32
    scf.if %cond3A_48 {
      %get3A = arith.index_cast %add3A_43 : i32 to index
      %get3A_312 = arith.constant 0 : index
      %get3A_313 = tpu.vector_load %arg8[%get3A, %get3A_312] {strides = array<i32>} : memref<20x128xf32, #tpu.memory_space<vmem>>, vector<1x16xf32>,
      %get3A_314 = vector.shape_cast %get3A_313 : vector<1x16xf32> to vector<16xf32>
      %swap3A = arith.constant 0 : i32
      %swap3A_315 = arith.index_cast %swap3A : i32 to index
      %swap3A_316 = arith.constant 0 : index
      %swap3A_317 = tpu.vector_load %arg9[%swap3A_315, %swap3A_316] {strides = array<i32>} : memref<16x128xf32, #tpu.memory_space<vmem>>, vector<1x16xf32>,
      %swap3A_318 = vector.shape_cast %swap3A_317 : vector<1x16xf32> to vector<16xf32>
      %swap3A_319 = vector.shape_cast %get3A_314 : vector<16xf32> to vector<1x16xf32>
      tpu.vector_store %arg9[%swap3A_315, %swap3A_316], %swap3A_319 {strides = array<i32>} : memref<16x128xf32, #tpu.memory_space<vmem>>, vector<1x16xf32>,
      %swap3A_320 = arith.constant 1 : i32
      %swap3A_321 = arith.index_cast %swap3A_320 : i32 to index
      %swap3A_322 = arith.constant 0 : index
      %swap3A_323 = tpu.vector_load %arg9[%swap3A_321, %swap3A_322] {strides = array<i32>} : memref<16x128xf32, #tpu.memory_space<vmem>>, vector<1x16xf32>,
      %swap3A_324 = vector.shape_cast %swap3A_323 : vector<1x16xf32> to vector<16xf32>
      %swap3A_325 = vector.shape_cast %get3A_314 : vector<16xf32> to vector<1x16xf32>
      tpu.vector_store %arg9[%swap3A_321, %swap3A_322], %swap3A_325 {strides = array<i32>} : memref<16x128xf32, #tpu.memory_space<vmem>>, vector<1x16xf32>,
      %swap3A_326 = arith.constant 2 : i32
      %swap3A_327 = arith.index_cast %swap3A_326 : i32 to index
      %swap3A_328 = arith.constant 0 : index
      %swap3A_329 = tpu.vector_load %arg9[%swap3A_327, %swap3A_328] {strides = array<i32>} : memref<16x128xf32, #tpu.memory_space<vmem>>, vector<1x16xf32>,
      %swap3A_330 = vector.shape_cast %swap3A_329 : vector<1x16xf32> to vector<16xf32>
      %swap3A_331 = vector.shape_cast %get3A_314 : vector<16xf32> to vector<1x16xf32>
      tpu.vector_store %arg9[%swap3A_327, %swap3A_328], %swap3A_331 {strides = array<i32>} : memref<16x128xf32, #tpu.memory_space<vmem>>, vector<1x16xf32>,
      %swap3A_332 = arith.constant 3 : i32
      %swap3A_333 = arith.index_cast %swap3A_332 : i32 to index
      %swap3A_334 = arith.constant 0 : index
      %swap3A_335 = tpu.vector_load %arg9[%swap3A_333, %swap3A_334] {strides = array<i32>} : memref<16x128xf32, #tpu.memory_space<vmem>>, vector<1x16xf32>,
      %swap3A_336 = vector.shape_cast %swap3A_335 : vector<1x16xf32> to vector<16xf32>
      %swap3A_337 = vector.shape_cast %get3A_314 : vector<16xf32> to vector<1x16xf32>
      tpu.vector_store %arg9[%swap3A_333, %swap3A_334], %swap3A_337 {strides = array<i32>} : memref<16x128xf32, #tpu.memory_space<vmem>>, vector<1x16xf32>,
      %swap3A_338 = arith.constant 4 : i32
      %swap3A_339 = arith.index_cast %swap3A_338 : i32 to index
      %swap3A_340 = arith.constant 0 : index
      %swap3A_341 = tpu.vector_load %arg9[%swap3A_339, %swap3A_340] {strides = array<i32>} : memref<16x128xf32, #tpu.memory_space<vmem>>, vector<1x16xf32>,
      %swap3A_342 = vector.shape_cast %swap3A_341 : vector<1x16xf32> to vector<16xf32>
      %swap3A_343 = vector.shape_cast %get3A_314 : vector<16xf32> to vector<1x16xf32>
      tpu.vector_store %arg9[%swap3A_339, %swap3A_340], %swap3A_343 {strides = array<i32>} : memref<16x128xf32, #tpu.memory_space<vmem>>, vector<1x16xf32>,
      %swap3A_344 = arith.constant 5 : i32
      %swap3A_345 = arith.index_cast %swap3A_344 : i32 to index
      %swap3A_346 = arith.constant 0 : index
      %swap3A_347 = tpu.vector_load %arg9[%swap3A_345, %swap3A_346] {strides = array<i32>} : memref<16x128xf32, #tpu.memory_space<vmem>>, vector<1x16xf32>,
      %swap3A_348 = vector.shape_cast %swap3A_347 : vector<1x16xf32> to vector<16xf32>
      %swap3A_349 = vector.shape_cast %get3A_314 : vector<16xf32> to vector<1x16xf32>
      tpu.vector_store %arg9[%swap3A_345, %swap3A_346], %swap3A_349 {strides = array<i32>} : memref<16x128xf32, #tpu.memory_space<vmem>>, vector<1x16xf32>,
      %swap3A_350 = arith.constant 6 : i32
      %swap3A_351 = arith.index_cast %swap3A_350 : i32 to index
      %swap3A_352 = arith.constant 0 : index
      %swap3A_353 = tpu.vector_load %arg9[%swap3A_351, %swap3A_352] {strides = array<i32>} : memref<16x128xf32, #tpu.memory_space<vmem>>, vector<1x16xf32>,
      %swap3A_354 = vector.shape_cast %swap3A_353 : vector<1x16xf32> to vector<16xf32>
      %swap3A_355 = vector.shape_cast %get3A_314 : vector<16xf32> to vector<1x16xf32>
      tpu.vector_store %arg9[%swap3A_351, %swap3A_352], %swap3A_355 {strides = array<i32>} : memref<16x128xf32, #tpu.memory_space<vmem>>, vector<1x16xf32>,
      %swap3A_356 = arith.constant 7 : i32
      %swap3A_357 = arith.index_cast %swap3A_356 : i32 to index
      %swap3A_358 = arith.constant 0 : index
      %swap3A_359 = tpu.vector_load %arg9[%swap3A_357, %swap3A_358] {strides = array<i32>} : memref<16x128xf32, #tpu.memory_space<vmem>>, vector<1x16xf32>,
      %swap3A_360 = vector.shape_cast %swap3A_359 : vector<1x16xf32> to vector<16xf32>
      %swap3A_361 = vector.shape_cast %get3A_314 : vector<16xf32> to vector<1x16xf32>
      tpu.vector_store %arg9[%swap3A_357, %swap3A_358], %swap3A_361 {strides = array<i32>} : memref<16x128xf32, #tpu.memory_space<vmem>>, vector<1x16xf32>,
      %swap3A_362 = arith.constant 8 : i32
      %swap3A_363 = arith.index_cast %swap3A_362 : i32 to index
      %swap3A_364 = arith.constant 0 : index
      %swap3A_365 = tpu.vector_load %arg9[%swap3A_363, %swap3A_364] {strides = array<i32>} : memref<16x128xf32, #tpu.memory_space<vmem>>, vector<1x16xf32>,
      %swap3A_366 = vector.shape_cast %swap3A_365 : vector<1x16xf32> to vector<16xf32>
      %swap3A_367 = vector.shape_cast %get3A_314 : vector<16xf32> to vector<1x16xf32>
      tpu.vector_store %arg9[%swap3A_363, %swap3A_364], %swap3A_367 {strides = array<i32>} : memref<16x128xf32, #tpu.memory_space<vmem>>, vector<1x16xf32>,
      %swap3A_368 = arith.constant 9 : i32
      %swap3A_369 = arith.index_cast %swap3A_368 : i32 to index
      %swap3A_370 = arith.constant 0 : index
      %swap3A_371 = tpu.vector_load %arg9[%swap3A_369, %swap3A_370] {strides = array<i32>} : memref<16x128xf32, #tpu.memory_space<vmem>>, vector<1x16xf32>,
      %swap3A_372 = vector.shape_cast %swap3A_371 : vector<1x16xf32> to vector<16xf32>
      %swap3A_373 = vector.shape_cast %get3A_314 : vector<16xf32> to vector<1x16xf32>
      tpu.vector_store %arg9[%swap3A_369, %swap3A_370], %swap3A_373 {strides = array<i32>} : memref<16x128xf32, #tpu.memory_space<vmem>>, vector<1x16xf32>,
      %swap3A_374 = arith.constant 10 : i32
      %swap3A_375 = arith.index_cast %swap3A_374 : i32 to index
      %swap3A_376 = arith.constant 0 : index
      %swap3A_377 = tpu.vector_load %arg9[%swap3A_375, %swap3A_376] {strides = array<i32>} : memref<16x128xf32, #tpu.memory_space<vmem>>, vector<1x16xf32>,
      %swap3A_378 = vector.shape_cast %swap3A_377 : vector<1x16xf32> to vector<16xf32>
      %swap3A_379 = vector.shape_cast %get3A_314 : vector<16xf32> to vector<1x16xf32>
      tpu.vector_store %arg9[%swap3A_375, %swap3A_376], %swap3A_379 {strides = array<i32>} : memref<16x128xf32, #tpu.memory_space<vmem>>, vector<1x16xf32>,
      %swap3A_380 = arith.constant 11 : i32
      %swap3A_381 = arith.index_cast %swap3A_380 : i32 to index
      %swap3A_382 = arith.constant 0 : index
      %swap3A_383 = tpu.vector_load %arg9[%swap3A_381, %swap3A_382] {strides = array<i32>} : memref<16x128xf32, #tpu.memory_space<vmem>>, vector<1x16xf32>,
      %swap3A_384 = vector.shape_cast %swap3A_383 : vector<1x16xf32> to vector<16xf32>
      %swap3A_385 = vector.shape_cast %get3A_314 : vector<16xf32> to vector<1x16xf32>
      tpu.vector_store %arg9[%swap3A_381, %swap3A_382], %swap3A_385 {strides = array<i32>} : memref<16x128xf32, #tpu.memory_space<vmem>>, vector<1x16xf32>,
      %swap3A_386 = arith.constant 12 : i32
      %swap3A_387 = arith.index_cast %swap3A_386 : i32 to index
      %swap3A_388 = arith.constant 0 : index
      %swap3A_389 = tpu.vector_load %arg9[%swap3A_387, %swap3A_388] {strides = array<i32>} : memref<16x128xf32, #tpu.memory_space<vmem>>, vector<1x16xf32>,
      %swap3A_390 = vector.shape_cast %swap3A_389 : vector<1x16xf32> to vector<16xf32>
      %swap3A_391 = vector.shape_cast %get3A_314 : vector<16xf32> to vector<1x16xf32>
      tpu.vector_store %arg9[%swap3A_387, %swap3A_388], %swap3A_391 {strides = array<i32>} : memref<16x128xf32, #tpu.memory_space<vmem>>, vector<1x16xf32>,
      %swap3A_392 = arith.constant 13 : i32
      %swap3A_393 = arith.index_cast %swap3A_392 : i32 to index
      %swap3A_394 = arith.constant 0 : index
      %swap3A_395 = tpu.vector_load %arg9[%swap3A_393, %swap3A_394] {strides = array<i32>} : memref<16x128xf32, #tpu.memory_space<vmem>>, vector<1x16xf32>,
      %swap3A_396 = vector.shape_cast %swap3A_395 : vector<1x16xf32> to vector<16xf32>
      %swap3A_397 = vector.shape_cast %get3A_314 : vector<16xf32> to vector<1x16xf32>
      tpu.vector_store %arg9[%swap3A_393, %swap3A_394], %swap3A_397 {strides = array<i32>} : memref<16x128xf32, #tpu.memory_space<vmem>>, vector<1x16xf32>,
      %swap3A_398 = arith.constant 14 : i32
      %swap3A_399 = arith.index_cast %swap3A_398 : i32 to index
      %swap3A_400 = arith.constant 0 : index
      %swap3A_401 = tpu.vector_load %arg9[%swap3A_399, %swap3A_400] {strides = array<i32>} : memref<16x128xf32, #tpu.memory_space<vmem>>, vector<1x16xf32>,
      %swap3A_402 = vector.shape_cast %swap3A_401 : vector<1x16xf32> to vector<16xf32>
      %swap3A_403 = vector.shape_cast %get3A_314 : vector<16xf32> to vector<1x16xf32>
      tpu.vector_store %arg9[%swap3A_399, %swap3A_400], %swap3A_403 {strides = array<i32>} : memref<16x128xf32, #tpu.memory_space<vmem>>, vector<1x16xf32>,
      %swap3A_404 = arith.constant 15 : i32
      %swap3A_405 = arith.index_cast %swap3A_404 : i32 to index
      %swap3A_406 = arith.constant 0 : index
      %swap3A_407 = tpu.vector_load %arg9[%swap3A_405, %swap3A_406] {strides = array<i32>} : memref<16x128xf32, #tpu.memory_space<vmem>>, vector<1x16xf32>,
      %swap3A_408 = vector.shape_cast %swap3A_407 : vector<1x16xf32> to vector<16xf32>
      %swap3A_409 = vector.shape_cast %get3A_314 : vector<16xf32> to vector<1x16xf32>
      tpu.vector_store %arg9[%swap3A_405, %swap3A_406], %swap3A_409 {strides = array<i32>} : memref<16x128xf32, #tpu.memory_space<vmem>>, vector<1x16xf32>,
      %get3A_410 = arith.index_cast %add3A_43 : i32 to index
      %get3A_411 = arith.constant 16 : index
      %get3A_412 = tpu.vector_load %arg8[%get3A_410, %get3A_411] {strides = array<i32>} : memref<20x128xf32, #tpu.memory_space<vmem>>, vector<1x16xf32>,
      %get3A_413 = vector.shape_cast %get3A_412 : vector<1x16xf32> to vector<16xf32>
      %swap3A_414 = arith.constant 0 : i32
      %swap3A_415 = arith.index_cast %swap3A_414 : i32 to index
      %swap3A_416 = arith.constant 16 : index
      %swap3A_417 = tpu.vector_load %arg9[%swap3A_415, %swap3A_416] {strides = array<i32>} : memref<16x128xf32, #tpu.memory_space<vmem>>, vector<1x16xf32>,
      %swap3A_418 = vector.shape_cast %swap3A_417 : vector<1x16xf32> to vector<16xf32>
      %swap3A_419 = vector.shape_cast %get3A_413 : vector<16xf32> to vector<1x16xf32>
      tpu.vector_store %arg9[%swap3A_415, %swap3A_416], %swap3A_419 {strides = array<i32>} : memref<16x128xf32, #tpu.memory_space<vmem>>, vector<1x16xf32>,
      %swap3A_420 = arith.constant 1 : i32
      %swap3A_421 = arith.index_cast %swap3A_420 : i32 to index
      %swap3A_422 = arith.constant 16 : index
      %swap3A_423 = tpu.vector_load %arg9[%swap3A_421, %swap3A_422] {strides = array<i32>} : memref<16x128xf32, #tpu.memory_space<vmem>>, vector<1x16xf32>,
      %swap3A_424 = vector.shape_cast %swap3A_423 : vector<1x16xf32> to vector<16xf32>
      %swap3A_425 = vector.shape_cast %get3A_413 : vector<16xf32> to vector<1x16xf32>
      tpu.vector_store %arg9[%swap3A_421, %swap3A_422], %swap3A_425 {strides = array<i32>} : memref<16x128xf32, #tpu.memory_space<vmem>>, vector<1x16xf32>,
      %swap3A_426 = arith.constant 2 : i32
      %swap3A_427 = arith.index_cast %swap3A_426 : i32 to index
      %swap3A_428 = arith.constant 16 : index
      %swap3A_429 = tpu.vector_load %arg9[%swap3A_427, %swap3A_428] {strides = array<i32>} : memref<16x128xf32, #tpu.memory_space<vmem>>, vector<1x16xf32>,
      %swap3A_430 = vector.shape_cast %swap3A_429 : vector<1x16xf32> to vector<16xf32>
      %swap3A_431 = vector.shape_cast %get3A_413 : vector<16xf32> to vector<1x16xf32>
      tpu.vector_store %arg9[%swap3A_427, %swap3A_428], %swap3A_431 {strides = array<i32>} : memref<16x128xf32, #tpu.memory_space<vmem>>, vector<1x16xf32>,
      %swap3A_432 = arith.constant 3 : i32
      %swap3A_433 = arith.index_cast %swap3A_432 : i32 to index
      %swap3A_434 = arith.constant 16 : index
      %swap3A_435 = tpu.vector_load %arg9[%swap3A_433, %swap3A_434] {strides = array<i32>} : memref<16x128xf32, #tpu.memory_space<vmem>>, vector<1x16xf32>,
      %swap3A_436 = vector.shape_cast %swap3A_435 : vector<1x16xf32> to vector<16xf32>
      %swap3A_437 = vector.shape_cast %get3A_413 : vector<16xf32> to vector<1x16xf32>
      tpu.vector_store %arg9[%swap3A_433, %swap3A_434], %swap3A_437 {strides = array<i32>} : memref<16x128xf32, #tpu.memory_space<vmem>>, vector<1x16xf32>,
      %swap3A_438 = arith.constant 4 : i32
      %swap3A_439 = arith.index_cast %swap3A_438 : i32 to index
      %swap3A_440 = arith.constant 16 : index
      %swap3A_441 = tpu.vector_load %arg9[%swap3A_439, %swap3A_440] {strides = array<i32>} : memref<16x128xf32, #tpu.memory_space<vmem>>, vector<1x16xf32>,
      %swap3A_442 = vector.shape_cast %swap3A_441 : vector<1x16xf32> to vector<16xf32>
      %swap3A_443 = vector.shape_cast %get3A_413 : vector<16xf32> to vector<1x16xf32>
      tpu.vector_store %arg9[%swap3A_439, %swap3A_440], %swap3A_443 {strides = array<i32>} : memref<16x128xf32, #tpu.memory_space<vmem>>, vector<1x16xf32>,
      %swap3A_444 = arith.constant 5 : i32
      %swap3A_445 = arith.index_cast %swap3A_444 : i32 to index
      %swap3A_446 = arith.constant 16 : index
      %swap3A_447 = tpu.vector_load %arg9[%swap3A_445, %swap3A_446] {strides = array<i32>} : memref<16x128xf32, #tpu.memory_space<vmem>>, vector<1x16xf32>,
      %swap3A_448 = vector.shape_cast %swap3A_447 : vector<1x16xf32> to vector<16xf32>
      %swap3A_449 = vector.shape_cast %get3A_413 : vector<16xf32> to vector<1x16xf32>
      tpu.vector_store %arg9[%swap3A_445, %swap3A_446], %swap3A_449 {strides = array<i32>} : memref<16x128xf32, #tpu.memory_space<vmem>>, vector<1x16xf32>,
      %swap3A_450 = arith.constant 6 : i32
      %swap3A_451 = arith.index_cast %swap3A_450 : i32 to index
      %swap3A_452 = arith.constant 16 : index
      %swap3A_453 = tpu.vector_load %arg9[%swap3A_451, %swap3A_452] {strides = array<i32>} : memref<16x128xf32, #tpu.memory_space<vmem>>, vector<1x16xf32>,
      %swap3A_454 = vector.shape_cast %swap3A_453 : vector<1x16xf32> to vector<16xf32>
      %swap3A_455 = vector.shape_cast %get3A_413 : vector<16xf32> to vector<1x16xf32>
      tpu.vector_store %arg9[%swap3A_451, %swap3A_452], %swap3A_455 {strides = array<i32>} : memref<16x128xf32, #tpu.memory_space<vmem>>, vector<1x16xf32>,
      %swap3A_456 = arith.constant 7 : i32
      %swap3A_457 = arith.index_cast %swap3A_456 : i32 to index
      %swap3A_458 = arith.constant 16 : index
      %swap3A_459 = tpu.vector_load %arg9[%swap3A_457, %swap3A_458] {strides = array<i32>} : memref<16x128xf32, #tpu.memory_space<vmem>>, vector<1x16xf32>,
      %swap3A_460 = vector.shape_cast %swap3A_459 : vector<1x16xf32> to vector<16xf32>
      %swap3A_461 = vector.shape_cast %get3A_413 : vector<16xf32> to vector<1x16xf32>
      tpu.vector_store %arg9[%swap3A_457, %swap3A_458], %swap3A_461 {strides = array<i32>} : memref<16x128xf32, #tpu.memory_space<vmem>>, vector<1x16xf32>,
      %swap3A_462 = arith.constant 8 : i32
      %swap3A_463 = arith.index_cast %swap3A_462 : i32 to index
      %swap3A_464 = arith.constant 16 : index
      %swap3A_465 = tpu.vector_load %arg9[%swap3A_463, %swap3A_464] {strides = array<i32>} : memref<16x128xf32, #tpu.memory_space<vmem>>, vector<1x16xf32>,
      %swap3A_466 = vector.shape_cast %swap3A_465 : vector<1x16xf32> to vector<16xf32>
      %swap3A_467 = vector.shape_cast %get3A_413 : vector<16xf32> to vector<1x16xf32>
      tpu.vector_store %arg9[%swap3A_463, %swap3A_464], %swap3A_467 {strides = array<i32>} : memref<16x128xf32, #tpu.memory_space<vmem>>, vector<1x16xf32>,
      %swap3A_468 = arith.constant 9 : i32
      %swap3A_469 = arith.index_cast %swap3A_468 : i32 to index
      %swap3A_470 = arith.constant 16 : index
      %swap3A_471 = tpu.vector_load %arg9[%swap3A_469, %swap3A_470] {strides = array<i32>} : memref<16x128xf32, #tpu.memory_space<vmem>>, vector<1x16xf32>,
      %swap3A_472 = vector.shape_cast %swap3A_471 : vector<1x16xf32> to vector<16xf32>
      %swap3A_473 = vector.shape_cast %get3A_413 : vector<16xf32> to vector<1x16xf32>
      tpu.vector_store %arg9[%swap3A_469, %swap3A_470], %swap3A_473 {strides = array<i32>} : memref<16x128xf32, #tpu.memory_space<vmem>>, vector<1x16xf32>,
      %swap3A_474 = arith.constant 10 : i32
      %swap3A_475 = arith.index_cast %swap3A_474 : i32 to index
      %swap3A_476 = arith.constant 16 : index
      %swap3A_477 = tpu.vector_load %arg9[%swap3A_475, %swap3A_476] {strides = array<i32>} : memref<16x128xf32, #tpu.memory_space<vmem>>, vector<1x16xf32>,
      %swap3A_478 = vector.shape_cast %swap3A_477 : vector<1x16xf32> to vector<16xf32>
      %swap3A_479 = vector.shape_cast %get3A_413 : vector<16xf32> to vector<1x16xf32>
      tpu.vector_store %arg9[%swap3A_475, %swap3A_476], %swap3A_479 {strides = array<i32>} : memref<16x128xf32, #tpu.memory_space<vmem>>, vector<1x16xf32>,
      %swap3A_480 = arith.constant 11 : i32
      %swap3A_481 = arith.index_cast %swap3A_480 : i32 to index
      %swap3A_482 = arith.constant 16 : index
      %swap3A_483 = tpu.vector_load %arg9[%swap3A_481, %swap3A_482] {strides = array<i32>} : memref<16x128xf32, #tpu.memory_space<vmem>>, vector<1x16xf32>,
      %swap3A_484 = vector.shape_cast %swap3A_483 : vector<1x16xf32> to vector<16xf32>
      %swap3A_485 = vector.shape_cast %get3A_413 : vector<16xf32> to vector<1x16xf32>
      tpu.vector_store %arg9[%swap3A_481, %swap3A_482], %swap3A_485 {strides = array<i32>} : memref<16x128xf32, #tpu.memory_space<vmem>>, vector<1x16xf32>,
      %swap3A_486 = arith.constant 12 : i32
      %swap3A_487 = arith.index_cast %swap3A_486 : i32 to index
      %swap3A_488 = arith.constant 16 : index
      %swap3A_489 = tpu.vector_load %arg9[%swap3A_487, %swap3A_488] {strides = array<i32>} : memref<16x128xf32, #tpu.memory_space<vmem>>, vector<1x16xf32>,
      %swap3A_490 = vector.shape_cast %swap3A_489 : vector<1x16xf32> to vector<16xf32>
      %swap3A_491 = vector.shape_cast %get3A_413 : vector<16xf32> to vector<1x16xf32>
      tpu.vector_store %arg9[%swap3A_487, %swap3A_488], %swap3A_491 {strides = array<i32>} : memref<16x128xf32, #tpu.memory_space<vmem>>, vector<1x16xf32>,
      %swap3A_492 = arith.constant 13 : i32
      %swap3A_493 = arith.index_cast %swap3A_492 : i32 to index
      %swap3A_494 = arith.constant 16 : index
      %swap3A_495 = tpu.vector_load %arg9[%swap3A_493, %swap3A_494] {strides = array<i32>} : memref<16x128xf32, #tpu.memory_space<vmem>>, vector<1x16xf32>,
      %swap3A_496 = vector.shape_cast %swap3A_495 : vector<1x16xf32> to vector<16xf32>
      %swap3A_497 = vector.shape_cast %get3A_413 : vector<16xf32> to vector<1x16xf32>
      tpu.vector_store %arg9[%swap3A_493, %swap3A_494], %swap3A_497 {strides = array<i32>} : memref<16x128xf32, #tpu.memory_space<vmem>>, vector<1x16xf32>,
      %swap3A_498 = arith.constant 14 : i32
      %swap3A_499 = arith.index_cast %swap3A_498 : i32 to index
      %swap3A_500 = arith.constant 16 : index
      %swap3A_501 = tpu.vector_load %arg9[%swap3A_499, %swap3A_500] {strides = array<i32>} : memref<16x128xf32, #tpu.memory_space<vmem>>, vector<1x16xf32>,
      %swap3A_502 = vector.shape_cast %swap3A_501 : vector<1x16xf32> to vector<16xf32>
      %swap3A_503 = vector.shape_cast %get3A_413 : vector<16xf32> to vector<1x16xf32>
      tpu.vector_store %arg9[%swap3A_499, %swap3A_500], %swap3A_503 {strides = array<i32>} : memref<16x128xf32, #tpu.memory_space<vmem>>, vector<1x16xf32>,
      %swap3A_504 = arith.constant 15 : i32
      %swap3A_505 = arith.index_cast %swap3A_504 : i32 to index
      %swap3A_506 = arith.constant 16 : index
      %swap3A_507 = tpu.vector_load %arg9[%swap3A_505, %swap3A_506] {strides = array<i32>} : memref<16x128xf32, #tpu.memory_space<vmem>>, vector<1x16xf32>,
      %swap3A_508 = vector.shape_cast %swap3A_507 : vector<1x16xf32> to vector<16xf32>
      %swap3A_509 = vector.shape_cast %get3A_413 : vector<16xf32> to vector<1x16xf32>
      tpu.vector_store %arg9[%swap3A_505, %swap3A_506], %swap3A_509 {strides = array<i32>} : memref<16x128xf32, #tpu.memory_space<vmem>>, vector<1x16xf32>,
      %get3A_510 = arith.index_cast %add3A_43 : i32 to index
      %get3A_511 = arith.constant 32 : index
      %get3A_512 = tpu.vector_load %arg8[%get3A_510, %get3A_511] {strides = array<i32>} : memref<20x128xf32, #tpu.memory_space<vmem>>, vector<1x16xf32>,
      %get3A_513 = vector.shape_cast %get3A_512 : vector<1x16xf32> to vector<16xf32>
      %swap3A_514 = arith.constant 0 : i32
      %swap3A_515 = arith.index_cast %swap3A_514 : i32 to index
      %swap3A_516 = arith.constant 32 : index
      %swap3A_517 = tpu.vector_load %arg9[%swap3A_515, %swap3A_516] {strides = array<i32>} : memref<16x128xf32, #tpu.memory_space<vmem>>, vector<1x16xf32>,
      %swap3A_518 = vector.shape_cast %swap3A_517 : vector<1x16xf32> to vector<16xf32>
      %swap3A_519 = vector.shape_cast %get3A_513 : vector<16xf32> to vector<1x16xf32>
      tpu.vector_store %arg9[%swap3A_515, %swap3A_516], %swap3A_519 {strides = array<i32>} : memref<16x128xf32, #tpu.memory_space<vmem>>, vector<1x16xf32>,
      %swap3A_520 = arith.constant 1 : i32
      %swap3A_521 = arith.index_cast %swap3A_520 : i32 to index
      %swap3A_522 = arith.constant 32 : index
      %swap3A_523 = tpu.vector_load %arg9[%swap3A_521, %swap3A_522] {strides = array<i32>} : memref<16x128xf32, #tpu.memory_space<vmem>>, vector<1x16xf32>,
      %swap3A_524 = vector.shape_cast %swap3A_523 : vector<1x16xf32> to vector<16xf32>
      %swap3A_525 = vector.shape_cast %get3A_513 : vector<16xf32> to vector<1x16xf32>
      tpu.vector_store %arg9[%swap3A_521, %swap3A_522], %swap3A_525 {strides = array<i32>} : memref<16x128xf32, #tpu.memory_space<vmem>>, vector<1x16xf32>,
      %swap3A_526 = arith.constant 2 : i32
      %swap3A_527 = arith.index_cast %swap3A_526 : i32 to index
      %swap3A_528 = arith.constant 32 : index
      %swap3A_529 = tpu.vector_load %arg9[%swap3A_527, %swap3A_528] {strides = array<i32>} : memref<16x128xf32, #tpu.memory_space<vmem>>, vector<1x16xf32>,
      %swap3A_530 = vector.shape_cast %swap3A_529 : vector<1x16xf32> to vector<16xf32>
      %swap3A_531 = vector.shape_cast %get3A_513 : vector<16xf32> to vector<1x16xf32>
      tpu.vector_store %arg9[%swap3A_527, %swap3A_528], %swap3A_531 {strides = array<i32>} : memref<16x128xf32, #tpu.memory_space<vmem>>, vector<1x16xf32>,
      %swap3A_532 = arith.constant 3 : i32
      %swap3A_533 = arith.index_cast %swap3A_532 : i32 to index
      %swap3A_534 = arith.constant 32 : index
      %swap3A_535 = tpu.vector_load %arg9[%swap3A_533, %swap3A_534] {strides = array<i32>} : memref<16x128xf32, #tpu.memory_space<vmem>>, vector<1x16xf32>,
      %swap3A_536 = vector.shape_cast %swap3A_535 : vector<1x16xf32> to vector<16xf32>
      %swap3A_537 = vector.shape_cast %get3A_513 : vector<16xf32> to vector<1x16xf32>
      tpu.vector_store %arg9[%swap3A_533, %swap3A_534], %swap3A_537 {strides = array<i32>} : memref<16x128xf32, #tpu.memory_space<vmem>>, vector<1x16xf32>,
      %swap3A_538 = arith.constant 4 : i32
      %swap3A_539 = arith.index_cast %swap3A_538 : i32 to index
      %swap3A_540 = arith.constant 32 : index
      %swap3A_541 = tpu.vector_load %arg9[%swap3A_539, %swap3A_540] {strides = array<i32>} : memref<16x128xf32, #tpu.memory_space<vmem>>, vector<1x16xf32>,
      %swap3A_542 = vector.shape_cast %swap3A_541 : vector<1x16xf32> to vector<16xf32>
      %swap3A_543 = vector.shape_cast %get3A_513 : vector<16xf32> to vector<1x16xf32>
      tpu.vector_store %arg9[%swap3A_539, %swap3A_540], %swap3A_543 {strides = array<i32>} : memref<16x128xf32, #tpu.memory_space<vmem>>, vector<1x16xf32>,
      %swap3A_544 = arith.constant 5 : i32
      %swap3A_545 = arith.index_cast %swap3A_544 : i32 to index
      %swap3A_546 = arith.constant 32 : index
      %swap3A_547 = tpu.vector_load %arg9[%swap3A_545, %swap3A_546] {strides = array<i32>} : memref<16x128xf32, #tpu.memory_space<vmem>>, vector<1x16xf32>,
      %swap3A_548 = vector.shape_cast %swap3A_547 : vector<1x16xf32> to vector<16xf32>
      %swap3A_549 = vector.shape_cast %get3A_513 : vector<16xf32> to vector<1x16xf32>
      tpu.vector_store %arg9[%swap3A_545, %swap3A_546], %swap3A_549 {strides = array<i32>} : memref<16x128xf32, #tpu.memory_space<vmem>>, vector<1x16xf32>,
      %swap3A_550 = arith.constant 6 : i32
      %swap3A_551 = arith.index_cast %swap3A_550 : i32 to index
      %swap3A_552 = arith.constant 32 : index
      %swap3A_553 = tpu.vector_load %arg9[%swap3A_551, %swap3A_552] {strides = array<i32>} : memref<16x128xf32, #tpu.memory_space<vmem>>, vector<1x16xf32>,
      %swap3A_554 = vector.shape_cast %swap3A_553 : vector<1x16xf32> to vector<16xf32>
      %swap3A_555 = vector.shape_cast %get3A_513 : vector<16xf32> to vector<1x16xf32>
      tpu.vector_store %arg9[%swap3A_551, %swap3A_552], %swap3A_555 {strides = array<i32>} : memref<16x128xf32, #tpu.memory_space<vmem>>, vector<1x16xf32>,
      %swap3A_556 = arith.constant 7 : i32
      %swap3A_557 = arith.index_cast %swap3A_556 : i32 to index
      %swap3A_558 = arith.constant 32 : index
      %swap3A_559 = tpu.vector_load %arg9[%swap3A_557, %swap3A_558] {strides = array<i32>} : memref<16x128xf32, #tpu.memory_space<vmem>>, vector<1x16xf32>,
      %swap3A_560 = vector.shape_cast %swap3A_559 : vector<1x16xf32> to vector<16xf32>
      %swap3A_561 = vector.shape_cast %get3A_513 : vector<16xf32> to vector<1x16xf32>
      tpu.vector_store %arg9[%swap3A_557, %swap3A_558], %swap3A_561 {strides = array<i32>} : memref<16x128xf32, #tpu.memory_space<vmem>>, vector<1x16xf32>,
      %swap3A_562 = arith.constant 8 : i32
      %swap3A_563 = arith.index_cast %swap3A_562 : i32 to index
      %swap3A_564 = arith.constant 32 : index
      %swap3A_565 = tpu.vector_load %arg9[%swap3A_563, %swap3A_564] {strides = array<i32>} : memref<16x128xf32, #tpu.memory_space<vmem>>, vector<1x16xf32>,
      %swap3A_566 = vector.shape_cast %swap3A_565 : vector<1x16xf32> to vector<16xf32>
      %swap3A_567 = vector.shape_cast %get3A_513 : vector<16xf32> to vector<1x16xf32>
      tpu.vector_store %arg9[%swap3A_563, %swap3A_564], %swap3A_567 {strides = array<i32>} : memref<16x128xf32, #tpu.memory_space<vmem>>, vector<1x16xf32>,
      %swap3A_568 = arith.constant 9 : i32
      %swap3A_569 = arith.index_cast %swap3A_568 : i32 to index
      %swap3A_570 = arith.constant 32 : index
      %swap3A_571 = tpu.vector_load %arg9[%swap3A_569, %swap3A_570] {strides = array<i32>} : memref<16x128xf32, #tpu.memory_space<vmem>>, vector<1x16xf32>,
      %swap3A_572 = vector.shape_cast %swap3A_571 : vector<1x16xf32> to vector<16xf32>
      %swap3A_573 = vector.shape_cast %get3A_513 : vector<16xf32> to vector<1x16xf32>
      tpu.vector_store %arg9[%swap3A_569, %swap3A_570], %swap3A_573 {strides = array<i32>} : memref<16x128xf32, #tpu.memory_space<vmem>>, vector<1x16xf32>,
      %swap3A_574 = arith.constant 10 : i32
      %swap3A_575 = arith.index_cast %swap3A_574 : i32 to index
      %swap3A_576 = arith.constant 32 : index
      %swap3A_577 = tpu.vector_load %arg9[%swap3A_575, %swap3A_576] {strides = array<i32>} : memref<16x128xf32, #tpu.memory_space<vmem>>, vector<1x16xf32>,
      %swap3A_578 = vector.shape_cast %swap3A_577 : vector<1x16xf32> to vector<16xf32>
      %swap3A_579 = vector.shape_cast %get3A_513 : vector<16xf32> to vector<1x16xf32>
      tpu.vector_store %arg9[%swap3A_575, %swap3A_576], %swap3A_579 {strides = array<i32>} : memref<16x128xf32, #tpu.memory_space<vmem>>, vector<1x16xf32>,
      %swap3A_580 = arith.constant 11 : i32
      %swap3A_581 = arith.index_cast %swap3A_580 : i32 to index
      %swap3A_582 = arith.constant 32 : index
      %swap3A_583 = tpu.vector_load %arg9[%swap3A_581, %swap3A_582] {strides = array<i32>} : memref<16x128xf32, #tpu.memory_space<vmem>>, vector<1x16xf32>,
      %swap3A_584 = vector.shape_cast %swap3A_583 : vector<1x16xf32> to vector<16xf32>
      %swap3A_585 = vector.shape_cast %get3A_513 : vector<16xf32> to vector<1x16xf32>
      tpu.vector_store %arg9[%swap3A_581, %swap3A_582], %swap3A_585 {strides = array<i32>} : memref<16x128xf32, #tpu.memory_space<vmem>>, vector<1x16xf32>,
      %swap3A_586 = arith.constant 12 : i32
      %swap3A_587 = arith.index_cast %swap3A_586 : i32 to index
      %swap3A_588 = arith.constant 32 : index
      %swap3A_589 = tpu.vector_load %arg9[%swap3A_587, %swap3A_588] {strides = array<i32>} : memref<16x128xf32, #tpu.memory_space<vmem>>, vector<1x16xf32>,
      %swap3A_590 = vector.shape_cast %swap3A_589 : vector<1x16xf32> to vector<16xf32>
      %swap3A_591 = vector.shape_cast %get3A_513 : vector<16xf32> to vector<1x16xf32>
      tpu.vector_store %arg9[%swap3A_587, %swap3A_588], %swap3A_591 {strides = array<i32>} : memref<16x128xf32, #tpu.memory_space<vmem>>, vector<1x16xf32>,
      %swap3A_592 = arith.constant 13 : i32
      %swap3A_593 = arith.index_cast %swap3A_592 : i32 to index
      %swap3A_594 = arith.constant 32 : index
      %swap3A_595 = tpu.vector_load %arg9[%swap3A_593, %swap3A_594] {strides = array<i32>} : memref<16x128xf32, #tpu.memory_space<vmem>>, vector<1x16xf32>,
      %swap3A_596 = vector.shape_cast %swap3A_595 : vector<1x16xf32> to vector<16xf32>
      %swap3A_597 = vector.shape_cast %get3A_513 : vector<16xf32> to vector<1x16xf32>
      tpu.vector_store %arg9[%swap3A_593, %swap3A_594], %swap3A_597 {strides = array<i32>} : memref<16x128xf32, #tpu.memory_space<vmem>>, vector<1x16xf32>,
      %swap3A_598 = arith.constant 14 : i32
      %swap3A_599 = arith.index_cast %swap3A_598 : i32 to index
      %swap3A_600 = arith.constant 32 : index
      %swap3A_601 = tpu.vector_load %arg9[%swap3A_599, %swap3A_600] {strides = array<i32>} : memref<16x128xf32, #tpu.memory_space<vmem>>, vector<1x16xf32>,
      %swap3A_602 = vector.shape_cast %swap3A_601 : vector<1x16xf32> to vector<16xf32>
      %swap3A_603 = vector.shape_cast %get3A_513 : vector<16xf32> to vector<1x16xf32>
      tpu.vector_store %arg9[%swap3A_599, %swap3A_600], %swap3A_603 {strides = array<i32>} : memref<16x128xf32, #tpu.memory_space<vmem>>, vector<1x16xf32>,
      %swap3A_604 = arith.constant 15 : i32
      %swap3A_605 = arith.index_cast %swap3A_604 : i32 to index
      %swap3A_606 = arith.constant 32 : index
      %swap3A_607 = tpu.vector_load %arg9[%swap3A_605, %swap3A_606] {strides = array<i32>} : memref<16x128xf32, #tpu.memory_space<vmem>>, vector<1x16xf32>,
      %swap3A_608 = vector.shape_cast %swap3A_607 : vector<1x16xf32> to vector<16xf32>
      %swap3A_609 = vector.shape_cast %get3A_513 : vector<16xf32> to vector<1x16xf32>
      tpu.vector_store %arg9[%swap3A_605, %swap3A_606], %swap3A_609 {strides = array<i32>} : memref<16x128xf32, #tpu.memory_space<vmem>>, vector<1x16xf32>,
      %get3A_610 = arith.index_cast %add3A_43 : i32 to index
      %get3A_611 = arith.constant 48 : index
      %get3A_612 = tpu.vector_load %arg8[%get3A_610, %get3A_611] {strides = array<i32>} : memref<20x128xf32, #tpu.memory_space<vmem>>, vector<1x16xf32>,
      %get3A_613 = vector.shape_cast %get3A_612 : vector<1x16xf32> to vector<16xf32>
      %swap3A_614 = arith.constant 0 : i32
      %swap3A_615 = arith.index_cast %swap3A_614 : i32 to index
      %swap3A_616 = arith.constant 48 : index
      %swap3A_617 = tpu.vector_load %arg9[%swap3A_615, %swap3A_616] {strides = array<i32>} : memref<16x128xf32, #tpu.memory_space<vmem>>, vector<1x16xf32>,
      %swap3A_618 = vector.shape_cast %swap3A_617 : vector<1x16xf32> to vector<16xf32>
      %swap3A_619 = vector.shape_cast %get3A_613 : vector<16xf32> to vector<1x16xf32>
      tpu.vector_store %arg9[%swap3A_615, %swap3A_616], %swap3A_619 {strides = array<i32>} : memref<16x128xf32, #tpu.memory_space<vmem>>, vector<1x16xf32>,
      %swap3A_620 = arith.constant 1 : i32
      %swap3A_621 = arith.index_cast %swap3A_620 : i32 to index
      %swap3A_622 = arith.constant 48 : index
      %swap3A_623 = tpu.vector_load %arg9[%swap3A_621, %swap3A_622] {strides = array<i32>} : memref<16x128xf32, #tpu.memory_space<vmem>>, vector<1x16xf32>,
      %swap3A_624 = vector.shape_cast %swap3A_623 : vector<1x16xf32> to vector<16xf32>
      %swap3A_625 = vector.shape_cast %get3A_613 : vector<16xf32> to vector<1x16xf32>
      tpu.vector_store %arg9[%swap3A_621, %swap3A_622], %swap3A_625 {strides = array<i32>} : memref<16x128xf32, #tpu.memory_space<vmem>>, vector<1x16xf32>,
      %swap3A_626 = arith.constant 2 : i32
      %swap3A_627 = arith.index_cast %swap3A_626 : i32 to index
      %swap3A_628 = arith.constant 48 : index
      %swap3A_629 = tpu.vector_load %arg9[%swap3A_627, %swap3A_628] {strides = array<i32>} : memref<16x128xf32, #tpu.memory_space<vmem>>, vector<1x16xf32>,
      %swap3A_630 = vector.shape_cast %swap3A_629 : vector<1x16xf32> to vector<16xf32>
      %swap3A_631 = vector.shape_cast %get3A_613 : vector<16xf32> to vector<1x16xf32>
      tpu.vector_store %arg9[%swap3A_627, %swap3A_628], %swap3A_631 {strides = array<i32>} : memref<16x128xf32, #tpu.memory_space<vmem>>, vector<1x16xf32>,
      %swap3A_632 = arith.constant 3 : i32
      %swap3A_633 = arith.index_cast %swap3A_632 : i32 to index
      %swap3A_634 = arith.constant 48 : index
      %swap3A_635 = tpu.vector_load %arg9[%swap3A_633, %swap3A_634] {strides = array<i32>} : memref<16x128xf32, #tpu.memory_space<vmem>>, vector<1x16xf32>,
      %swap3A_636 = vector.shape_cast %swap3A_635 : vector<1x16xf32> to vector<16xf32>
      %swap3A_637 = vector.shape_cast %get3A_613 : vector<16xf32> to vector<1x16xf32>
      tpu.vector_store %arg9[%swap3A_633, %swap3A_634], %swap3A_637 {strides = array<i32>} : memref<16x128xf32, #tpu.memory_space<vmem>>, vector<1x16xf32>,
      %swap3A_638 = arith.constant 4 : i32
      %swap3A_639 = arith.index_cast %swap3A_638 : i32 to index
      %swap3A_640 = arith.constant 48 : index
      %swap3A_641 = tpu.vector_load %arg9[%swap3A_639, %swap3A_640] {strides = array<i32>} : memref<16x128xf32, #tpu.memory_space<vmem>>, vector<1x16xf32>,
      %swap3A_642 = vector.shape_cast %swap3A_641 : vector<1x16xf32> to vector<16xf32>
      %swap3A_643 = vector.shape_cast %get3A_613 : vector<16xf32> to vector<1x16xf32>
      tpu.vector_store %arg9[%swap3A_639, %swap3A_640], %swap3A_643 {strides = array<i32>} : memref<16x128xf32, #tpu.memory_space<vmem>>, vector<1x16xf32>,
      %swap3A_644 = arith.constant 5 : i32
      %swap3A_645 = arith.index_cast %swap3A_644 : i32 to index
      %swap3A_646 = arith.constant 48 : index
      %swap3A_647 = tpu.vector_load %arg9[%swap3A_645, %swap3A_646] {strides = array<i32>} : memref<16x128xf32, #tpu.memory_space<vmem>>, vector<1x16xf32>,
      %swap3A_648 = vector.shape_cast %swap3A_647 : vector<1x16xf32> to vector<16xf32>
      %swap3A_649 = vector.shape_cast %get3A_613 : vector<16xf32> to vector<1x16xf32>
      tpu.vector_store %arg9[%swap3A_645, %swap3A_646], %swap3A_649 {strides = array<i32>} : memref<16x128xf32, #tpu.memory_space<vmem>>, vector<1x16xf32>,
      %swap3A_650 = arith.constant 6 : i32
      %swap3A_651 = arith.index_cast %swap3A_650 : i32 to index
      %swap3A_652 = arith.constant 48 : index
      %swap3A_653 = tpu.vector_load %arg9[%swap3A_651, %swap3A_652] {strides = array<i32>} : memref<16x128xf32, #tpu.memory_space<vmem>>, vector<1x16xf32>,
      %swap3A_654 = vector.shape_cast %swap3A_653 : vector<1x16xf32> to vector<16xf32>
      %swap3A_655 = vector.shape_cast %get3A_613 : vector<16xf32> to vector<1x16xf32>
      tpu.vector_store %arg9[%swap3A_651, %swap3A_652], %swap3A_655 {strides = array<i32>} : memref<16x128xf32, #tpu.memory_space<vmem>>, vector<1x16xf32>,
      %swap3A_656 = arith.constant 7 : i32
      %swap3A_657 = arith.index_cast %swap3A_656 : i32 to index
      %swap3A_658 = arith.constant 48 : index
      %swap3A_659 = tpu.vector_load %arg9[%swap3A_657, %swap3A_658] {strides = array<i32>} : memref<16x128xf32, #tpu.memory_space<vmem>>, vector<1x16xf32>,
      %swap3A_660 = vector.shape_cast %swap3A_659 : vector<1x16xf32> to vector<16xf32>
      %swap3A_661 = vector.shape_cast %get3A_613 : vector<16xf32> to vector<1x16xf32>
      tpu.vector_store %arg9[%swap3A_657, %swap3A_658], %swap3A_661 {strides = array<i32>} : memref<16x128xf32, #tpu.memory_space<vmem>>, vector<1x16xf32>,
      %swap3A_662 = arith.constant 8 : i32
      %swap3A_663 = arith.index_cast %swap3A_662 : i32 to index
      %swap3A_664 = arith.constant 48 : index
      %swap3A_665 = tpu.vector_load %arg9[%swap3A_663, %swap3A_664] {strides = array<i32>} : memref<16x128xf32, #tpu.memory_space<vmem>>, vector<1x16xf32>,
      %swap3A_666 = vector.shape_cast %swap3A_665 : vector<1x16xf32> to vector<16xf32>
      %swap3A_667 = vector.shape_cast %get3A_613 : vector<16xf32> to vector<1x16xf32>
      tpu.vector_store %arg9[%swap3A_663, %swap3A_664], %swap3A_667 {strides = array<i32>} : memref<16x128xf32, #tpu.memory_space<vmem>>, vector<1x16xf32>,
      %swap3A_668 = arith.constant 9 : i32
      %swap3A_669 = arith.index_cast %swap3A_668 : i32 to index
      %swap3A_670 = arith.constant 48 : index
      %swap3A_671 = tpu.vector_load %arg9[%swap3A_669, %swap3A_670] {strides = array<i32>} : memref<16x128xf32, #tpu.memory_space<vmem>>, vector<1x16xf32>,
      %swap3A_672 = vector.shape_cast %swap3A_671 : vector<1x16xf32> to vector<16xf32>
      %swap3A_673 = vector.shape_cast %get3A_613 : vector<16xf32> to vector<1x16xf32>
      tpu.vector_store %arg9[%swap3A_669, %swap3A_670], %swap3A_673 {strides = array<i32>} : memref<16x128xf32, #tpu.memory_space<vmem>>, vector<1x16xf32>,
      %swap3A_674 = arith.constant 10 : i32
      %swap3A_675 = arith.index_cast %swap3A_674 : i32 to index
      %swap3A_676 = arith.constant 48 : index
      %swap3A_677 = tpu.vector_load %arg9[%swap3A_675, %swap3A_676] {strides = array<i32>} : memref<16x128xf32, #tpu.memory_space<vmem>>, vector<1x16xf32>,
      %swap3A_678 = vector.shape_cast %swap3A_677 : vector<1x16xf32> to vector<16xf32>
      %swap3A_679 = vector.shape_cast %get3A_613 : vector<16xf32> to vector<1x16xf32>
      tpu.vector_store %arg9[%swap3A_675, %swap3A_676], %swap3A_679 {strides = array<i32>} : memref<16x128xf32, #tpu.memory_space<vmem>>, vector<1x16xf32>,
      %swap3A_680 = arith.constant 11 : i32
      %swap3A_681 = arith.index_cast %swap3A_680 : i32 to index
      %swap3A_682 = arith.constant 48 : index
      %swap3A_683 = tpu.vector_load %arg9[%swap3A_681, %swap3A_682] {strides = array<i32>} : memref<16x128xf32, #tpu.memory_space<vmem>>, vector<1x16xf32>,
      %swap3A_684 = vector.shape_cast %swap3A_683 : vector<1x16xf32> to vector<16xf32>
      %swap3A_685 = vector.shape_cast %get3A_613 : vector<16xf32> to vector<1x16xf32>
      tpu.vector_store %arg9[%swap3A_681, %swap3A_682], %swap3A_685 {strides = array<i32>} : memref<16x128xf32, #tpu.memory_space<vmem>>, vector<1x16xf32>,
      %swap3A_686 = arith.constant 12 : i32
      %swap3A_687 = arith.index_cast %swap3A_686 : i32 to index
      %swap3A_688 = arith.constant 48 : index
      %swap3A_689 = tpu.vector_load %arg9[%swap3A_687, %swap3A_688] {strides = array<i32>} : memref<16x128xf32, #tpu.memory_space<vmem>>, vector<1x16xf32>,
      %swap3A_690 = vector.shape_cast %swap3A_689 : vector<1x16xf32> to vector<16xf32>
      %swap3A_691 = vector.shape_cast %get3A_613 : vector<16xf32> to vector<1x16xf32>
      tpu.vector_store %arg9[%swap3A_687, %swap3A_688], %swap3A_691 {strides = array<i32>} : memref<16x128xf32, #tpu.memory_space<vmem>>, vector<1x16xf32>,
      %swap3A_692 = arith.constant 13 : i32
      %swap3A_693 = arith.index_cast %swap3A_692 : i32 to index
      %swap3A_694 = arith.constant 48 : index
      %swap3A_695 = tpu.vector_load %arg9[%swap3A_693, %swap3A_694] {strides = array<i32>} : memref<16x128xf32, #tpu.memory_space<vmem>>, vector<1x16xf32>,
      %swap3A_696 = vector.shape_cast %swap3A_695 : vector<1x16xf32> to vector<16xf32>
      %swap3A_697 = vector.shape_cast %get3A_613 : vector<16xf32> to vector<1x16xf32>
      tpu.vector_store %arg9[%swap3A_693, %swap3A_694], %swap3A_697 {strides = array<i32>} : memref<16x128xf32, #tpu.memory_space<vmem>>, vector<1x16xf32>,
      %swap3A_698 = arith.constant 14 : i32
      %swap3A_699 = arith.index_cast %swap3A_698 : i32 to index
      %swap3A_700 = arith.constant 48 : index
      %swap3A_701 = tpu.vector_load %arg9[%swap3A_699, %swap3A_700] {strides = array<i32>} : memref<16x128xf32, #tpu.memory_space<vmem>>, vector<1x16xf32>,
      %swap3A_702 = vector.shape_cast %swap3A_701 : vector<1x16xf32> to vector<16xf32>
      %swap3A_703 = vector.shape_cast %get3A_613 : vector<16xf32> to vector<1x16xf32>
      tpu.vector_store %arg9[%swap3A_699, %swap3A_700], %swap3A_703 {strides = array<i32>} : memref<16x128xf32, #tpu.memory_space<vmem>>, vector<1x16xf32>,
      %swap3A_704 = arith.constant 15 : i32
      %swap3A_705 = arith.index_cast %swap3A_704 : i32 to index
      %swap3A_706 = arith.constant 48 : index
      %swap3A_707 = tpu.vector_load %arg9[%swap3A_705, %swap3A_706] {strides = array<i32>} : memref<16x128xf32, #tpu.memory_space<vmem>>, vector<1x16xf32>,
      %swap3A_708 = vector.shape_cast %swap3A_707 : vector<1x16xf32> to vector<16xf32>
      %swap3A_709 = vector.shape_cast %get3A_613 : vector<16xf32> to vector<1x16xf32>
      tpu.vector_store %arg9[%swap3A_705, %swap3A_706], %swap3A_709 {strides = array<i32>} : memref<16x128xf32, #tpu.memory_space<vmem>>, vector<1x16xf32>,
      %get3A_710 = arith.index_cast %add3A_43 : i32 to index
      %get3A_711 = arith.constant 64 : index
      %get3A_712 = tpu.vector_load %arg8[%get3A_710, %get3A_711] {strides = array<i32>} : memref<20x128xf32, #tpu.memory_space<vmem>>, vector<1x16xf32>,
      %get3A_713 = vector.shape_cast %get3A_712 : vector<1x16xf32> to vector<16xf32>
      %swap3A_714 = arith.constant 0 : i32
      %swap3A_715 = arith.index_cast %swap3A_714 : i32 to index
      %swap3A_716 = arith.constant 64 : index
      %swap3A_717 = tpu.vector_load %arg9[%swap3A_715, %swap3A_716] {strides = array<i32>} : memref<16x128xf32, #tpu.memory_space<vmem>>, vector<1x16xf32>,
      %swap3A_718 = vector.shape_cast %swap3A_717 : vector<1x16xf32> to vector<16xf32>
      %swap3A_719 = vector.shape_cast %get3A_713 : vector<16xf32> to vector<1x16xf32>
      tpu.vector_store %arg9[%swap3A_715, %swap3A_716], %swap3A_719 {strides = array<i32>} : memref<16x128xf32, #tpu.memory_space<vmem>>, vector<1x16xf32>,
      %swap3A_720 = arith.constant 1 : i32
      %swap3A_721 = arith.index_cast %swap3A_720 : i32 to index
      %swap3A_722 = arith.constant 64 : index
      %swap3A_723 = tpu.vector_load %arg9[%swap3A_721, %swap3A_722] {strides = array<i32>} : memref<16x128xf32, #tpu.memory_space<vmem>>, vector<1x16xf32>,
      %swap3A_724 = vector.shape_cast %swap3A_723 : vector<1x16xf32> to vector<16xf32>
      %swap3A_725 = vector.shape_cast %get3A_713 : vector<16xf32> to vector<1x16xf32>
      tpu.vector_store %arg9[%swap3A_721, %swap3A_722], %swap3A_725 {strides = array<i32>} : memref<16x128xf32, #tpu.memory_space<vmem>>, vector<1x16xf32>,
      %swap3A_726 = arith.constant 2 : i32
      %swap3A_727 = arith.index_cast %swap3A_726 : i32 to index
      %swap3A_728 = arith.constant 64 : index
      %swap3A_729 = tpu.vector_load %arg9[%swap3A_727, %swap3A_728] {strides = array<i32>} : memref<16x128xf32, #tpu.memory_space<vmem>>, vector<1x16xf32>,
      %swap3A_730 = vector.shape_cast %swap3A_729 : vector<1x16xf32> to vector<16xf32>
      %swap3A_731 = vector.shape_cast %get3A_713 : vector<16xf32> to vector<1x16xf32>
      tpu.vector_store %arg9[%swap3A_727, %swap3A_728], %swap3A_731 {strides = array<i32>} : memref<16x128xf32, #tpu.memory_space<vmem>>, vector<1x16xf32>,
      %swap3A_732 = arith.constant 3 : i32
      %swap3A_733 = arith.index_cast %swap3A_732 : i32 to index
      %swap3A_734 = arith.constant 64 : index
      %swap3A_735 = tpu.vector_load %arg9[%swap3A_733, %swap3A_734] {strides = array<i32>} : memref<16x128xf32, #tpu.memory_space<vmem>>, vector<1x16xf32>,
      %swap3A_736 = vector.shape_cast %swap3A_735 : vector<1x16xf32> to vector<16xf32>
      %swap3A_737 = vector.shape_cast %get3A_713 : vector<16xf32> to vector<1x16xf32>
      tpu.vector_store %arg9[%swap3A_733, %swap3A_734], %swap3A_737 {strides = array<i32>} : memref<16x128xf32, #tpu.memory_space<vmem>>, vector<1x16xf32>,
      %swap3A_738 = arith.constant 4 : i32
      %swap3A_739 = arith.index_cast %swap3A_738 : i32 to index
      %swap3A_740 = arith.constant 64 : index
      %swap3A_741 = tpu.vector_load %arg9[%swap3A_739, %swap3A_740] {strides = array<i32>} : memref<16x128xf32, #tpu.memory_space<vmem>>, vector<1x16xf32>,
      %swap3A_742 = vector.shape_cast %swap3A_741 : vector<1x16xf32> to vector<16xf32>
      %swap3A_743 = vector.shape_cast %get3A_713 : vector<16xf32> to vector<1x16xf32>
      tpu.vector_store %arg9[%swap3A_739, %swap3A_740], %swap3A_743 {strides = array<i32>} : memref<16x128xf32, #tpu.memory_space<vmem>>, vector<1x16xf32>,
      %swap3A_744 = arith.constant 5 : i32
      %swap3A_745 = arith.index_cast %swap3A_744 : i32 to index
      %swap3A_746 = arith.constant 64 : index
      %swap3A_747 = tpu.vector_load %arg9[%swap3A_745, %swap3A_746] {strides = array<i32>} : memref<16x128xf32, #tpu.memory_space<vmem>>, vector<1x16xf32>,
      %swap3A_748 = vector.shape_cast %swap3A_747 : vector<1x16xf32> to vector<16xf32>
      %swap3A_749 = vector.shape_cast %get3A_713 : vector<16xf32> to vector<1x16xf32>
      tpu.vector_store %arg9[%swap3A_745, %swap3A_746], %swap3A_749 {strides = array<i32>} : memref<16x128xf32, #tpu.memory_space<vmem>>, vector<1x16xf32>,
      %swap3A_750 = arith.constant 6 : i32
      %swap3A_751 = arith.index_cast %swap3A_750 : i32 to index
      %swap3A_752 = arith.constant 64 : index
      %swap3A_753 = tpu.vector_load %arg9[%swap3A_751, %swap3A_752] {strides = array<i32>} : memref<16x128xf32, #tpu.memory_space<vmem>>, vector<1x16xf32>,
      %swap3A_754 = vector.shape_cast %swap3A_753 : vector<1x16xf32> to vector<16xf32>
      %swap3A_755 = vector.shape_cast %get3A_713 : vector<16xf32> to vector<1x16xf32>
      tpu.vector_store %arg9[%swap3A_751, %swap3A_752], %swap3A_755 {strides = array<i32>} : memref<16x128xf32, #tpu.memory_space<vmem>>, vector<1x16xf32>,
      %swap3A_756 = arith.constant 7 : i32
      %swap3A_757 = arith.index_cast %swap3A_756 : i32 to index
      %swap3A_758 = arith.constant 64 : index
      %swap3A_759 = tpu.vector_load %arg9[%swap3A_757, %swap3A_758] {strides = array<i32>} : memref<16x128xf32, #tpu.memory_space<vmem>>, vector<1x16xf32>,
      %swap3A_760 = vector.shape_cast %swap3A_759 : vector<1x16xf32> to vector<16xf32>
      %swap3A_761 = vector.shape_cast %get3A_713 : vector<16xf32> to vector<1x16xf32>
      tpu.vector_store %arg9[%swap3A_757, %swap3A_758], %swap3A_761 {strides = array<i32>} : memref<16x128xf32, #tpu.memory_space<vmem>>, vector<1x16xf32>,
      %swap3A_762 = arith.constant 8 : i32
      %swap3A_763 = arith.index_cast %swap3A_762 : i32 to index
      %swap3A_764 = arith.constant 64 : index
      %swap3A_765 = tpu.vector_load %arg9[%swap3A_763, %swap3A_764] {strides = array<i32>} : memref<16x128xf32, #tpu.memory_space<vmem>>, vector<1x16xf32>,
      %swap3A_766 = vector.shape_cast %swap3A_765 : vector<1x16xf32> to vector<16xf32>
      %swap3A_767 = vector.shape_cast %get3A_713 : vector<16xf32> to vector<1x16xf32>
      tpu.vector_store %arg9[%swap3A_763, %swap3A_764], %swap3A_767 {strides = array<i32>} : memref<16x128xf32, #tpu.memory_space<vmem>>, vector<1x16xf32>,
      %swap3A_768 = arith.constant 9 : i32
      %swap3A_769 = arith.index_cast %swap3A_768 : i32 to index
      %swap3A_770 = arith.constant 64 : index
      %swap3A_771 = tpu.vector_load %arg9[%swap3A_769, %swap3A_770] {strides = array<i32>} : memref<16x128xf32, #tpu.memory_space<vmem>>, vector<1x16xf32>,
      %swap3A_772 = vector.shape_cast %swap3A_771 : vector<1x16xf32> to vector<16xf32>
      %swap3A_773 = vector.shape_cast %get3A_713 : vector<16xf32> to vector<1x16xf32>
      tpu.vector_store %arg9[%swap3A_769, %swap3A_770], %swap3A_773 {strides = array<i32>} : memref<16x128xf32, #tpu.memory_space<vmem>>, vector<1x16xf32>,
      %swap3A_774 = arith.constant 10 : i32
      %swap3A_775 = arith.index_cast %swap3A_774 : i32 to index
      %swap3A_776 = arith.constant 64 : index
      %swap3A_777 = tpu.vector_load %arg9[%swap3A_775, %swap3A_776] {strides = array<i32>} : memref<16x128xf32, #tpu.memory_space<vmem>>, vector<1x16xf32>,
      %swap3A_778 = vector.shape_cast %swap3A_777 : vector<1x16xf32> to vector<16xf32>
      %swap3A_779 = vector.shape_cast %get3A_713 : vector<16xf32> to vector<1x16xf32>
      tpu.vector_store %arg9[%swap3A_775, %swap3A_776], %swap3A_779 {strides = array<i32>} : memref<16x128xf32, #tpu.memory_space<vmem>>, vector<1x16xf32>,
      %swap3A_780 = arith.constant 11 : i32
      %swap3A_781 = arith.index_cast %swap3A_780 : i32 to index
      %swap3A_782 = arith.constant 64 : index
      %swap3A_783 = tpu.vector_load %arg9[%swap3A_781, %swap3A_782] {strides = array<i32>} : memref<16x128xf32, #tpu.memory_space<vmem>>, vector<1x16xf32>,
      %swap3A_784 = vector.shape_cast %swap3A_783 : vector<1x16xf32> to vector<16xf32>
      %swap3A_785 = vector.shape_cast %get3A_713 : vector<16xf32> to vector<1x16xf32>
      tpu.vector_store %arg9[%swap3A_781, %swap3A_782], %swap3A_785 {strides = array<i32>} : memref<16x128xf32, #tpu.memory_space<vmem>>, vector<1x16xf32>,
      %swap3A_786 = arith.constant 12 : i32
      %swap3A_787 = arith.index_cast %swap3A_786 : i32 to index
      %swap3A_788 = arith.constant 64 : index
      %swap3A_789 = tpu.vector_load %arg9[%swap3A_787, %swap3A_788] {strides = array<i32>} : memref<16x128xf32, #tpu.memory_space<vmem>>, vector<1x16xf32>,
      %swap3A_790 = vector.shape_cast %swap3A_789 : vector<1x16xf32> to vector<16xf32>
      %swap3A_791 = vector.shape_cast %get3A_713 : vector<16xf32> to vector<1x16xf32>
      tpu.vector_store %arg9[%swap3A_787, %swap3A_788], %swap3A_791 {strides = array<i32>} : memref<16x128xf32, #tpu.memory_space<vmem>>, vector<1x16xf32>,
      %swap3A_792 = arith.constant 13 : i32
      %swap3A_793 = arith.index_cast %swap3A_792 : i32 to index
      %swap3A_794 = arith.constant 64 : index
      %swap3A_795 = tpu.vector_load %arg9[%swap3A_793, %swap3A_794] {strides = array<i32>} : memref<16x128xf32, #tpu.memory_space<vmem>>, vector<1x16xf32>,
      %swap3A_796 = vector.shape_cast %swap3A_795 : vector<1x16xf32> to vector<16xf32>
      %swap3A_797 = vector.shape_cast %get3A_713 : vector<16xf32> to vector<1x16xf32>
      tpu.vector_store %arg9[%swap3A_793, %swap3A_794], %swap3A_797 {strides = array<i32>} : memref<16x128xf32, #tpu.memory_space<vmem>>, vector<1x16xf32>,
      %swap3A_798 = arith.constant 14 : i32
      %swap3A_799 = arith.index_cast %swap3A_798 : i32 to index
      %swap3A_800 = arith.constant 64 : index
      %swap3A_801 = tpu.vector_load %arg9[%swap3A_799, %swap3A_800] {strides = array<i32>} : memref<16x128xf32, #tpu.memory_space<vmem>>, vector<1x16xf32>,
      %swap3A_802 = vector.shape_cast %swap3A_801 : vector<1x16xf32> to vector<16xf32>
      %swap3A_803 = vector.shape_cast %get3A_713 : vector<16xf32> to vector<1x16xf32>
      tpu.vector_store %arg9[%swap3A_799, %swap3A_800], %swap3A_803 {strides = array<i32>} : memref<16x128xf32, #tpu.memory_space<vmem>>, vector<1x16xf32>,
      %swap3A_804 = arith.constant 15 : i32
      %swap3A_805 = arith.index_cast %swap3A_804 : i32 to index
      %swap3A_806 = arith.constant 64 : index
      %swap3A_807 = tpu.vector_load %arg9[%swap3A_805, %swap3A_806] {strides = array<i32>} : memref<16x128xf32, #tpu.memory_space<vmem>>, vector<1x16xf32>,
      %swap3A_808 = vector.shape_cast %swap3A_807 : vector<1x16xf32> to vector<16xf32>
      %swap3A_809 = vector.shape_cast %get3A_713 : vector<16xf32> to vector<1x16xf32>
      tpu.vector_store %arg9[%swap3A_805, %swap3A_806], %swap3A_809 {strides = array<i32>} : memref<16x128xf32, #tpu.memory_space<vmem>>, vector<1x16xf32>,
      %get3A_810 = arith.index_cast %add3A_43 : i32 to index
      %get3A_811 = arith.constant 80 : index
      %get3A_812 = tpu.vector_load %arg8[%get3A_810, %get3A_811] {strides = array<i32>} : memref<20x128xf32, #tpu.memory_space<vmem>>, vector<1x16xf32>,
      %get3A_813 = vector.shape_cast %get3A_812 : vector<1x16xf32> to vector<16xf32>
      %swap3A_814 = arith.constant 0 : i32
      %swap3A_815 = arith.index_cast %swap3A_814 : i32 to index
      %swap3A_816 = arith.constant 80 : index
      %swap3A_817 = tpu.vector_load %arg9[%swap3A_815, %swap3A_816] {strides = array<i32>} : memref<16x128xf32, #tpu.memory_space<vmem>>, vector<1x16xf32>,
      %swap3A_818 = vector.shape_cast %swap3A_817 : vector<1x16xf32> to vector<16xf32>
      %swap3A_819 = vector.shape_cast %get3A_813 : vector<16xf32> to vector<1x16xf32>
      tpu.vector_store %arg9[%swap3A_815, %swap3A_816], %swap3A_819 {strides = array<i32>} : memref<16x128xf32, #tpu.memory_space<vmem>>, vector<1x16xf32>,
      %swap3A_820 = arith.constant 1 : i32
      %swap3A_821 = arith.index_cast %swap3A_820 : i32 to index
      %swap3A_822 = arith.constant 80 : index
      %swap3A_823 = tpu.vector_load %arg9[%swap3A_821, %swap3A_822] {strides = array<i32>} : memref<16x128xf32, #tpu.memory_space<vmem>>, vector<1x16xf32>,
      %swap3A_824 = vector.shape_cast %swap3A_823 : vector<1x16xf32> to vector<16xf32>
      %swap3A_825 = vector.shape_cast %get3A_813 : vector<16xf32> to vector<1x16xf32>
      tpu.vector_store %arg9[%swap3A_821, %swap3A_822], %swap3A_825 {strides = array<i32>} : memref<16x128xf32, #tpu.memory_space<vmem>>, vector<1x16xf32>,
      %swap3A_826 = arith.constant 2 : i32
      %swap3A_827 = arith.index_cast %swap3A_826 : i32 to index
      %swap3A_828 = arith.constant 80 : index
      %swap3A_829 = tpu.vector_load %arg9[%swap3A_827, %swap3A_828] {strides = array<i32>} : memref<16x128xf32, #tpu.memory_space<vmem>>, vector<1x16xf32>,
      %swap3A_830 = vector.shape_cast %swap3A_829 : vector<1x16xf32> to vector<16xf32>
      %swap3A_831 = vector.shape_cast %get3A_813 : vector<16xf32> to vector<1x16xf32>
      tpu.vector_store %arg9[%swap3A_827, %swap3A_828], %swap3A_831 {strides = array<i32>} : memref<16x128xf32, #tpu.memory_space<vmem>>, vector<1x16xf32>,
      %swap3A_832 = arith.constant 3 : i32
      %swap3A_833 = arith.index_cast %swap3A_832 : i32 to index
      %swap3A_834 = arith.constant 80 : index
      %swap3A_835 = tpu.vector_load %arg9[%swap3A_833, %swap3A_834] {strides = array<i32>} : memref<16x128xf32, #tpu.memory_space<vmem>>, vector<1x16xf32>,
      %swap3A_836 = vector.shape_cast %swap3A_835 : vector<1x16xf32> to vector<16xf32>
      %swap3A_837 = vector.shape_cast %get3A_813 : vector<16xf32> to vector<1x16xf32>
      tpu.vector_store %arg9[%swap3A_833, %swap3A_834], %swap3A_837 {strides = array<i32>} : memref<16x128xf32, #tpu.memory_space<vmem>>, vector<1x16xf32>,
      %swap3A_838 = arith.constant 4 : i32
      %swap3A_839 = arith.index_cast %swap3A_838 : i32 to index
      %swap3A_840 = arith.constant 80 : index
      %swap3A_841 = tpu.vector_load %arg9[%swap3A_839, %swap3A_840] {strides = array<i32>} : memref<16x128xf32, #tpu.memory_space<vmem>>, vector<1x16xf32>,
      %swap3A_842 = vector.shape_cast %swap3A_841 : vector<1x16xf32> to vector<16xf32>
      %swap3A_843 = vector.shape_cast %get3A_813 : vector<16xf32> to vector<1x16xf32>
      tpu.vector_store %arg9[%swap3A_839, %swap3A_840], %swap3A_843 {strides = array<i32>} : memref<16x128xf32, #tpu.memory_space<vmem>>, vector<1x16xf32>,
      %swap3A_844 = arith.constant 5 : i32
      %swap3A_845 = arith.index_cast %swap3A_844 : i32 to index
      %swap3A_846 = arith.constant 80 : index
      %swap3A_847 = tpu.vector_load %arg9[%swap3A_845, %swap3A_846] {strides = array<i32>} : memref<16x128xf32, #tpu.memory_space<vmem>>, vector<1x16xf32>,
      %swap3A_848 = vector.shape_cast %swap3A_847 : vector<1x16xf32> to vector<16xf32>
      %swap3A_849 = vector.shape_cast %get3A_813 : vector<16xf32> to vector<1x16xf32>
      tpu.vector_store %arg9[%swap3A_845, %swap3A_846], %swap3A_849 {strides = array<i32>} : memref<16x128xf32, #tpu.memory_space<vmem>>, vector<1x16xf32>,
      %swap3A_850 = arith.constant 6 : i32
      %swap3A_851 = arith.index_cast %swap3A_850 : i32 to index
      %swap3A_852 = arith.constant 80 : index
      %swap3A_853 = tpu.vector_load %arg9[%swap3A_851, %swap3A_852] {strides = array<i32>} : memref<16x128xf32, #tpu.memory_space<vmem>>, vector<1x16xf32>,
      %swap3A_854 = vector.shape_cast %swap3A_853 : vector<1x16xf32> to vector<16xf32>
      %swap3A_855 = vector.shape_cast %get3A_813 : vector<16xf32> to vector<1x16xf32>
      tpu.vector_store %arg9[%swap3A_851, %swap3A_852], %swap3A_855 {strides = array<i32>} : memref<16x128xf32, #tpu.memory_space<vmem>>, vector<1x16xf32>,
      %swap3A_856 = arith.constant 7 : i32
      %swap3A_857 = arith.index_cast %swap3A_856 : i32 to index
      %swap3A_858 = arith.constant 80 : index
      %swap3A_859 = tpu.vector_load %arg9[%swap3A_857, %swap3A_858] {strides = array<i32>} : memref<16x128xf32, #tpu.memory_space<vmem>>, vector<1x16xf32>,
      %swap3A_860 = vector.shape_cast %swap3A_859 : vector<1x16xf32> to vector<16xf32>
      %swap3A_861 = vector.shape_cast %get3A_813 : vector<16xf32> to vector<1x16xf32>
      tpu.vector_store %arg9[%swap3A_857, %swap3A_858], %swap3A_861 {strides = array<i32>} : memref<16x128xf32, #tpu.memory_space<vmem>>, vector<1x16xf32>,
      %swap3A_862 = arith.constant 8 : i32
      %swap3A_863 = arith.index_cast %swap3A_862 : i32 to index
      %swap3A_864 = arith.constant 80 : index
      %swap3A_865 = tpu.vector_load %arg9[%swap3A_863, %swap3A_864] {strides = array<i32>} : memref<16x128xf32, #tpu.memory_space<vmem>>, vector<1x16xf32>,
      %swap3A_866 = vector.shape_cast %swap3A_865 : vector<1x16xf32> to vector<16xf32>
      %swap3A_867 = vector.shape_cast %get3A_813 : vector<16xf32> to vector<1x16xf32>
      tpu.vector_store %arg9[%swap3A_863, %swap3A_864], %swap3A_867 {strides = array<i32>} : memref<16x128xf32, #tpu.memory_space<vmem>>, vector<1x16xf32>,
      %swap3A_868 = arith.constant 9 : i32
      %swap3A_869 = arith.index_cast %swap3A_868 : i32 to index
      %swap3A_870 = arith.constant 80 : index
      %swap3A_871 = tpu.vector_load %arg9[%swap3A_869, %swap3A_870] {strides = array<i32>} : memref<16x128xf32, #tpu.memory_space<vmem>>, vector<1x16xf32>,
      %swap3A_872 = vector.shape_cast %swap3A_871 : vector<1x16xf32> to vector<16xf32>
      %swap3A_873 = vector.shape_cast %get3A_813 : vector<16xf32> to vector<1x16xf32>
      tpu.vector_store %arg9[%swap3A_869, %swap3A_870], %swap3A_873 {strides = array<i32>} : memref<16x128xf32, #tpu.memory_space<vmem>>, vector<1x16xf32>,
      %swap3A_874 = arith.constant 10 : i32
      %swap3A_875 = arith.index_cast %swap3A_874 : i32 to index
      %swap3A_876 = arith.constant 80 : index
      %swap3A_877 = tpu.vector_load %arg9[%swap3A_875, %swap3A_876] {strides = array<i32>} : memref<16x128xf32, #tpu.memory_space<vmem>>, vector<1x16xf32>,
      %swap3A_878 = vector.shape_cast %swap3A_877 : vector<1x16xf32> to vector<16xf32>
      %swap3A_879 = vector.shape_cast %get3A_813 : vector<16xf32> to vector<1x16xf32>
      tpu.vector_store %arg9[%swap3A_875, %swap3A_876], %swap3A_879 {strides = array<i32>} : memref<16x128xf32, #tpu.memory_space<vmem>>, vector<1x16xf32>,
      %swap3A_880 = arith.constant 11 : i32
      %swap3A_881 = arith.index_cast %swap3A_880 : i32 to index
      %swap3A_882 = arith.constant 80 : index
      %swap3A_883 = tpu.vector_load %arg9[%swap3A_881, %swap3A_882] {strides = array<i32>} : memref<16x128xf32, #tpu.memory_space<vmem>>, vector<1x16xf32>,
      %swap3A_884 = vector.shape_cast %swap3A_883 : vector<1x16xf32> to vector<16xf32>
      %swap3A_885 = vector.shape_cast %get3A_813 : vector<16xf32> to vector<1x16xf32>
      tpu.vector_store %arg9[%swap3A_881, %swap3A_882], %swap3A_885 {strides = array<i32>} : memref<16x128xf32, #tpu.memory_space<vmem>>, vector<1x16xf32>,
      %swap3A_886 = arith.constant 12 : i32
      %swap3A_887 = arith.index_cast %swap3A_886 : i32 to index
      %swap3A_888 = arith.constant 80 : index
      %swap3A_889 = tpu.vector_load %arg9[%swap3A_887, %swap3A_888] {strides = array<i32>} : memref<16x128xf32, #tpu.memory_space<vmem>>, vector<1x16xf32>,
      %swap3A_890 = vector.shape_cast %swap3A_889 : vector<1x16xf32> to vector<16xf32>
      %swap3A_891 = vector.shape_cast %get3A_813 : vector<16xf32> to vector<1x16xf32>
      tpu.vector_store %arg9[%swap3A_887, %swap3A_888], %swap3A_891 {strides = array<i32>} : memref<16x128xf32, #tpu.memory_space<vmem>>, vector<1x16xf32>,
      %swap3A_892 = arith.constant 13 : i32
      %swap3A_893 = arith.index_cast %swap3A_892 : i32 to index
      %swap3A_894 = arith.constant 80 : index
      %swap3A_895 = tpu.vector_load %arg9[%swap3A_893, %swap3A_894] {strides = array<i32>} : memref<16x128xf32, #tpu.memory_space<vmem>>, vector<1x16xf32>,
      %swap3A_896 = vector.shape_cast %swap3A_895 : vector<1x16xf32> to vector<16xf32>
      %swap3A_897 = vector.shape_cast %get3A_813 : vector<16xf32> to vector<1x16xf32>
      tpu.vector_store %arg9[%swap3A_893, %swap3A_894], %swap3A_897 {strides = array<i32>} : memref<16x128xf32, #tpu.memory_space<vmem>>, vector<1x16xf32>,
      %swap3A_898 = arith.constant 14 : i32
      %swap3A_899 = arith.index_cast %swap3A_898 : i32 to index
      %swap3A_900 = arith.constant 80 : index
      %swap3A_901 = tpu.vector_load %arg9[%swap3A_899, %swap3A_900] {strides = array<i32>} : memref<16x128xf32, #tpu.memory_space<vmem>>, vector<1x16xf32>,
      %swap3A_902 = vector.shape_cast %swap3A_901 : vector<1x16xf32> to vector<16xf32>
      %swap3A_903 = vector.shape_cast %get3A_813 : vector<16xf32> to vector<1x16xf32>
      tpu.vector_store %arg9[%swap3A_899, %swap3A_900], %swap3A_903 {strides = array<i32>} : memref<16x128xf32, #tpu.memory_space<vmem>>, vector<1x16xf32>,
      %swap3A_904 = arith.constant 15 : i32
      %swap3A_905 = arith.index_cast %swap3A_904 : i32 to index
      %swap3A_906 = arith.constant 80 : index
      %swap3A_907 = tpu.vector_load %arg9[%swap3A_905, %swap3A_906] {strides = array<i32>} : memref<16x128xf32, #tpu.memory_space<vmem>>, vector<1x16xf32>,
      %swap3A_908 = vector.shape_cast %swap3A_907 : vector<1x16xf32> to vector<16xf32>
      %swap3A_909 = vector.shape_cast %get3A_813 : vector<16xf32> to vector<1x16xf32>
      tpu.vector_store %arg9[%swap3A_905, %swap3A_906], %swap3A_909 {strides = array<i32>} : memref<16x128xf32, #tpu.memory_space<vmem>>, vector<1x16xf32>,
      %get3A_910 = arith.index_cast %add3A_43 : i32 to index
      %get3A_911 = arith.constant 96 : index
      %get3A_912 = tpu.vector_load %arg8[%get3A_910, %get3A_911] {strides = array<i32>} : memref<20x128xf32, #tpu.memory_space<vmem>>, vector<1x16xf32>,
      %get3A_913 = vector.shape_cast %get3A_912 : vector<1x16xf32> to vector<16xf32>
      %swap3A_914 = arith.constant 0 : i32
      %swap3A_915 = arith.index_cast %swap3A_914 : i32 to index
      %swap3A_916 = arith.constant 96 : index
      %swap3A_917 = tpu.vector_load %arg9[%swap3A_915, %swap3A_916] {strides = array<i32>} : memref<16x128xf32, #tpu.memory_space<vmem>>, vector<1x16xf32>,
      %swap3A_918 = vector.shape_cast %swap3A_917 : vector<1x16xf32> to vector<16xf32>
      %swap3A_919 = vector.shape_cast %get3A_913 : vector<16xf32> to vector<1x16xf32>
      tpu.vector_store %arg9[%swap3A_915, %swap3A_916], %swap3A_919 {strides = array<i32>} : memref<16x128xf32, #tpu.memory_space<vmem>>, vector<1x16xf32>,
      %swap3A_920 = arith.constant 1 : i32
      %swap3A_921 = arith.index_cast %swap3A_920 : i32 to index
      %swap3A_922 = arith.constant 96 : index
      %swap3A_923 = tpu.vector_load %arg9[%swap3A_921, %swap3A_922] {strides = array<i32>} : memref<16x128xf32, #tpu.memory_space<vmem>>, vector<1x16xf32>,
      %swap3A_924 = vector.shape_cast %swap3A_923 : vector<1x16xf32> to vector<16xf32>
      %swap3A_925 = vector.shape_cast %get3A_913 : vector<16xf32> to vector<1x16xf32>
      tpu.vector_store %arg9[%swap3A_921, %swap3A_922], %swap3A_925 {strides = array<i32>} : memref<16x128xf32, #tpu.memory_space<vmem>>, vector<1x16xf32>,
      %swap3A_926 = arith.constant 2 : i32
      %swap3A_927 = arith.index_cast %swap3A_926 : i32 to index
      %swap3A_928 = arith.constant 96 : index
      %swap3A_929 = tpu.vector_load %arg9[%swap3A_927, %swap3A_928] {strides = array<i32>} : memref<16x128xf32, #tpu.memory_space<vmem>>, vector<1x16xf32>,
      %swap3A_930 = vector.shape_cast %swap3A_929 : vector<1x16xf32> to vector<16xf32>
      %swap3A_931 = vector.shape_cast %get3A_913 : vector<16xf32> to vector<1x16xf32>
      tpu.vector_store %arg9[%swap3A_927, %swap3A_928], %swap3A_931 {strides = array<i32>} : memref<16x128xf32, #tpu.memory_space<vmem>>, vector<1x16xf32>,
      %swap3A_932 = arith.constant 3 : i32
      %swap3A_933 = arith.index_cast %swap3A_932 : i32 to index
      %swap3A_934 = arith.constant 96 : index
      %swap3A_935 = tpu.vector_load %arg9[%swap3A_933, %swap3A_934] {strides = array<i32>} : memref<16x128xf32, #tpu.memory_space<vmem>>, vector<1x16xf32>,
      %swap3A_936 = vector.shape_cast %swap3A_935 : vector<1x16xf32> to vector<16xf32>
      %swap3A_937 = vector.shape_cast %get3A_913 : vector<16xf32> to vector<1x16xf32>
      tpu.vector_store %arg9[%swap3A_933, %swap3A_934], %swap3A_937 {strides = array<i32>} : memref<16x128xf32, #tpu.memory_space<vmem>>, vector<1x16xf32>,
      %swap3A_938 = arith.constant 4 : i32
      %swap3A_939 = arith.index_cast %swap3A_938 : i32 to index
      %swap3A_940 = arith.constant 96 : index
      %swap3A_941 = tpu.vector_load %arg9[%swap3A_939, %swap3A_940] {strides = array<i32>} : memref<16x128xf32, #tpu.memory_space<vmem>>, vector<1x16xf32>,
      %swap3A_942 = vector.shape_cast %swap3A_941 : vector<1x16xf32> to vector<16xf32>
      %swap3A_943 = vector.shape_cast %get3A_913 : vector<16xf32> to vector<1x16xf32>
      tpu.vector_store %arg9[%swap3A_939, %swap3A_940], %swap3A_943 {strides = array<i32>} : memref<16x128xf32, #tpu.memory_space<vmem>>, vector<1x16xf32>,
      %swap3A_944 = arith.constant 5 : i32
      %swap3A_945 = arith.index_cast %swap3A_944 : i32 to index
      %swap3A_946 = arith.constant 96 : index
      %swap3A_947 = tpu.vector_load %arg9[%swap3A_945, %swap3A_946] {strides = array<i32>} : memref<16x128xf32, #tpu.memory_space<vmem>>, vector<1x16xf32>,
      %swap3A_948 = vector.shape_cast %swap3A_947 : vector<1x16xf32> to vector<16xf32>
      %swap3A_949 = vector.shape_cast %get3A_913 : vector<16xf32> to vector<1x16xf32>
      tpu.vector_store %arg9[%swap3A_945, %swap3A_946], %swap3A_949 {strides = array<i32>} : memref<16x128xf32, #tpu.memory_space<vmem>>, vector<1x16xf32>,
      %swap3A_950 = arith.constant 6 : i32
      %swap3A_951 = arith.index_cast %swap3A_950 : i32 to index
      %swap3A_952 = arith.constant 96 : index
      %swap3A_953 = tpu.vector_load %arg9[%swap3A_951, %swap3A_952] {strides = array<i32>} : memref<16x128xf32, #tpu.memory_space<vmem>>, vector<1x16xf32>,
      %swap3A_954 = vector.shape_cast %swap3A_953 : vector<1x16xf32> to vector<16xf32>
      %swap3A_955 = vector.shape_cast %get3A_913 : vector<16xf32> to vector<1x16xf32>
      tpu.vector_store %arg9[%swap3A_951, %swap3A_952], %swap3A_955 {strides = array<i32>} : memref<16x128xf32, #tpu.memory_space<vmem>>, vector<1x16xf32>,
      %swap3A_956 = arith.constant 7 : i32
      %swap3A_957 = arith.index_cast %swap3A_956 : i32 to index
      %swap3A_958 = arith.constant 96 : index
      %swap3A_959 = tpu.vector_load %arg9[%swap3A_957, %swap3A_958] {strides = array<i32>} : memref<16x128xf32, #tpu.memory_space<vmem>>, vector<1x16xf32>,
      %swap3A_960 = vector.shape_cast %swap3A_959 : vector<1x16xf32> to vector<16xf32>
      %swap3A_961 = vector.shape_cast %get3A_913 : vector<16xf32> to vector<1x16xf32>
      tpu.vector_store %arg9[%swap3A_957, %swap3A_958], %swap3A_961 {strides = array<i32>} : memref<16x128xf32, #tpu.memory_space<vmem>>, vector<1x16xf32>,
      %swap3A_962 = arith.constant 8 : i32
      %swap3A_963 = arith.index_cast %swap3A_962 : i32 to index
      %swap3A_964 = arith.constant 96 : index
      %swap3A_965 = tpu.vector_load %arg9[%swap3A_963, %swap3A_964] {strides = array<i32>} : memref<16x128xf32, #tpu.memory_space<vmem>>, vector<1x16xf32>,
      %swap3A_966 = vector.shape_cast %swap3A_965 : vector<1x16xf32> to vector<16xf32>
      %swap3A_967 = vector.shape_cast %get3A_913 : vector<16xf32> to vector<1x16xf32>
      tpu.vector_store %arg9[%swap3A_963, %swap3A_964], %swap3A_967 {strides = array<i32>} : memref<16x128xf32, #tpu.memory_space<vmem>>, vector<1x16xf32>,
      %swap3A_968 = arith.constant 9 : i32
      %swap3A_969 = arith.index_cast %swap3A_968 : i32 to index
      %swap3A_970 = arith.constant 96 : index
      %swap3A_971 = tpu.vector_load %arg9[%swap3A_969, %swap3A_970] {strides = array<i32>} : memref<16x128xf32, #tpu.memory_space<vmem>>, vector<1x16xf32>,
      %swap3A_972 = vector.shape_cast %swap3A_971 : vector<1x16xf32> to vector<16xf32>
      %swap3A_973 = vector.shape_cast %get3A_913 : vector<16xf32> to vector<1x16xf32>
      tpu.vector_store %arg9[%swap3A_969, %swap3A_970], %swap3A_973 {strides = array<i32>} : memref<16x128xf32, #tpu.memory_space<vmem>>, vector<1x16xf32>,
      %swap3A_974 = arith.constant 10 : i32
      %swap3A_975 = arith.index_cast %swap3A_974 : i32 to index
      %swap3A_976 = arith.constant 96 : index
      %swap3A_977 = tpu.vector_load %arg9[%swap3A_975, %swap3A_976] {strides = array<i32>} : memref<16x128xf32, #tpu.memory_space<vmem>>, vector<1x16xf32>,
      %swap3A_978 = vector.shape_cast %swap3A_977 : vector<1x16xf32> to vector<16xf32>
      %swap3A_979 = vector.shape_cast %get3A_913 : vector<16xf32> to vector<1x16xf32>
      tpu.vector_store %arg9[%swap3A_975, %swap3A_976], %swap3A_979 {strides = array<i32>} : memref<16x128xf32, #tpu.memory_space<vmem>>, vector<1x16xf32>,
      %swap3A_980 = arith.constant 11 : i32
      %swap3A_981 = arith.index_cast %swap3A_980 : i32 to index
      %swap3A_982 = arith.constant 96 : index
      %swap3A_983 = tpu.vector_load %arg9[%swap3A_981, %swap3A_982] {strides = array<i32>} : memref<16x128xf32, #tpu.memory_space<vmem>>, vector<1x16xf32>,
      %swap3A_984 = vector.shape_cast %swap3A_983 : vector<1x16xf32> to vector<16xf32>
      %swap3A_985 = vector.shape_cast %get3A_913 : vector<16xf32> to vector<1x16xf32>
      tpu.vector_store %arg9[%swap3A_981, %swap3A_982], %swap3A_985 {strides = array<i32>} : memref<16x128xf32, #tpu.memory_space<vmem>>, vector<1x16xf32>,
      %swap3A_986 = arith.constant 12 : i32
      %swap3A_987 = arith.index_cast %swap3A_986 : i32 to index
      %swap3A_988 = arith.constant 96 : index
      %swap3A_989 = tpu.vector_load %arg9[%swap3A_987, %swap3A_988] {strides = array<i32>} : memref<16x128xf32, #tpu.memory_space<vmem>>, vector<1x16xf32>,
      %swap3A_990 = vector.shape_cast %swap3A_989 : vector<1x16xf32> to vector<16xf32>
      %swap3A_991 = vector.shape_cast %get3A_913 : vector<16xf32> to vector<1x16xf32>
      tpu.vector_store %arg9[%swap3A_987, %swap3A_988], %swap3A_991 {strides = array<i32>} : memref<16x128xf32, #tpu.memory_space<vmem>>, vector<1x16xf32>,
      %swap3A_992 = arith.constant 13 : i32
      %swap3A_993 = arith.index_cast %swap3A_992 : i32 to index
      %swap3A_994 = arith.constant 96 : index
      %swap3A_995 = tpu.vector_load %arg9[%swap3A_993, %swap3A_994] {strides = array<i32>} : memref<16x128xf32, #tpu.memory_space<vmem>>, vector<1x16xf32>,
      %swap3A_996 = vector.shape_cast %swap3A_995 : vector<1x16xf32> to vector<16xf32>
      %swap3A_997 = vector.shape_cast %get3A_913 : vector<16xf32> to vector<1x16xf32>
      tpu.vector_store %arg9[%swap3A_993, %swap3A_994], %swap3A_997 {strides = array<i32>} : memref<16x128xf32, #tpu.memory_space<vmem>>, vector<1x16xf32>,
      %swap3A_998 = arith.constant 14 : i32
      %swap3A_999 = arith.index_cast %swap3A_998 : i32 to index
      %swap3A_1000 = arith.constant 96 : index
      %swap3A_1001 = tpu.vector_load %arg9[%swap3A_999, %swap3A_1000] {strides = array<i32>} : memref<16x128xf32, #tpu.memory_space<vmem>>, vector<1x16xf32>,
      %swap3A_1002 = vector.shape_cast %swap3A_1001 : vector<1x16xf32> to vector<16xf32>
      %swap3A_1003 = vector.shape_cast %get3A_913 : vector<16xf32> to vector<1x16xf32>
      tpu.vector_store %arg9[%swap3A_999, %swap3A_1000], %swap3A_1003 {strides = array<i32>} : memref<16x128xf32, #tpu.memory_space<vmem>>, vector<1x16xf32>,
      %swap3A_1004 = arith.constant 15 : i32
      %swap3A_1005 = arith.index_cast %swap3A_1004 : i32 to index
      %swap3A_1006 = arith.constant 96 : index
      %swap3A_1007 = tpu.vector_load %arg9[%swap3A_1005, %swap3A_1006] {strides = array<i32>} : memref<16x128xf32, #tpu.memory_space<vmem>>, vector<1x16xf32>,
      %swap3A_1008 = vector.shape_cast %swap3A_1007 : vector<1x16xf32> to vector<16xf32>
      %swap3A_1009 = vector.shape_cast %get3A_913 : vector<16xf32> to vector<1x16xf32>
      tpu.vector_store %arg9[%swap3A_1005, %swap3A_1006], %swap3A_1009 {strides = array<i32>} : memref<16x128xf32, #tpu.memory_space<vmem>>, vector<1x16xf32>,
      %get3A_1010 = arith.index_cast %add3A_43 : i32 to index
      %get3A_1011 = arith.constant 112 : index
      %get3A_1012 = tpu.vector_load %arg8[%get3A_1010, %get3A_1011] {strides = array<i32>} : memref<20x128xf32, #tpu.memory_space<vmem>>, vector<1x16xf32>,
      %get3A_1013 = vector.shape_cast %get3A_1012 : vector<1x16xf32> to vector<16xf32>
      %swap3A_1014 = arith.constant 0 : i32
      %swap3A_1015 = arith.index_cast %swap3A_1014 : i32 to index
      %swap3A_1016 = arith.constant 112 : index
      %swap3A_1017 = tpu.vector_load %arg9[%swap3A_1015, %swap3A_1016] {strides = array<i32>} : memref<16x128xf32, #tpu.memory_space<vmem>>, vector<1x16xf32>,
      %swap3A_1018 = vector.shape_cast %swap3A_1017 : vector<1x16xf32> to vector<16xf32>
      %swap3A_1019 = vector.shape_cast %get3A_1013 : vector<16xf32> to vector<1x16xf32>
      tpu.vector_store %arg9[%swap3A_1015, %swap3A_1016], %swap3A_1019 {strides = array<i32>} : memref<16x128xf32, #tpu.memory_space<vmem>>, vector<1x16xf32>,
      %swap3A_1020 = arith.constant 1 : i32
      %swap3A_1021 = arith.index_cast %swap3A_1020 : i32 to index
      %swap3A_1022 = arith.constant 112 : index
      %swap3A_1023 = tpu.vector_load %arg9[%swap3A_1021, %swap3A_1022] {strides = array<i32>} : memref<16x128xf32, #tpu.memory_space<vmem>>, vector<1x16xf32>,
      %swap3A_1024 = vector.shape_cast %swap3A_1023 : vector<1x16xf32> to vector<16xf32>
      %swap3A_1025 = vector.shape_cast %get3A_1013 : vector<16xf32> to vector<1x16xf32>
      tpu.vector_store %arg9[%swap3A_1021, %swap3A_1022], %swap3A_1025 {strides = array<i32>} : memref<16x128xf32, #tpu.memory_space<vmem>>, vector<1x16xf32>,
      %swap3A_1026 = arith.constant 2 : i32
      %swap3A_1027 = arith.index_cast %swap3A_1026 : i32 to index
      %swap3A_1028 = arith.constant 112 : index
      %swap3A_1029 = tpu.vector_load %arg9[%swap3A_1027, %swap3A_1028] {strides = array<i32>} : memref<16x128xf32, #tpu.memory_space<vmem>>, vector<1x16xf32>,
      %swap3A_1030 = vector.shape_cast %swap3A_1029 : vector<1x16xf32> to vector<16xf32>
      %swap3A_1031 = vector.shape_cast %get3A_1013 : vector<16xf32> to vector<1x16xf32>
      tpu.vector_store %arg9[%swap3A_1027, %swap3A_1028], %swap3A_1031 {strides = array<i32>} : memref<16x128xf32, #tpu.memory_space<vmem>>, vector<1x16xf32>,
      %swap3A_1032 = arith.constant 3 : i32
      %swap3A_1033 = arith.index_cast %swap3A_1032 : i32 to index
      %swap3A_1034 = arith.constant 112 : index
      %swap3A_1035 = tpu.vector_load %arg9[%swap3A_1033, %swap3A_1034] {strides = array<i32>} : memref<16x128xf32, #tpu.memory_space<vmem>>, vector<1x16xf32>,
      %swap3A_1036 = vector.shape_cast %swap3A_1035 : vector<1x16xf32> to vector<16xf32>
      %swap3A_1037 = vector.shape_cast %get3A_1013 : vector<16xf32> to vector<1x16xf32>
      tpu.vector_store %arg9[%swap3A_1033, %swap3A_1034], %swap3A_1037 {strides = array<i32>} : memref<16x128xf32, #tpu.memory_space<vmem>>, vector<1x16xf32>,
      %swap3A_1038 = arith.constant 4 : i32
      %swap3A_1039 = arith.index_cast %swap3A_1038 : i32 to index
      %swap3A_1040 = arith.constant 112 : index
      %swap3A_1041 = tpu.vector_load %arg9[%swap3A_1039, %swap3A_1040] {strides = array<i32>} : memref<16x128xf32, #tpu.memory_space<vmem>>, vector<1x16xf32>,
      %swap3A_1042 = vector.shape_cast %swap3A_1041 : vector<1x16xf32> to vector<16xf32>
      %swap3A_1043 = vector.shape_cast %get3A_1013 : vector<16xf32> to vector<1x16xf32>
      tpu.vector_store %arg9[%swap3A_1039, %swap3A_1040], %swap3A_1043 {strides = array<i32>} : memref<16x128xf32, #tpu.memory_space<vmem>>, vector<1x16xf32>,
      %swap3A_1044 = arith.constant 5 : i32
      %swap3A_1045 = arith.index_cast %swap3A_1044 : i32 to index
      %swap3A_1046 = arith.constant 112 : index
      %swap3A_1047 = tpu.vector_load %arg9[%swap3A_1045, %swap3A_1046] {strides = array<i32>} : memref<16x128xf32, #tpu.memory_space<vmem>>, vector<1x16xf32>,
      %swap3A_1048 = vector.shape_cast %swap3A_1047 : vector<1x16xf32> to vector<16xf32>
      %swap3A_1049 = vector.shape_cast %get3A_1013 : vector<16xf32> to vector<1x16xf32>
      tpu.vector_store %arg9[%swap3A_1045, %swap3A_1046], %swap3A_1049 {strides = array<i32>} : memref<16x128xf32, #tpu.memory_space<vmem>>, vector<1x16xf32>,
      %swap3A_1050 = arith.constant 6 : i32
      %swap3A_1051 = arith.index_cast %swap3A_1050 : i32 to index
      %swap3A_1052 = arith.constant 112 : index
      %swap3A_1053 = tpu.vector_load %arg9[%swap3A_1051, %swap3A_1052] {strides = array<i32>} : memref<16x128xf32, #tpu.memory_space<vmem>>, vector<1x16xf32>,
      %swap3A_1054 = vector.shape_cast %swap3A_1053 : vector<1x16xf32> to vector<16xf32>
      %swap3A_1055 = vector.shape_cast %get3A_1013 : vector<16xf32> to vector<1x16xf32>
      tpu.vector_store %arg9[%swap3A_1051, %swap3A_1052], %swap3A_1055 {strides = array<i32>} : memref<16x128xf32, #tpu.memory_space<vmem>>, vector<1x16xf32>,
      %swap3A_1056 = arith.constant 7 : i32
      %swap3A_1057 = arith.index_cast %swap3A_1056 : i32 to index
      %swap3A_1058 = arith.constant 112 : index
      %swap3A_1059 = tpu.vector_load %arg9[%swap3A_1057, %swap3A_1058] {strides = array<i32>} : memref<16x128xf32, #tpu.memory_space<vmem>>, vector<1x16xf32>,
      %swap3A_1060 = vector.shape_cast %swap3A_1059 : vector<1x16xf32> to vector<16xf32>
      %swap3A_1061 = vector.shape_cast %get3A_1013 : vector<16xf32> to vector<1x16xf32>
      tpu.vector_store %arg9[%swap3A_1057, %swap3A_1058], %swap3A_1061 {strides = array<i32>} : memref<16x128xf32, #tpu.memory_space<vmem>>, vector<1x16xf32>,
      %swap3A_1062 = arith.constant 8 : i32
      %swap3A_1063 = arith.index_cast %swap3A_1062 : i32 to index
      %swap3A_1064 = arith.constant 112 : index
      %swap3A_1065 = tpu.vector_load %arg9[%swap3A_1063, %swap3A_1064] {strides = array<i32>} : memref<16x128xf32, #tpu.memory_space<vmem>>, vector<1x16xf32>,
      %swap3A_1066 = vector.shape_cast %swap3A_1065 : vector<1x16xf32> to vector<16xf32>
      %swap3A_1067 = vector.shape_cast %get3A_1013 : vector<16xf32> to vector<1x16xf32>
      tpu.vector_store %arg9[%swap3A_1063, %swap3A_1064], %swap3A_1067 {strides = array<i32>} : memref<16x128xf32, #tpu.memory_space<vmem>>, vector<1x16xf32>,
      %swap3A_1068 = arith.constant 9 : i32
      %swap3A_1069 = arith.index_cast %swap3A_1068 : i32 to index
      %swap3A_1070 = arith.constant 112 : index
      %swap3A_1071 = tpu.vector_load %arg9[%swap3A_1069, %swap3A_1070] {strides = array<i32>} : memref<16x128xf32, #tpu.memory_space<vmem>>, vector<1x16xf32>,
      %swap3A_1072 = vector.shape_cast %swap3A_1071 : vector<1x16xf32> to vector<16xf32>
      %swap3A_1073 = vector.shape_cast %get3A_1013 : vector<16xf32> to vector<1x16xf32>
      tpu.vector_store %arg9[%swap3A_1069, %swap3A_1070], %swap3A_1073 {strides = array<i32>} : memref<16x128xf32, #tpu.memory_space<vmem>>, vector<1x16xf32>,
      %swap3A_1074 = arith.constant 10 : i32
      %swap3A_1075 = arith.index_cast %swap3A_1074 : i32 to index
      %swap3A_1076 = arith.constant 112 : index
      %swap3A_1077 = tpu.vector_load %arg9[%swap3A_1075, %swap3A_1076] {strides = array<i32>} : memref<16x128xf32, #tpu.memory_space<vmem>>, vector<1x16xf32>,
      %swap3A_1078 = vector.shape_cast %swap3A_1077 : vector<1x16xf32> to vector<16xf32>
      %swap3A_1079 = vector.shape_cast %get3A_1013 : vector<16xf32> to vector<1x16xf32>
      tpu.vector_store %arg9[%swap3A_1075, %swap3A_1076], %swap3A_1079 {strides = array<i32>} : memref<16x128xf32, #tpu.memory_space<vmem>>, vector<1x16xf32>,
      %swap3A_1080 = arith.constant 11 : i32
      %swap3A_1081 = arith.index_cast %swap3A_1080 : i32 to index
      %swap3A_1082 = arith.constant 112 : index
      %swap3A_1083 = tpu.vector_load %arg9[%swap3A_1081, %swap3A_1082] {strides = array<i32>} : memref<16x128xf32, #tpu.memory_space<vmem>>, vector<1x16xf32>,
      %swap3A_1084 = vector.shape_cast %swap3A_1083 : vector<1x16xf32> to vector<16xf32>
      %swap3A_1085 = vector.shape_cast %get3A_1013 : vector<16xf32> to vector<1x16xf32>
      tpu.vector_store %arg9[%swap3A_1081, %swap3A_1082], %swap3A_1085 {strides = array<i32>} : memref<16x128xf32, #tpu.memory_space<vmem>>, vector<1x16xf32>,
      %swap3A_1086 = arith.constant 12 : i32
      %swap3A_1087 = arith.index_cast %swap3A_1086 : i32 to index
      %swap3A_1088 = arith.constant 112 : index
      %swap3A_1089 = tpu.vector_load %arg9[%swap3A_1087, %swap3A_1088] {strides = array<i32>} : memref<16x128xf32, #tpu.memory_space<vmem>>, vector<1x16xf32>,
      %swap3A_1090 = vector.shape_cast %swap3A_1089 : vector<1x16xf32> to vector<16xf32>
      %swap3A_1091 = vector.shape_cast %get3A_1013 : vector<16xf32> to vector<1x16xf32>
      tpu.vector_store %arg9[%swap3A_1087, %swap3A_1088], %swap3A_1091 {strides = array<i32>} : memref<16x128xf32, #tpu.memory_space<vmem>>, vector<1x16xf32>,
      %swap3A_1092 = arith.constant 13 : i32
      %swap3A_1093 = arith.index_cast %swap3A_1092 : i32 to index
      %swap3A_1094 = arith.constant 112 : index
      %swap3A_1095 = tpu.vector_load %arg9[%swap3A_1093, %swap3A_1094] {strides = array<i32>} : memref<16x128xf32, #tpu.memory_space<vmem>>, vector<1x16xf32>,
      %swap3A_1096 = vector.shape_cast %swap3A_1095 : vector<1x16xf32> to vector<16xf32>
      %swap3A_1097 = vector.shape_cast %get3A_1013 : vector<16xf32> to vector<1x16xf32>
      tpu.vector_store %arg9[%swap3A_1093, %swap3A_1094], %swap3A_1097 {strides = array<i32>} : memref<16x128xf32, #tpu.memory_space<vmem>>, vector<1x16xf32>,
      %swap3A_1098 = arith.constant 14 : i32
      %swap3A_1099 = arith.index_cast %swap3A_1098 : i32 to index
      %swap3A_1100 = arith.constant 112 : index
      %swap3A_1101 = tpu.vector_load %arg9[%swap3A_1099, %swap3A_1100] {strides = array<i32>} : memref<16x128xf32, #tpu.memory_space<vmem>>, vector<1x16xf32>,
      %swap3A_1102 = vector.shape_cast %swap3A_1101 : vector<1x16xf32> to vector<16xf32>
      %swap3A_1103 = vector.shape_cast %get3A_1013 : vector<16xf32> to vector<1x16xf32>
      tpu.vector_store %arg9[%swap3A_1099, %swap3A_1100], %swap3A_1103 {strides = array<i32>} : memref<16x128xf32, #tpu.memory_space<vmem>>, vector<1x16xf32>,
      %swap3A_1104 = arith.constant 15 : i32
      %swap3A_1105 = arith.index_cast %swap3A_1104 : i32 to index
      %swap3A_1106 = arith.constant 112 : index
      %swap3A_1107 = tpu.vector_load %arg9[%swap3A_1105, %swap3A_1106] {strides = array<i32>} : memref<16x128xf32, #tpu.memory_space<vmem>>, vector<1x16xf32>,
      %swap3A_1108 = vector.shape_cast %swap3A_1107 : vector<1x16xf32> to vector<16xf32>
      %swap3A_1109 = vector.shape_cast %get3A_1013 : vector<16xf32> to vector<1x16xf32>
      tpu.vector_store %arg9[%swap3A_1105, %swap3A_1106], %swap3A_1109 {strides = array<i32>} : memref<16x128xf32, #tpu.memory_space<vmem>>, vector<1x16xf32>,
      "tpu.region"() ({
        %run_scoped3A = tpu.sem_alloc : memref<!tpu.dma_semaphore, #tpu.memory_space<semaphore_mem>>
        %dma_start3A_1110 = arith.constant 0 : i32
        %dma_start3A_1111 = arith.constant 0 : i32
        %dma_start3A_1112 = tpu.memref_slice %arg10[%add3A_43, %dma_start3A_1110, %dma_start3A_1111] : memref<20x128x128xf32, #tpu.memory_space<vmem_shared>> -> memref<1x16x128xf32, #tpu.memory_space<vmem_shared>>
        %dma_start3A_1113 = tpu.memref_squeeze %dma_start3A_1112 : memref<1x16x128xf32, #tpu.memory_space<vmem_shared>> -> memref<16x128xf32, #tpu.memory_space<vmem_shared>>
        %dma_start3A_1114 = arith.constant 0 : i32
        %dma_start3A_1115 = arith.constant 0 : i32
        %dma_start3A_1116 = tpu.memref_slice %arg10[%add3A_43, %dma_start3A_1114, %dma_start3A_1115] : memref<20x128x128xf32, #tpu.memory_space<vmem_shared>> -> memref<1x16x128xf32, #tpu.memory_space<vmem_shared>>
        %dma_start3A_1117 = tpu.memref_squeeze %dma_start3A_1116 : memref<1x16x128xf32, #tpu.memory_space<vmem_shared>> -> memref<16x128xf32, #tpu.memory_space<vmem_shared>>
        tpu.enqueue_dma source(%arg9 : memref<16x128xf32, #tpu.memory_space<vmem>>) target(%dma_start3A_1117 : memref<16x128xf32, #tpu.memory_space<vmem_shared>>) target_semaphore(%run_scoped3A : memref<!tpu.dma_semaphore, #tpu.memory_space<semaphore_mem>>)
        %dma_wait3A_1118 = arith.constant 0 : i32
        %dma_wait3A_1119 = arith.constant 0 : i32
        %dma_wait3A_1120 = tpu.memref_slice %arg10[%add3A_43, %dma_wait3A_1118, %dma_wait3A_1119] : memref<20x128x128xf32, #tpu.memory_space<vmem_shared>> -> memref<1x16x128xf32, #tpu.memory_space<vmem_shared>>
        %dma_wait3A_1121 = tpu.memref_squeeze %dma_wait3A_1120 : memref<1x16x128xf32, #tpu.memory_space<vmem_shared>> -> memref<16x128xf32, #tpu.memory_space<vmem_shared>>
        %dma_wait3A_1122 = arith.constant 0 : i32
        %dma_wait3A_1123 = arith.constant 0 : i32
        %dma_wait3A_1124 = tpu.memref_slice %arg10[%add3A_43, %dma_wait3A_1122, %dma_wait3A_1123] : memref<20x128x128xf32, #tpu.memory_space<vmem_shared>> -> memref<1x16x128xf32, #tpu.memory_space<vmem_shared>>
        %dma_wait3A_1125 = tpu.memref_squeeze %dma_wait3A_1124 : memref<1x16x128xf32, #tpu.memory_space<vmem_shared>> -> memref<16x128xf32, #tpu.memory_space<vmem_shared>>
        tpu.wait_dma2 semaphore(%run_scoped3A : memref<!tpu.dma_semaphore, #tpu.memory_space<semaphore_mem>>) src(%arg9 : memref<16x128xf32, #tpu.memory_space<vmem>>) dst(%dma_wait3A_1125 : memref<16x128xf32, #tpu.memory_space<vmem_shared>>)
        tpu.yield
      }) : () -> ()
      "tpu.region"() ({
        %run_scoped3A = tpu.sem_alloc : memref<!tpu.dma_semaphore, #tpu.memory_space<semaphore_mem>>
        %dma_start3A_1110 = arith.constant 16 : i32
        %dma_start3A_1111 = arith.constant 0 : i32
        %dma_start3A_1112 = tpu.memref_slice %arg10[%add3A_43, %dma_start3A_1110, %dma_start3A_1111] : memref<20x128x128xf32, #tpu.memory_space<vmem_shared>> -> memref<1x16x128xf32, #tpu.memory_space<vmem_shared>>
        %dma_start3A_1113 = tpu.memref_squeeze %dma_start3A_1112 : memref<1x16x128xf32, #tpu.memory_space<vmem_shared>> -> memref<16x128xf32, #tpu.memory_space<vmem_shared>>
        %dma_start3A_1114 = arith.constant 16 : i32
        %dma_start3A_1115 = arith.constant 0 : i32
        %dma_start3A_1116 = tpu.memref_slice %arg10[%add3A_43, %dma_start3A_1114, %dma_start3A_1115] : memref<20x128x128xf32, #tpu.memory_space<vmem_shared>> -> memref<1x16x128xf32, #tpu.memory_space<vmem_shared>>
        %dma_start3A_1117 = tpu.memref_squeeze %dma_start3A_1116 : memref<1x16x128xf32, #tpu.memory_space<vmem_shared>> -> memref<16x128xf32, #tpu.memory_space<vmem_shared>>
        tpu.enqueue_dma source(%arg9 : memref<16x128xf32, #tpu.memory_space<vmem>>) target(%dma_start3A_1117 : memref<16x128xf32, #tpu.memory_space<vmem_shared>>) target_semaphore(%run_scoped3A : memref<!tpu.dma_semaphore, #tpu.memory_space<semaphore_mem>>)
        %dma_wait3A_1118 = arith.constant 16 : i32
        %dma_wait3A_1119 = arith.constant 0 : i32
        %dma_wait3A_1120 = tpu.memref_slice %arg10[%add3A_43, %dma_wait3A_1118, %dma_wait3A_1119] : memref<20x128x128xf32, #tpu.memory_space<vmem_shared>> -> memref<1x16x128xf32, #tpu.memory_space<vmem_shared>>
        %dma_wait3A_1121 = tpu.memref_squeeze %dma_wait3A_1120 : memref<1x16x128xf32, #tpu.memory_space<vmem_shared>> -> memref<16x128xf32, #tpu.memory_space<vmem_shared>>
        %dma_wait3A_1122 = arith.constant 16 : i32
        %dma_wait3A_1123 = arith.constant 0 : i32
        %dma_wait3A_1124 = tpu.memref_slice %arg10[%add3A_43, %dma_wait3A_1122, %dma_wait3A_1123] : memref<20x128x128xf32, #tpu.memory_space<vmem_shared>> -> memref<1x16x128xf32, #tpu.memory_space<vmem_shared>>
        %dma_wait3A_1125 = tpu.memref_squeeze %dma_wait3A_1124 : memref<1x16x128xf32, #tpu.memory_space<vmem_shared>> -> memref<16x128xf32, #tpu.memory_space<vmem_shared>>
        tpu.wait_dma2 semaphore(%run_scoped3A : memref<!tpu.dma_semaphore, #tpu.memory_space<semaphore_mem>>) src(%arg9 : memref<16x128xf32, #tpu.memory_space<vmem>>) dst(%dma_wait3A_1125 : memref<16x128xf32, #tpu.memory_space<vmem_shared>>)
        tpu.yield
      }) : () -> ()
      "tpu.region"() ({
        %run_scoped3A = tpu.sem_alloc : memref<!tpu.dma_semaphore, #tpu.memory_space<semaphore_mem>>
        %dma_start3A_1110 = arith.constant 32 : i32
        %dma_start3A_1111 = arith.constant 0 : i32
        %dma_start3A_1112 = tpu.memref_slice %arg10[%add3A_43, %dma_start3A_1110, %dma_start3A_1111] : memref<20x128x128xf32, #tpu.memory_space<vmem_shared>> -> memref<1x16x128xf32, #tpu.memory_space<vmem_shared>>
        %dma_start3A_1113 = tpu.memref_squeeze %dma_start3A_1112 : memref<1x16x128xf32, #tpu.memory_space<vmem_shared>> -> memref<16x128xf32, #tpu.memory_space<vmem_shared>>
        %dma_start3A_1114 = arith.constant 32 : i32
        %dma_start3A_1115 = arith.constant 0 : i32
        %dma_start3A_1116 = tpu.memref_slice %arg10[%add3A_43, %dma_start3A_1114, %dma_start3A_1115] : memref<20x128x128xf32, #tpu.memory_space<vmem_shared>> -> memref<1x16x128xf32, #tpu.memory_space<vmem_shared>>
        %dma_start3A_1117 = tpu.memref_squeeze %dma_start3A_1116 : memref<1x16x128xf32, #tpu.memory_space<vmem_shared>> -> memref<16x128xf32, #tpu.memory_space<vmem_shared>>
        tpu.enqueue_dma source(%arg9 : memref<16x128xf32, #tpu.memory_space<vmem>>) target(%dma_start3A_1117 : memref<16x128xf32, #tpu.memory_space<vmem_shared>>) target_semaphore(%run_scoped3A : memref<!tpu.dma_semaphore, #tpu.memory_space<semaphore_mem>>)
        %dma_wait3A_1118 = arith.constant 32 : i32
        %dma_wait3A_1119 = arith.constant 0 : i32
        %dma_wait3A_1120 = tpu.memref_slice %arg10[%add3A_43, %dma_wait3A_1118, %dma_wait3A_1119] : memref<20x128x128xf32, #tpu.memory_space<vmem_shared>> -> memref<1x16x128xf32, #tpu.memory_space<vmem_shared>>
        %dma_wait3A_1121 = tpu.memref_squeeze %dma_wait3A_1120 : memref<1x16x128xf32, #tpu.memory_space<vmem_shared>> -> memref<16x128xf32, #tpu.memory_space<vmem_shared>>
        %dma_wait3A_1122 = arith.constant 32 : i32
        %dma_wait3A_1123 = arith.constant 0 : i32
        %dma_wait3A_1124 = tpu.memref_slice %arg10[%add3A_43, %dma_wait3A_1122, %dma_wait3A_1123] : memref<20x128x128xf32, #tpu.memory_space<vmem_shared>> -> memref<1x16x128xf32, #tpu.memory_space<vmem_shared>>
        %dma_wait3A_1125 = tpu.memref_squeeze %dma_wait3A_1124 : memref<1x16x128xf32, #tpu.memory_space<vmem_shared>> -> memref<16x128xf32, #tpu.memory_space<vmem_shared>>
        tpu.wait_dma2 semaphore(%run_scoped3A : memref<!tpu.dma_semaphore, #tpu.memory_space<semaphore_mem>>) src(%arg9 : memref<16x128xf32, #tpu.memory_space<vmem>>) dst(%dma_wait3A_1125 : memref<16x128xf32, #tpu.memory_space<vmem_shared>>)
        tpu.yield
      }) : () -> ()
      "tpu.region"() ({
        %run_scoped3A = tpu.sem_alloc : memref<!tpu.dma_semaphore, #tpu.memory_space<semaphore_mem>>
        %dma_start3A_1110 = arith.constant 48 : i32
        %dma_start3A_1111 = arith.constant 0 : i32
        %dma_start3A_1112 = tpu.memref_slice %arg10[%add3A_43, %dma_start3A_1110, %dma_start3A_1111] : memref<20x128x128xf32, #tpu.memory_space<vmem_shared>> -> memref<1x16x128xf32, #tpu.memory_space<vmem_shared>>
        %dma_start3A_1113 = tpu.memref_squeeze %dma_start3A_1112 : memref<1x16x128xf32, #tpu.memory_space<vmem_shared>> -> memref<16x128xf32, #tpu.memory_space<vmem_shared>>
        %dma_start3A_1114 = arith.constant 48 : i32
        %dma_start3A_1115 = arith.constant 0 : i32
        %dma_start3A_1116 = tpu.memref_slice %arg10[%add3A_43, %dma_start3A_1114, %dma_start3A_1115] : memref<20x128x128xf32, #tpu.memory_space<vmem_shared>> -> memref<1x16x128xf32, #tpu.memory_space<vmem_shared>>
        %dma_start3A_1117 = tpu.memref_squeeze %dma_start3A_1116 : memref<1x16x128xf32, #tpu.memory_space<vmem_shared>> -> memref<16x128xf32, #tpu.memory_space<vmem_shared>>
        tpu.enqueue_dma source(%arg9 : memref<16x128xf32, #tpu.memory_space<vmem>>) target(%dma_start3A_1117 : memref<16x128xf32, #tpu.memory_space<vmem_shared>>) target_semaphore(%run_scoped3A : memref<!tpu.dma_semaphore, #tpu.memory_space<semaphore_mem>>)
        %dma_wait3A_1118 = arith.constant 48 : i32
        %dma_wait3A_1119 = arith.constant 0 : i32
        %dma_wait3A_1120 = tpu.memref_slice %arg10[%add3A_43, %dma_wait3A_1118, %dma_wait3A_1119] : memref<20x128x128xf32, #tpu.memory_space<vmem_shared>> -> memref<1x16x128xf32, #tpu.memory_space<vmem_shared>>
        %dma_wait3A_1121 = tpu.memref_squeeze %dma_wait3A_1120 : memref<1x16x128xf32, #tpu.memory_space<vmem_shared>> -> memref<16x128xf32, #tpu.memory_space<vmem_shared>>
        %dma_wait3A_1122 = arith.constant 48 : i32
        %dma_wait3A_1123 = arith.constant 0 : i32
        %dma_wait3A_1124 = tpu.memref_slice %arg10[%add3A_43, %dma_wait3A_1122, %dma_wait3A_1123] : memref<20x128x128xf32, #tpu.memory_space<vmem_shared>> -> memref<1x16x128xf32, #tpu.memory_space<vmem_shared>>
        %dma_wait3A_1125 = tpu.memref_squeeze %dma_wait3A_1124 : memref<1x16x128xf32, #tpu.memory_space<vmem_shared>> -> memref<16x128xf32, #tpu.memory_space<vmem_shared>>
        tpu.wait_dma2 semaphore(%run_scoped3A : memref<!tpu.dma_semaphore, #tpu.memory_space<semaphore_mem>>) src(%arg9 : memref<16x128xf32, #tpu.memory_space<vmem>>) dst(%dma_wait3A_1125 : memref<16x128xf32, #tpu.memory_space<vmem_shared>>)
        tpu.yield
      }) : () -> ()
      "tpu.region"() ({
        %run_scoped3A = tpu.sem_alloc : memref<!tpu.dma_semaphore, #tpu.memory_space<semaphore_mem>>
        %dma_start3A_1110 = arith.constant 64 : i32
        %dma_start3A_1111 = arith.constant 0 : i32
        %dma_start3A_1112 = tpu.memref_slice %arg10[%add3A_43, %dma_start3A_1110, %dma_start3A_1111] : memref<20x128x128xf32, #tpu.memory_space<vmem_shared>> -> memref<1x16x128xf32, #tpu.memory_space<vmem_shared>>
        %dma_start3A_1113 = tpu.memref_squeeze %dma_start3A_1112 : memref<1x16x128xf32, #tpu.memory_space<vmem_shared>> -> memref<16x128xf32, #tpu.memory_space<vmem_shared>>
        %dma_start3A_1114 = arith.constant 64 : i32
        %dma_start3A_1115 = arith.constant 0 : i32
        %dma_start3A_1116 = tpu.memref_slice %arg10[%add3A_43, %dma_start3A_1114, %dma_start3A_1115] : memref<20x128x128xf32, #tpu.memory_space<vmem_shared>> -> memref<1x16x128xf32, #tpu.memory_space<vmem_shared>>
        %dma_start3A_1117 = tpu.memref_squeeze %dma_start3A_1116 : memref<1x16x128xf32, #tpu.memory_space<vmem_shared>> -> memref<16x128xf32, #tpu.memory_space<vmem_shared>>
        tpu.enqueue_dma source(%arg9 : memref<16x128xf32, #tpu.memory_space<vmem>>) target(%dma_start3A_1117 : memref<16x128xf32, #tpu.memory_space<vmem_shared>>) target_semaphore(%run_scoped3A : memref<!tpu.dma_semaphore, #tpu.memory_space<semaphore_mem>>)
        %dma_wait3A_1118 = arith.constant 64 : i32
        %dma_wait3A_1119 = arith.constant 0 : i32
        %dma_wait3A_1120 = tpu.memref_slice %arg10[%add3A_43, %dma_wait3A_1118, %dma_wait3A_1119] : memref<20x128x128xf32, #tpu.memory_space<vmem_shared>> -> memref<1x16x128xf32, #tpu.memory_space<vmem_shared>>
        %dma_wait3A_1121 = tpu.memref_squeeze %dma_wait3A_1120 : memref<1x16x128xf32, #tpu.memory_space<vmem_shared>> -> memref<16x128xf32, #tpu.memory_space<vmem_shared>>
        %dma_wait3A_1122 = arith.constant 64 : i32
        %dma_wait3A_1123 = arith.constant 0 : i32
        %dma_wait3A_1124 = tpu.memref_slice %arg10[%add3A_43, %dma_wait3A_1122, %dma_wait3A_1123] : memref<20x128x128xf32, #tpu.memory_space<vmem_shared>> -> memref<1x16x128xf32, #tpu.memory_space<vmem_shared>>
        %dma_wait3A_1125 = tpu.memref_squeeze %dma_wait3A_1124 : memref<1x16x128xf32, #tpu.memory_space<vmem_shared>> -> memref<16x128xf32, #tpu.memory_space<vmem_shared>>
        tpu.wait_dma2 semaphore(%run_scoped3A : memref<!tpu.dma_semaphore, #tpu.memory_space<semaphore_mem>>) src(%arg9 : memref<16x128xf32, #tpu.memory_space<vmem>>) dst(%dma_wait3A_1125 : memref<16x128xf32, #tpu.memory_space<vmem_shared>>)
        tpu.yield
      }) : () -> ()
      "tpu.region"() ({
        %run_scoped3A = tpu.sem_alloc : memref<!tpu.dma_semaphore, #tpu.memory_space<semaphore_mem>>
        %dma_start3A_1110 = arith.constant 80 : i32
        %dma_start3A_1111 = arith.constant 0 : i32
        %dma_start3A_1112 = tpu.memref_slice %arg10[%add3A_43, %dma_start3A_1110, %dma_start3A_1111] : memref<20x128x128xf32, #tpu.memory_space<vmem_shared>> -> memref<1x16x128xf32, #tpu.memory_space<vmem_shared>>
        %dma_start3A_1113 = tpu.memref_squeeze %dma_start3A_1112 : memref<1x16x128xf32, #tpu.memory_space<vmem_shared>> -> memref<16x128xf32, #tpu.memory_space<vmem_shared>>
        %dma_start3A_1114 = arith.constant 80 : i32
        %dma_start3A_1115 = arith.constant 0 : i32
        %dma_start3A_1116 = tpu.memref_slice %arg10[%add3A_43, %dma_start3A_1114, %dma_start3A_1115] : memref<20x128x128xf32, #tpu.memory_space<vmem_shared>> -> memref<1x16x128xf32, #tpu.memory_space<vmem_shared>>
        %dma_start3A_1117 = tpu.memref_squeeze %dma_start3A_1116 : memref<1x16x128xf32, #tpu.memory_space<vmem_shared>> -> memref<16x128xf32, #tpu.memory_space<vmem_shared>>
        tpu.enqueue_dma source(%arg9 : memref<16x128xf32, #tpu.memory_space<vmem>>) target(%dma_start3A_1117 : memref<16x128xf32, #tpu.memory_space<vmem_shared>>) target_semaphore(%run_scoped3A : memref<!tpu.dma_semaphore, #tpu.memory_space<semaphore_mem>>)
        %dma_wait3A_1118 = arith.constant 80 : i32
        %dma_wait3A_1119 = arith.constant 0 : i32
        %dma_wait3A_1120 = tpu.memref_slice %arg10[%add3A_43, %dma_wait3A_1118, %dma_wait3A_1119] : memref<20x128x128xf32, #tpu.memory_space<vmem_shared>> -> memref<1x16x128xf32, #tpu.memory_space<vmem_shared>>
        %dma_wait3A_1121 = tpu.memref_squeeze %dma_wait3A_1120 : memref<1x16x128xf32, #tpu.memory_space<vmem_shared>> -> memref<16x128xf32, #tpu.memory_space<vmem_shared>>
        %dma_wait3A_1122 = arith.constant 80 : i32
        %dma_wait3A_1123 = arith.constant 0 : i32
        %dma_wait3A_1124 = tpu.memref_slice %arg10[%add3A_43, %dma_wait3A_1122, %dma_wait3A_1123] : memref<20x128x128xf32, #tpu.memory_space<vmem_shared>> -> memref<1x16x128xf32, #tpu.memory_space<vmem_shared>>
        %dma_wait3A_1125 = tpu.memref_squeeze %dma_wait3A_1124 : memref<1x16x128xf32, #tpu.memory_space<vmem_shared>> -> memref<16x128xf32, #tpu.memory_space<vmem_shared>>
        tpu.wait_dma2 semaphore(%run_scoped3A : memref<!tpu.dma_semaphore, #tpu.memory_space<semaphore_mem>>) src(%arg9 : memref<16x128xf32, #tpu.memory_space<vmem>>) dst(%dma_wait3A_1125 : memref<16x128xf32, #tpu.memory_space<vmem_shared>>)
        tpu.yield
      }) : () -> ()
      "tpu.region"() ({
        %run_scoped3A = tpu.sem_alloc : memref<!tpu.dma_semaphore, #tpu.memory_space<semaphore_mem>>
        %dma_start3A_1110 = arith.constant 96 : i32
        %dma_start3A_1111 = arith.constant 0 : i32
        %dma_start3A_1112 = tpu.memref_slice %arg10[%add3A_43, %dma_start3A_1110, %dma_start3A_1111] : memref<20x128x128xf32, #tpu.memory_space<vmem_shared>> -> memref<1x16x128xf32, #tpu.memory_space<vmem_shared>>
        %dma_start3A_1113 = tpu.memref_squeeze %dma_start3A_1112 : memref<1x16x128xf32, #tpu.memory_space<vmem_shared>> -> memref<16x128xf32, #tpu.memory_space<vmem_shared>>
        %dma_start3A_1114 = arith.constant 96 : i32
        %dma_start3A_1115 = arith.constant 0 : i32
        %dma_start3A_1116 = tpu.memref_slice %arg10[%add3A_43, %dma_start3A_1114, %dma_start3A_1115] : memref<20x128x128xf32, #tpu.memory_space<vmem_shared>> -> memref<1x16x128xf32, #tpu.memory_space<vmem_shared>>
        %dma_start3A_1117 = tpu.memref_squeeze %dma_start3A_1116 : memref<1x16x128xf32, #tpu.memory_space<vmem_shared>> -> memref<16x128xf32, #tpu.memory_space<vmem_shared>>
        tpu.enqueue_dma source(%arg9 : memref<16x128xf32, #tpu.memory_space<vmem>>) target(%dma_start3A_1117 : memref<16x128xf32, #tpu.memory_space<vmem_shared>>) target_semaphore(%run_scoped3A : memref<!tpu.dma_semaphore, #tpu.memory_space<semaphore_mem>>)
        %dma_wait3A_1118 = arith.constant 96 : i32
        %dma_wait3A_1119 = arith.constant 0 : i32
        %dma_wait3A_1120 = tpu.memref_slice %arg10[%add3A_43, %dma_wait3A_1118, %dma_wait3A_1119] : memref<20x128x128xf32, #tpu.memory_space<vmem_shared>> -> memref<1x16x128xf32, #tpu.memory_space<vmem_shared>>
        %dma_wait3A_1121 = tpu.memref_squeeze %dma_wait3A_1120 : memref<1x16x128xf32, #tpu.memory_space<vmem_shared>> -> memref<16x128xf32, #tpu.memory_space<vmem_shared>>
        %dma_wait3A_1122 = arith.constant 96 : i32
        %dma_wait3A_1123 = arith.constant 0 : i32
        %dma_wait3A_1124 = tpu.memref_slice %arg10[%add3A_43, %dma_wait3A_1122, %dma_wait3A_1123] : memref<20x128x128xf32, #tpu.memory_space<vmem_shared>> -> memref<1x16x128xf32, #tpu.memory_space<vmem_shared>>
        %dma_wait3A_1125 = tpu.memref_squeeze %dma_wait3A_1124 : memref<1x16x128xf32, #tpu.memory_space<vmem_shared>> -> memref<16x128xf32, #tpu.memory_space<vmem_shared>>
        tpu.wait_dma2 semaphore(%run_scoped3A : memref<!tpu.dma_semaphore, #tpu.memory_space<semaphore_mem>>) src(%arg9 : memref<16x128xf32, #tpu.memory_space<vmem>>) dst(%dma_wait3A_1125 : memref<16x128xf32, #tpu.memory_space<vmem_shared>>)
        tpu.yield
      }) : () -> ()
      "tpu.region"() ({
        %run_scoped3A = tpu.sem_alloc : memref<!tpu.dma_semaphore, #tpu.memory_space<semaphore_mem>>
        %dma_start3A_1110 = arith.constant 112 : i32
        %dma_start3A_1111 = arith.constant 0 : i32
        %dma_start3A_1112 = tpu.memref_slice %arg10[%add3A_43, %dma_start3A_1110, %dma_start3A_1111] : memref<20x128x128xf32, #tpu.memory_space<vmem_shared>> -> memref<1x16x128xf32, #tpu.memory_space<vmem_shared>>
        %dma_start3A_1113 = tpu.memref_squeeze %dma_start3A_1112 : memref<1x16x128xf32, #tpu.memory_space<vmem_shared>> -> memref<16x128xf32, #tpu.memory_space<vmem_shared>>
        %dma_start3A_1114 = arith.constant 112 : i32
        %dma_start3A_1115 = arith.constant 0 : i32
        %dma_start3A_1116 = tpu.memref_slice %arg10[%add3A_43, %dma_start3A_1114, %dma_start3A_1115] : memref<20x128x128xf32, #tpu.memory_space<vmem_shared>> -> memref<1x16x128xf32, #tpu.memory_space<vmem_shared>>
        %dma_start3A_1117 = tpu.memref_squeeze %dma_start3A_1116 : memref<1x16x128xf32, #tpu.memory_space<vmem_shared>> -> memref<16x128xf32, #tpu.memory_space<vmem_shared>>
        tpu.enqueue_dma source(%arg9 : memref<16x128xf32, #tpu.memory_space<vmem>>) target(%dma_start3A_1117 : memref<16x128xf32, #tpu.memory_space<vmem_shared>>) target_semaphore(%run_scoped3A : memref<!tpu.dma_semaphore, #tpu.memory_space<semaphore_mem>>)
        %dma_wait3A_1118 = arith.constant 112 : i32
        %dma_wait3A_1119 = arith.constant 0 : i32
        %dma_wait3A_1120 = tpu.memref_slice %arg10[%add3A_43, %dma_wait3A_1118, %dma_wait3A_1119] : memref<20x128x128xf32, #tpu.memory_space<vmem_shared>> -> memref<1x16x128xf32, #tpu.memory_space<vmem_shared>>
        %dma_wait3A_1121 = tpu.memref_squeeze %dma_wait3A_1120 : memref<1x16x128xf32, #tpu.memory_space<vmem_shared>> -> memref<16x128xf32, #tpu.memory_space<vmem_shared>>
        %dma_wait3A_1122 = arith.constant 112 : i32
        %dma_wait3A_1123 = arith.constant 0 : i32
        %dma_wait3A_1124 = tpu.memref_slice %arg10[%add3A_43, %dma_wait3A_1122, %dma_wait3A_1123] : memref<20x128x128xf32, #tpu.memory_space<vmem_shared>> -> memref<1x16x128xf32, #tpu.memory_space<vmem_shared>>
        %dma_wait3A_1125 = tpu.memref_squeeze %dma_wait3A_1124 : memref<1x16x128xf32, #tpu.memory_space<vmem_shared>> -> memref<16x128xf32, #tpu.memory_space<vmem_shared>>
        tpu.wait_dma2 semaphore(%run_scoped3A : memref<!tpu.dma_semaphore, #tpu.memory_space<semaphore_mem>>) src(%arg9 : memref<16x128xf32, #tpu.memory_space<vmem>>) dst(%dma_wait3A_1125 : memref<16x128xf32, #tpu.memory_space<vmem_shared>>)
        tpu.yield
      }) : () -> ()
    } else {
    }
    %barrier3A = arith.constant 0 : index
    tpu.barrier barrier_id(%barrier3A)
    %scan3A = arith.constant 0 : i32
    %scan3A_49 = arith.constant 10 : i32
    %scan3A_50 = arith.addi %scan3A, %scan3A_49 : i32
    %scan3A_51 = arith.constant 1 : i32
    scf.for %scan3A_312 = %scan3A to %scan3A_50 step %scan3A_51  : i32 {
      %mul3A_313 = arith.constant 5 : i32
      %mul3A_314 = arith.muli %mul3A_313, %scan3A_312 : i32
      %add3A_315 = arith.constant 0 : i32
      %add3A_316 = arith.addi %mul3A_314, %add3A_315 : i32
      %dma_wait3A_317 = arith.constant 0 : i32
      %dma_wait3A_318 = arith.constant 0 : i32
      %dma_wait3A_319 = arith.constant 0 : i32
      %dma_wait3A_320 = tpu.memref_slice %arg7[%dma_wait3A_317, %dma_wait3A_318, %dma_wait3A_319] : memref<5x128x128xf32, #tpu.memory_space<vmem>> -> memref<1x128x128xf32, #tpu.memory_space<vmem>>
      %dma_wait3A_321 = tpu.memref_squeeze %dma_wait3A_320 : memref<1x128x128xf32, #tpu.memory_space<vmem>> -> memref<128x128xf32, #tpu.memory_space<vmem>>
      %dma_wait3A_322 = arith.constant 0 : i32
      %dma_wait3A_323 = tpu.memref_slice %arg6[%add3A_316, %dma_wait3A_322] : memref<50x128xi32, #tpu.memory_space<vmem>> -> memref<1x128xi32, #tpu.memory_space<vmem>>
      %dma_wait3A_324 = tpu.memref_squeeze %dma_wait3A_323 : memref<1x128xi32, #tpu.memory_space<vmem>> -> memref<128xi32, #tpu.memory_space<vmem>>
      %dma_wait3A_325 = arith.constant 0 : i32
      %dma_wait3A_326 = arith.constant 0 : i32
      %dma_wait3A_327 = tpu.memref_slice %arg3[%dma_wait3A_325, %dma_wait3A_326] : memref<100000x128xf32, #tpu.memory_space<hbm>> -> memref<100000x128xf32, #tpu.memory_space<hbm>>
      tpu.wait_indirect_dma semaphore(%arg11 : memref<!tpu.dma_semaphore, #tpu.memory_space<semaphore_mem>>) src(%dma_wait3A_327 : memref<100000x128xf32, #tpu.memory_space<hbm>>) dst(%dma_wait3A_321 : memref<128x128xf32, #tpu.memory_space<vmem>>)
      %add3A_328 = arith.constant 20 : i32
      %add3A_329 = arith.addi %add3A_328, %add3A_316 : i32
      %dma_start3A_330 = arith.constant 0 : i32
      %dma_start3A_331 = arith.constant 0 : i32
      %dma_start3A_332 = arith.constant 0 : i32
      %dma_start3A_333 = tpu.memref_slice %arg7[%dma_start3A_330, %dma_start3A_331, %dma_start3A_332] : memref<5x128x128xf32, #tpu.memory_space<vmem>> -> memref<1x128x128xf32, #tpu.memory_space<vmem>>
      %dma_start3A_334 = tpu.memref_squeeze %dma_start3A_333 : memref<1x128x128xf32, #tpu.memory_space<vmem>> -> memref<128x128xf32, #tpu.memory_space<vmem>>
      %dma_start3A_335 = arith.constant 0 : i32
      %dma_start3A_336 = tpu.memref_slice %arg5[%add3A_329, %mul3A_2, %dma_start3A_335] : memref<70x4096x128xf32, #tpu.memory_space<hbm>> -> memref<1x128x128xf32, #tpu.memory_space<hbm>>
      %dma_start3A_337 = tpu.memref_squeeze %dma_start3A_336 : memref<1x128x128xf32, #tpu.memory_space<hbm>> -> memref<128x128xf32, #tpu.memory_space<hbm>>
      %dma_start3A_338 = arith.constant 0 : i32
      %dma_start3A_339 = tpu.memref_slice %arg5[%add3A_329, %mul3A_2, %dma_start3A_338] : memref<70x4096x128xf32, #tpu.memory_space<hbm>> -> memref<1x128x128xf32, #tpu.memory_space<hbm>>
      %dma_start3A_340 = tpu.memref_squeeze %dma_start3A_339 : memref<1x128x128xf32, #tpu.memory_space<hbm>> -> memref<128x128xf32, #tpu.memory_space<hbm>>
      %dma_start3A_341 = arith.constant 0 : i32
      %dma_start3A_342 = arith.constant 0 : i32
      %dma_start3A_343 = tpu.memref_slice %arg7[%dma_start3A_330, %dma_start3A_341, %dma_start3A_342] : memref<5x128x128xf32, #tpu.memory_space<vmem>> -> memref<1x128x128xf32, #tpu.memory_space<vmem>>
      %dma_start3A_344 = tpu.memref_squeeze %dma_start3A_343 : memref<1x128x128xf32, #tpu.memory_space<vmem>> -> memref<128x128xf32, #tpu.memory_space<vmem>>
      tpu.enqueue_dma source(%dma_start3A_344 : memref<128x128xf32, #tpu.memory_space<vmem>>) target(%dma_start3A_340 : memref<128x128xf32, #tpu.memory_space<hbm>>) target_semaphore(%arg16 : memref<!tpu.dma_semaphore, #tpu.memory_space<semaphore_mem>>)
      %add3A_345 = arith.constant 3 : i32
      %add3A_346 = arith.addi %add3A_316, %add3A_345 : i32
      %lt3A_347 = arith.constant 50 : i32
      %lt3A_348 = arith.cmpi slt, %add3A_346, %lt3A_347 : i32
      %convert_element_type3A_349 = arith.extui %lt3A_348 : i1 to i32
      %cond3A_350 = arith.constant 0 : i32
      %cond3A_351 = arith.cmpi ne, %convert_element_type3A_349, %cond3A_350 : i32
      scf.if %cond3A_351 {
        %ge3A = arith.constant 2 : i32
        %ge3A_530 = arith.cmpi sge, %add3A_316, %ge3A : i32
        %convert_element_type3A_531 = arith.extui %ge3A_530 : i1 to i32
        %cond3A_532 = arith.constant 0 : i32
        %cond3A_533 = arith.cmpi ne, %convert_element_type3A_531, %cond3A_532 : i32
        scf.if %cond3A_533 {
          %sub3A = arith.constant 2 : i32
          %sub3A_547 = arith.subi %add3A_316, %sub3A : i32
          %add3A_548 = arith.constant 20 : i32
          %add3A_549 = arith.addi %add3A_548, %sub3A_547 : i32
          %dma_wait3A_550 = arith.constant 3 : i32
          %dma_wait3A_551 = arith.constant 0 : i32
          %dma_wait3A_552 = arith.constant 0 : i32
          %dma_wait3A_553 = tpu.memref_slice %arg7[%dma_wait3A_550, %dma_wait3A_551, %dma_wait3A_552] : memref<5x128x128xf32, #tpu.memory_space<vmem>> -> memref<1x128x128xf32, #tpu.memory_space<vmem>>
          %dma_wait3A_554 = tpu.memref_squeeze %dma_wait3A_553 : memref<1x128x128xf32, #tpu.memory_space<vmem>> -> memref<128x128xf32, #tpu.memory_space<vmem>>
          %dma_wait3A_555 = arith.constant 0 : i32
          %dma_wait3A_556 = tpu.memref_slice %arg5[%add3A_549, %mul3A_2, %dma_wait3A_555] : memref<70x4096x128xf32, #tpu.memory_space<hbm>> -> memref<1x128x128xf32, #tpu.memory_space<hbm>>
          %dma_wait3A_557 = tpu.memref_squeeze %dma_wait3A_556 : memref<1x128x128xf32, #tpu.memory_space<hbm>> -> memref<128x128xf32, #tpu.memory_space<hbm>>
          %dma_wait3A_558 = arith.constant 0 : i32
          %dma_wait3A_559 = tpu.memref_slice %arg5[%add3A_549, %mul3A_2, %dma_wait3A_558] : memref<70x4096x128xf32, #tpu.memory_space<hbm>> -> memref<1x128x128xf32, #tpu.memory_space<hbm>>
          %dma_wait3A_560 = tpu.memref_squeeze %dma_wait3A_559 : memref<1x128x128xf32, #tpu.memory_space<hbm>> -> memref<128x128xf32, #tpu.memory_space<hbm>>
          %dma_wait3A_561 = arith.constant 0 : i32
          %dma_wait3A_562 = arith.constant 0 : i32
          %dma_wait3A_563 = tpu.memref_slice %arg7[%dma_wait3A_550, %dma_wait3A_561, %dma_wait3A_562] : memref<5x128x128xf32, #tpu.memory_space<vmem>> -> memref<1x128x128xf32, #tpu.memory_space<vmem>>
          %dma_wait3A_564 = tpu.memref_squeeze %dma_wait3A_563 : memref<1x128x128xf32, #tpu.memory_space<vmem>> -> memref<128x128xf32, #tpu.memory_space<vmem>>
          tpu.wait_dma2 semaphore(%arg19 : memref<!tpu.dma_semaphore, #tpu.memory_space<semaphore_mem>>) src(%dma_wait3A_564 : memref<128x128xf32, #tpu.memory_space<vmem>>) dst(%dma_wait3A_560 : memref<128x128xf32, #tpu.memory_space<hbm>>)
        } else {
        }
        %add3A_534 = arith.constant 3 : i32
        %add3A_535 = arith.addi %add3A_316, %add3A_534 : i32
        %dma_start3A_536 = arith.constant 3 : i32
        %dma_start3A_537 = arith.constant 0 : i32
        %dma_start3A_538 = arith.constant 0 : i32
        %dma_start3A_539 = tpu.memref_slice %arg7[%dma_start3A_536, %dma_start3A_537, %dma_start3A_538] : memref<5x128x128xf32, #tpu.memory_space<vmem>> -> memref<1x128x128xf32, #tpu.memory_space<vmem>>
        %dma_start3A_540 = tpu.memref_squeeze %dma_start3A_539 : memref<1x128x128xf32, #tpu.memory_space<vmem>> -> memref<128x128xf32, #tpu.memory_space<vmem>>
        %dma_start3A_541 = arith.constant 0 : i32
        %dma_start3A_542 = tpu.memref_slice %arg6[%add3A_535, %dma_start3A_541] : memref<50x128xi32, #tpu.memory_space<vmem>> -> memref<1x128xi32, #tpu.memory_space<vmem>>
        %dma_start3A_543 = tpu.memref_squeeze %dma_start3A_542 : memref<1x128xi32, #tpu.memory_space<vmem>> -> memref<128xi32, #tpu.memory_space<vmem>>
        %dma_start3A_544 = arith.constant 0 : i32
        %dma_start3A_545 = arith.constant 0 : i32
        %dma_start3A_546 = tpu.memref_slice %arg3[%dma_start3A_544, %dma_start3A_545] : memref<100000x128xf32, #tpu.memory_space<hbm>> -> memref<100000x128xf32, #tpu.memory_space<hbm>>
        tpu.enqueue_indirect_dma source(%dma_start3A_546 : memref<100000x128xf32, #tpu.memory_space<hbm>>) target(%dma_start3A_540 : memref<128x128xf32, #tpu.memory_space<vmem>>) offsets(%dma_start3A_543 : memref<128xi32, #tpu.memory_space<vmem>>) semaphore(%arg14 : memref<!tpu.dma_semaphore, #tpu.memory_space<semaphore_mem>>)
      } else {
      }
      %mul3A_352 = arith.constant 5 : i32
      %mul3A_353 = arith.muli %mul3A_352, %scan3A_312 : i32
      %add3A_354 = arith.constant 1 : i32
      %add3A_355 = arith.addi %mul3A_353, %add3A_354 : i32
      %dma_wait3A_356 = arith.constant 1 : i32
      %dma_wait3A_357 = arith.constant 0 : i32
      %dma_wait3A_358 = arith.constant 0 : i32
      %dma_wait3A_359 = tpu.memref_slice %arg7[%dma_wait3A_356, %dma_wait3A_357, %dma_wait3A_358] : memref<5x128x128xf32, #tpu.memory_space<vmem>> -> memref<1x128x128xf32, #tpu.memory_space<vmem>>
      %dma_wait3A_360 = tpu.memref_squeeze %dma_wait3A_359 : memref<1x128x128xf32, #tpu.memory_space<vmem>> -> memref<128x128xf32, #tpu.memory_space<vmem>>
      %dma_wait3A_361 = arith.constant 0 : i32
      %dma_wait3A_362 = tpu.memref_slice %arg6[%add3A_355, %dma_wait3A_361] : memref<50x128xi32, #tpu.memory_space<vmem>> -> memref<1x128xi32, #tpu.memory_space<vmem>>
      %dma_wait3A_363 = tpu.memref_squeeze %dma_wait3A_362 : memref<1x128xi32, #tpu.memory_space<vmem>> -> memref<128xi32, #tpu.memory_space<vmem>>
      %dma_wait3A_364 = arith.constant 0 : i32
      %dma_wait3A_365 = arith.constant 0 : i32
      %dma_wait3A_366 = tpu.memref_slice %arg3[%dma_wait3A_364, %dma_wait3A_365] : memref<100000x128xf32, #tpu.memory_space<hbm>> -> memref<100000x128xf32, #tpu.memory_space<hbm>>
      tpu.wait_indirect_dma semaphore(%arg12 : memref<!tpu.dma_semaphore, #tpu.memory_space<semaphore_mem>>) src(%dma_wait3A_366 : memref<100000x128xf32, #tpu.memory_space<hbm>>) dst(%dma_wait3A_360 : memref<128x128xf32, #tpu.memory_space<vmem>>)
      %add3A_367 = arith.constant 20 : i32
      %add3A_368 = arith.addi %add3A_367, %add3A_355 : i32
      %dma_start3A_369 = arith.constant 1 : i32
      %dma_start3A_370 = arith.constant 0 : i32
      %dma_start3A_371 = arith.constant 0 : i32
      %dma_start3A_372 = tpu.memref_slice %arg7[%dma_start3A_369, %dma_start3A_370, %dma_start3A_371] : memref<5x128x128xf32, #tpu.memory_space<vmem>> -> memref<1x128x128xf32, #tpu.memory_space<vmem>>
      %dma_start3A_373 = tpu.memref_squeeze %dma_start3A_372 : memref<1x128x128xf32, #tpu.memory_space<vmem>> -> memref<128x128xf32, #tpu.memory_space<vmem>>
      %dma_start3A_374 = arith.constant 0 : i32
      %dma_start3A_375 = tpu.memref_slice %arg5[%add3A_368, %mul3A_2, %dma_start3A_374] : memref<70x4096x128xf32, #tpu.memory_space<hbm>> -> memref<1x128x128xf32, #tpu.memory_space<hbm>>
      %dma_start3A_376 = tpu.memref_squeeze %dma_start3A_375 : memref<1x128x128xf32, #tpu.memory_space<hbm>> -> memref<128x128xf32, #tpu.memory_space<hbm>>
      %dma_start3A_377 = arith.constant 0 : i32
      %dma_start3A_378 = tpu.memref_slice %arg5[%add3A_368, %mul3A_2, %dma_start3A_377] : memref<70x4096x128xf32, #tpu.memory_space<hbm>> -> memref<1x128x128xf32, #tpu.memory_space<hbm>>
      %dma_start3A_379 = tpu.memref_squeeze %dma_start3A_378 : memref<1x128x128xf32, #tpu.memory_space<hbm>> -> memref<128x128xf32, #tpu.memory_space<hbm>>
      %dma_start3A_380 = arith.constant 0 : i32
      %dma_start3A_381 = arith.constant 0 : i32
      %dma_start3A_382 = tpu.memref_slice %arg7[%dma_start3A_369, %dma_start3A_380, %dma_start3A_381] : memref<5x128x128xf32, #tpu.memory_space<vmem>> -> memref<1x128x128xf32, #tpu.memory_space<vmem>>
      %dma_start3A_383 = tpu.memref_squeeze %dma_start3A_382 : memref<1x128x128xf32, #tpu.memory_space<vmem>> -> memref<128x128xf32, #tpu.memory_space<vmem>>
      tpu.enqueue_dma source(%dma_start3A_383 : memref<128x128xf32, #tpu.memory_space<vmem>>) target(%dma_start3A_379 : memref<128x128xf32, #tpu.memory_space<hbm>>) target_semaphore(%arg17 : memref<!tpu.dma_semaphore, #tpu.memory_space<semaphore_mem>>)
      %mul3A_384 = arith.constant 2 : i32
      %mul3A_385 = arith.muli %mul3A_384, %scan3A_312 : i32
      %add3A_386 = arith.constant 0 : i32
      %add3A_387 = arith.addi %mul3A_385, %add3A_386 : i32
      %dma_start3A_388 = arith.constant 0 : i32
      %dma_start3A_389 = tpu.memref_slice %arg5[%add3A_387, %mul3A_2, %dma_start3A_388] : memref<70x4096x128xf32, #tpu.memory_space<hbm>> -> memref<1x128x128xf32, #tpu.memory_space<hbm>>
      %dma_start3A_390 = tpu.memref_squeeze %dma_start3A_389 : memref<1x128x128xf32, #tpu.memory_space<hbm>> -> memref<128x128xf32, #tpu.memory_space<hbm>>
      %dma_start3A_391 = arith.constant 0 : i32
      %dma_start3A_392 = arith.constant 0 : i32
      %dma_start3A_393 = tpu.memref_slice %arg10[%add3A_387, %dma_start3A_391, %dma_start3A_392] : memref<20x128x128xf32, #tpu.memory_space<vmem_shared>> -> memref<1x128x128xf32, #tpu.memory_space<vmem_shared>>
      %dma_start3A_394 = tpu.memref_squeeze %dma_start3A_393 : memref<1x128x128xf32, #tpu.memory_space<vmem_shared>> -> memref<128x128xf32, #tpu.memory_space<vmem_shared>>
      tpu.enqueue_dma source(%dma_start3A_394 : memref<128x128xf32, #tpu.memory_space<vmem_shared>>) target(%dma_start3A_390 : memref<128x128xf32, #tpu.memory_space<hbm>>) target_semaphore(%arg21 : memref<!tpu.dma_semaphore, #tpu.memory_space<semaphore_mem>>)
      %add3A_395 = arith.constant 3 : i32
      %add3A_396 = arith.addi %add3A_355, %add3A_395 : i32
      %lt3A_397 = arith.constant 50 : i32
      %lt3A_398 = arith.cmpi slt, %add3A_396, %lt3A_397 : i32
      %convert_element_type3A_399 = arith.extui %lt3A_398 : i1 to i32
      %cond3A_400 = arith.constant 0 : i32
      %cond3A_401 = arith.cmpi ne, %convert_element_type3A_399, %cond3A_400 : i32
      scf.if %cond3A_401 {
        %ge3A = arith.constant 2 : i32
        %ge3A_530 = arith.cmpi sge, %add3A_355, %ge3A : i32
        %convert_element_type3A_531 = arith.extui %ge3A_530 : i1 to i32
        %cond3A_532 = arith.constant 0 : i32
        %cond3A_533 = arith.cmpi ne, %convert_element_type3A_531, %cond3A_532 : i32
        scf.if %cond3A_533 {
          %sub3A = arith.constant 2 : i32
          %sub3A_547 = arith.subi %add3A_355, %sub3A : i32
          %add3A_548 = arith.constant 20 : i32
          %add3A_549 = arith.addi %add3A_548, %sub3A_547 : i32
          %dma_wait3A_550 = arith.constant 4 : i32
          %dma_wait3A_551 = arith.constant 0 : i32
          %dma_wait3A_552 = arith.constant 0 : i32
          %dma_wait3A_553 = tpu.memref_slice %arg7[%dma_wait3A_550, %dma_wait3A_551, %dma_wait3A_552] : memref<5x128x128xf32, #tpu.memory_space<vmem>> -> memref<1x128x128xf32, #tpu.memory_space<vmem>>
          %dma_wait3A_554 = tpu.memref_squeeze %dma_wait3A_553 : memref<1x128x128xf32, #tpu.memory_space<vmem>> -> memref<128x128xf32, #tpu.memory_space<vmem>>
          %dma_wait3A_555 = arith.constant 0 : i32
          %dma_wait3A_556 = tpu.memref_slice %arg5[%add3A_549, %mul3A_2, %dma_wait3A_555] : memref<70x4096x128xf32, #tpu.memory_space<hbm>> -> memref<1x128x128xf32, #tpu.memory_space<hbm>>
          %dma_wait3A_557 = tpu.memref_squeeze %dma_wait3A_556 : memref<1x128x128xf32, #tpu.memory_space<hbm>> -> memref<128x128xf32, #tpu.memory_space<hbm>>
          %dma_wait3A_558 = arith.constant 0 : i32
          %dma_wait3A_559 = tpu.memref_slice %arg5[%add3A_549, %mul3A_2, %dma_wait3A_558] : memref<70x4096x128xf32, #tpu.memory_space<hbm>> -> memref<1x128x128xf32, #tpu.memory_space<hbm>>
          %dma_wait3A_560 = tpu.memref_squeeze %dma_wait3A_559 : memref<1x128x128xf32, #tpu.memory_space<hbm>> -> memref<128x128xf32, #tpu.memory_space<hbm>>
          %dma_wait3A_561 = arith.constant 0 : i32
          %dma_wait3A_562 = arith.constant 0 : i32
          %dma_wait3A_563 = tpu.memref_slice %arg7[%dma_wait3A_550, %dma_wait3A_561, %dma_wait3A_562] : memref<5x128x128xf32, #tpu.memory_space<vmem>> -> memref<1x128x128xf32, #tpu.memory_space<vmem>>
          %dma_wait3A_564 = tpu.memref_squeeze %dma_wait3A_563 : memref<1x128x128xf32, #tpu.memory_space<vmem>> -> memref<128x128xf32, #tpu.memory_space<vmem>>
          tpu.wait_dma2 semaphore(%arg20 : memref<!tpu.dma_semaphore, #tpu.memory_space<semaphore_mem>>) src(%dma_wait3A_564 : memref<128x128xf32, #tpu.memory_space<vmem>>) dst(%dma_wait3A_560 : memref<128x128xf32, #tpu.memory_space<hbm>>)
        } else {
        }
        %add3A_534 = arith.constant 3 : i32
        %add3A_535 = arith.addi %add3A_355, %add3A_534 : i32
        %dma_start3A_536 = arith.constant 4 : i32
        %dma_start3A_537 = arith.constant 0 : i32
        %dma_start3A_538 = arith.constant 0 : i32
        %dma_start3A_539 = tpu.memref_slice %arg7[%dma_start3A_536, %dma_start3A_537, %dma_start3A_538] : memref<5x128x128xf32, #tpu.memory_space<vmem>> -> memref<1x128x128xf32, #tpu.memory_space<vmem>>
        %dma_start3A_540 = tpu.memref_squeeze %dma_start3A_539 : memref<1x128x128xf32, #tpu.memory_space<vmem>> -> memref<128x128xf32, #tpu.memory_space<vmem>>
        %dma_start3A_541 = arith.constant 0 : i32
        %dma_start3A_542 = tpu.memref_slice %arg6[%add3A_535, %dma_start3A_541] : memref<50x128xi32, #tpu.memory_space<vmem>> -> memref<1x128xi32, #tpu.memory_space<vmem>>
        %dma_start3A_543 = tpu.memref_squeeze %dma_start3A_542 : memref<1x128xi32, #tpu.memory_space<vmem>> -> memref<128xi32, #tpu.memory_space<vmem>>
        %dma_start3A_544 = arith.constant 0 : i32
        %dma_start3A_545 = arith.constant 0 : i32
        %dma_start3A_546 = tpu.memref_slice %arg3[%dma_start3A_544, %dma_start3A_545] : memref<100000x128xf32, #tpu.memory_space<hbm>> -> memref<100000x128xf32, #tpu.memory_space<hbm>>
        tpu.enqueue_indirect_dma source(%dma_start3A_546 : memref<100000x128xf32, #tpu.memory_space<hbm>>) target(%dma_start3A_540 : memref<128x128xf32, #tpu.memory_space<vmem>>) offsets(%dma_start3A_543 : memref<128xi32, #tpu.memory_space<vmem>>) semaphore(%arg15 : memref<!tpu.dma_semaphore, #tpu.memory_space<semaphore_mem>>)
      } else {
      }
      %mul3A_402 = arith.constant 5 : i32
      %mul3A_403 = arith.muli %mul3A_402, %scan3A_312 : i32
      %add3A_404 = arith.constant 2 : i32
      %add3A_405 = arith.addi %mul3A_403, %add3A_404 : i32
      %dma_wait3A_406 = arith.constant 2 : i32
      %dma_wait3A_407 = arith.constant 0 : i32
      %dma_wait3A_408 = arith.constant 0 : i32
      %dma_wait3A_409 = tpu.memref_slice %arg7[%dma_wait3A_406, %dma_wait3A_407, %dma_wait3A_408] : memref<5x128x128xf32, #tpu.memory_space<vmem>> -> memref<1x128x128xf32, #tpu.memory_space<vmem>>
      %dma_wait3A_410 = tpu.memref_squeeze %dma_wait3A_409 : memref<1x128x128xf32, #tpu.memory_space<vmem>> -> memref<128x128xf32, #tpu.memory_space<vmem>>
      %dma_wait3A_411 = arith.constant 0 : i32
      %dma_wait3A_412 = tpu.memref_slice %arg6[%add3A_405, %dma_wait3A_411] : memref<50x128xi32, #tpu.memory_space<vmem>> -> memref<1x128xi32, #tpu.memory_space<vmem>>
      %dma_wait3A_413 = tpu.memref_squeeze %dma_wait3A_412 : memref<1x128xi32, #tpu.memory_space<vmem>> -> memref<128xi32, #tpu.memory_space<vmem>>
      %dma_wait3A_414 = arith.constant 0 : i32
      %dma_wait3A_415 = arith.constant 0 : i32
      %dma_wait3A_416 = tpu.memref_slice %arg3[%dma_wait3A_414, %dma_wait3A_415] : memref<100000x128xf32, #tpu.memory_space<hbm>> -> memref<100000x128xf32, #tpu.memory_space<hbm>>
      tpu.wait_indirect_dma semaphore(%arg13 : memref<!tpu.dma_semaphore, #tpu.memory_space<semaphore_mem>>) src(%dma_wait3A_416 : memref<100000x128xf32, #tpu.memory_space<hbm>>) dst(%dma_wait3A_410 : memref<128x128xf32, #tpu.memory_space<vmem>>)
      %add3A_417 = arith.constant 20 : i32
      %add3A_418 = arith.addi %add3A_417, %add3A_405 : i32
      %dma_start3A_419 = arith.constant 2 : i32
      %dma_start3A_420 = arith.constant 0 : i32
      %dma_start3A_421 = arith.constant 0 : i32
      %dma_start3A_422 = tpu.memref_slice %arg7[%dma_start3A_419, %dma_start3A_420, %dma_start3A_421] : memref<5x128x128xf32, #tpu.memory_space<vmem>> -> memref<1x128x128xf32, #tpu.memory_space<vmem>>
      %dma_start3A_423 = tpu.memref_squeeze %dma_start3A_422 : memref<1x128x128xf32, #tpu.memory_space<vmem>> -> memref<128x128xf32, #tpu.memory_space<vmem>>
      %dma_start3A_424 = arith.constant 0 : i32
      %dma_start3A_425 = tpu.memref_slice %arg5[%add3A_418, %mul3A_2, %dma_start3A_424] : memref<70x4096x128xf32, #tpu.memory_space<hbm>> -> memref<1x128x128xf32, #tpu.memory_space<hbm>>
      %dma_start3A_426 = tpu.memref_squeeze %dma_start3A_425 : memref<1x128x128xf32, #tpu.memory_space<hbm>> -> memref<128x128xf32, #tpu.memory_space<hbm>>
      %dma_start3A_427 = arith.constant 0 : i32
      %dma_start3A_428 = tpu.memref_slice %arg5[%add3A_418, %mul3A_2, %dma_start3A_427] : memref<70x4096x128xf32, #tpu.memory_space<hbm>> -> memref<1x128x128xf32, #tpu.memory_space<hbm>>
      %dma_start3A_429 = tpu.memref_squeeze %dma_start3A_428 : memref<1x128x128xf32, #tpu.memory_space<hbm>> -> memref<128x128xf32, #tpu.memory_space<hbm>>
      %dma_start3A_430 = arith.constant 0 : i32
      %dma_start3A_431 = arith.constant 0 : i32
      %dma_start3A_432 = tpu.memref_slice %arg7[%dma_start3A_419, %dma_start3A_430, %dma_start3A_431] : memref<5x128x128xf32, #tpu.memory_space<vmem>> -> memref<1x128x128xf32, #tpu.memory_space<vmem>>
      %dma_start3A_433 = tpu.memref_squeeze %dma_start3A_432 : memref<1x128x128xf32, #tpu.memory_space<vmem>> -> memref<128x128xf32, #tpu.memory_space<vmem>>
      tpu.enqueue_dma source(%dma_start3A_433 : memref<128x128xf32, #tpu.memory_space<vmem>>) target(%dma_start3A_429 : memref<128x128xf32, #tpu.memory_space<hbm>>) target_semaphore(%arg18 : memref<!tpu.dma_semaphore, #tpu.memory_space<semaphore_mem>>)
      %add3A_434 = arith.constant 3 : i32
      %add3A_435 = arith.addi %add3A_405, %add3A_434 : i32
      %lt3A_436 = arith.constant 50 : i32
      %lt3A_437 = arith.cmpi slt, %add3A_435, %lt3A_436 : i32
      %convert_element_type3A_438 = arith.extui %lt3A_437 : i1 to i32
      %cond3A_439 = arith.constant 0 : i32
      %cond3A_440 = arith.cmpi ne, %convert_element_type3A_438, %cond3A_439 : i32
      scf.if %cond3A_440 {
        %ge3A = arith.constant 2 : i32
        %ge3A_530 = arith.cmpi sge, %add3A_405, %ge3A : i32
        %convert_element_type3A_531 = arith.extui %ge3A_530 : i1 to i32
        %cond3A_532 = arith.constant 0 : i32
        %cond3A_533 = arith.cmpi ne, %convert_element_type3A_531, %cond3A_532 : i32
        scf.if %cond3A_533 {
          %sub3A = arith.constant 2 : i32
          %sub3A_547 = arith.subi %add3A_405, %sub3A : i32
          %add3A_548 = arith.constant 20 : i32
          %add3A_549 = arith.addi %add3A_548, %sub3A_547 : i32
          %dma_wait3A_550 = arith.constant 0 : i32
          %dma_wait3A_551 = arith.constant 0 : i32
          %dma_wait3A_552 = arith.constant 0 : i32
          %dma_wait3A_553 = tpu.memref_slice %arg7[%dma_wait3A_550, %dma_wait3A_551, %dma_wait3A_552] : memref<5x128x128xf32, #tpu.memory_space<vmem>> -> memref<1x128x128xf32, #tpu.memory_space<vmem>>
          %dma_wait3A_554 = tpu.memref_squeeze %dma_wait3A_553 : memref<1x128x128xf32, #tpu.memory_space<vmem>> -> memref<128x128xf32, #tpu.memory_space<vmem>>
          %dma_wait3A_555 = arith.constant 0 : i32
          %dma_wait3A_556 = tpu.memref_slice %arg5[%add3A_549, %mul3A_2, %dma_wait3A_555] : memref<70x4096x128xf32, #tpu.memory_space<hbm>> -> memref<1x128x128xf32, #tpu.memory_space<hbm>>
          %dma_wait3A_557 = tpu.memref_squeeze %dma_wait3A_556 : memref<1x128x128xf32, #tpu.memory_space<hbm>> -> memref<128x128xf32, #tpu.memory_space<hbm>>
          %dma_wait3A_558 = arith.constant 0 : i32
          %dma_wait3A_559 = tpu.memref_slice %arg5[%add3A_549, %mul3A_2, %dma_wait3A_558] : memref<70x4096x128xf32, #tpu.memory_space<hbm>> -> memref<1x128x128xf32, #tpu.memory_space<hbm>>
          %dma_wait3A_560 = tpu.memref_squeeze %dma_wait3A_559 : memref<1x128x128xf32, #tpu.memory_space<hbm>> -> memref<128x128xf32, #tpu.memory_space<hbm>>
          %dma_wait3A_561 = arith.constant 0 : i32
          %dma_wait3A_562 = arith.constant 0 : i32
          %dma_wait3A_563 = tpu.memref_slice %arg7[%dma_wait3A_550, %dma_wait3A_561, %dma_wait3A_562] : memref<5x128x128xf32, #tpu.memory_space<vmem>> -> memref<1x128x128xf32, #tpu.memory_space<vmem>>
          %dma_wait3A_564 = tpu.memref_squeeze %dma_wait3A_563 : memref<1x128x128xf32, #tpu.memory_space<vmem>> -> memref<128x128xf32, #tpu.memory_space<vmem>>
          tpu.wait_dma2 semaphore(%arg16 : memref<!tpu.dma_semaphore, #tpu.memory_space<semaphore_mem>>) src(%dma_wait3A_564 : memref<128x128xf32, #tpu.memory_space<vmem>>) dst(%dma_wait3A_560 : memref<128x128xf32, #tpu.memory_space<hbm>>)
        } else {
        }
        %add3A_534 = arith.constant 3 : i32
        %add3A_535 = arith.addi %add3A_405, %add3A_534 : i32
        %dma_start3A_536 = arith.constant 0 : i32
        %dma_start3A_537 = arith.constant 0 : i32
        %dma_start3A_538 = arith.constant 0 : i32
        %dma_start3A_539 = tpu.memref_slice %arg7[%dma_start3A_536, %dma_start3A_537, %dma_start3A_538] : memref<5x128x128xf32, #tpu.memory_space<vmem>> -> memref<1x128x128xf32, #tpu.memory_space<vmem>>
        %dma_start3A_540 = tpu.memref_squeeze %dma_start3A_539 : memref<1x128x128xf32, #tpu.memory_space<vmem>> -> memref<128x128xf32, #tpu.memory_space<vmem>>
        %dma_start3A_541 = arith.constant 0 : i32
        %dma_start3A_542 = tpu.memref_slice %arg6[%add3A_535, %dma_start3A_541] : memref<50x128xi32, #tpu.memory_space<vmem>> -> memref<1x128xi32, #tpu.memory_space<vmem>>
        %dma_start3A_543 = tpu.memref_squeeze %dma_start3A_542 : memref<1x128xi32, #tpu.memory_space<vmem>> -> memref<128xi32, #tpu.memory_space<vmem>>
        %dma_start3A_544 = arith.constant 0 : i32
        %dma_start3A_545 = arith.constant 0 : i32
        %dma_start3A_546 = tpu.memref_slice %arg3[%dma_start3A_544, %dma_start3A_545] : memref<100000x128xf32, #tpu.memory_space<hbm>> -> memref<100000x128xf32, #tpu.memory_space<hbm>>
        tpu.enqueue_indirect_dma source(%dma_start3A_546 : memref<100000x128xf32, #tpu.memory_space<hbm>>) target(%dma_start3A_540 : memref<128x128xf32, #tpu.memory_space<vmem>>) offsets(%dma_start3A_543 : memref<128xi32, #tpu.memory_space<vmem>>) semaphore(%arg11 : memref<!tpu.dma_semaphore, #tpu.memory_space<semaphore_mem>>)
      } else {
      }
      %mul3A_441 = arith.constant 5 : i32
      %mul3A_442 = arith.muli %mul3A_441, %scan3A_312 : i32
      %add3A_443 = arith.constant 3 : i32
      %add3A_444 = arith.addi %mul3A_442, %add3A_443 : i32
      %dma_wait3A_445 = arith.constant 3 : i32
      %dma_wait3A_446 = arith.constant 0 : i32
      %dma_wait3A_447 = arith.constant 0 : i32
      %dma_wait3A_448 = tpu.memref_slice %arg7[%dma_wait3A_445, %dma_wait3A_446, %dma_wait3A_447] : memref<5x128x128xf32, #tpu.memory_space<vmem>> -> memref<1x128x128xf32, #tpu.memory_space<vmem>>
      %dma_wait3A_449 = tpu.memref_squeeze %dma_wait3A_448 : memref<1x128x128xf32, #tpu.memory_space<vmem>> -> memref<128x128xf32, #tpu.memory_space<vmem>>
      %dma_wait3A_450 = arith.constant 0 : i32
      %dma_wait3A_451 = tpu.memref_slice %arg6[%add3A_444, %dma_wait3A_450] : memref<50x128xi32, #tpu.memory_space<vmem>> -> memref<1x128xi32, #tpu.memory_space<vmem>>
      %dma_wait3A_452 = tpu.memref_squeeze %dma_wait3A_451 : memref<1x128xi32, #tpu.memory_space<vmem>> -> memref<128xi32, #tpu.memory_space<vmem>>
      %dma_wait3A_453 = arith.constant 0 : i32
      %dma_wait3A_454 = arith.constant 0 : i32
      %dma_wait3A_455 = tpu.memref_slice %arg3[%dma_wait3A_453, %dma_wait3A_454] : memref<100000x128xf32, #tpu.memory_space<hbm>> -> memref<100000x128xf32, #tpu.memory_space<hbm>>
      tpu.wait_indirect_dma semaphore(%arg14 : memref<!tpu.dma_semaphore, #tpu.memory_space<semaphore_mem>>) src(%dma_wait3A_455 : memref<100000x128xf32, #tpu.memory_space<hbm>>) dst(%dma_wait3A_449 : memref<128x128xf32, #tpu.memory_space<vmem>>)
      %add3A_456 = arith.constant 20 : i32
      %add3A_457 = arith.addi %add3A_456, %add3A_444 : i32
      %dma_start3A_458 = arith.constant 3 : i32
      %dma_start3A_459 = arith.constant 0 : i32
      %dma_start3A_460 = arith.constant 0 : i32
      %dma_start3A_461 = tpu.memref_slice %arg7[%dma_start3A_458, %dma_start3A_459, %dma_start3A_460] : memref<5x128x128xf32, #tpu.memory_space<vmem>> -> memref<1x128x128xf32, #tpu.memory_space<vmem>>
      %dma_start3A_462 = tpu.memref_squeeze %dma_start3A_461 : memref<1x128x128xf32, #tpu.memory_space<vmem>> -> memref<128x128xf32, #tpu.memory_space<vmem>>
      %dma_start3A_463 = arith.constant 0 : i32
      %dma_start3A_464 = tpu.memref_slice %arg5[%add3A_457, %mul3A_2, %dma_start3A_463] : memref<70x4096x128xf32, #tpu.memory_space<hbm>> -> memref<1x128x128xf32, #tpu.memory_space<hbm>>
      %dma_start3A_465 = tpu.memref_squeeze %dma_start3A_464 : memref<1x128x128xf32, #tpu.memory_space<hbm>> -> memref<128x128xf32, #tpu.memory_space<hbm>>
      %dma_start3A_466 = arith.constant 0 : i32
      %dma_start3A_467 = tpu.memref_slice %arg5[%add3A_457, %mul3A_2, %dma_start3A_466] : memref<70x4096x128xf32, #tpu.memory_space<hbm>> -> memref<1x128x128xf32, #tpu.memory_space<hbm>>
      %dma_start3A_468 = tpu.memref_squeeze %dma_start3A_467 : memref<1x128x128xf32, #tpu.memory_space<hbm>> -> memref<128x128xf32, #tpu.memory_space<hbm>>
      %dma_start3A_469 = arith.constant 0 : i32
      %dma_start3A_470 = arith.constant 0 : i32
      %dma_start3A_471 = tpu.memref_slice %arg7[%dma_start3A_458, %dma_start3A_469, %dma_start3A_470] : memref<5x128x128xf32, #tpu.memory_space<vmem>> -> memref<1x128x128xf32, #tpu.memory_space<vmem>>
      %dma_start3A_472 = tpu.memref_squeeze %dma_start3A_471 : memref<1x128x128xf32, #tpu.memory_space<vmem>> -> memref<128x128xf32, #tpu.memory_space<vmem>>
      tpu.enqueue_dma source(%dma_start3A_472 : memref<128x128xf32, #tpu.memory_space<vmem>>) target(%dma_start3A_468 : memref<128x128xf32, #tpu.memory_space<hbm>>) target_semaphore(%arg19 : memref<!tpu.dma_semaphore, #tpu.memory_space<semaphore_mem>>)
      %mul3A_473 = arith.constant 2 : i32
      %mul3A_474 = arith.muli %mul3A_473, %scan3A_312 : i32
      %add3A_475 = arith.constant 1 : i32
      %add3A_476 = arith.addi %mul3A_474, %add3A_475 : i32
      %dma_start3A_477 = arith.constant 0 : i32
      %dma_start3A_478 = tpu.memref_slice %arg5[%add3A_476, %mul3A_2, %dma_start3A_477] : memref<70x4096x128xf32, #tpu.memory_space<hbm>> -> memref<1x128x128xf32, #tpu.memory_space<hbm>>
      %dma_start3A_479 = tpu.memref_squeeze %dma_start3A_478 : memref<1x128x128xf32, #tpu.memory_space<hbm>> -> memref<128x128xf32, #tpu.memory_space<hbm>>
      %dma_start3A_480 = arith.constant 0 : i32
      %dma_start3A_481 = arith.constant 0 : i32
      %dma_start3A_482 = tpu.memref_slice %arg10[%add3A_476, %dma_start3A_480, %dma_start3A_481] : memref<20x128x128xf32, #tpu.memory_space<vmem_shared>> -> memref<1x128x128xf32, #tpu.memory_space<vmem_shared>>
      %dma_start3A_483 = tpu.memref_squeeze %dma_start3A_482 : memref<1x128x128xf32, #tpu.memory_space<vmem_shared>> -> memref<128x128xf32, #tpu.memory_space<vmem_shared>>
      tpu.enqueue_dma source(%dma_start3A_483 : memref<128x128xf32, #tpu.memory_space<vmem_shared>>) target(%dma_start3A_479 : memref<128x128xf32, #tpu.memory_space<hbm>>) target_semaphore(%arg21 : memref<!tpu.dma_semaphore, #tpu.memory_space<semaphore_mem>>)
      %add3A_484 = arith.constant 3 : i32
      %add3A_485 = arith.addi %add3A_444, %add3A_484 : i32
      %lt3A_486 = arith.constant 50 : i32
      %lt3A_487 = arith.cmpi slt, %add3A_485, %lt3A_486 : i32
      %convert_element_type3A_488 = arith.extui %lt3A_487 : i1 to i32
      %cond3A_489 = arith.constant 0 : i32
      %cond3A_490 = arith.cmpi ne, %convert_element_type3A_488, %cond3A_489 : i32
      scf.if %cond3A_490 {
        %ge3A = arith.constant 2 : i32
        %ge3A_530 = arith.cmpi sge, %add3A_444, %ge3A : i32
        %convert_element_type3A_531 = arith.extui %ge3A_530 : i1 to i32
        %cond3A_532 = arith.constant 0 : i32
        %cond3A_533 = arith.cmpi ne, %convert_element_type3A_531, %cond3A_532 : i32
        scf.if %cond3A_533 {
          %sub3A = arith.constant 2 : i32
          %sub3A_547 = arith.subi %add3A_444, %sub3A : i32
          %add3A_548 = arith.constant 20 : i32
          %add3A_549 = arith.addi %add3A_548, %sub3A_547 : i32
          %dma_wait3A_550 = arith.constant 1 : i32
          %dma_wait3A_551 = arith.constant 0 : i32
          %dma_wait3A_552 = arith.constant 0 : i32
          %dma_wait3A_553 = tpu.memref_slice %arg7[%dma_wait3A_550, %dma_wait3A_551, %dma_wait3A_552] : memref<5x128x128xf32, #tpu.memory_space<vmem>> -> memref<1x128x128xf32, #tpu.memory_space<vmem>>
          %dma_wait3A_554 = tpu.memref_squeeze %dma_wait3A_553 : memref<1x128x128xf32, #tpu.memory_space<vmem>> -> memref<128x128xf32, #tpu.memory_space<vmem>>
          %dma_wait3A_555 = arith.constant 0 : i32
          %dma_wait3A_556 = tpu.memref_slice %arg5[%add3A_549, %mul3A_2, %dma_wait3A_555] : memref<70x4096x128xf32, #tpu.memory_space<hbm>> -> memref<1x128x128xf32, #tpu.memory_space<hbm>>
          %dma_wait3A_557 = tpu.memref_squeeze %dma_wait3A_556 : memref<1x128x128xf32, #tpu.memory_space<hbm>> -> memref<128x128xf32, #tpu.memory_space<hbm>>
          %dma_wait3A_558 = arith.constant 0 : i32
          %dma_wait3A_559 = tpu.memref_slice %arg5[%add3A_549, %mul3A_2, %dma_wait3A_558] : memref<70x4096x128xf32, #tpu.memory_space<hbm>> -> memref<1x128x128xf32, #tpu.memory_space<hbm>>
          %dma_wait3A_560 = tpu.memref_squeeze %dma_wait3A_559 : memref<1x128x128xf32, #tpu.memory_space<hbm>> -> memref<128x128xf32, #tpu.memory_space<hbm>>
          %dma_wait3A_561 = arith.constant 0 : i32
          %dma_wait3A_562 = arith.constant 0 : i32
          %dma_wait3A_563 = tpu.memref_slice %arg7[%dma_wait3A_550, %dma_wait3A_561, %dma_wait3A_562] : memref<5x128x128xf32, #tpu.memory_space<vmem>> -> memref<1x128x128xf32, #tpu.memory_space<vmem>>
          %dma_wait3A_564 = tpu.memref_squeeze %dma_wait3A_563 : memref<1x128x128xf32, #tpu.memory_space<vmem>> -> memref<128x128xf32, #tpu.memory_space<vmem>>
          tpu.wait_dma2 semaphore(%arg17 : memref<!tpu.dma_semaphore, #tpu.memory_space<semaphore_mem>>) src(%dma_wait3A_564 : memref<128x128xf32, #tpu.memory_space<vmem>>) dst(%dma_wait3A_560 : memref<128x128xf32, #tpu.memory_space<hbm>>)
        } else {
        }
        %add3A_534 = arith.constant 3 : i32
        %add3A_535 = arith.addi %add3A_444, %add3A_534 : i32
        %dma_start3A_536 = arith.constant 1 : i32
        %dma_start3A_537 = arith.constant 0 : i32
        %dma_start3A_538 = arith.constant 0 : i32
        %dma_start3A_539 = tpu.memref_slice %arg7[%dma_start3A_536, %dma_start3A_537, %dma_start3A_538] : memref<5x128x128xf32, #tpu.memory_space<vmem>> -> memref<1x128x128xf32, #tpu.memory_space<vmem>>
        %dma_start3A_540 = tpu.memref_squeeze %dma_start3A_539 : memref<1x128x128xf32, #tpu.memory_space<vmem>> -> memref<128x128xf32, #tpu.memory_space<vmem>>
        %dma_start3A_541 = arith.constant 0 : i32
        %dma_start3A_542 = tpu.memref_slice %arg6[%add3A_535, %dma_start3A_541] : memref<50x128xi32, #tpu.memory_space<vmem>> -> memref<1x128xi32, #tpu.memory_space<vmem>>
        %dma_start3A_543 = tpu.memref_squeeze %dma_start3A_542 : memref<1x128xi32, #tpu.memory_space<vmem>> -> memref<128xi32, #tpu.memory_space<vmem>>
        %dma_start3A_544 = arith.constant 0 : i32
        %dma_start3A_545 = arith.constant 0 : i32
        %dma_start3A_546 = tpu.memref_slice %arg3[%dma_start3A_544, %dma_start3A_545] : memref<100000x128xf32, #tpu.memory_space<hbm>> -> memref<100000x128xf32, #tpu.memory_space<hbm>>
        tpu.enqueue_indirect_dma source(%dma_start3A_546 : memref<100000x128xf32, #tpu.memory_space<hbm>>) target(%dma_start3A_540 : memref<128x128xf32, #tpu.memory_space<vmem>>) offsets(%dma_start3A_543 : memref<128xi32, #tpu.memory_space<vmem>>) semaphore(%arg12 : memref<!tpu.dma_semaphore, #tpu.memory_space<semaphore_mem>>)
      } else {
      }
      %mul3A_491 = arith.constant 5 : i32
      %mul3A_492 = arith.muli %mul3A_491, %scan3A_312 : i32
      %add3A_493 = arith.constant 4 : i32
      %add3A_494 = arith.addi %mul3A_492, %add3A_493 : i32
      %dma_wait3A_495 = arith.constant 4 : i32
      %dma_wait3A_496 = arith.constant 0 : i32
      %dma_wait3A_497 = arith.constant 0 : i32
      %dma_wait3A_498 = tpu.memref_slice %arg7[%dma_wait3A_495, %dma_wait3A_496, %dma_wait3A_497] : memref<5x128x128xf32, #tpu.memory_space<vmem>> -> memref<1x128x128xf32, #tpu.memory_space<vmem>>
      %dma_wait3A_499 = tpu.memref_squeeze %dma_wait3A_498 : memref<1x128x128xf32, #tpu.memory_space<vmem>> -> memref<128x128xf32, #tpu.memory_space<vmem>>
      %dma_wait3A_500 = arith.constant 0 : i32
      %dma_wait3A_501 = tpu.memref_slice %arg6[%add3A_494, %dma_wait3A_500] : memref<50x128xi32, #tpu.memory_space<vmem>> -> memref<1x128xi32, #tpu.memory_space<vmem>>
      %dma_wait3A_502 = tpu.memref_squeeze %dma_wait3A_501 : memref<1x128xi32, #tpu.memory_space<vmem>> -> memref<128xi32, #tpu.memory_space<vmem>>
      %dma_wait3A_503 = arith.constant 0 : i32
      %dma_wait3A_504 = arith.constant 0 : i32
      %dma_wait3A_505 = tpu.memref_slice %arg3[%dma_wait3A_503, %dma_wait3A_504] : memref<100000x128xf32, #tpu.memory_space<hbm>> -> memref<100000x128xf32, #tpu.memory_space<hbm>>
      tpu.wait_indirect_dma semaphore(%arg15 : memref<!tpu.dma_semaphore, #tpu.memory_space<semaphore_mem>>) src(%dma_wait3A_505 : memref<100000x128xf32, #tpu.memory_space<hbm>>) dst(%dma_wait3A_499 : memref<128x128xf32, #tpu.memory_space<vmem>>)
      %add3A_506 = arith.constant 20 : i32
      %add3A_507 = arith.addi %add3A_506, %add3A_494 : i32
      %dma_start3A_508 = arith.constant 4 : i32
      %dma_start3A_509 = arith.constant 0 : i32
      %dma_start3A_510 = arith.constant 0 : i32
      %dma_start3A_511 = tpu.memref_slice %arg7[%dma_start3A_508, %dma_start3A_509, %dma_start3A_510] : memref<5x128x128xf32, #tpu.memory_space<vmem>> -> memref<1x128x128xf32, #tpu.memory_space<vmem>>
      %dma_start3A_512 = tpu.memref_squeeze %dma_start3A_511 : memref<1x128x128xf32, #tpu.memory_space<vmem>> -> memref<128x128xf32, #tpu.memory_space<vmem>>
      %dma_start3A_513 = arith.constant 0 : i32
      %dma_start3A_514 = tpu.memref_slice %arg5[%add3A_507, %mul3A_2, %dma_start3A_513] : memref<70x4096x128xf32, #tpu.memory_space<hbm>> -> memref<1x128x128xf32, #tpu.memory_space<hbm>>
      %dma_start3A_515 = tpu.memref_squeeze %dma_start3A_514 : memref<1x128x128xf32, #tpu.memory_space<hbm>> -> memref<128x128xf32, #tpu.memory_space<hbm>>
      %dma_start3A_516 = arith.constant 0 : i32
      %dma_start3A_517 = tpu.memref_slice %arg5[%add3A_507, %mul3A_2, %dma_start3A_516] : memref<70x4096x128xf32, #tpu.memory_space<hbm>> -> memref<1x128x128xf32, #tpu.memory_space<hbm>>
      %dma_start3A_518 = tpu.memref_squeeze %dma_start3A_517 : memref<1x128x128xf32, #tpu.memory_space<hbm>> -> memref<128x128xf32, #tpu.memory_space<hbm>>
      %dma_start3A_519 = arith.constant 0 : i32
      %dma_start3A_520 = arith.constant 0 : i32
      %dma_start3A_521 = tpu.memref_slice %arg7[%dma_start3A_508, %dma_start3A_519, %dma_start3A_520] : memref<5x128x128xf32, #tpu.memory_space<vmem>> -> memref<1x128x128xf32, #tpu.memory_space<vmem>>
      %dma_start3A_522 = tpu.memref_squeeze %dma_start3A_521 : memref<1x128x128xf32, #tpu.memory_space<vmem>> -> memref<128x128xf32, #tpu.memory_space<vmem>>
      tpu.enqueue_dma source(%dma_start3A_522 : memref<128x128xf32, #tpu.memory_space<vmem>>) target(%dma_start3A_518 : memref<128x128xf32, #tpu.memory_space<hbm>>) target_semaphore(%arg20 : memref<!tpu.dma_semaphore, #tpu.memory_space<semaphore_mem>>)
      %add3A_523 = arith.constant 3 : i32
      %add3A_524 = arith.addi %add3A_494, %add3A_523 : i32
      %lt3A_525 = arith.constant 50 : i32
      %lt3A_526 = arith.cmpi slt, %add3A_524, %lt3A_525 : i32
      %convert_element_type3A_527 = arith.extui %lt3A_526 : i1 to i32
      %cond3A_528 = arith.constant 0 : i32
      %cond3A_529 = arith.cmpi ne, %convert_element_type3A_527, %cond3A_528 : i32
      scf.if %cond3A_529 {
        %ge3A = arith.constant 2 : i32
        %ge3A_530 = arith.cmpi sge, %add3A_494, %ge3A : i32
        %convert_element_type3A_531 = arith.extui %ge3A_530 : i1 to i32
        %cond3A_532 = arith.constant 0 : i32
        %cond3A_533 = arith.cmpi ne, %convert_element_type3A_531, %cond3A_532 : i32
        scf.if %cond3A_533 {
          %sub3A = arith.constant 2 : i32
          %sub3A_547 = arith.subi %add3A_494, %sub3A : i32
          %add3A_548 = arith.constant 20 : i32
          %add3A_549 = arith.addi %add3A_548, %sub3A_547 : i32
          %dma_wait3A_550 = arith.constant 2 : i32
          %dma_wait3A_551 = arith.constant 0 : i32
          %dma_wait3A_552 = arith.constant 0 : i32
          %dma_wait3A_553 = tpu.memref_slice %arg7[%dma_wait3A_550, %dma_wait3A_551, %dma_wait3A_552] : memref<5x128x128xf32, #tpu.memory_space<vmem>> -> memref<1x128x128xf32, #tpu.memory_space<vmem>>
          %dma_wait3A_554 = tpu.memref_squeeze %dma_wait3A_553 : memref<1x128x128xf32, #tpu.memory_space<vmem>> -> memref<128x128xf32, #tpu.memory_space<vmem>>
          %dma_wait3A_555 = arith.constant 0 : i32
          %dma_wait3A_556 = tpu.memref_slice %arg5[%add3A_549, %mul3A_2, %dma_wait3A_555] : memref<70x4096x128xf32, #tpu.memory_space<hbm>> -> memref<1x128x128xf32, #tpu.memory_space<hbm>>
          %dma_wait3A_557 = tpu.memref_squeeze %dma_wait3A_556 : memref<1x128x128xf32, #tpu.memory_space<hbm>> -> memref<128x128xf32, #tpu.memory_space<hbm>>
          %dma_wait3A_558 = arith.constant 0 : i32
          %dma_wait3A_559 = tpu.memref_slice %arg5[%add3A_549, %mul3A_2, %dma_wait3A_558] : memref<70x4096x128xf32, #tpu.memory_space<hbm>> -> memref<1x128x128xf32, #tpu.memory_space<hbm>>
          %dma_wait3A_560 = tpu.memref_squeeze %dma_wait3A_559 : memref<1x128x128xf32, #tpu.memory_space<hbm>> -> memref<128x128xf32, #tpu.memory_space<hbm>>
          %dma_wait3A_561 = arith.constant 0 : i32
          %dma_wait3A_562 = arith.constant 0 : i32
          %dma_wait3A_563 = tpu.memref_slice %arg7[%dma_wait3A_550, %dma_wait3A_561, %dma_wait3A_562] : memref<5x128x128xf32, #tpu.memory_space<vmem>> -> memref<1x128x128xf32, #tpu.memory_space<vmem>>
          %dma_wait3A_564 = tpu.memref_squeeze %dma_wait3A_563 : memref<1x128x128xf32, #tpu.memory_space<vmem>> -> memref<128x128xf32, #tpu.memory_space<vmem>>
          tpu.wait_dma2 semaphore(%arg18 : memref<!tpu.dma_semaphore, #tpu.memory_space<semaphore_mem>>) src(%dma_wait3A_564 : memref<128x128xf32, #tpu.memory_space<vmem>>) dst(%dma_wait3A_560 : memref<128x128xf32, #tpu.memory_space<hbm>>)
        } else {
        }
        %add3A_534 = arith.constant 3 : i32
        %add3A_535 = arith.addi %add3A_494, %add3A_534 : i32
        %dma_start3A_536 = arith.constant 2 : i32
        %dma_start3A_537 = arith.constant 0 : i32
        %dma_start3A_538 = arith.constant 0 : i32
        %dma_start3A_539 = tpu.memref_slice %arg7[%dma_start3A_536, %dma_start3A_537, %dma_start3A_538] : memref<5x128x128xf32, #tpu.memory_space<vmem>> -> memref<1x128x128xf32, #tpu.memory_space<vmem>>
        %dma_start3A_540 = tpu.memref_squeeze %dma_start3A_539 : memref<1x128x128xf32, #tpu.memory_space<vmem>> -> memref<128x128xf32, #tpu.memory_space<vmem>>
        %dma_start3A_541 = arith.constant 0 : i32
        %dma_start3A_542 = tpu.memref_slice %arg6[%add3A_535, %dma_start3A_541] : memref<50x128xi32, #tpu.memory_space<vmem>> -> memref<1x128xi32, #tpu.memory_space<vmem>>
        %dma_start3A_543 = tpu.memref_squeeze %dma_start3A_542 : memref<1x128xi32, #tpu.memory_space<vmem>> -> memref<128xi32, #tpu.memory_space<vmem>>
        %dma_start3A_544 = arith.constant 0 : i32
        %dma_start3A_545 = arith.constant 0 : i32
        %dma_start3A_546 = tpu.memref_slice %arg3[%dma_start3A_544, %dma_start3A_545] : memref<100000x128xf32, #tpu.memory_space<hbm>> -> memref<100000x128xf32, #tpu.memory_space<hbm>>
        tpu.enqueue_indirect_dma source(%dma_start3A_546 : memref<100000x128xf32, #tpu.memory_space<hbm>>) target(%dma_start3A_540 : memref<128x128xf32, #tpu.memory_space<vmem>>) offsets(%dma_start3A_543 : memref<128xi32, #tpu.memory_space<vmem>>) semaphore(%arg13 : memref<!tpu.dma_semaphore, #tpu.memory_space<semaphore_mem>>)
      } else {
      }
    }
    %scan3A_52 = arith.constant 10 : i32
    %dma_wait3A = arith.constant 0 : i32
    %dma_wait3A_53 = arith.constant 65 : i32
    %dma_wait3A_54 = arith.constant 0 : i32
    %dma_wait3A_55 = arith.constant 0 : i32
    %dma_wait3A_56 = tpu.memref_slice %arg7[%dma_wait3A, %dma_wait3A_54, %dma_wait3A_55] : memref<5x128x128xf32, #tpu.memory_space<vmem>> -> memref<1x128x128xf32, #tpu.memory_space<vmem>>
    %dma_wait3A_57 = tpu.memref_squeeze %dma_wait3A_56 : memref<1x128x128xf32, #tpu.memory_space<vmem>> -> memref<128x128xf32, #tpu.memory_space<vmem>>
    %dma_wait3A_58 = arith.constant 0 : i32
    %dma_wait3A_59 = tpu.memref_slice %arg5[%dma_wait3A_53, %mul3A_2, %dma_wait3A_58] : memref<70x4096x128xf32, #tpu.memory_space<hbm>> -> memref<1x128x128xf32, #tpu.memory_space<hbm>>
    %dma_wait3A_60 = tpu.memref_squeeze %dma_wait3A_59 : memref<1x128x128xf32, #tpu.memory_space<hbm>> -> memref<128x128xf32, #tpu.memory_space<hbm>>
    %dma_wait3A_61 = arith.constant 0 : i32
    %dma_wait3A_62 = tpu.memref_slice %arg5[%dma_wait3A_53, %mul3A_2, %dma_wait3A_61] : memref<70x4096x128xf32, #tpu.memory_space<hbm>> -> memref<1x128x128xf32, #tpu.memory_space<hbm>>
    %dma_wait3A_63 = tpu.memref_squeeze %dma_wait3A_62 : memref<1x128x128xf32, #tpu.memory_space<hbm>> -> memref<128x128xf32, #tpu.memory_space<hbm>>
    %dma_wait3A_64 = arith.constant 0 : i32
    %dma_wait3A_65 = arith.constant 0 : i32
    %dma_wait3A_66 = tpu.memref_slice %arg7[%dma_wait3A, %dma_wait3A_64, %dma_wait3A_65] : memref<5x128x128xf32, #tpu.memory_space<vmem>> -> memref<1x128x128xf32, #tpu.memory_space<vmem>>
    %dma_wait3A_67 = tpu.memref_squeeze %dma_wait3A_66 : memref<1x128x128xf32, #tpu.memory_space<vmem>> -> memref<128x128xf32, #tpu.memory_space<vmem>>
    tpu.wait_dma2 semaphore(%arg16 : memref<!tpu.dma_semaphore, #tpu.memory_space<semaphore_mem>>) src(%dma_wait3A_67 : memref<128x128xf32, #tpu.memory_space<vmem>>) dst(%dma_wait3A_63 : memref<128x128xf32, #tpu.memory_space<hbm>>)
    %dma_wait3A_68 = arith.constant 1 : i32
    %dma_wait3A_69 = arith.constant 66 : i32
    %dma_wait3A_70 = arith.constant 0 : i32
    %dma_wait3A_71 = arith.constant 0 : i32
    %dma_wait3A_72 = tpu.memref_slice %arg7[%dma_wait3A_68, %dma_wait3A_70, %dma_wait3A_71] : memref<5x128x128xf32, #tpu.memory_space<vmem>> -> memref<1x128x128xf32, #tpu.memory_space<vmem>>
    %dma_wait3A_73 = tpu.memref_squeeze %dma_wait3A_72 : memref<1x128x128xf32, #tpu.memory_space<vmem>> -> memref<128x128xf32, #tpu.memory_space<vmem>>
    %dma_wait3A_74 = arith.constant 0 : i32
    %dma_wait3A_75 = tpu.memref_slice %arg5[%dma_wait3A_69, %mul3A_2, %dma_wait3A_74] : memref<70x4096x128xf32, #tpu.memory_space<hbm>> -> memref<1x128x128xf32, #tpu.memory_space<hbm>>
    %dma_wait3A_76 = tpu.memref_squeeze %dma_wait3A_75 : memref<1x128x128xf32, #tpu.memory_space<hbm>> -> memref<128x128xf32, #tpu.memory_space<hbm>>
    %dma_wait3A_77 = arith.constant 0 : i32
    %dma_wait3A_78 = tpu.memref_slice %arg5[%dma_wait3A_69, %mul3A_2, %dma_wait3A_77] : memref<70x4096x128xf32, #tpu.memory_space<hbm>> -> memref<1x128x128xf32, #tpu.memory_space<hbm>>
    %dma_wait3A_79 = tpu.memref_squeeze %dma_wait3A_78 : memref<1x128x128xf32, #tpu.memory_space<hbm>> -> memref<128x128xf32, #tpu.memory_space<hbm>>
    %dma_wait3A_80 = arith.constant 0 : i32
    %dma_wait3A_81 = arith.constant 0 : i32
    %dma_wait3A_82 = tpu.memref_slice %arg7[%dma_wait3A_68, %dma_wait3A_80, %dma_wait3A_81] : memref<5x128x128xf32, #tpu.memory_space<vmem>> -> memref<1x128x128xf32, #tpu.memory_space<vmem>>
    %dma_wait3A_83 = tpu.memref_squeeze %dma_wait3A_82 : memref<1x128x128xf32, #tpu.memory_space<vmem>> -> memref<128x128xf32, #tpu.memory_space<vmem>>
    tpu.wait_dma2 semaphore(%arg17 : memref<!tpu.dma_semaphore, #tpu.memory_space<semaphore_mem>>) src(%dma_wait3A_83 : memref<128x128xf32, #tpu.memory_space<vmem>>) dst(%dma_wait3A_79 : memref<128x128xf32, #tpu.memory_space<hbm>>)
    %dma_wait3A_84 = arith.constant 2 : i32
    %dma_wait3A_85 = arith.constant 67 : i32
    %dma_wait3A_86 = arith.constant 0 : i32
    %dma_wait3A_87 = arith.constant 0 : i32
    %dma_wait3A_88 = tpu.memref_slice %arg7[%dma_wait3A_84, %dma_wait3A_86, %dma_wait3A_87] : memref<5x128x128xf32, #tpu.memory_space<vmem>> -> memref<1x128x128xf32, #tpu.memory_space<vmem>>
    %dma_wait3A_89 = tpu.memref_squeeze %dma_wait3A_88 : memref<1x128x128xf32, #tpu.memory_space<vmem>> -> memref<128x128xf32, #tpu.memory_space<vmem>>
    %dma_wait3A_90 = arith.constant 0 : i32
    %dma_wait3A_91 = tpu.memref_slice %arg5[%dma_wait3A_85, %mul3A_2, %dma_wait3A_90] : memref<70x4096x128xf32, #tpu.memory_space<hbm>> -> memref<1x128x128xf32, #tpu.memory_space<hbm>>
    %dma_wait3A_92 = tpu.memref_squeeze %dma_wait3A_91 : memref<1x128x128xf32, #tpu.memory_space<hbm>> -> memref<128x128xf32, #tpu.memory_space<hbm>>
    %dma_wait3A_93 = arith.constant 0 : i32
    %dma_wait3A_94 = tpu.memref_slice %arg5[%dma_wait3A_85, %mul3A_2, %dma_wait3A_93] : memref<70x4096x128xf32, #tpu.memory_space<hbm>> -> memref<1x128x128xf32, #tpu.memory_space<hbm>>
    %dma_wait3A_95 = tpu.memref_squeeze %dma_wait3A_94 : memref<1x128x128xf32, #tpu.memory_space<hbm>> -> memref<128x128xf32, #tpu.memory_space<hbm>>
    %dma_wait3A_96 = arith.constant 0 : i32
    %dma_wait3A_97 = arith.constant 0 : i32
    %dma_wait3A_98 = tpu.memref_slice %arg7[%dma_wait3A_84, %dma_wait3A_96, %dma_wait3A_97] : memref<5x128x128xf32, #tpu.memory_space<vmem>> -> memref<1x128x128xf32, #tpu.memory_space<vmem>>
    %dma_wait3A_99 = tpu.memref_squeeze %dma_wait3A_98 : memref<1x128x128xf32, #tpu.memory_space<vmem>> -> memref<128x128xf32, #tpu.memory_space<vmem>>
    tpu.wait_dma2 semaphore(%arg18 : memref<!tpu.dma_semaphore, #tpu.memory_space<semaphore_mem>>) src(%dma_wait3A_99 : memref<128x128xf32, #tpu.memory_space<vmem>>) dst(%dma_wait3A_95 : memref<128x128xf32, #tpu.memory_space<hbm>>)
    %dma_wait3A_100 = arith.constant 3 : i32
    %dma_wait3A_101 = arith.constant 68 : i32
    %dma_wait3A_102 = arith.constant 0 : i32
    %dma_wait3A_103 = arith.constant 0 : i32
    %dma_wait3A_104 = tpu.memref_slice %arg7[%dma_wait3A_100, %dma_wait3A_102, %dma_wait3A_103] : memref<5x128x128xf32, #tpu.memory_space<vmem>> -> memref<1x128x128xf32, #tpu.memory_space<vmem>>
    %dma_wait3A_105 = tpu.memref_squeeze %dma_wait3A_104 : memref<1x128x128xf32, #tpu.memory_space<vmem>> -> memref<128x128xf32, #tpu.memory_space<vmem>>
    %dma_wait3A_106 = arith.constant 0 : i32
    %dma_wait3A_107 = tpu.memref_slice %arg5[%dma_wait3A_101, %mul3A_2, %dma_wait3A_106] : memref<70x4096x128xf32, #tpu.memory_space<hbm>> -> memref<1x128x128xf32, #tpu.memory_space<hbm>>
    %dma_wait3A_108 = tpu.memref_squeeze %dma_wait3A_107 : memref<1x128x128xf32, #tpu.memory_space<hbm>> -> memref<128x128xf32, #tpu.memory_space<hbm>>
    %dma_wait3A_109 = arith.constant 0 : i32
    %dma_wait3A_110 = tpu.memref_slice %arg5[%dma_wait3A_101, %mul3A_2, %dma_wait3A_109] : memref<70x4096x128xf32, #tpu.memory_space<hbm>> -> memref<1x128x128xf32, #tpu.memory_space<hbm>>
    %dma_wait3A_111 = tpu.memref_squeeze %dma_wait3A_110 : memref<1x128x128xf32, #tpu.memory_space<hbm>> -> memref<128x128xf32, #tpu.memory_space<hbm>>
    %dma_wait3A_112 = arith.constant 0 : i32
    %dma_wait3A_113 = arith.constant 0 : i32
    %dma_wait3A_114 = tpu.memref_slice %arg7[%dma_wait3A_100, %dma_wait3A_112, %dma_wait3A_113] : memref<5x128x128xf32, #tpu.memory_space<vmem>> -> memref<1x128x128xf32, #tpu.memory_space<vmem>>
    %dma_wait3A_115 = tpu.memref_squeeze %dma_wait3A_114 : memref<1x128x128xf32, #tpu.memory_space<vmem>> -> memref<128x128xf32, #tpu.memory_space<vmem>>
    tpu.wait_dma2 semaphore(%arg19 : memref<!tpu.dma_semaphore, #tpu.memory_space<semaphore_mem>>) src(%dma_wait3A_115 : memref<128x128xf32, #tpu.memory_space<vmem>>) dst(%dma_wait3A_111 : memref<128x128xf32, #tpu.memory_space<hbm>>)
    %dma_wait3A_116 = arith.constant 4 : i32
    %dma_wait3A_117 = arith.constant 69 : i32
    %dma_wait3A_118 = arith.constant 0 : i32
    %dma_wait3A_119 = arith.constant 0 : i32
    %dma_wait3A_120 = tpu.memref_slice %arg7[%dma_wait3A_116, %dma_wait3A_118, %dma_wait3A_119] : memref<5x128x128xf32, #tpu.memory_space<vmem>> -> memref<1x128x128xf32, #tpu.memory_space<vmem>>
    %dma_wait3A_121 = tpu.memref_squeeze %dma_wait3A_120 : memref<1x128x128xf32, #tpu.memory_space<vmem>> -> memref<128x128xf32, #tpu.memory_space<vmem>>
    %dma_wait3A_122 = arith.constant 0 : i32
    %dma_wait3A_123 = tpu.memref_slice %arg5[%dma_wait3A_117, %mul3A_2, %dma_wait3A_122] : memref<70x4096x128xf32, #tpu.memory_space<hbm>> -> memref<1x128x128xf32, #tpu.memory_space<hbm>>
    %dma_wait3A_124 = tpu.memref_squeeze %dma_wait3A_123 : memref<1x128x128xf32, #tpu.memory_space<hbm>> -> memref<128x128xf32, #tpu.memory_space<hbm>>
    %dma_wait3A_125 = arith.constant 0 : i32
    %dma_wait3A_126 = tpu.memref_slice %arg5[%dma_wait3A_117, %mul3A_2, %dma_wait3A_125] : memref<70x4096x128xf32, #tpu.memory_space<hbm>> -> memref<1x128x128xf32, #tpu.memory_space<hbm>>
    %dma_wait3A_127 = tpu.memref_squeeze %dma_wait3A_126 : memref<1x128x128xf32, #tpu.memory_space<hbm>> -> memref<128x128xf32, #tpu.memory_space<hbm>>
    %dma_wait3A_128 = arith.constant 0 : i32
    %dma_wait3A_129 = arith.constant 0 : i32
    %dma_wait3A_130 = tpu.memref_slice %arg7[%dma_wait3A_116, %dma_wait3A_128, %dma_wait3A_129] : memref<5x128x128xf32, #tpu.memory_space<vmem>> -> memref<1x128x128xf32, #tpu.memory_space<vmem>>
    %dma_wait3A_131 = tpu.memref_squeeze %dma_wait3A_130 : memref<1x128x128xf32, #tpu.memory_space<vmem>> -> memref<128x128xf32, #tpu.memory_space<vmem>>
    tpu.wait_dma2 semaphore(%arg20 : memref<!tpu.dma_semaphore, #tpu.memory_space<semaphore_mem>>) src(%dma_wait3A_131 : memref<128x128xf32, #tpu.memory_space<vmem>>) dst(%dma_wait3A_127 : memref<128x128xf32, #tpu.memory_space<hbm>>)
    %dma_wait3A_132 = arith.constant 0 : i32
    %dma_wait3A_133 = arith.constant 0 : i32
    %dma_wait3A_134 = arith.constant 0 : i32
    %dma_wait3A_135 = tpu.memref_slice %arg5[%dma_wait3A_133, %mul3A_2, %dma_wait3A_134] : memref<70x4096x128xf32, #tpu.memory_space<hbm>> -> memref<1x128x128xf32, #tpu.memory_space<hbm>>
    %dma_wait3A_136 = tpu.memref_squeeze %dma_wait3A_135 : memref<1x128x128xf32, #tpu.memory_space<hbm>> -> memref<128x128xf32, #tpu.memory_space<hbm>>
    %dma_wait3A_137 = arith.constant 0 : i32
    %dma_wait3A_138 = arith.constant 0 : i32
    %dma_wait3A_139 = tpu.memref_slice %arg10[%dma_wait3A_132, %dma_wait3A_137, %dma_wait3A_138] : memref<20x128x128xf32, #tpu.memory_space<vmem_shared>> -> memref<1x128x128xf32, #tpu.memory_space<vmem_shared>>
    %dma_wait3A_140 = tpu.memref_squeeze %dma_wait3A_139 : memref<1x128x128xf32, #tpu.memory_space<vmem_shared>> -> memref<128x128xf32, #tpu.memory_space<vmem_shared>>
    tpu.wait_dma2 semaphore(%arg21 : memref<!tpu.dma_semaphore, #tpu.memory_space<semaphore_mem>>) src(%dma_wait3A_140 : memref<128x128xf32, #tpu.memory_space<vmem_shared>>) dst(%dma_wait3A_136 : memref<128x128xf32, #tpu.memory_space<hbm>>)
    %dma_wait3A_141 = arith.constant 1 : i32
    %dma_wait3A_142 = arith.constant 1 : i32
    %dma_wait3A_143 = arith.constant 0 : i32
    %dma_wait3A_144 = tpu.memref_slice %arg5[%dma_wait3A_142, %mul3A_2, %dma_wait3A_143] : memref<70x4096x128xf32, #tpu.memory_space<hbm>> -> memref<1x128x128xf32, #tpu.memory_space<hbm>>
    %dma_wait3A_145 = tpu.memref_squeeze %dma_wait3A_144 : memref<1x128x128xf32, #tpu.memory_space<hbm>> -> memref<128x128xf32, #tpu.memory_space<hbm>>
    %dma_wait3A_146 = arith.constant 0 : i32
    %dma_wait3A_147 = arith.constant 0 : i32
    %dma_wait3A_148 = tpu.memref_slice %arg10[%dma_wait3A_141, %dma_wait3A_146, %dma_wait3A_147] : memref<20x128x128xf32, #tpu.memory_space<vmem_shared>> -> memref<1x128x128xf32, #tpu.memory_space<vmem_shared>>
    %dma_wait3A_149 = tpu.memref_squeeze %dma_wait3A_148 : memref<1x128x128xf32, #tpu.memory_space<vmem_shared>> -> memref<128x128xf32, #tpu.memory_space<vmem_shared>>
    tpu.wait_dma2 semaphore(%arg21 : memref<!tpu.dma_semaphore, #tpu.memory_space<semaphore_mem>>) src(%dma_wait3A_149 : memref<128x128xf32, #tpu.memory_space<vmem_shared>>) dst(%dma_wait3A_145 : memref<128x128xf32, #tpu.memory_space<hbm>>)
    %dma_wait3A_150 = arith.constant 2 : i32
    %dma_wait3A_151 = arith.constant 2 : i32
    %dma_wait3A_152 = arith.constant 0 : i32
    %dma_wait3A_153 = tpu.memref_slice %arg5[%dma_wait3A_151, %mul3A_2, %dma_wait3A_152] : memref<70x4096x128xf32, #tpu.memory_space<hbm>> -> memref<1x128x128xf32, #tpu.memory_space<hbm>>
    %dma_wait3A_154 = tpu.memref_squeeze %dma_wait3A_153 : memref<1x128x128xf32, #tpu.memory_space<hbm>> -> memref<128x128xf32, #tpu.memory_space<hbm>>
    %dma_wait3A_155 = arith.constant 0 : i32
    %dma_wait3A_156 = arith.constant 0 : i32
    %dma_wait3A_157 = tpu.memref_slice %arg10[%dma_wait3A_150, %dma_wait3A_155, %dma_wait3A_156] : memref<20x128x128xf32, #tpu.memory_space<vmem_shared>> -> memref<1x128x128xf32, #tpu.memory_space<vmem_shared>>
    %dma_wait3A_158 = tpu.memref_squeeze %dma_wait3A_157 : memref<1x128x128xf32, #tpu.memory_space<vmem_shared>> -> memref<128x128xf32, #tpu.memory_space<vmem_shared>>
    tpu.wait_dma2 semaphore(%arg21 : memref<!tpu.dma_semaphore, #tpu.memory_space<semaphore_mem>>) src(%dma_wait3A_158 : memref<128x128xf32, #tpu.memory_space<vmem_shared>>) dst(%dma_wait3A_154 : memref<128x128xf32, #tpu.memory_space<hbm>>)
    %dma_wait3A_159 = arith.constant 3 : i32
    %dma_wait3A_160 = arith.constant 3 : i32
    %dma_wait3A_161 = arith.constant 0 : i32
    %dma_wait3A_162 = tpu.memref_slice %arg5[%dma_wait3A_160, %mul3A_2, %dma_wait3A_161] : memref<70x4096x128xf32, #tpu.memory_space<hbm>> -> memref<1x128x128xf32, #tpu.memory_space<hbm>>
    %dma_wait3A_163 = tpu.memref_squeeze %dma_wait3A_162 : memref<1x128x128xf32, #tpu.memory_space<hbm>> -> memref<128x128xf32, #tpu.memory_space<hbm>>
    %dma_wait3A_164 = arith.constant 0 : i32
    %dma_wait3A_165 = arith.constant 0 : i32
    %dma_wait3A_166 = tpu.memref_slice %arg10[%dma_wait3A_159, %dma_wait3A_164, %dma_wait3A_165] : memref<20x128x128xf32, #tpu.memory_space<vmem_shared>> -> memref<1x128x128xf32, #tpu.memory_space<vmem_shared>>
    %dma_wait3A_167 = tpu.memref_squeeze %dma_wait3A_166 : memref<1x128x128xf32, #tpu.memory_space<vmem_shared>> -> memref<128x128xf32, #tpu.memory_space<vmem_shared>>
    tpu.wait_dma2 semaphore(%arg21 : memref<!tpu.dma_semaphore, #tpu.memory_space<semaphore_mem>>) src(%dma_wait3A_167 : memref<128x128xf32, #tpu.memory_space<vmem_shared>>) dst(%dma_wait3A_163 : memref<128x128xf32, #tpu.memory_space<hbm>>)
    %dma_wait3A_168 = arith.constant 4 : i32
    %dma_wait3A_169 = arith.constant 4 : i32
    %dma_wait3A_170 = arith.constant 0 : i32
    %dma_wait3A_171 = tpu.memref_slice %arg5[%dma_wait3A_169, %mul3A_2, %dma_wait3A_170] : memref<70x4096x128xf32, #tpu.memory_space<hbm>> -> memref<1x128x128xf32, #tpu.memory_space<hbm>>
    %dma_wait3A_172 = tpu.memref_squeeze %dma_wait3A_171 : memref<1x128x128xf32, #tpu.memory_space<hbm>> -> memref<128x128xf32, #tpu.memory_space<hbm>>
    %dma_wait3A_173 = arith.constant 0 : i32
    %dma_wait3A_174 = arith.constant 0 : i32
    %dma_wait3A_175 = tpu.memref_slice %arg10[%dma_wait3A_168, %dma_wait3A_173, %dma_wait3A_174] : memref<20x128x128xf32, #tpu.memory_space<vmem_shared>> -> memref<1x128x128xf32, #tpu.memory_space<vmem_shared>>
    %dma_wait3A_176 = tpu.memref_squeeze %dma_wait3A_175 : memref<1x128x128xf32, #tpu.memory_space<vmem_shared>> -> memref<128x128xf32, #tpu.memory_space<vmem_shared>>
    tpu.wait_dma2 semaphore(%arg21 : memref<!tpu.dma_semaphore, #tpu.memory_space<semaphore_mem>>) src(%dma_wait3A_176 : memref<128x128xf32, #tpu.memory_space<vmem_shared>>) dst(%dma_wait3A_172 : memref<128x128xf32, #tpu.memory_space<hbm>>)
    %dma_wait3A_177 = arith.constant 5 : i32
    %dma_wait3A_178 = arith.constant 5 : i32
    %dma_wait3A_179 = arith.constant 0 : i32
    %dma_wait3A_180 = tpu.memref_slice %arg5[%dma_wait3A_178, %mul3A_2, %dma_wait3A_179] : memref<70x4096x128xf32, #tpu.memory_space<hbm>> -> memref<1x128x128xf32, #tpu.memory_space<hbm>>
    %dma_wait3A_181 = tpu.memref_squeeze %dma_wait3A_180 : memref<1x128x128xf32, #tpu.memory_space<hbm>> -> memref<128x128xf32, #tpu.memory_space<hbm>>
    %dma_wait3A_182 = arith.constant 0 : i32
    %dma_wait3A_183 = arith.constant 0 : i32
    %dma_wait3A_184 = tpu.memref_slice %arg10[%dma_wait3A_177, %dma_wait3A_182, %dma_wait3A_183] : memref<20x128x128xf32, #tpu.memory_space<vmem_shared>> -> memref<1x128x128xf32, #tpu.memory_space<vmem_shared>>
    %dma_wait3A_185 = tpu.memref_squeeze %dma_wait3A_184 : memref<1x128x128xf32, #tpu.memory_space<vmem_shared>> -> memref<128x128xf32, #tpu.memory_space<vmem_shared>>
    tpu.wait_dma2 semaphore(%arg21 : memref<!tpu.dma_semaphore, #tpu.memory_space<semaphore_mem>>) src(%dma_wait3A_185 : memref<128x128xf32, #tpu.memory_space<vmem_shared>>) dst(%dma_wait3A_181 : memref<128x128xf32, #tpu.memory_space<hbm>>)
    %dma_wait3A_186 = arith.constant 6 : i32
    %dma_wait3A_187 = arith.constant 6 : i32
    %dma_wait3A_188 = arith.constant 0 : i32
    %dma_wait3A_189 = tpu.memref_slice %arg5[%dma_wait3A_187, %mul3A_2, %dma_wait3A_188] : memref<70x4096x128xf32, #tpu.memory_space<hbm>> -> memref<1x128x128xf32, #tpu.memory_space<hbm>>
    %dma_wait3A_190 = tpu.memref_squeeze %dma_wait3A_189 : memref<1x128x128xf32, #tpu.memory_space<hbm>> -> memref<128x128xf32, #tpu.memory_space<hbm>>
    %dma_wait3A_191 = arith.constant 0 : i32
    %dma_wait3A_192 = arith.constant 0 : i32
    %dma_wait3A_193 = tpu.memref_slice %arg10[%dma_wait3A_186, %dma_wait3A_191, %dma_wait3A_192] : memref<20x128x128xf32, #tpu.memory_space<vmem_shared>> -> memref<1x128x128xf32, #tpu.memory_space<vmem_shared>>
    %dma_wait3A_194 = tpu.memref_squeeze %dma_wait3A_193 : memref<1x128x128xf32, #tpu.memory_space<vmem_shared>> -> memref<128x128xf32, #tpu.memory_space<vmem_shared>>
    tpu.wait_dma2 semaphore(%arg21 : memref<!tpu.dma_semaphore, #tpu.memory_space<semaphore_mem>>) src(%dma_wait3A_194 : memref<128x128xf32, #tpu.memory_space<vmem_shared>>) dst(%dma_wait3A_190 : memref<128x128xf32, #tpu.memory_space<hbm>>)
    %dma_wait3A_195 = arith.constant 7 : i32
    %dma_wait3A_196 = arith.constant 7 : i32
    %dma_wait3A_197 = arith.constant 0 : i32
    %dma_wait3A_198 = tpu.memref_slice %arg5[%dma_wait3A_196, %mul3A_2, %dma_wait3A_197] : memref<70x4096x128xf32, #tpu.memory_space<hbm>> -> memref<1x128x128xf32, #tpu.memory_space<hbm>>
    %dma_wait3A_199 = tpu.memref_squeeze %dma_wait3A_198 : memref<1x128x128xf32, #tpu.memory_space<hbm>> -> memref<128x128xf32, #tpu.memory_space<hbm>>
    %dma_wait3A_200 = arith.constant 0 : i32
    %dma_wait3A_201 = arith.constant 0 : i32
    %dma_wait3A_202 = tpu.memref_slice %arg10[%dma_wait3A_195, %dma_wait3A_200, %dma_wait3A_201] : memref<20x128x128xf32, #tpu.memory_space<vmem_shared>> -> memref<1x128x128xf32, #tpu.memory_space<vmem_shared>>
    %dma_wait3A_203 = tpu.memref_squeeze %dma_wait3A_202 : memref<1x128x128xf32, #tpu.memory_space<vmem_shared>> -> memref<128x128xf32, #tpu.memory_space<vmem_shared>>
    tpu.wait_dma2 semaphore(%arg21 : memref<!tpu.dma_semaphore, #tpu.memory_space<semaphore_mem>>) src(%dma_wait3A_203 : memref<128x128xf32, #tpu.memory_space<vmem_shared>>) dst(%dma_wait3A_199 : memref<128x128xf32, #tpu.memory_space<hbm>>)
    %dma_wait3A_204 = arith.constant 8 : i32
    %dma_wait3A_205 = arith.constant 8 : i32
    %dma_wait3A_206 = arith.constant 0 : i32
    %dma_wait3A_207 = tpu.memref_slice %arg5[%dma_wait3A_205, %mul3A_2, %dma_wait3A_206] : memref<70x4096x128xf32, #tpu.memory_space<hbm>> -> memref<1x128x128xf32, #tpu.memory_space<hbm>>
    %dma_wait3A_208 = tpu.memref_squeeze %dma_wait3A_207 : memref<1x128x128xf32, #tpu.memory_space<hbm>> -> memref<128x128xf32, #tpu.memory_space<hbm>>
    %dma_wait3A_209 = arith.constant 0 : i32
    %dma_wait3A_210 = arith.constant 0 : i32
    %dma_wait3A_211 = tpu.memref_slice %arg10[%dma_wait3A_204, %dma_wait3A_209, %dma_wait3A_210] : memref<20x128x128xf32, #tpu.memory_space<vmem_shared>> -> memref<1x128x128xf32, #tpu.memory_space<vmem_shared>>
    %dma_wait3A_212 = tpu.memref_squeeze %dma_wait3A_211 : memref<1x128x128xf32, #tpu.memory_space<vmem_shared>> -> memref<128x128xf32, #tpu.memory_space<vmem_shared>>
    tpu.wait_dma2 semaphore(%arg21 : memref<!tpu.dma_semaphore, #tpu.memory_space<semaphore_mem>>) src(%dma_wait3A_212 : memref<128x128xf32, #tpu.memory_space<vmem_shared>>) dst(%dma_wait3A_208 : memref<128x128xf32, #tpu.memory_space<hbm>>)
    %dma_wait3A_213 = arith.constant 9 : i32
    %dma_wait3A_214 = arith.constant 9 : i32
    %dma_wait3A_215 = arith.constant 0 : i32
    %dma_wait3A_216 = tpu.memref_slice %arg5[%dma_wait3A_214, %mul3A_2, %dma_wait3A_215] : memref<70x4096x128xf32, #tpu.memory_space<hbm>> -> memref<1x128x128xf32, #tpu.memory_space<hbm>>
    %dma_wait3A_217 = tpu.memref_squeeze %dma_wait3A_216 : memref<1x128x128xf32, #tpu.memory_space<hbm>> -> memref<128x128xf32, #tpu.memory_space<hbm>>
    %dma_wait3A_218 = arith.constant 0 : i32
    %dma_wait3A_219 = arith.constant 0 : i32
    %dma_wait3A_220 = tpu.memref_slice %arg10[%dma_wait3A_213, %dma_wait3A_218, %dma_wait3A_219] : memref<20x128x128xf32, #tpu.memory_space<vmem_shared>> -> memref<1x128x128xf32, #tpu.memory_space<vmem_shared>>
    %dma_wait3A_221 = tpu.memref_squeeze %dma_wait3A_220 : memref<1x128x128xf32, #tpu.memory_space<vmem_shared>> -> memref<128x128xf32, #tpu.memory_space<vmem_shared>>
    tpu.wait_dma2 semaphore(%arg21 : memref<!tpu.dma_semaphore, #tpu.memory_space<semaphore_mem>>) src(%dma_wait3A_221 : memref<128x128xf32, #tpu.memory_space<vmem_shared>>) dst(%dma_wait3A_217 : memref<128x128xf32, #tpu.memory_space<hbm>>)
    %dma_wait3A_222 = arith.constant 10 : i32
    %dma_wait3A_223 = arith.constant 10 : i32
    %dma_wait3A_224 = arith.constant 0 : i32
    %dma_wait3A_225 = tpu.memref_slice %arg5[%dma_wait3A_223, %mul3A_2, %dma_wait3A_224] : memref<70x4096x128xf32, #tpu.memory_space<hbm>> -> memref<1x128x128xf32, #tpu.memory_space<hbm>>
    %dma_wait3A_226 = tpu.memref_squeeze %dma_wait3A_225 : memref<1x128x128xf32, #tpu.memory_space<hbm>> -> memref<128x128xf32, #tpu.memory_space<hbm>>
    %dma_wait3A_227 = arith.constant 0 : i32
    %dma_wait3A_228 = arith.constant 0 : i32
    %dma_wait3A_229 = tpu.memref_slice %arg10[%dma_wait3A_222, %dma_wait3A_227, %dma_wait3A_228] : memref<20x128x128xf32, #tpu.memory_space<vmem_shared>> -> memref<1x128x128xf32, #tpu.memory_space<vmem_shared>>
    %dma_wait3A_230 = tpu.memref_squeeze %dma_wait3A_229 : memref<1x128x128xf32, #tpu.memory_space<vmem_shared>> -> memref<128x128xf32, #tpu.memory_space<vmem_shared>>
    tpu.wait_dma2 semaphore(%arg21 : memref<!tpu.dma_semaphore, #tpu.memory_space<semaphore_mem>>) src(%dma_wait3A_230 : memref<128x128xf32, #tpu.memory_space<vmem_shared>>) dst(%dma_wait3A_226 : memref<128x128xf32, #tpu.memory_space<hbm>>)
    %dma_wait3A_231 = arith.constant 11 : i32
    %dma_wait3A_232 = arith.constant 11 : i32
    %dma_wait3A_233 = arith.constant 0 : i32
    %dma_wait3A_234 = tpu.memref_slice %arg5[%dma_wait3A_232, %mul3A_2, %dma_wait3A_233] : memref<70x4096x128xf32, #tpu.memory_space<hbm>> -> memref<1x128x128xf32, #tpu.memory_space<hbm>>
    %dma_wait3A_235 = tpu.memref_squeeze %dma_wait3A_234 : memref<1x128x128xf32, #tpu.memory_space<hbm>> -> memref<128x128xf32, #tpu.memory_space<hbm>>
    %dma_wait3A_236 = arith.constant 0 : i32
    %dma_wait3A_237 = arith.constant 0 : i32
    %dma_wait3A_238 = tpu.memref_slice %arg10[%dma_wait3A_231, %dma_wait3A_236, %dma_wait3A_237] : memref<20x128x128xf32, #tpu.memory_space<vmem_shared>> -> memref<1x128x128xf32, #tpu.memory_space<vmem_shared>>
    %dma_wait3A_239 = tpu.memref_squeeze %dma_wait3A_238 : memref<1x128x128xf32, #tpu.memory_space<vmem_shared>> -> memref<128x128xf32, #tpu.memory_space<vmem_shared>>
    tpu.wait_dma2 semaphore(%arg21 : memref<!tpu.dma_semaphore, #tpu.memory_space<semaphore_mem>>) src(%dma_wait3A_239 : memref<128x128xf32, #tpu.memory_space<vmem_shared>>) dst(%dma_wait3A_235 : memref<128x128xf32, #tpu.memory_space<hbm>>)
    %dma_wait3A_240 = arith.constant 12 : i32
    %dma_wait3A_241 = arith.constant 12 : i32
    %dma_wait3A_242 = arith.constant 0 : i32
    %dma_wait3A_243 = tpu.memref_slice %arg5[%dma_wait3A_241, %mul3A_2, %dma_wait3A_242] : memref<70x4096x128xf32, #tpu.memory_space<hbm>> -> memref<1x128x128xf32, #tpu.memory_space<hbm>>
    %dma_wait3A_244 = tpu.memref_squeeze %dma_wait3A_243 : memref<1x128x128xf32, #tpu.memory_space<hbm>> -> memref<128x128xf32, #tpu.memory_space<hbm>>
    %dma_wait3A_245 = arith.constant 0 : i32
    %dma_wait3A_246 = arith.constant 0 : i32
    %dma_wait3A_247 = tpu.memref_slice %arg10[%dma_wait3A_240, %dma_wait3A_245, %dma_wait3A_246] : memref<20x128x128xf32, #tpu.memory_space<vmem_shared>> -> memref<1x128x128xf32, #tpu.memory_space<vmem_shared>>
    %dma_wait3A_248 = tpu.memref_squeeze %dma_wait3A_247 : memref<1x128x128xf32, #tpu.memory_space<vmem_shared>> -> memref<128x128xf32, #tpu.memory_space<vmem_shared>>
    tpu.wait_dma2 semaphore(%arg21 : memref<!tpu.dma_semaphore, #tpu.memory_space<semaphore_mem>>) src(%dma_wait3A_248 : memref<128x128xf32, #tpu.memory_space<vmem_shared>>) dst(%dma_wait3A_244 : memref<128x128xf32, #tpu.memory_space<hbm>>)
    %dma_wait3A_249 = arith.constant 13 : i32
    %dma_wait3A_250 = arith.constant 13 : i32
    %dma_wait3A_251 = arith.constant 0 : i32
    %dma_wait3A_252 = tpu.memref_slice %arg5[%dma_wait3A_250, %mul3A_2, %dma_wait3A_251] : memref<70x4096x128xf32, #tpu.memory_space<hbm>> -> memref<1x128x128xf32, #tpu.memory_space<hbm>>
    %dma_wait3A_253 = tpu.memref_squeeze %dma_wait3A_252 : memref<1x128x128xf32, #tpu.memory_space<hbm>> -> memref<128x128xf32, #tpu.memory_space<hbm>>
    %dma_wait3A_254 = arith.constant 0 : i32
    %dma_wait3A_255 = arith.constant 0 : i32
    %dma_wait3A_256 = tpu.memref_slice %arg10[%dma_wait3A_249, %dma_wait3A_254, %dma_wait3A_255] : memref<20x128x128xf32, #tpu.memory_space<vmem_shared>> -> memref<1x128x128xf32, #tpu.memory_space<vmem_shared>>
    %dma_wait3A_257 = tpu.memref_squeeze %dma_wait3A_256 : memref<1x128x128xf32, #tpu.memory_space<vmem_shared>> -> memref<128x128xf32, #tpu.memory_space<vmem_shared>>
    tpu.wait_dma2 semaphore(%arg21 : memref<!tpu.dma_semaphore, #tpu.memory_space<semaphore_mem>>) src(%dma_wait3A_257 : memref<128x128xf32, #tpu.memory_space<vmem_shared>>) dst(%dma_wait3A_253 : memref<128x128xf32, #tpu.memory_space<hbm>>)
    %dma_wait3A_258 = arith.constant 14 : i32
    %dma_wait3A_259 = arith.constant 14 : i32
    %dma_wait3A_260 = arith.constant 0 : i32
    %dma_wait3A_261 = tpu.memref_slice %arg5[%dma_wait3A_259, %mul3A_2, %dma_wait3A_260] : memref<70x4096x128xf32, #tpu.memory_space<hbm>> -> memref<1x128x128xf32, #tpu.memory_space<hbm>>
    %dma_wait3A_262 = tpu.memref_squeeze %dma_wait3A_261 : memref<1x128x128xf32, #tpu.memory_space<hbm>> -> memref<128x128xf32, #tpu.memory_space<hbm>>
    %dma_wait3A_263 = arith.constant 0 : i32
    %dma_wait3A_264 = arith.constant 0 : i32
    %dma_wait3A_265 = tpu.memref_slice %arg10[%dma_wait3A_258, %dma_wait3A_263, %dma_wait3A_264] : memref<20x128x128xf32, #tpu.memory_space<vmem_shared>> -> memref<1x128x128xf32, #tpu.memory_space<vmem_shared>>
    %dma_wait3A_266 = tpu.memref_squeeze %dma_wait3A_265 : memref<1x128x128xf32, #tpu.memory_space<vmem_shared>> -> memref<128x128xf32, #tpu.memory_space<vmem_shared>>
    tpu.wait_dma2 semaphore(%arg21 : memref<!tpu.dma_semaphore, #tpu.memory_space<semaphore_mem>>) src(%dma_wait3A_266 : memref<128x128xf32, #tpu.memory_space<vmem_shared>>) dst(%dma_wait3A_262 : memref<128x128xf32, #tpu.memory_space<hbm>>)
    %dma_wait3A_267 = arith.constant 15 : i32
    %dma_wait3A_268 = arith.constant 15 : i32
    %dma_wait3A_269 = arith.constant 0 : i32
    %dma_wait3A_270 = tpu.memref_slice %arg5[%dma_wait3A_268, %mul3A_2, %dma_wait3A_269] : memref<70x4096x128xf32, #tpu.memory_space<hbm>> -> memref<1x128x128xf32, #tpu.memory_space<hbm>>
    %dma_wait3A_271 = tpu.memref_squeeze %dma_wait3A_270 : memref<1x128x128xf32, #tpu.memory_space<hbm>> -> memref<128x128xf32, #tpu.memory_space<hbm>>
    %dma_wait3A_272 = arith.constant 0 : i32
    %dma_wait3A_273 = arith.constant 0 : i32
    %dma_wait3A_274 = tpu.memref_slice %arg10[%dma_wait3A_267, %dma_wait3A_272, %dma_wait3A_273] : memref<20x128x128xf32, #tpu.memory_space<vmem_shared>> -> memref<1x128x128xf32, #tpu.memory_space<vmem_shared>>
    %dma_wait3A_275 = tpu.memref_squeeze %dma_wait3A_274 : memref<1x128x128xf32, #tpu.memory_space<vmem_shared>> -> memref<128x128xf32, #tpu.memory_space<vmem_shared>>
    tpu.wait_dma2 semaphore(%arg21 : memref<!tpu.dma_semaphore, #tpu.memory_space<semaphore_mem>>) src(%dma_wait3A_275 : memref<128x128xf32, #tpu.memory_space<vmem_shared>>) dst(%dma_wait3A_271 : memref<128x128xf32, #tpu.memory_space<hbm>>)
    %dma_wait3A_276 = arith.constant 16 : i32
    %dma_wait3A_277 = arith.constant 16 : i32
    %dma_wait3A_278 = arith.constant 0 : i32
    %dma_wait3A_279 = tpu.memref_slice %arg5[%dma_wait3A_277, %mul3A_2, %dma_wait3A_278] : memref<70x4096x128xf32, #tpu.memory_space<hbm>> -> memref<1x128x128xf32, #tpu.memory_space<hbm>>
    %dma_wait3A_280 = tpu.memref_squeeze %dma_wait3A_279 : memref<1x128x128xf32, #tpu.memory_space<hbm>> -> memref<128x128xf32, #tpu.memory_space<hbm>>
    %dma_wait3A_281 = arith.constant 0 : i32
    %dma_wait3A_282 = arith.constant 0 : i32
    %dma_wait3A_283 = tpu.memref_slice %arg10[%dma_wait3A_276, %dma_wait3A_281, %dma_wait3A_282] : memref<20x128x128xf32, #tpu.memory_space<vmem_shared>> -> memref<1x128x128xf32, #tpu.memory_space<vmem_shared>>
    %dma_wait3A_284 = tpu.memref_squeeze %dma_wait3A_283 : memref<1x128x128xf32, #tpu.memory_space<vmem_shared>> -> memref<128x128xf32, #tpu.memory_space<vmem_shared>>
    tpu.wait_dma2 semaphore(%arg21 : memref<!tpu.dma_semaphore, #tpu.memory_space<semaphore_mem>>) src(%dma_wait3A_284 : memref<128x128xf32, #tpu.memory_space<vmem_shared>>) dst(%dma_wait3A_280 : memref<128x128xf32, #tpu.memory_space<hbm>>)
    %dma_wait3A_285 = arith.constant 17 : i32
    %dma_wait3A_286 = arith.constant 17 : i32
    %dma_wait3A_287 = arith.constant 0 : i32
    %dma_wait3A_288 = tpu.memref_slice %arg5[%dma_wait3A_286, %mul3A_2, %dma_wait3A_287] : memref<70x4096x128xf32, #tpu.memory_space<hbm>> -> memref<1x128x128xf32, #tpu.memory_space<hbm>>
    %dma_wait3A_289 = tpu.memref_squeeze %dma_wait3A_288 : memref<1x128x128xf32, #tpu.memory_space<hbm>> -> memref<128x128xf32, #tpu.memory_space<hbm>>
    %dma_wait3A_290 = arith.constant 0 : i32
    %dma_wait3A_291 = arith.constant 0 : i32
    %dma_wait3A_292 = tpu.memref_slice %arg10[%dma_wait3A_285, %dma_wait3A_290, %dma_wait3A_291] : memref<20x128x128xf32, #tpu.memory_space<vmem_shared>> -> memref<1x128x128xf32, #tpu.memory_space<vmem_shared>>
    %dma_wait3A_293 = tpu.memref_squeeze %dma_wait3A_292 : memref<1x128x128xf32, #tpu.memory_space<vmem_shared>> -> memref<128x128xf32, #tpu.memory_space<vmem_shared>>
    tpu.wait_dma2 semaphore(%arg21 : memref<!tpu.dma_semaphore, #tpu.memory_space<semaphore_mem>>) src(%dma_wait3A_293 : memref<128x128xf32, #tpu.memory_space<vmem_shared>>) dst(%dma_wait3A_289 : memref<128x128xf32, #tpu.memory_space<hbm>>)
    %dma_wait3A_294 = arith.constant 18 : i32
    %dma_wait3A_295 = arith.constant 18 : i32
    %dma_wait3A_296 = arith.constant 0 : i32
    %dma_wait3A_297 = tpu.memref_slice %arg5[%dma_wait3A_295, %mul3A_2, %dma_wait3A_296] : memref<70x4096x128xf32, #tpu.memory_space<hbm>> -> memref<1x128x128xf32, #tpu.memory_space<hbm>>
    %dma_wait3A_298 = tpu.memref_squeeze %dma_wait3A_297 : memref<1x128x128xf32, #tpu.memory_space<hbm>> -> memref<128x128xf32, #tpu.memory_space<hbm>>
    %dma_wait3A_299 = arith.constant 0 : i32
    %dma_wait3A_300 = arith.constant 0 : i32
    %dma_wait3A_301 = tpu.memref_slice %arg10[%dma_wait3A_294, %dma_wait3A_299, %dma_wait3A_300] : memref<20x128x128xf32, #tpu.memory_space<vmem_shared>> -> memref<1x128x128xf32, #tpu.memory_space<vmem_shared>>
    %dma_wait3A_302 = tpu.memref_squeeze %dma_wait3A_301 : memref<1x128x128xf32, #tpu.memory_space<vmem_shared>> -> memref<128x128xf32, #tpu.memory_space<vmem_shared>>
    tpu.wait_dma2 semaphore(%arg21 : memref<!tpu.dma_semaphore, #tpu.memory_space<semaphore_mem>>) src(%dma_wait3A_302 : memref<128x128xf32, #tpu.memory_space<vmem_shared>>) dst(%dma_wait3A_298 : memref<128x128xf32, #tpu.memory_space<hbm>>)
    %dma_wait3A_303 = arith.constant 19 : i32
    %dma_wait3A_304 = arith.constant 19 : i32
    %dma_wait3A_305 = arith.constant 0 : i32
    %dma_wait3A_306 = tpu.memref_slice %arg5[%dma_wait3A_304, %mul3A_2, %dma_wait3A_305] : memref<70x4096x128xf32, #tpu.memory_space<hbm>> -> memref<1x128x128xf32, #tpu.memory_space<hbm>>
    %dma_wait3A_307 = tpu.memref_squeeze %dma_wait3A_306 : memref<1x128x128xf32, #tpu.memory_space<hbm>> -> memref<128x128xf32, #tpu.memory_space<hbm>>
    %dma_wait3A_308 = arith.constant 0 : i32
    %dma_wait3A_309 = arith.constant 0 : i32
    %dma_wait3A_310 = tpu.memref_slice %arg10[%dma_wait3A_303, %dma_wait3A_308, %dma_wait3A_309] : memref<20x128x128xf32, #tpu.memory_space<vmem_shared>> -> memref<1x128x128xf32, #tpu.memory_space<vmem_shared>>
    %dma_wait3A_311 = tpu.memref_squeeze %dma_wait3A_310 : memref<1x128x128xf32, #tpu.memory_space<vmem_shared>> -> memref<128x128xf32, #tpu.memory_space<vmem_shared>>
    tpu.wait_dma2 semaphore(%arg21 : memref<!tpu.dma_semaphore, #tpu.memory_space<semaphore_mem>>) src(%dma_wait3A_311 : memref<128x128xf32, #tpu.memory_space<vmem_shared>>) dst(%dma_wait3A_307 : memref<128x128xf32, #tpu.memory_space<hbm>>)
    return
  }
}

</mosaic_0001>

<sc_bundles>
// kernel: kernel.3.cloned.1.call-start
scs
__scs_entry_jumppad:
0x0: {  	(pc) =	sbr.rel $0x88, $3  }
0x1: {  	(tag) =	ssettag $0x0;
	lr =	simm.s32 $0x1  }
0x2: {  	[smem:$0x3F9E] =	sst lr;
	_ =	strace $0xD0000000  }
0x3: {  	_ = 	snop  }
0x4: {  	_ = 	snop  }
0x5: {  	_ = 	snop  }
0x6: {  	_ = 	snop  }
0x7: {  	_ = 	snop  }
__scs_overlays_trampoline_lowered:
0x8: {  	[smem:$0x3FAD] =	sst s0  }
0x9: {  	[smem:$0x3FAE] =	sst s1  }
0xa: {  	[smem:$0x3FAF] =	sst s2  }
0xb: {  	[smem:$0x3FB0] =	sst s3  }
0xc: {  	[smem:$0x3FB1] =	sst s4  }
0xd: {  	[smem:$0x3FB2] =	sst s5  }
0xe: {  	[smem:$0x3FB3] =	sst s6  }
0xf: {  	[smem:$0x3FB4] =	sst s7  }
0x10: {  	[smem:$0x3FB5] =	sst s8  }
0x11: {  	[smem:$0x3FB6] =	sst s9;
	s0 =	simm.s32 @!p0 $0x0  }
0x12: {  	s1 =	sld [smem:$0x3F9C];
	s0 =	simm.s32 @p0 $0x1  }
0x13: {  	[smem:$0x3FB7] =	sst s0;
	s0 =	simm.s32 @!p1 $0x0  }
0x14: {  	s2 =	sld [smem:$0x3F9B];
	s0 =	simm.s32 @p1 $0x1  }
0x15: {  	[smem:$0x3FB8] =	sst s0;
	s0 =	simm.s32 @!p2 $0x0  }
0x16: {  	s3 =	sld [smem:$0x3FDB];
	s0 =	simm.s32 @p2 $0x1  }
0x17: {  	s4 =	simm.s32 $0x1BF5;
	[smem:$0x3FBA] =	sst s0  }
0x18: {  	s0 =	sld [smem:$0x3F9D];
	_ =	swait.ge [sflag:s4], $0x0  }
0x19: {  	s7 =	sld [smem:$0x3F9E]  }
0x1a: {  	s8 =	sadd.s32 $0xFFFFE003, lr  }
0x1b: {  	s9 =	sadd.s32 $0xFFFFFEF7, lr;
	s5 =	simm.s32 $0xFFFFFFFF;
	p2 =	slt.u32 s8, $0xFFFFF086  }
0x1c: {  	p1 =	slt.u32 s9, $0xF7A;
	s5 =	simm.s32 @!p2 $0x0  }
0x1d: {  	s5 =	simm.s32 @p1 $0x1;
	p0 =	seq.s32 s7, s2  }
0x1e: {  	s7 =	smul.u32 @!p0 $0xF7A, s2;
	p2 =	seq.s32 @!p0 s5, $0x0  }
0x1f: {  	s9 =	smul.u32 $0xF7A, s1;
	s8 =	simm.s32 @!p0 $0x1BF5;
	p2 =	por !p2, p0  }
0x20: {  	[sflag:s8] =	ssyncset.s32 @!p0 $0xFFFFF086;
	s6 =	sadd.s32 @!p0 s3, s7;
	s7 =	simm.s32 @!p0 $0x108  }
0x21: {  	s3 =	sadd.s32 s3, s9;
	s6 =	sadd.s32 @!p0 $0x88, s6;
	s7 =	simm.s32 @p2 $0x1082  }
0x22: {  	[simem:s7], [sflag:s8] =	dma.local @!p0 [hbm:s6], $0xF7A  }
0x23: {  	s9 =	sor.u32 $0xD0000000, s2;
	s6 =	simm.s32 $0x108;
	_ =	swait.ge @!p0 [sflag:s8], $0x0  }
0x24: {  	s3 =	sadd.s32 $0x88, s3;
	s6 =	simm.s32 @!p1 $0x1082;
	[sflag:s4] =	ssyncset.s32 $0xFFFFF086  }
0x25: {  	[simem:s6], [sflag:s4] =	dma.local [hbm:s3], $0xF7A  }
0x26: {  	[smem:$0x3F9E] =	sst s1;
	(tag) =	ssettag s2;
	_ =	strace s9  }
0x27: {  	s1 =	sld [smem:$0x3FAE]  }
0x28: {  	s2 =	sld [smem:$0x3FAF]  }
0x29: {  	s4 =	sld [smem:$0x3FB1]  }
0x2a: {  	p0 =	seq.s32 s5, $0x0;
	s5 =	sld [smem:$0x3FB2]  }
0x2b: {  	s6 =	sld [smem:$0x3FB3]  }
0x2c: {  	s7 =	sld [smem:$0x3FB4]  }
0x2d: {  	s3 =	simm.s32 $0x108;
	s8 =	sld [smem:$0x3FB5]  }
0x2e: {  	s3 =	simm.s32 @!p0 $0x1082;
	s9 =	sld [smem:$0x3FB6]  }
0x2f: {  	lr =	sadd.s32 s0, s3;
	s0 =	sld [smem:$0x3FAD]  }
0x30: {  	s3 =	sld [smem:$0x3FB0]  }
0x31: {  	[smem:$0x3FB9] =	sst s10  }
0x32: {  	s10 =	sld [smem:$0x3FB7];
	_ =	sdelay $0x3  }
0x33: {  	p0 =	seq.s32 s10, $0x1;
	s10 =	sld [smem:$0x3FB9];
	_ =	sdelay $0x3  }
0x34: {  	[smem:$0x3FB9] =	sst s10  }
0x35: {  	s10 =	sld [smem:$0x3FB8];
	_ =	sdelay $0x3  }
0x36: {  	p1 =	seq.s32 s10, $0x1;
	s10 =	sld [smem:$0x3FB9];
	_ =	sdelay $0x3  }
0x37: {  	[smem:$0x3FB9] =	sst s10  }
0x38: {  	s10 =	sld [smem:$0x3FBA]  }
0x39: {  	_ = 	snop;
	(pc) =	sbr.ind lr, $3  }
0x3a: {  	_ = 	snop  }
0x3b: {  	_ = 	snop  }
0x3c: {  	p2 =	seq.s32 s10, $0x1;
	s10 =	sld [smem:$0x3FB9]  }
0x3d: {  	_ =	shalt  }
0x3e: {  	_ =	shalt  }
0x3f: {  	_ =	shalt  }
0x40: {  	_ =	shalt  }
0x41: {  	_ =	shalt  }
0x42: {  	_ =	shalt  }
0x43: {  	_ =	shalt  }
0x44: {  	_ =	shalt  }
0x45: {  	_ =	shalt  }
0x46: {  	_ =	shalt  }
0x47: {  	_ =	shalt  }
0x48: {  	_ =	shalt  }
0x49: {  	_ =	shalt  }
0x4a: {  	_ =	shalt  }
0x4b: {  	_ =	shalt  }
0x4c: {  	_ =	shalt  }
0x4d: {  	_ =	shalt  }
0x4e: {  	_ =	shalt  }
0x4f: {  	_ =	shalt  }
0x50: {  	_ =	shalt  }
0x51: {  	_ =	shalt  }
0x52: {  	_ =	shalt  }
0x53: {  	_ =	shalt  }
0x54: {  	_ =	shalt  }
0x55: {  	_ =	shalt  }
0x56: {  	_ =	shalt  }
0x57: {  	_ =	shalt  }
0x58: {  	_ =	shalt  }
0x59: {  	_ =	shalt  }
0x5a: {  	_ =	shalt  }
0x5b: {  	_ =	shalt  }
0x5c: {  	_ =	shalt  }
0x5d: {  	_ =	shalt  }
0x5e: {  	_ =	shalt  }
0x5f: {  	_ =	shalt  }
0x60: {  	_ =	shalt  }
0x61: {  	_ =	shalt  }
0x62: {  	_ =	shalt  }
0x63: {  	_ =	shalt  }
0x64: {  	_ =	shalt  }
0x65: {  	_ =	shalt  }
0x66: {  	_ =	shalt  }
0x67: {  	_ =	shalt  }
0x68: {  	_ =	shalt  }
0x69: {  	_ =	shalt  }
0x6a: {  	_ =	shalt  }
0x6b: {  	_ =	shalt  }
0x6c: {  	_ =	shalt  }
0x6d: {  	_ =	shalt  }
0x6e: {  	_ =	shalt  }
0x6f: {  	_ =	shalt  }
0x70: {  	_ =	shalt  }
0x71: {  	_ =	shalt  }
0x72: {  	_ =	shalt  }
0x73: {  	_ =	shalt  }
0x74: {  	_ =	shalt  }
0x75: {  	_ =	shalt  }
0x76: {  	_ =	shalt  }
0x77: {  	_ =	shalt  }
0x78: {  	_ =	shalt  }
0x79: {  	_ =	shalt  }
0x7a: {  	_ =	shalt  }
0x7b: {  	_ =	shalt  }
0x7c: {  	_ =	shalt  }
0x7d: {  	_ =	shalt  }
0x7e: {  	_ =	shalt  }
0x7f: {  	_ =	shalt  }
0x80: {  	_ =	shalt  }
0x81: {  	_ =	shalt  }
0x82: {  	_ =	shalt  }
0x83: {  	_ =	shalt  }
0x84: {  	_ =	shalt  }
0x85: {  	_ =	shalt  }
0x86: {  	_ =	shalt  }
0x87: {  	_ =	shalt  }
.Lfunc_end0:
.L_simem_size_0:
called_computation_lowered:
.L_overlay_start_0:
0x88: {  	s2 =	sld [smem:$0x3FD9]  }
0x89: {  	s3 =	sld [smem:$0x3FFE];
	_ =	sdelay $0x1  }
0x8a: {  	s1 =	srdreg.scid  }
0x8b: {  	s0 =	sand.u32 $0x1, s1  }
0x8c: {  	s18 =	sshll.u32 s0, $0xA;
	s2 =	sadd.s32 s3, s2  }
0x8d: {  	s2 =	sadd.s32 s2, s18  }
0x8e: {  	[smem:$0x3FC5] =	sst s2  }
0x8f: {  	_ = 	snop  }
0x90: {  	s2 =	sld [smem:$0x3FC9]  }
0x91: {  	s19 =	sld [smem:$0x3FC8]  }
0x92: {  	s4 =	sld [smem:$0x3FC7]  }
0x93: {  	s5 =	sld [smem:$0x3FD0];
	(tm) =	ssettm $0x1  }
0x94: {  	s6 =	sld [smem:$0x3FFB];
	_ =	sdelay $0x3  }
0x95: {  	_ =	strace s6  }
0x96: {  	s6 =	sld [smem:$0x3FFC];
	_ =	sdelay $0x3  }
0x97: {  	_ =	strace s6  }
0x98: {  	s6 =	sld [smem:$0x3FFD];
	_ =	sdelay $0x3  }
0x99: {  	_ =	strace s6  }
0x9a: {  	_ =	strace $0x8FFFFFFF  }
0x9b: {  	s20 =	sld [smem:$0x3FDB];
	_ =	sdelay $0x1  }
0x9c: {  	s7 =	simm.s32 $_scs_section_size  }
0x9d: {  	s8 =	simm.s32 $_size__tile_overlayer_lowered;
	s9 =	simm.s32 $_tile_overlayer_lowered  }
0x9e: {  	s23 =	simm.s32 $0x1BFF;
	s22 =	sshll.u32 s9, $0x1;
	s6 =	sadd.s32 s7, s20  }
0x9f: {  	s10 =	simm.s32 $0x0;
	s21 =	sshll.u32 s8, $0x1;
	s8 =	sadd.s32 s22, s6  }
0xa0: {  	[timem:s10], [sflag:s23] =	dma.local [hbm:s8], s21  }
0xa1: {  	_ =	swait.ge [sflag:s23], s21  }
0xa2: {  	s7 =	ssub.s32 $0x0, s21;
	[sflag:s23] =	ssyncset.done $0x0  }
0xa3: {  	[sflag:s23] =	ssyncadd.s32 s7;
	_ =	sdelay $0x1  }
0xa4: {  	s24 =	simm.s32 $0x1B8B  }
0xa5: {  	_ =	swait.ge [sflag:s24], $0x1  }
0xa6: {  	[sflag:s24] =	ssyncset.done $0x0  }
0xa7: {  	s25 =	simm.s32 $0x1B8E;
	[sflag:s24] =	ssyncadd.s32 $0xFFFFFFFF  }
0xa8: {  	s26 =	simm.s32 $execute0_lowered;
	[smem:$0x3FD2] =	sst s25  }
0xa9: {  	s7 =	sshll.u32 s26, $0x1;
	_ =	strace $0x80000046;
	[dreg:$0x1] =	wrdreg $0xFFFFFFFF  }
0xaa: {  	s28 =	simm.s32 $_size_execute0_lowered;
	s6 =	sadd.s32 s6, s7;
	[dreg:$0x0] =	wrdreg $0x0  }
0xab: {  	s7 =	sshll.u32 s28, $0x1;
	[dreg:$0x2] =	wrdreg s6  }
0xac: {  	[dreg:$0x3] =	wrdreg s7  }
0xad: {  	[dreg:$0x4] =	wrdreg $0xC0  }
0xae: {  	_ =	task [dreg:s10], $0x5FFFF  }
0xaf: {  	[dreg:$0x1] =	wrdreg $0xFFFFFFFF  }
0xb0: {  	[dreg:$0x0] =	wrdreg $0x60  }
0xb1: {  	[dreg:$0x2] =	wrdreg s2  }
0xb2: {  	[dreg:$0x3] =	wrdreg s19  }
0xb3: {  	[dreg:$0x4] =	wrdreg s4  }
0xb4: {  	[dreg:$0x5] =	wrdreg s5  }
0xb5: {  	[dreg:$0x6] =	wrdreg $0x170000  }
0xb6: {  	[dreg:$0x7] =	wrdreg $0x9  }
0xb7: {  	_ =	task.clear_ibuf [dreg:s10], $0x8FFFF;
	_ =	strace $0x90000046  }
0xb8: {  	s29 =	simm.s32 $0x9;
	_ =	strace $0x80000048  }
0xb9: {  	_ =	swait.ge [sflag:s29], $0x1  }
0xba: {  	[sflag:s29] =	ssyncadd.s32 $0xFFFFFFFF  }
0xbb: {  	_ =	strace $0x90000048  }
0xbc: {  	_ =	sfence  }
0xbd: {  	s30 =	sld [smem:$0x0];
	_ =	sdelay $0x2  }
0xbe: {  	s31 =	sshll.u32 s1, $0xD;
	s1 =	sshrl.u32 s1, $0x2  }
0xbf: {  	s3 =	sand.u32 $0x4000, s31;
	s1 =	sadd.s32 s1, s30  }
0xc0: {  	s0 =	sor.u32 s3, s0;
	s1 =	sshll.u32 s1, $0x11  }
0xc1: {  	s0 =	sor.u32 s1, s0  }
0xc2: {  	s0 =	sadd.s32 $0x8F2B, s0  }
0xc3: {  	[sflag:s0] =	ssyncadd.remote.s32 $0x1  }
0xc4: {  	_ =	sfence.sel $0xFFFF  }
0xc5: {  	[dreg:$0x0] =	wrdreg $0xFFFFFFFF;
	(pc) =	sbr.abs _section_cstart, $3  }
0xc6: {  	[dreg:$0x1] =	wrdreg $0xFFFFFFFF  }
0xc7: {  	_ =	task.clear_ibuf [dreg:s10], $0x2FFFF;
	_ =	strace $0x9FFFFFFF  }
0xc8: {  	(tm) =	ssettm $0x7FFFFFFF  }
0xc9: {  	_ =	shalt  }
tec
execute0_lowered:
.L_overlay_start_1:
0x0: {  	(tag) =	ssettag $0x1  }
0x1: {  	s0 =	rddreg [dreg:$0x0]  }
0x2: {  	s1 =	rddreg [dreg:$0x1]  }
0x3: {  	s3 =	rddreg [dreg:$0x3]  }
0x4: {  	s5 =	rddreg [dreg:$0x4];
	s6 =	simm.s32 $0x0;
	s2 =	srdreg.scid  }
0x5: {  	s10 =	stileid.u32;
	s30 =	simm.s32 $0x5C00;
	s31 =	simm.s32 $0x9C00  }
0x6: {  	[smem:$0x7FF] =	sst s6;
	s2 =	sand.u32 $0x1, s2;
	s7 =	sshll.u32 s10, $0x8  }
0x7: {  	s20 =	sshll.u32 s10, $0xE;
	s21 =	sshll.u32 s10, $0x7;
	s25 =	sor.u32 $0x10, s10  }
0x8: {  	_ =	strace $0x80000047;
	s4 =	ssub.s32 $0x2, s2;
	s8 =	sshll.u32 s2, $0x7  }
0x9: {  	[dreg:$0x9] =	wrdreg s21;
	s26 =	sshll.u32 s25, $0x7;
	s7 =	sor.u32 s8, s7  }
0xa: {  	s9 =	sshrl.u32 s4, $0x1;
	[dreg:$0xe] =	wrdreg s26;
	s0 =	sadd.s32 s0, s7  }
0xb: {  	s4 =	ssub.s32 s4, s9;
	s9 =	sadd.s32 s20, s5;
	[dreg:$0x6] =	wrdreg s0  }
0xc: {  	s28 =	sshll.u32 s10, $0xF;
	s0 =	sadd.s32 $0x6000, s0;
	[dreg:$0x7] =	wrdreg s9  }
0xd: {  	p0 =	sgt.u32 s10, $0x3;
	s22 =	sadd.s32 $0x800, s9;
	[dreg:$0x8] =	wrdreg s0  }
0xe: {  	s2 =	sshll.u32 s2, $0xE;
	s23 =	sadd.s32 $0x1000, s9;
	[dreg:$0xa] =	wrdreg s22  }
0xf: {  	s2 =	sor.u32 s2, s28;
	s24 =	sadd.s32 $0x1800, s9;
	[dreg:$0xb] =	wrdreg s23  }
0x10: {  	s7 =	sshll.u32 s7, $0x4;
	s8 =	sadd.s32 $0x2000, s9;
	[dreg:$0xc] =	wrdreg s24  }
0x11: {  	s11 =	sor.u32 $0xC00000, s2;
	s4 =	smax.u32 s4, $0x1;
	[dreg:$0xd] =	wrdreg s8  }
0x12: {  	s29 =	sadd.s32 s7, s3;
	s7 =	sshrl.u32 s2, $0x3;
	[dreg:$0x10] =	wrdreg s4  }
0x13: {  	s12 =	sor.u32 $0xB80000, s2;
	s13 =	sshrl.u32 s11, $0x3;
	[dreg:$0x12] =	wrdreg s7  }
0x14: {  	s16 =	sor.u32 $0xA80000, s2;
	s14 =	sshrl.u32 s12, $0x3;
	[dreg:$0x14] =	wrdreg s13  }
0x15: {  	s15 =	sor.u32 $0xB00000, s2;
	s17 =	sshrl.u32 s16, $0x3;
	[dreg:$0x15] =	wrdreg s14  }
0x16: {  	s19 =	sadd.s32 $0x2800, s9;
	s20 =	sadd.s32 $0x3000, s9;
	[dreg:$0x17] =	wrdreg s17  }
0x17: {  	s21 =	sadd.s32 $0x3800, s9;
	s0 =	sshll.u32 s25, $0xE;
	[dreg:$0x19] =	wrdreg s19  }
0x18: {  	s8 =	sor.u32 $0x80000, s2;
	s2 =	sor.u32 $0xA00000, s2;
	[dreg:$0x1a] =	wrdreg s20  }
0x19: {  	[dreg:$0x1b] =	wrdreg s21;
	s5 =	sadd.s32 s0, s5;
	s0 =	sadd.s32 $0x450000, s29  }
0x1a: {  	s9 =	simm.s32 $0x1;
	s18 =	sshrl.u32 s2, $0x3;
	[dreg:$0x11] =	wrdreg s0  }
0x1b: {  	s11 =	simm.s32 $0xDC00;
	s12 =	simm.s32 $0x2;
	[dreg:$0x18] =	wrdreg s18  }
0x1c: {  	s13 =	simm.s32 $0x11C00;
	s0 =	sshrl.u32 s8, $0x3;
	[dreg:$0xf] =	wrdreg s5  }
0x1d: {  	s14 =	simm.s32 $0x3;
	s22 =	sadd.s32 $0x800, s5;
	[dreg:$0x13] =	wrdreg s0  }
0x1e: {  	s17 =	simm.s32 $0x4;
	s23 =	sadd.s32 $0x1000, s5;
	[dreg:$0x1c] =	wrdreg s22  }
0x1f: {  	s19 =	simm.s32 $0x7;
	s24 =	sadd.s32 $0x1800, s5;
	[dreg:$0x1d] =	wrdreg s23  }
0x20: {  	s20 =	simm.s32 $0x8;
	s25 =	sadd.s32 $0x2000, s5;
	[dreg:$0x1e] =	wrdreg s24  }
.Ltmp0:
0x21: {  	s26 =	sadd.s32 $0x2800, s5;
	[dreg:$0x1f] =	wrdreg s25;
	(pc) =	sbr.rel .LBB2_1-.Ltmp0, $4  }
0x22: {  	s2 =	simm.s32 $0x80;
	s28 =	sadd.s32 $0x3000, s5;
	[smem:$0x7FB] =	sst s26  }
0x23: {  	s29 =	sadd.s32 $0x3800, s5;
	s18 =	simm.s32 $0x5;
	[smem:$0x7FC] =	sst s28  }
0x24: {  	s5 =	simm.s32 $0x0;
	s0 =	sshrl.u32 s15, $0x3;
	[smem:$0x7FD] =	sst s29  }
0x25: {  	s26 =	simm.s32 $0xB;
	[dreg:$0x16] =	wrdreg s0;
	s0 =	simm.s32 $0xC  }
.LBB2_6:
0x26: {  	_ =	swait.ge [sflag:s18], $0x4000  }
0x27: {  	[sflag:s18] =	ssyncset.done $0x0  }
0x28: {  	s24 =	simm.s32 $0x6;
	s4 =	rddreg [dreg:$0x11];
	[sflag:s18] =	ssyncadd.s32 $0xFFFFC000  }
0x29: {  	[hbm4b:s4+s6] =	stream.linear.scatter [tilespmem:s13], [sflag:$0xA], $0x4000, $0x38;
	[tilespmem:$0x1C000] =	vst v63  }
0x2a: {  	_ =	swait.ge [sflag:s24], $0x4000  }
0x2b: {  	[sflag:s24] =	ssyncset.done $0x0  }
0x2c: {  	[sflag:s24] =	ssyncadd.s32 $0xFFFFC000  }
0x2d: {  	_ =	swait.ge [sflag:s19], $0x4000  }
0x2e: {  	[sflag:s19] =	ssyncset.done $0x0  }
0x2f: {  	[sflag:s19] =	ssyncadd.s32 $0xFFFFC000  }
0x30: {  	_ =	swait.ge [sflag:s20], $0x4000  }
0x31: {  	[sflag:s20] =	ssyncset.done $0x0  }
0x32: {  	s25 =	simm.s32 $0x9;
	[sflag:s20] =	ssyncadd.s32 $0xFFFFC000  }
0x33: {  	_ =	swait.ge [sflag:s25], $0x4000  }
0x34: {  	[sflag:s25] =	ssyncset.done $0x0  }
0x35: {  	s28 =	simm.s32 $0xA;
	[sflag:s25] =	ssyncadd.s32 $0xFFFFC000  }
0x36: {  	_ =	swait.ge [sflag:s28], $0x4000  }
0x37: {  	[sflag:s28] =	ssyncset.done $0x0  }
0x38: {  	[sflag:s28] =	ssyncadd.s32 $0xFFFFC000  }
0x39: {  	_ =	swait.ge [sflag:s26], $0x800  }
0x3a: {  	[sflag:s26] =	ssyncset.done $0x0  }
0x3b: {  	[sflag:s26] =	ssyncadd.s32 $0xFFFFF800  }
0x3c: {  	_ =	swait.ge [sflag:s26], $0x800  }
0x3d: {  	[sflag:s26] =	ssyncset.done $0x0  }
0x3e: {  	[sflag:s26] =	ssyncadd.s32 $0xFFFFF800  }
0x3f: {  	_ =	swait.ge [sflag:s26], $0x800  }
0x40: {  	[sflag:s26] =	ssyncset.done $0x0  }
0x41: {  	[sflag:s26] =	ssyncadd.s32 $0xFFFFF800  }
0x42: {  	_ =	swait.ge [sflag:s26], $0x800  }
0x43: {  	[sflag:s26] =	ssyncset.done $0x0  }
0x44: {  	[sflag:s26] =	ssyncadd.s32 $0xFFFFF800  }
0x45: {  	_ =	swait.ge [sflag:s26], $0x800  }
0x46: {  	[sflag:s26] =	ssyncset.done $0x0  }
0x47: {  	[sflag:s26] =	ssyncadd.s32 $0xFFFFF800  }
0x48: {  	_ =	swait.ge [sflag:s26], $0x800  }
0x49: {  	[sflag:s26] =	ssyncset.done $0x0  }
0x4a: {  	[sflag:s26] =	ssyncadd.s32 $0xFFFFF800  }
0x4b: {  	_ =	swait.ge [sflag:s26], $0x800  }
0x4c: {  	[sflag:s26] =	ssyncset.done $0x0  }
0x4d: {  	[sflag:s26] =	ssyncadd.s32 $0xFFFFF800  }
0x4e: {  	_ =	swait.ge [sflag:s26], $0x800  }
0x4f: {  	[sflag:s26] =	ssyncset.done $0x0  }
0x50: {  	[sflag:s26] =	ssyncadd.s32 $0xFFFFF800  }
0x51: {  	_ =	swait.ge [sflag:s26], $0x800  }
0x52: {  	[sflag:s26] =	ssyncset.done $0x0  }
0x53: {  	[sflag:s26] =	ssyncadd.s32 $0xFFFFF800  }
0x54: {  	_ =	swait.ge [sflag:s26], $0x800  }
0x55: {  	[sflag:s26] =	ssyncset.done $0x0  }
0x56: {  	[sflag:s26] =	ssyncadd.s32 $0xFFFFF800  }
0x57: {  	_ =	swait.ge [sflag:s26], $0x800  }
0x58: {  	[sflag:s26] =	ssyncset.done $0x0  }
0x59: {  	[sflag:s26] =	ssyncadd.s32 $0xFFFFF800  }
0x5a: {  	_ =	swait.ge [sflag:s26], $0x800  }
0x5b: {  	[sflag:s26] =	ssyncset.done $0x0  }
0x5c: {  	[sflag:s26] =	ssyncadd.s32 $0xFFFFF800  }
0x5d: {  	_ =	swait.ge [sflag:s26], $0x800  }
0x5e: {  	[sflag:s26] =	ssyncset.done $0x0  }
0x5f: {  	[sflag:s26] =	ssyncadd.s32 $0xFFFFF800  }
0x60: {  	_ =	swait.ge [sflag:s26], $0x800  }
0x61: {  	[sflag:s26] =	ssyncset.done $0x0  }
0x62: {  	[sflag:s26] =	ssyncadd.s32 $0xFFFFF800  }
0x63: {  	_ =	swait.ge [sflag:s26], $0x800  }
0x64: {  	[sflag:s26] =	ssyncset.done $0x0  }
0x65: {  	[sflag:s26] =	ssyncadd.s32 $0xFFFFF800  }
0x66: {  	_ =	swait.ge [sflag:s26], $0x800  }
0x67: {  	[sflag:s26] =	ssyncset.done $0x0  }
0x68: {  	[sflag:s26] =	ssyncadd.s32 $0xFFFFF800  }
0x69: {  	_ =	swait.ge [sflag:s26], $0x800  }
0x6a: {  	[sflag:s26] =	ssyncset.done $0x0  }
0x6b: {  	[sflag:s26] =	ssyncadd.s32 $0xFFFFF800  }
0x6c: {  	_ =	swait.ge [sflag:s26], $0x800  }
0x6d: {  	[sflag:s26] =	ssyncset.done $0x0  }
0x6e: {  	[sflag:s26] =	ssyncadd.s32 $0xFFFFF800  }
0x6f: {  	_ =	swait.ge [sflag:s26], $0x800  }
0x70: {  	[sflag:s26] =	ssyncset.done $0x0  }
0x71: {  	[sflag:s26] =	ssyncadd.s32 $0xFFFFF800  }
0x72: {  	_ =	swait.ge [sflag:s26], $0x800  }
0x73: {  	s5 =	sld [smem:$0x7FA];
	_ =	sdelay $0x2  }
0x74: {  	s29 =	rddreg [dreg:$0x10];
	s5 =	sadd.s32 $0x1, s5  }
0x75: {  	p1 =	sne.s32 s5, s29  }
.Ltmp1:
0x76: {  	_ = 	snop;
	(pc) =	sbr.rel @!p1 .LBB2_7-.Ltmp1, $3  }
0x77: {  	_ =	sdelay $0x1  }
0x78: {  	[sflag:s26] =	ssyncset.done $0x0  }
0x79: {  	[sflag:s26] =	ssyncadd.s32 $0xFFFFF800  }
.LBB2_1:
0x7a: {  	[smem:$0x7FA] =	sst s5  }
0x7b: {  	s4 =	rddreg [dreg:$0x6];
	s24 =	simm.s32 $0x400;
	s7 =	simm.s32 $0x8000  }
0x7c: {  	[tilespmem:s6], [sflag:$0xC] =	stream.strided.gather [hbm4b:s4+s24], $0x1800, s7, s24, $0x38;
	[tilespmem:$0x1C000] =	vst v63  }
0x7d: {  	s25 =	rddreg [dreg:$0x8];
	s28 =	simm.s32 $0x1800  }
0x7e: {  	[tilespmem:s28], [sflag:$0xC] =	stream.linear.gather [hbm4b:s25+s6], $0x100, $0x38;
	[tilespmem:$0x1C000] =	vst v63  }
0x7f: {  	_ =	swait.ge [sflag:s0], $0x1900  }
0x80: {  	[sflag:s0] =	ssyncset.done $0x0  }
0x81: {  	s29 =	simm.s32 $0x1C00;
	[sflag:s0] =	ssyncadd.s32 $0xFFFFE700  }
0x82: {  	[tilespmem:s29], [sflag:$0x1] =	stream.indirect.gather [hbm4b:s1+s2], $0x80, s6, s2, $0xb8;
	[tilespmem:$0x1C000] =	vst v63  }
0x83: {  	_ = 	snop  }
0x84: {  	[tilespmem:s30], [sflag:$0x2] =	stream.indirect.gather [hbm4b:s1+s2], $0x80, s2, s2, $0xb8;
	[tilespmem:$0x1C000] =	vst v63  }
0x85: {  	s5 =	simm.s32 $0x100  }
0x86: {  	[tilespmem:s31], [sflag:$0x3] =	stream.indirect.gather [hbm4b:s1+s2], $0x80, s5, s2, $0xb8;
	[tilespmem:$0x1C000] =	vst v63  }
0x87: {  	s8 =	simm.s32 $0x15C00;
	s7 =	rddreg [dreg:$0x2]  }
0x88: {  	[tilespmem:s8], [sflag:$0xC] =	stream.linear.gather [hbm4b:s7+s6], $0xA00, $0x38;
	[tilespmem:$0x1C000] =	vst v63  }
0x89: {  	_ =	swait.ge [sflag:s0], $0xA00  }
0x8a: {  	[sflag:s0] =	ssyncset.done $0x0  }
0x8b: {  	s10 =	rddreg [dreg:$0x9];
	[sflag:s0] =	ssyncadd.s32 $0xFFFFF600  }
0x8c: {  	v0 =	vld [tilespmem:s10+$0x15C00];
	_ =	sdelay $0x4  }
0x8d: {  	[tilespmem:$0x16800] =	vst v0  }
0x8e: {  	[tilespmem:$0x16880] =	vst v0  }
0x8f: {  	[tilespmem:$0x16900] =	vst v0  }
0x90: {  	[tilespmem:$0x16980] =	vst v0  }
0x91: {  	[tilespmem:$0x16A00] =	vst v0  }
0x92: {  	[tilespmem:$0x16A80] =	vst v0  }
0x93: {  	[tilespmem:$0x16B00] =	vst v0  }
0x94: {  	[tilespmem:$0x16B80] =	vst v0  }
0x95: {  	[tilespmem:$0x16C00] =	vst v0  }
0x96: {  	[tilespmem:$0x16C80] =	vst v0  }
0x97: {  	[tilespmem:$0x16D00] =	vst v0  }
0x98: {  	[tilespmem:$0x16D80] =	vst v0  }
0x99: {  	[tilespmem:$0x16E00] =	vst v0  }
0x9a: {  	[tilespmem:$0x16E80] =	vst v0  }
0x9b: {  	[tilespmem:$0x16F00] =	vst v0  }
0x9c: {  	[tilespmem:$0x16F80] =	vst v0  }
0x9d: {  	v0 =	vld [tilespmem:s10+$0x15C10];
	_ =	sdelay $0x4  }
0x9e: {  	[tilespmem:$0x16810] =	vst v0  }
0x9f: {  	[tilespmem:$0x16890] =	vst v0  }
0xa0: {  	[tilespmem:$0x16910] =	vst v0  }
0xa1: {  	[tilespmem:$0x16990] =	vst v0  }
0xa2: {  	[tilespmem:$0x16A10] =	vst v0  }
0xa3: {  	[tilespmem:$0x16A90] =	vst v0  }
0xa4: {  	[tilespmem:$0x16B10] =	vst v0  }
0xa5: {  	[tilespmem:$0x16B90] =	vst v0  }
0xa6: {  	[tilespmem:$0x16C10] =	vst v0  }
0xa7: {  	[tilespmem:$0x16C90] =	vst v0  }
0xa8: {  	[tilespmem:$0x16D10] =	vst v0  }
0xa9: {  	[tilespmem:$0x16D90] =	vst v0  }
0xaa: {  	[tilespmem:$0x16E10] =	vst v0  }
0xab: {  	[tilespmem:$0x16E90] =	vst v0  }
0xac: {  	[tilespmem:$0x16F10] =	vst v0  }
0xad: {  	[tilespmem:$0x16F90] =	vst v0  }
0xae: {  	v0 =	vld [tilespmem:s10+$0x15C20];
	_ =	sdelay $0x4  }
0xaf: {  	[tilespmem:$0x16820] =	vst v0  }
0xb0: {  	[tilespmem:$0x168A0] =	vst v0  }
0xb1: {  	[tilespmem:$0x16920] =	vst v0  }
0xb2: {  	[tilespmem:$0x169A0] =	vst v0  }
0xb3: {  	[tilespmem:$0x16A20] =	vst v0  }
0xb4: {  	[tilespmem:$0x16AA0] =	vst v0  }
0xb5: {  	[tilespmem:$0x16B20] =	vst v0  }
0xb6: {  	[tilespmem:$0x16BA0] =	vst v0  }
0xb7: {  	[tilespmem:$0x16C20] =	vst v0  }
0xb8: {  	[tilespmem:$0x16CA0] =	vst v0  }
0xb9: {  	[tilespmem:$0x16D20] =	vst v0  }
0xba: {  	[tilespmem:$0x16DA0] =	vst v0  }
0xbb: {  	[tilespmem:$0x16E20] =	vst v0  }
0xbc: {  	[tilespmem:$0x16EA0] =	vst v0  }
0xbd: {  	[tilespmem:$0x16F20] =	vst v0  }
0xbe: {  	[tilespmem:$0x16FA0] =	vst v0  }
0xbf: {  	v0 =	vld [tilespmem:s10+$0x15C30];
	_ =	sdelay $0x4  }
0xc0: {  	[tilespmem:$0x16830] =	vst v0  }
0xc1: {  	[tilespmem:$0x168B0] =	vst v0  }
0xc2: {  	[tilespmem:$0x16930] =	vst v0  }
0xc3: {  	[tilespmem:$0x169B0] =	vst v0  }
0xc4: {  	[tilespmem:$0x16A30] =	vst v0  }
0xc5: {  	[tilespmem:$0x16AB0] =	vst v0  }
0xc6: {  	[tilespmem:$0x16B30] =	vst v0  }
0xc7: {  	[tilespmem:$0x16BB0] =	vst v0  }
0xc8: {  	[tilespmem:$0x16C30] =	vst v0  }
0xc9: {  	[tilespmem:$0x16CB0] =	vst v0  }
0xca: {  	[tilespmem:$0x16D30] =	vst v0  }
0xcb: {  	[tilespmem:$0x16DB0] =	vst v0  }
0xcc: {  	[tilespmem:$0x16E30] =	vst v0  }
0xcd: {  	[tilespmem:$0x16EB0] =	vst v0  }
0xce: {  	[tilespmem:$0x16F30] =	vst v0  }
0xcf: {  	[tilespmem:$0x16FB0] =	vst v0  }
0xd0: {  	v0 =	vld [tilespmem:s10+$0x15C40];
	_ =	sdelay $0x4  }
0xd1: {  	[tilespmem:$0x16840] =	vst v0  }
0xd2: {  	[tilespmem:$0x168C0] =	vst v0  }
0xd3: {  	[tilespmem:$0x16940] =	vst v0  }
0xd4: {  	[tilespmem:$0x169C0] =	vst v0  }
0xd5: {  	[tilespmem:$0x16A40] =	vst v0  }
0xd6: {  	[tilespmem:$0x16AC0] =	vst v0  }
0xd7: {  	[tilespmem:$0x16B40] =	vst v0  }
0xd8: {  	[tilespmem:$0x16BC0] =	vst v0  }
0xd9: {  	[tilespmem:$0x16C40] =	vst v0  }
0xda: {  	[tilespmem:$0x16CC0] =	vst v0  }
0xdb: {  	[tilespmem:$0x16D40] =	vst v0  }
0xdc: {  	[tilespmem:$0x16DC0] =	vst v0  }
0xdd: {  	[tilespmem:$0x16E40] =	vst v0  }
0xde: {  	[tilespmem:$0x16EC0] =	vst v0  }
0xdf: {  	[tilespmem:$0x16F40] =	vst v0  }
0xe0: {  	[tilespmem:$0x16FC0] =	vst v0  }
0xe1: {  	v0 =	vld [tilespmem:s10+$0x15C50];
	_ =	sdelay $0x4  }
0xe2: {  	[tilespmem:$0x16850] =	vst v0  }
0xe3: {  	[tilespmem:$0x168D0] =	vst v0  }
0xe4: {  	[tilespmem:$0x16950] =	vst v0  }
0xe5: {  	[tilespmem:$0x169D0] =	vst v0  }
0xe6: {  	[tilespmem:$0x16A50] =	vst v0  }
0xe7: {  	[tilespmem:$0x16AD0] =	vst v0  }
0xe8: {  	[tilespmem:$0x16B50] =	vst v0  }
0xe9: {  	[tilespmem:$0x16BD0] =	vst v0  }
0xea: {  	[tilespmem:$0x16C50] =	vst v0  }
0xeb: {  	[tilespmem:$0x16CD0] =	vst v0  }
0xec: {  	[tilespmem:$0x16D50] =	vst v0  }
0xed: {  	[tilespmem:$0x16DD0] =	vst v0  }
0xee: {  	[tilespmem:$0x16E50] =	vst v0  }
0xef: {  	[tilespmem:$0x16ED0] =	vst v0  }
0xf0: {  	[tilespmem:$0x16F50] =	vst v0  }
0xf1: {  	[tilespmem:$0x16FD0] =	vst v0  }
0xf2: {  	v0 =	vld [tilespmem:s10+$0x15C60];
	_ =	sdelay $0x4  }
0xf3: {  	[tilespmem:$0x16860] =	vst v0  }
0xf4: {  	[tilespmem:$0x168E0] =	vst v0  }
0xf5: {  	[tilespmem:$0x16960] =	vst v0  }
0xf6: {  	[tilespmem:$0x169E0] =	vst v0  }
0xf7: {  	[tilespmem:$0x16A60] =	vst v0  }
0xf8: {  	[tilespmem:$0x16AE0] =	vst v0  }
0xf9: {  	[tilespmem:$0x16B60] =	vst v0  }
0xfa: {  	[tilespmem:$0x16BE0] =	vst v0  }
0xfb: {  	[tilespmem:$0x16C60] =	vst v0  }
0xfc: {  	[tilespmem:$0x16CE0] =	vst v0  }
0xfd: {  	[tilespmem:$0x16D60] =	vst v0  }
0xfe: {  	[tilespmem:$0x16DE0] =	vst v0  }
0xff: {  	[tilespmem:$0x16E60] =	vst v0  }
0x100: {  	[tilespmem:$0x16EE0] =	vst v0  }
0x101: {  	[tilespmem:$0x16F60] =	vst v0  }
0x102: {  	[tilespmem:$0x16FE0] =	vst v0  }
0x103: {  	v0 =	vld [tilespmem:s10+$0x15C70];
	_ =	sdelay $0x4  }
0x104: {  	[tilespmem:$0x16870] =	vst v0  }
0x105: {  	[tilespmem:$0x168F0] =	vst v0  }
0x106: {  	[tilespmem:$0x16970] =	vst v0  }
0x107: {  	[tilespmem:$0x169F0] =	vst v0  }
0x108: {  	[tilespmem:$0x16A70] =	vst v0  }
0x109: {  	[tilespmem:$0x16AF0] =	vst v0  }
0x10a: {  	[tilespmem:$0x16B70] =	vst v0  }
0x10b: {  	[tilespmem:$0x16BF0] =	vst v0  }
0x10c: {  	[tilespmem:$0x16C70] =	vst v0  }
0x10d: {  	[tilespmem:$0x16CF0] =	vst v0  }
0x10e: {  	[tilespmem:$0x16D70] =	vst v0  }
0x10f: {  	[tilespmem:$0x16DF0] =	vst v0  }
0x110: {  	[tilespmem:$0x16E70] =	vst v0  }
0x111: {  	[tilespmem:$0x16EF0] =	vst v0  }
0x112: {  	[tilespmem:$0x16F70] =	vst v0  }
0x113: {  	s16 =	simm.s32 $0x16800;
	s15 =	rddreg [dreg:$0x7];
	[tilespmem:$0x16FF0] =	vst v0  }
0x114: {  	[spmem:s15] =	stream.linear.scatter [tilespmem:s16], [sflag:$0xC], $0x800, $0x38;
	[tilespmem:$0x1C000] =	vst v63  }
0x115: {  	_ =	swait.ge [sflag:s0], $0x800  }
0x116: {  	[sflag:s0] =	ssyncset.done $0x0  }
0x117: {  	s21 =	rddreg [dreg:$0xa];
	[sflag:s0] =	ssyncadd.s32 $0xFFFFF800  }
0x118: {  	[spmem:s21] =	stream.linear.scatter [tilespmem:s16], [sflag:$0xC], $0x800, $0x38;
	[tilespmem:$0x1C000] =	vst v63  }
0x119: {  	_ =	swait.ge [sflag:s0], $0x800  }
0x11a: {  	[sflag:s0] =	ssyncset.done $0x0  }
0x11b: {  	s22 =	rddreg [dreg:$0xb];
	[sflag:s0] =	ssyncadd.s32 $0xFFFFF800  }
0x11c: {  	[spmem:s22] =	stream.linear.scatter [tilespmem:s16], [sflag:$0xC], $0x800, $0x38;
	[tilespmem:$0x1C000] =	vst v63  }
0x11d: {  	_ =	swait.ge [sflag:s0], $0x800  }
0x11e: {  	[sflag:s0] =	ssyncset.done $0x0  }
0x11f: {  	s23 =	rddreg [dreg:$0xc];
	[sflag:s0] =	ssyncadd.s32 $0xFFFFF800  }
0x120: {  	[spmem:s23] =	stream.linear.scatter [tilespmem:s16], [sflag:$0xC], $0x800, $0x38;
	[tilespmem:$0x1C000] =	vst v63  }
0x121: {  	_ =	swait.ge [sflag:s0], $0x800  }
0x122: {  	[sflag:s0] =	ssyncset.done $0x0  }
0x123: {  	s24 =	rddreg [dreg:$0xd];
	[sflag:s0] =	ssyncadd.s32 $0xFFFFF800  }
0x124: {  	[spmem:s24] =	stream.linear.scatter [tilespmem:s16], [sflag:$0xC], $0x800, $0x38;
	[tilespmem:$0x1C000] =	vst v63  }
0x125: {  	_ =	swait.ge [sflag:s0], $0x800  }
0x126: {  	[sflag:s0] =	ssyncset.done $0x0  }
0x127: {  	s25 =	rddreg [dreg:$0x19];
	[sflag:s0] =	ssyncadd.s32 $0xFFFFF800  }
0x128: {  	[spmem:s25] =	stream.linear.scatter [tilespmem:s16], [sflag:$0xC], $0x800, $0x38;
	[tilespmem:$0x1C000] =	vst v63  }
0x129: {  	_ =	swait.ge [sflag:s0], $0x800  }
0x12a: {  	[sflag:s0] =	ssyncset.done $0x0  }
0x12b: {  	s28 =	rddreg [dreg:$0x1a];
	[sflag:s0] =	ssyncadd.s32 $0xFFFFF800  }
0x12c: {  	[spmem:s28] =	stream.linear.scatter [tilespmem:s16], [sflag:$0xC], $0x800, $0x38;
	[tilespmem:$0x1C000] =	vst v63  }
0x12d: {  	_ =	swait.ge [sflag:s0], $0x800  }
0x12e: {  	[sflag:s0] =	ssyncset.done $0x0  }
.Ltmp2:
0x12f: {  	s29 =	rddreg [dreg:$0x1b];
	[sflag:s0] =	ssyncadd.s32 $0xFFFFF800;
	(pc) =	sbr.rel @p0 .LBB2_3-.Ltmp2, $4  }
0x130: {  	[spmem:s29] =	stream.linear.scatter [tilespmem:s16], [sflag:$0xC], $0x800, $0x38;
	[tilespmem:$0x1C000] =	vst v63  }
0x131: {  	_ =	swait.ge [sflag:s0], $0x800  }
0x132: {  	[sflag:s0] =	ssyncset.done $0x0  }
0x133: {  	[sflag:s0] =	ssyncadd.s32 $0xFFFFF800  }
0x134: {  	s4 =	rddreg [dreg:$0xe]  }
0x135: {  	v0 =	vld [tilespmem:s4+$0x15C00];
	_ =	sdelay $0x4  }
0x136: {  	[tilespmem:$0x16800] =	vst v0  }
0x137: {  	[tilespmem:$0x16880] =	vst v0  }
0x138: {  	[tilespmem:$0x16900] =	vst v0  }
0x139: {  	[tilespmem:$0x16980] =	vst v0  }
0x13a: {  	[tilespmem:$0x16A00] =	vst v0  }
0x13b: {  	[tilespmem:$0x16A80] =	vst v0  }
0x13c: {  	[tilespmem:$0x16B00] =	vst v0  }
0x13d: {  	[tilespmem:$0x16B80] =	vst v0  }
0x13e: {  	[tilespmem:$0x16C00] =	vst v0  }
0x13f: {  	[tilespmem:$0x16C80] =	vst v0  }
0x140: {  	[tilespmem:$0x16D00] =	vst v0  }
0x141: {  	[tilespmem:$0x16D80] =	vst v0  }
0x142: {  	[tilespmem:$0x16E00] =	vst v0  }
0x143: {  	[tilespmem:$0x16E80] =	vst v0  }
0x144: {  	[tilespmem:$0x16F00] =	vst v0  }
0x145: {  	[tilespmem:$0x16F80] =	vst v0  }
0x146: {  	v0 =	vld [tilespmem:s4+$0x15C10];
	_ =	sdelay $0x4  }
0x147: {  	[tilespmem:$0x16810] =	vst v0  }
0x148: {  	[tilespmem:$0x16890] =	vst v0  }
0x149: {  	[tilespmem:$0x16910] =	vst v0  }
0x14a: {  	[tilespmem:$0x16990] =	vst v0  }
0x14b: {  	[tilespmem:$0x16A10] =	vst v0  }
0x14c: {  	[tilespmem:$0x16A90] =	vst v0  }
0x14d: {  	[tilespmem:$0x16B10] =	vst v0  }
0x14e: {  	[tilespmem:$0x16B90] =	vst v0  }
0x14f: {  	[tilespmem:$0x16C10] =	vst v0  }
0x150: {  	[tilespmem:$0x16C90] =	vst v0  }
0x151: {  	[tilespmem:$0x16D10] =	vst v0  }
0x152: {  	[tilespmem:$0x16D90] =	vst v0  }
0x153: {  	[tilespmem:$0x16E10] =	vst v0  }
0x154: {  	[tilespmem:$0x16E90] =	vst v0  }
0x155: {  	[tilespmem:$0x16F10] =	vst v0  }
0x156: {  	[tilespmem:$0x16F90] =	vst v0  }
0x157: {  	v0 =	vld [tilespmem:s4+$0x15C20];
	_ =	sdelay $0x4  }
0x158: {  	[tilespmem:$0x16820] =	vst v0  }
0x159: {  	[tilespmem:$0x168A0] =	vst v0  }
0x15a: {  	[tilespmem:$0x16920] =	vst v0  }
0x15b: {  	[tilespmem:$0x169A0] =	vst v0  }
0x15c: {  	[tilespmem:$0x16A20] =	vst v0  }
0x15d: {  	[tilespmem:$0x16AA0] =	vst v0  }
0x15e: {  	[tilespmem:$0x16B20] =	vst v0  }
0x15f: {  	[tilespmem:$0x16BA0] =	vst v0  }
0x160: {  	[tilespmem:$0x16C20] =	vst v0  }
0x161: {  	[tilespmem:$0x16CA0] =	vst v0  }
0x162: {  	[tilespmem:$0x16D20] =	vst v0  }
0x163: {  	[tilespmem:$0x16DA0] =	vst v0  }
0x164: {  	[tilespmem:$0x16E20] =	vst v0  }
0x165: {  	[tilespmem:$0x16EA0] =	vst v0  }
0x166: {  	[tilespmem:$0x16F20] =	vst v0  }
0x167: {  	[tilespmem:$0x16FA0] =	vst v0  }
0x168: {  	v0 =	vld [tilespmem:s4+$0x15C30];
	_ =	sdelay $0x4  }
0x169: {  	[tilespmem:$0x16830] =	vst v0  }
0x16a: {  	[tilespmem:$0x168B0] =	vst v0  }
0x16b: {  	[tilespmem:$0x16930] =	vst v0  }
0x16c: {  	[tilespmem:$0x169B0] =	vst v0  }
0x16d: {  	[tilespmem:$0x16A30] =	vst v0  }
0x16e: {  	[tilespmem:$0x16AB0] =	vst v0  }
0x16f: {  	[tilespmem:$0x16B30] =	vst v0  }
0x170: {  	[tilespmem:$0x16BB0] =	vst v0  }
0x171: {  	[tilespmem:$0x16C30] =	vst v0  }
0x172: {  	[tilespmem:$0x16CB0] =	vst v0  }
0x173: {  	[tilespmem:$0x16D30] =	vst v0  }
0x174: {  	[tilespmem:$0x16DB0] =	vst v0  }
0x175: {  	[tilespmem:$0x16E30] =	vst v0  }
0x176: {  	[tilespmem:$0x16EB0] =	vst v0  }
0x177: {  	[tilespmem:$0x16F30] =	vst v0  }
0x178: {  	[tilespmem:$0x16FB0] =	vst v0  }
0x179: {  	v0 =	vld [tilespmem:s4+$0x15C40];
	_ =	sdelay $0x4  }
0x17a: {  	[tilespmem:$0x16840] =	vst v0  }
0x17b: {  	[tilespmem:$0x168C0] =	vst v0  }
0x17c: {  	[tilespmem:$0x16940] =	vst v0  }
0x17d: {  	[tilespmem:$0x169C0] =	vst v0  }
0x17e: {  	[tilespmem:$0x16A40] =	vst v0  }
0x17f: {  	[tilespmem:$0x16AC0] =	vst v0  }
0x180: {  	[tilespmem:$0x16B40] =	vst v0  }
0x181: {  	[tilespmem:$0x16BC0] =	vst v0  }
0x182: {  	[tilespmem:$0x16C40] =	vst v0  }
0x183: {  	[tilespmem:$0x16CC0] =	vst v0  }
0x184: {  	[tilespmem:$0x16D40] =	vst v0  }
0x185: {  	[tilespmem:$0x16DC0] =	vst v0  }
0x186: {  	[tilespmem:$0x16E40] =	vst v0  }
0x187: {  	[tilespmem:$0x16EC0] =	vst v0  }
0x188: {  	[tilespmem:$0x16F40] =	vst v0  }
0x189: {  	[tilespmem:$0x16FC0] =	vst v0  }
0x18a: {  	v0 =	vld [tilespmem:s4+$0x15C50];
	_ =	sdelay $0x4  }
0x18b: {  	[tilespmem:$0x16850] =	vst v0  }
0x18c: {  	[tilespmem:$0x168D0] =	vst v0  }
0x18d: {  	[tilespmem:$0x16950] =	vst v0  }
0x18e: {  	[tilespmem:$0x169D0] =	vst v0  }
0x18f: {  	[tilespmem:$0x16A50] =	vst v0  }
0x190: {  	[tilespmem:$0x16AD0] =	vst v0  }
0x191: {  	[tilespmem:$0x16B50] =	vst v0  }
0x192: {  	[tilespmem:$0x16BD0] =	vst v0  }
0x193: {  	[tilespmem:$0x16C50] =	vst v0  }
0x194: {  	[tilespmem:$0x16CD0] =	vst v0  }
0x195: {  	[tilespmem:$0x16D50] =	vst v0  }
0x196: {  	[tilespmem:$0x16DD0] =	vst v0  }
0x197: {  	[tilespmem:$0x16E50] =	vst v0  }
0x198: {  	[tilespmem:$0x16ED0] =	vst v0  }
0x199: {  	[tilespmem:$0x16F50] =	vst v0  }
0x19a: {  	[tilespmem:$0x16FD0] =	vst v0  }
0x19b: {  	v0 =	vld [tilespmem:s4+$0x15C60];
	_ =	sdelay $0x4  }
0x19c: {  	[tilespmem:$0x16860] =	vst v0  }
0x19d: {  	[tilespmem:$0x168E0] =	vst v0  }
0x19e: {  	[tilespmem:$0x16960] =	vst v0  }
0x19f: {  	[tilespmem:$0x169E0] =	vst v0  }
0x1a0: {  	[tilespmem:$0x16A60] =	vst v0  }
0x1a1: {  	[tilespmem:$0x16AE0] =	vst v0  }
0x1a2: {  	[tilespmem:$0x16B60] =	vst v0  }
0x1a3: {  	[tilespmem:$0x16BE0] =	vst v0  }
0x1a4: {  	[tilespmem:$0x16C60] =	vst v0  }
0x1a5: {  	[tilespmem:$0x16CE0] =	vst v0  }
0x1a6: {  	[tilespmem:$0x16D60] =	vst v0  }
0x1a7: {  	[tilespmem:$0x16DE0] =	vst v0  }
0x1a8: {  	[tilespmem:$0x16E60] =	vst v0  }
0x1a9: {  	[tilespmem:$0x16EE0] =	vst v0  }
0x1aa: {  	[tilespmem:$0x16F60] =	vst v0  }
0x1ab: {  	[tilespmem:$0x16FE0] =	vst v0  }
0x1ac: {  	v0 =	vld [tilespmem:s4+$0x15C70];
	_ =	sdelay $0x4  }
0x1ad: {  	[tilespmem:$0x16870] =	vst v0  }
0x1ae: {  	[tilespmem:$0x168F0] =	vst v0  }
0x1af: {  	[tilespmem:$0x16970] =	vst v0  }
0x1b0: {  	[tilespmem:$0x169F0] =	vst v0  }
0x1b1: {  	[tilespmem:$0x16A70] =	vst v0  }
0x1b2: {  	[tilespmem:$0x16AF0] =	vst v0  }
0x1b3: {  	[tilespmem:$0x16B70] =	vst v0  }
0x1b4: {  	[tilespmem:$0x16BF0] =	vst v0  }
0x1b5: {  	[tilespmem:$0x16C70] =	vst v0  }
0x1b6: {  	[tilespmem:$0x16CF0] =	vst v0  }
0x1b7: {  	[tilespmem:$0x16D70] =	vst v0  }
0x1b8: {  	[tilespmem:$0x16DF0] =	vst v0  }
0x1b9: {  	[tilespmem:$0x16E70] =	vst v0  }
0x1ba: {  	[tilespmem:$0x16EF0] =	vst v0  }
0x1bb: {  	[tilespmem:$0x16F70] =	vst v0  }
0x1bc: {  	s16 =	rddreg [dreg:$0xf];
	s5 =	simm.s32 $0x16800;
	[tilespmem:$0x16FF0] =	vst v0  }
0x1bd: {  	[spmem:s16] =	stream.linear.scatter [tilespmem:s5], [sflag:$0xC], $0x800, $0x38;
	[tilespmem:$0x1C000] =	vst v63  }
0x1be: {  	_ =	swait.ge [sflag:s0], $0x800  }
0x1bf: {  	[sflag:s0] =	ssyncset.done $0x0  }
0x1c0: {  	s21 =	rddreg [dreg:$0x1c];
	[sflag:s0] =	ssyncadd.s32 $0xFFFFF800  }
0x1c1: {  	[spmem:s21] =	stream.linear.scatter [tilespmem:s5], [sflag:$0xC], $0x800, $0x38;
	[tilespmem:$0x1C000] =	vst v63  }
0x1c2: {  	_ =	swait.ge [sflag:s0], $0x800  }
0x1c3: {  	[sflag:s0] =	ssyncset.done $0x0  }
0x1c4: {  	s22 =	rddreg [dreg:$0x1d];
	[sflag:s0] =	ssyncadd.s32 $0xFFFFF800  }
0x1c5: {  	[spmem:s22] =	stream.linear.scatter [tilespmem:s5], [sflag:$0xC], $0x800, $0x38;
	[tilespmem:$0x1C000] =	vst v63  }
0x1c6: {  	_ =	swait.ge [sflag:s0], $0x800  }
0x1c7: {  	[sflag:s0] =	ssyncset.done $0x0  }
0x1c8: {  	s23 =	rddreg [dreg:$0x1e];
	[sflag:s0] =	ssyncadd.s32 $0xFFFFF800  }
0x1c9: {  	[spmem:s23] =	stream.linear.scatter [tilespmem:s5], [sflag:$0xC], $0x800, $0x38;
	[tilespmem:$0x1C000] =	vst v63  }
0x1ca: {  	_ =	swait.ge [sflag:s0], $0x800  }
0x1cb: {  	[sflag:s0] =	ssyncset.done $0x0  }
0x1cc: {  	s24 =	rddreg [dreg:$0x1f];
	[sflag:s0] =	ssyncadd.s32 $0xFFFFF800  }
0x1cd: {  	[spmem:s24] =	stream.linear.scatter [tilespmem:s5], [sflag:$0xC], $0x800, $0x38;
	[tilespmem:$0x1C000] =	vst v63  }
0x1ce: {  	_ =	swait.ge [sflag:s0], $0x800  }
0x1cf: {  	s25 =	sld [smem:$0x7FB]  }
0x1d0: {  	[sflag:s0] =	ssyncset.done $0x0  }
0x1d1: {  	[sflag:s0] =	ssyncadd.s32 $0xFFFFF800  }
0x1d2: {  	[spmem:s25] =	stream.linear.scatter [tilespmem:s5], [sflag:$0xC], $0x800, $0x38;
	[tilespmem:$0x1C000] =	vst v63  }
0x1d3: {  	_ =	swait.ge [sflag:s0], $0x800  }
0x1d4: {  	s28 =	sld [smem:$0x7FC]  }
0x1d5: {  	[sflag:s0] =	ssyncset.done $0x0  }
0x1d6: {  	[sflag:s0] =	ssyncadd.s32 $0xFFFFF800  }
0x1d7: {  	[spmem:s28] =	stream.linear.scatter [tilespmem:s5], [sflag:$0xC], $0x800, $0x38;
	[tilespmem:$0x1C000] =	vst v63  }
0x1d8: {  	_ =	swait.ge [sflag:s0], $0x800  }
0x1d9: {  	s29 =	sld [smem:$0x7FD]  }
0x1da: {  	[sflag:s0] =	ssyncset.done $0x0  }
0x1db: {  	[sflag:s0] =	ssyncadd.s32 $0xFFFFF800  }
0x1dc: {  	[spmem:s29] =	stream.linear.scatter [tilespmem:s5], [sflag:$0xC], $0x800, $0x38;
	[tilespmem:$0x1C000] =	vst v63  }
0x1dd: {  	_ =	swait.ge [sflag:s0], $0x800  }
0x1de: {  	[sflag:s0] =	ssyncset.done $0x0  }
0x1df: {  	[sflag:s0] =	ssyncadd.s32 $0xFFFFF800  }
.LBB2_3:
0x1e0: {  	[bflag:$0x0] =	sbarrier.arrive $0xFFFF  }
0x1e1: {  	s25 =	rddreg [dreg:$0x18]  }
0x1e2: {  	s24 =	rddreg [dreg:$0x17]  }
0x1e3: {  	s29 =	rddreg [dreg:$0x16]  }
0x1e4: {  	s8 =	rddreg [dreg:$0x15]  }
0x1e5: {  	s7 =	rddreg [dreg:$0x14]  }
0x1e6: {  	s21 =	rddreg [dreg:$0x13]  }
0x1e7: {  	s22 =	rddreg [dreg:$0x12]  }
0x1e8: {  	s23 =	simm.s32 $0x0;
	s15 =	rddreg [dreg:$0x4]  }
.LBB2_4:
0x1e9: {  	_ =	swait.ge [sflag:s9], $0x4000  }
0x1ea: {  	s16 =	sadd.s32 s25, s3;
	p1 =	seq.s32 s23, $0x0;
	[sflag:s9] =	ssyncset.done $0x0  }
0x1eb: {  	s4 =	simm.s32 $0x1C00;
	s28 =	simm.s32 @!p1 $0x9;
	[sflag:s9] =	ssyncadd.s32 $0xFFFFC000  }
0x1ec: {  	[hbm4b:s16+s6] =	stream.linear.scatter [tilespmem:s4], [sflag:$0x6], $0x4000, $0x38;
	[tilespmem:$0x1C000] =	vst v63  }
0x1ed: {  	_ =	swait.ge @!p1 [sflag:s28], $0x4000  }
0x1ee: {  	s16 =	sshra.s32 s23, $0x2;
	[sflag:s28] =	ssyncset.done @!p1 $0x0  }
0x1ef: {  	s5 =	sadd.s32 $0x180, s16;
	[sflag:s28] =	ssyncadd.s32 @!p1 $0xFFFFC000  }
0x1f0: {  	[tilespmem:s11], [sflag:$0x4] =	stream.indirect.gather [hbm4b:s1+s2], $0x80, s5, s2, $0xb8;
	[tilespmem:$0x1C000] =	vst v63  }
0x1f1: {  	_ =	swait.ge [sflag:s12], $0x4000  }
0x1f2: {  	s28 =	stileid.u32;
	[sflag:s12] =	ssyncset.done $0x0  }
0x1f3: {  	s10 =	sadd.s32 s24, s3;
	s5 =	sshll.u32 s28, $0x6;
	[sflag:s12] =	ssyncadd.s32 $0xFFFFC000  }
0x1f4: {  	[hbm4b:s10+s6] =	stream.linear.scatter [tilespmem:s30], [sflag:$0x7], $0x4000, $0x38;
	[tilespmem:$0x1C000] =	vst v63  }
0x1f5: {  	s28 =	sor.u32 $0x1C0B, s5;
	s5 =	sshrl.u32 s15, $0x3;
	s10 =	sadd.s32 s22, s3  }
0x1f6: {  	[hbm:s10], [sflag:s28] =	dma.local [spmem:s5], $0x800  }
0x1f7: {  	s5 =	simm.s32 @!p1 $0xA  }
0x1f8: {  	_ =	swait.ge @!p1 [sflag:s5], $0x4000  }
0x1f9: {  	[sflag:s5] =	ssyncset.done @!p1 $0x0  }
0x1fa: {  	s10 =	sadd.s32 $0x200, s16;
	[sflag:s5] =	ssyncadd.s32 @!p1 $0xFFFFC000  }
0x1fb: {  	[tilespmem:s13], [sflag:$0x5] =	stream.indirect.gather [hbm4b:s1+s2], $0x80, s10, s2, $0xb8;
	[tilespmem:$0x1C000] =	vst v63  }
0x1fc: {  	_ =	swait.ge [sflag:s14], $0x4000  }
0x1fd: {  	p1 =	seq.s32 s23, $0x5A00;
	[sflag:s14] =	ssyncset.done $0x0  }
0x1fe: {  	s4 =	sadd.s32 s29, s3;
	s5 =	simm.s32 @!p1 $0x6;
	[sflag:s14] =	ssyncadd.s32 $0xFFFFC000  }
0x1ff: {  	[hbm4b:s4+s6] =	stream.linear.scatter [tilespmem:s31], [sflag:$0x8], $0x4000, $0x38;
	[tilespmem:$0x1C000] =	vst v63  }
0x200: {  	_ =	swait.ge @!p1 [sflag:s5], $0x4000  }
0x201: {  	[sflag:s5] =	ssyncset.done @!p1 $0x0  }
0x202: {  	[sflag:s5] =	ssyncadd.s32 @!p1 $0xFFFFC000;
	s5 =	sshra.s32 @!p1 s23, $0x2  }
0x203: {  	s10 =	simm.s32 @!p1 $0x80;
	s4 =	simm.s32 @!p1 $0x1C00;
	s5 =	sadd.s32 @!p1 $0x280, s5  }
0x204: {  	[tilespmem:s4], [sflag:$0x1] =	stream.indirect.gather @!p1 [hbm4b:s1+s10], $0x80, s5, s10, $0xb8;
	[tilespmem:$0x1C000] =	vst v63  }
0x205: {  	_ =	swait.ge [sflag:s17], $0x4000  }
.Ltmp3:
0x206: {  	[sflag:s17] =	ssyncset.done $0x0;
	(pc) =	sbr.rel @p1 .LBB2_6-.Ltmp3, $4  }
0x207: {  	s10 =	sadd.s32 s8, s3;
	s5 =	sadd.s32 $0x4000, s15;
	[sflag:s17] =	ssyncadd.s32 $0xFFFFC000  }
0x208: {  	[hbm4b:s10+s6] =	stream.linear.scatter [tilespmem:s11], [sflag:$0x9], $0x4000, $0x38;
	[tilespmem:$0x1C000] =	vst v63  }
0x209: {  	s4 =	sshrl.u32 s5, $0x3;
	s10 =	sadd.s32 s21, s3  }
0x20a: {  	[hbm:s10], [sflag:s28] =	dma.local [spmem:s4], $0x800  }
0x20b: {  	_ =	swait.ge [sflag:s19], $0x4000  }
0x20c: {  	[sflag:s19] =	ssyncset.done $0x0  }
0x20d: {  	s4 =	sadd.s32 $0x300, s16;
	[sflag:s19] =	ssyncadd.s32 $0xFFFFC000  }
0x20e: {  	[tilespmem:s30], [sflag:$0x2] =	stream.indirect.gather [hbm4b:s1+s2], $0x80, s4, s2, $0xb8;
	[tilespmem:$0x1C000] =	vst v63  }
0x20f: {  	_ =	swait.ge [sflag:s18], $0x4000  }
0x210: {  	s10 =	sadd.s32 s7, s3;
	[sflag:s18] =	ssyncset.done $0x0  }
0x211: {  	s28 =	sadd.s32 $0x380, s16;
	s15 =	sadd.s32 $0x8000, s15;
	[sflag:s18] =	ssyncadd.s32 $0xFFFFC000  }
0x212: {  	[hbm4b:s10+s6] =	stream.linear.scatter [tilespmem:s13], [sflag:$0xA], $0x4000, $0x38;
	[tilespmem:$0x1C000] =	vst v63  }
.Ltmp4:
0x213: {  	s22 =	sadd.s32 $0x20000, s22;
	s21 =	sadd.s32 $0x20000, s21;
	(pc) =	sbr.rel .LBB2_4-.Ltmp4, $4  }
0x214: {  	s7 =	sadd.s32 $0x50000, s7;
	s8 =	sadd.s32 $0x50000, s8;
	_ =	swait.ge [sflag:s20], $0x4000  }
0x215: {  	s29 =	sadd.s32 $0x50000, s29;
	s24 =	sadd.s32 $0x50000, s24;
	[sflag:s20] =	ssyncset.done $0x0  }
0x216: {  	s25 =	sadd.s32 $0x50000, s25;
	s23 =	sadd.s32 $0xA00, s23;
	[sflag:s20] =	ssyncadd.s32 $0xFFFFC000  }
0x217: {  	[tilespmem:s31], [sflag:$0x3] =	stream.indirect.gather [hbm4b:s1+s2], $0x80, s28, s2, $0xb8;
	[tilespmem:$0x1C000] =	vst v63  }
.LBB2_7:
0x218: {  	_ =	sfence.sel $0x180000  }
0x219: {  	[bflag:$0x0] =	sbarrier.arrive $0xFFFF  }
0x21a: {  	_ =	strace $0x90000047  }
0x21b: {  	s0 =	stileid.u32;
	[bflag:$0x2] =	sbarrier.arrive $0xFFFF  }
0x21c: {  	p0 =	sne.s32 s0, $0x0;
	s0 =	rddreg [dreg:$0x5]  }
0x21d: {  	s0 =	sadd.s32 @!p0 $0x100000, s0  }
0x21e: {  	[sflag:s0] =	ssyncadd.tile.s32 @!p0 $0x1;
	_ =	shalt  }
.Lfunc_end2:
_tile_overlayer_lowered:
.L_overlay_start_2:
0x21f: {  	(tag) =	ssettag $0x2  }
0x220: {  	s0 =	rddreg [dreg:$0x0];
	s2 =	stileid.u32  }
0x221: {  	s1 =	rddreg [dreg:$0x1];
	p0 =	sne.s32 s2, $0x0  }
0x222: {  	s3 =	rddreg [dreg:$0x2];
	[bflag:$0x3] =	sbarrier.arrive $0xFFFF;
	s2 =	simm.s32 @!p0 $0x1C0C  }
0x223: {  	[timem:s3], [sflag:s2] =	dma.local @!p0 [hbm:s0], s1  }
0x224: {  	s0 =	simm.s32 @!p0 $0xC  }
0x225: {  	_ =	swait.ge @!p0 [sflag:s0], s1  }
0x226: {  	s1 =	ssub.s32 @!p0 $0x0, s1;
	[sflag:s0] =	ssyncset.done @!p0 $0x0  }
0x227: {  	[sflag:s0] =	ssyncadd.s32 @!p0 s1  }
0x228: {  	[bflag:$0x3] =	sbarrier.arrive $0xFFFF  }
0x229: {  	_ =	shalt  }

</sc_bundles>
